<compile_context>
chip_gen: v7x
topology: tpu7x:2x2x1
jax: 0.10.2.dev20260603
libtpu: 0.0.44.dev20260713+nightly
codegen_flags: <defaults>
</compile_context>

<pallas_src>
import functools

import jax
import jax.numpy as jnp
from jax import lax
from jax.experimental import pallas as pl
from jax.experimental.pallas import tpu as pltpu
from jax.experimental.pallas import tpu_sc as plsc

N = 10000
NPAD = 10240
E = 320000
D = 128
NC, NS = 2, 16
NW = NC * NS
K = 128
NCH = E // K
CPT = NCH // NW
CPT_DEG = NCH // NS
RPT = N // NS
DEG_RPT = NPAD // NS
NBUF = 6
GA = 6

_mesh = plsc.VectorSubcoreMesh(core_axis_name="c", subcore_axis_name="s")
_sc_params = pltpu.CompilerParams(use_tc_tiling_on_sc=False,
                                  needs_layout_passes=False)


def _newton_rsqrt(x):
    i = plsc.bitcast(x, jnp.int32)
    i = jnp.int32(0x5F3759DF) - lax.shift_right_logical(i, 1)
    r = plsc.bitcast(i, jnp.float32)
    for _ in range(3):
        r = r * (1.5 - 0.5 * x * r * r)
    return r


@functools.partial(
    pl.kernel,
    out_type=jax.ShapeDtypeStruct((NPAD,), jnp.float32),
    mesh=_mesh,
    scratch_types=[
        pltpu.VMEM((CPT_DEG + 1, 2, K), jnp.int32),
        pltpu.VMEM((K,), jnp.float32),
        pltpu.VMEM((DEG_RPT,), jnp.float32),
        pltpu.SemaphoreType.DMA,
        pltpu.VMEM_SHARED((NPAD,), jnp.float32),
    ],
    compiler_params=_sc_params,
)
def _deg_kernel(edges_hbm, dis_hbm, idx_v, ones_v, z_v, ssem, acc):
    c = lax.axis_index("c")
    s = lax.axis_index("s")
    one = jnp.full((16,), 1.0, dtype=jnp.float32)
    zero = jnp.zeros((16,), dtype=jnp.float32)
    for i in range(K // 16):
        ones_v[pl.ds(i * 16, 16)] = one
    for i in range(DEG_RPT // 16):
        z_v[pl.ds(i * 16, 16)] = zero
    pltpu.sync_copy(z_v, acc.at[pl.ds(s * DEG_RPT, DEG_RPT)])
    pltpu.sync_copy(edges_hbm.at[pl.ds(s * CPT_DEG, CPT_DEG)],
                    idx_v.at[pl.ds(0, CPT_DEG)])

    @pl.when(s < NCH - NS * CPT_DEG)
    def _():
        pltpu.sync_copy(edges_hbm.at[pl.ds(NS * CPT_DEG + s, 1)],
                        idx_v.at[pl.ds(CPT_DEG, 1)])

    plsc.subcore_barrier()

    def chunk4(t, carry):
        for b in range(4):
            pltpu.async_copy(ones_v, acc.at[idx_v.at[t * 4 + b, 1]], ssem,
                             add=True)

        @pl.when(t >= 4)
        def _():
            for b in range(4):
                pltpu.make_async_copy(ones_v, acc.at[idx_v.at[0, 1]],
                                      ssem).wait()
        return carry

    lax.fori_loop(0, CPT_DEG // 4, chunk4, 0)
    for _ in range(16):
        pltpu.make_async_copy(ones_v, acc.at[idx_v.at[0, 1]], ssem).wait()

    @pl.when(s < NCH - NS * CPT_DEG)
    def _():
        pltpu.sync_copy(ones_v, acc.at[idx_v.at[CPT_DEG, 1]], add=True)

    plsc.subcore_barrier()
    pltpu.sync_copy(acc.at[pl.ds(s * DEG_RPT, DEG_RPT)], z_v)
    for i in range(DEG_RPT // 16):
        d = z_v[pl.ds(i * 16, 16)]
        z_v[pl.ds(i * 16, 16)] = _newton_rsqrt(d + 1.0)

    @pl.when(c == 0)
    def _():
        pltpu.sync_copy(z_v, dis_hbm.at[pl.ds(s * DEG_RPT, DEG_RPT)])


def _scale_body(x_ref, w_ref, dis_ref, y_ref, ybf_ref):
    dis = dis_ref[...]
    xw = jnp.dot(x_ref[...], w_ref[...], preferred_element_type=jnp.float32)
    y = xw * dis
    y_ref[...] = y
    ybf_ref[...] = y.astype(jnp.bfloat16)


def _scale_kernel(x, W, dis2):
    R = 1000
    grid = N // R
    return pl.pallas_call(
        _scale_body,
        grid=(grid,),
        in_specs=[
            pl.BlockSpec((R, D), lambda i: (i, 0)),
            pl.BlockSpec((D, D), lambda i: (0, 0)),
            pl.BlockSpec((R, 1), lambda i: (i, 0)),
        ],
        out_specs=[
            pl.BlockSpec((R, D), lambda i: (i, 0)),
            pl.BlockSpec((R, D), lambda i: (i, 0)),
        ],
        out_shape=[
            jax.ShapeDtypeStruct((N, D), jnp.float32),
            jax.ShapeDtypeStruct((N, D), jnp.bfloat16),
        ],
    )(x, W, dis2)


@functools.partial(
    pl.kernel,
    out_type=jax.ShapeDtypeStruct((NC, N, D), jnp.bfloat16),
    mesh=_mesh,
    scratch_types=[
        pltpu.VMEM((CPT + 1, 2, K), jnp.int32),
        pltpu.VMEM((NBUF, K, D), jnp.bfloat16),
        pltpu.VMEM((RPT // 5, D), jnp.bfloat16),
        pltpu.SemaphoreType.DMA((NBUF,)),
        pltpu.VMEM_SHARED((N, D), jnp.bfloat16),
    ],
    compiler_params=_sc_params,
)
def _agg_kernel(ybf_hbm, edges_hbm, out_hbm, eidx, rows, zb, gsem, acc):
    c = lax.axis_index("c")
    s = lax.axis_index("s")
    wid = c * NS + s
    zero = jnp.zeros((32,), dtype=jnp.bfloat16)

    def zrow(r, carry):
        for j in range(D // 32):
            zb[r, pl.ds(j * 32, 32)] = zero
        return carry

    lax.fori_loop(0, RPT // 5, zrow, 0)

    pltpu.sync_copy(edges_hbm.at[pl.ds(wid * CPT, CPT)],
                    eidx.at[pl.ds(0, CPT)])

    @pl.when(wid < NCH - NW * CPT)
    def _():
        pltpu.sync_copy(edges_hbm.at[pl.ds(NW * CPT + wid, 1)],
                        eidx.at[pl.ds(CPT, 1)])

    for k in range(5):
        pltpu.sync_copy(zb, acc.at[pl.ds(s * RPT + k * (RPT // 5), RPT // 5)])
    plsc.subcore_barrier()

    for j in range(GA):
        pltpu.async_copy(ybf_hbm.at[eidx.at[j, 0]], rows.at[j], gsem.at[j])

    def visit(t, carry):
        for b in range(NBUF):
            j = t * NBUF + b
            pltpu.make_async_copy(ybf_hbm.at[eidx.at[j, 0]], rows.at[b],
                                  gsem.at[b]).wait()
            pltpu.sync_copy(rows.at[b], acc.at[eidx.at[j, 1]], add=True)
            bn = (b + GA) % NBUF

            @pl.when(j + GA < CPT)
            def _():
                pltpu.async_copy(ybf_hbm.at[eidx.at[j + GA, 0]], rows.at[bn],
                                 gsem.at[bn])
        return carry

    lax.fori_loop(0, CPT // NBUF, visit, 0)

    @pl.when(wid < NCH - NW * CPT)
    def _():
        pltpu.async_copy(ybf_hbm.at[eidx.at[CPT, 0]], rows.at[0],
                         gsem.at[0]).wait()
        pltpu.sync_copy(rows.at[0], acc.at[eidx.at[CPT, 1]], add=True)

    plsc.subcore_barrier()
    pltpu.sync_copy(acc.at[pl.ds(s * RPT, RPT)],
                    out_hbm.at[c, pl.ds(s * RPT, RPT)])


def _final_body(q_ref, y_ref, dis_ref, o_ref):
    agg = (q_ref[0].astype(jnp.float32) + q_ref[1].astype(jnp.float32)
           + y_ref[...])
    o_ref[...] = agg * dis_ref[...]


def _final_kernel(outp, y, dis2):
    R = 1000
    grid = N // R
    return pl.pallas_call(
        _final_body,
        grid=(grid,),
        in_specs=[
            pl.BlockSpec((NC, R, D), lambda i: (0, i, 0)),
            pl.BlockSpec((R, D), lambda i: (i, 0)),
            pl.BlockSpec((R, 1), lambda i: (i, 0)),
        ],
        out_specs=pl.BlockSpec((R, D), lambda i: (i, 0)),
        out_shape=jax.ShapeDtypeStruct((N, D), jnp.float32),
    )(outp, y, dis2)


def kernel(batch_x, batch_edge_index, W):
    ei = batch_edge_index.astype(jnp.int32)
    edges = ei.reshape(2, NCH, K).transpose(1, 0, 2)

    dis = _deg_kernel(edges)
    dis2 = dis.reshape(NPAD, 1)
    y, ybf = _scale_kernel(batch_x, W, dis2)
    outp = _agg_kernel(ybf, edges)
    return _final_kernel(outp, y, dis2)

# --- scband reference (transcript-rebuilt; emitter-appended) ---
"""Pipeline reference for scband-gcn-67886253080590 (READ-ONLY COPY).

The authoritative reference and input builder live on the scoring server;
editing this copy changes nothing except your own understanding.
"""

import jax, jax.numpy as jnp
import numpy as np

N_NODES = 10000
N_EDGES = 320000
D_IN = 128
D_OUT = 128


def setup_inputs(seed: int = 0) -> dict:
    key = jax.random.key(seed)
    k1, k2, k3 = jax.random.split(key, 3)
    batch_x = jax.random.normal(k1, (N_NODES, D_IN), dtype=jnp.float32)
    batch_edge_index = jax.random.randint(k2, (2, N_EDGES), 0, N_NODES, dtype=jnp.int64)
    # GCNConv linear weight (glorot-ish init), bias=False
    W = jax.random.normal(k3, (D_IN, D_OUT), dtype=jnp.float32) * (1.0 / np.sqrt(D_IN))
    return {"batch_x": batch_x, "batch_edge_index": batch_edge_index, "W": W}


def reference(batch_x, batch_edge_index, W):
    # Faithful PyG GCNConv: add self-loops, symmetric normalization, linear transform,
    # message = norm * x_src, aggregate = scatter-add into dst.
    N = batch_x.shape[0]
    src = batch_edge_index[0]
    dst = batch_edge_index[1]
    loop = jnp.arange(N, dtype=src.dtype)
    src = jnp.concatenate([src, loop], axis=0)
    dst = jnp.concatenate([dst, loop], axis=0)

    # linear transform first (no bias)
    x = batch_x @ W

    # degree computed on dst (col) including self-loops
    ones = jnp.ones(src.shape[0], dtype=x.dtype)
    deg = jnp.zeros((N,), dtype=x.dtype).at[dst].add(ones)
    deg_inv_sqrt = jnp.where(deg > 0, jax.lax.rsqrt(deg), 0.0)
    norm = deg_inv_sqrt[src] * deg_inv_sqrt[dst]

    # gather messages from source nodes, scale, scatter-add to destinations
    msg = x[src] * norm[:, None]
    out = jnp.zeros((N, x.shape[1]), dtype=x.dtype).at[dst].add(msg)
    return out

if __name__ == "__main__":
    import jax
    _d = setup_inputs()
    print(jax.jit(kernel)(*tuple(_d.values())))

</pallas_src>

<mosaic_0001>
#map = affine_map<(d0, d1) -> (0, 0)>
#map1 = affine_map<(d0, d1) -> (0, 0, 0)>
module attributes {stable_mosaic.version = 14 : i64} {
  func.func @_agg_kernel(%arg0: i32, %arg1: i32, %arg2: memref<10000x128xbf16, #tpu.memory_space<hbm>>, %arg3: memref<2500x2x128xi32, #tpu.memory_space<hbm>>, %arg4: memref<2x10000x128xbf16, #tpu.memory_space<hbm>>, %arg5: memref<79x2x128xi32, #tpu.memory_space<vmem>>, %arg6: memref<6x128x128xbf16, #tpu.memory_space<vmem>>, %arg7: memref<125x128xbf16, #tpu.memory_space<vmem>>, %arg8: memref<6x!tpu.dma_semaphore, #tpu.memory_space<semaphore_mem>>, %arg9: memref<10000x128xbf16, #tpu.memory_space<vmem_shared>>) attributes {dimension_semantics = [#tpu.dimension_semantics<core_parallel>, #tpu.dimension_semantics<subcore_parallel>], iteration_bounds = array<i64: 2, 16>, scalar_prefetch = 0 : i64, scratch_operands = 5 : i64, tpu.core_type = #tpu.core_type<sc_vector_subcore>, window_params = [{transform_indices = #map}, {transform_indices = #map1}, {transform_indices = #map1}]} {
    %mul3A = arith.constant 16 : i32
    %mul3A_0 = arith.muli %arg0, %mul3A : i32
    %add3A = arith.addi %mul3A_0, %arg1 : i32
    %broadcast_in_dim3A = arith.constant 0.000000e+00 : bf16
    %broadcast_in_dim3A_1 = vector.broadcast %broadcast_in_dim3A : bf16 to vector<32xbf16>
    %scan3A = arith.constant 0 : i32
    %scan3A_2 = arith.constant 0 : i32
    %scan3A_3 = arith.constant 125 : i32
    %scan3A_4 = arith.addi %scan3A_2, %scan3A_3 : i32
    %scan3A_5 = arith.constant 1 : i32
    scf.for %scan3A_142 = %scan3A_2 to %scan3A_4 step %scan3A_5  : i32 {
      %swap3A = arith.index_cast %scan3A_142 : i32 to index
      %swap3A_143 = arith.constant 0 : index
      %swap3A_144 = tpu.vector_load %arg7[%swap3A, %swap3A_143] {strides = array<i32>} : memref<125x128xbf16, #tpu.memory_space<vmem>>, vector<32xbf16>,
      tpu.vector_store %arg7[%swap3A, %swap3A_143], %broadcast_in_dim3A_1 {strides = array<i32>} : memref<125x128xbf16, #tpu.memory_space<vmem>>, vector<32xbf16>,
      %swap3A_145 = arith.index_cast %scan3A_142 : i32 to index
      %swap3A_146 = arith.constant 32 : index
      %swap3A_147 = tpu.vector_load %arg7[%swap3A_145, %swap3A_146] {strides = array<i32>} : memref<125x128xbf16, #tpu.memory_space<vmem>>, vector<32xbf16>,
      tpu.vector_store %arg7[%swap3A_145, %swap3A_146], %broadcast_in_dim3A_1 {strides = array<i32>} : memref<125x128xbf16, #tpu.memory_space<vmem>>, vector<32xbf16>,
      %swap3A_148 = arith.index_cast %scan3A_142 : i32 to index
      %swap3A_149 = arith.constant 64 : index
      %swap3A_150 = tpu.vector_load %arg7[%swap3A_148, %swap3A_149] {strides = array<i32>} : memref<125x128xbf16, #tpu.memory_space<vmem>>, vector<32xbf16>,
      tpu.vector_store %arg7[%swap3A_148, %swap3A_149], %broadcast_in_dim3A_1 {strides = array<i32>} : memref<125x128xbf16, #tpu.memory_space<vmem>>, vector<32xbf16>,
      %swap3A_151 = arith.index_cast %scan3A_142 : i32 to index
      %swap3A_152 = arith.constant 96 : index
      %swap3A_153 = tpu.vector_load %arg7[%swap3A_151, %swap3A_152] {strides = array<i32>} : memref<125x128xbf16, #tpu.memory_space<vmem>>, vector<32xbf16>,
      tpu.vector_store %arg7[%swap3A_151, %swap3A_152], %broadcast_in_dim3A_1 {strides = array<i32>} : memref<125x128xbf16, #tpu.memory_space<vmem>>, vector<32xbf16>,
    }
    %scan3A_6 = arith.constant 125 : i32
    %mul3A_7 = arith.constant 78 : i32
    %mul3A_8 = arith.muli %add3A, %mul3A_7 : i32
    "tpu.region"() ({
      %run_scoped3A = tpu.sem_alloc : memref<!tpu.dma_semaphore, #tpu.memory_space<semaphore_mem>>
      %dma_start3A_142 = arith.constant 0 : i32
      %dma_start3A_143 = arith.constant 0 : i32
      %dma_start3A_144 = arith.constant 0 : i32
      %dma_start3A_145 = tpu.memref_slice %arg5[%dma_start3A_142, %dma_start3A_143, %dma_start3A_144] : memref<79x2x128xi32, #tpu.memory_space<vmem>> -> memref<78x2x128xi32, #tpu.memory_space<vmem>>
      %dma_start3A_146 = arith.constant 0 : i32
      %dma_start3A_147 = arith.constant 0 : i32
      %dma_start3A_148 = tpu.memref_slice %arg3[%mul3A_8, %dma_start3A_146, %dma_start3A_147] : memref<2500x2x128xi32, #tpu.memory_space<hbm>> -> memref<78x2x128xi32, #tpu.memory_space<hbm>>
      %dma_start3A_149 = arith.constant 0 : i32
      %dma_start3A_150 = arith.constant 0 : i32
      %dma_start3A_151 = arith.constant 0 : i32
      %dma_start3A_152 = tpu.memref_slice %arg5[%dma_start3A_149, %dma_start3A_150, %dma_start3A_151] : memref<79x2x128xi32, #tpu.memory_space<vmem>> -> memref<78x2x128xi32, #tpu.memory_space<vmem>>
      %dma_start3A_153 = arith.constant 0 : i32
      %dma_start3A_154 = arith.constant 0 : i32
      %dma_start3A_155 = tpu.memref_slice %arg3[%mul3A_8, %dma_start3A_153, %dma_start3A_154] : memref<2500x2x128xi32, #tpu.memory_space<hbm>> -> memref<78x2x128xi32, #tpu.memory_space<hbm>>
      tpu.enqueue_dma source(%dma_start3A_155 : memref<78x2x128xi32, #tpu.memory_space<hbm>>) target(%dma_start3A_152 : memref<78x2x128xi32, #tpu.memory_space<vmem>>) target_semaphore(%run_scoped3A : memref<!tpu.dma_semaphore, #tpu.memory_space<semaphore_mem>>)
      %dma_wait3A = arith.constant 0 : i32
      %dma_wait3A_156 = arith.constant 0 : i32
      %dma_wait3A_157 = arith.constant 0 : i32
      %dma_wait3A_158 = tpu.memref_slice %arg5[%dma_wait3A, %dma_wait3A_156, %dma_wait3A_157] : memref<79x2x128xi32, #tpu.memory_space<vmem>> -> memref<78x2x128xi32, #tpu.memory_space<vmem>>
      %dma_wait3A_159 = arith.constant 0 : i32
      %dma_wait3A_160 = arith.constant 0 : i32
      %dma_wait3A_161 = tpu.memref_slice %arg3[%mul3A_8, %dma_wait3A_159, %dma_wait3A_160] : memref<2500x2x128xi32, #tpu.memory_space<hbm>> -> memref<78x2x128xi32, #tpu.memory_space<hbm>>
      %dma_wait3A_162 = arith.constant 0 : i32
      %dma_wait3A_163 = arith.constant 0 : i32
      %dma_wait3A_164 = arith.constant 0 : i32
      %dma_wait3A_165 = tpu.memref_slice %arg5[%dma_wait3A_162, %dma_wait3A_163, %dma_wait3A_164] : memref<79x2x128xi32, #tpu.memory_space<vmem>> -> memref<78x2x128xi32, #tpu.memory_space<vmem>>
      %dma_wait3A_166 = arith.constant 0 : i32
      %dma_wait3A_167 = arith.constant 0 : i32
      %dma_wait3A_168 = tpu.memref_slice %arg3[%mul3A_8, %dma_wait3A_166, %dma_wait3A_167] : memref<2500x2x128xi32, #tpu.memory_space<hbm>> -> memref<78x2x128xi32, #tpu.memory_space<hbm>>
      tpu.wait_dma2 semaphore(%run_scoped3A : memref<!tpu.dma_semaphore, #tpu.memory_space<semaphore_mem>>) src(%dma_wait3A_168 : memref<78x2x128xi32, #tpu.memory_space<hbm>>) dst(%dma_wait3A_165 : memref<78x2x128xi32, #tpu.memory_space<vmem>>)
      tpu.yield
    }) : () -> ()
    %lt3A = arith.constant 4 : i32
    %lt3A_9 = arith.cmpi slt, %add3A, %lt3A : i32
    %convert_element_type3A = arith.extui %lt3A_9 : i1 to i32
    %cond3A = arith.constant 0 : i32
    %cond3A_10 = arith.cmpi ne, %convert_element_type3A, %cond3A : i32
    scf.if %cond3A_10 {
      %add3A_142 = arith.constant 2496 : i32
      %add3A_143 = arith.addi %add3A_142, %add3A : i32
      "tpu.region"() ({
        %run_scoped3A = tpu.sem_alloc : memref<!tpu.dma_semaphore, #tpu.memory_space<semaphore_mem>>
        %dma_start3A_144 = arith.constant 78 : i32
        %dma_start3A_145 = arith.constant 0 : i32
        %dma_start3A_146 = arith.constant 0 : i32
        %dma_start3A_147 = tpu.memref_slice %arg5[%dma_start3A_144, %dma_start3A_145, %dma_start3A_146] : memref<79x2x128xi32, #tpu.memory_space<vmem>> -> memref<1x2x128xi32, #tpu.memory_space<vmem>>
        %dma_start3A_148 = arith.constant 0 : i32
        %dma_start3A_149 = arith.constant 0 : i32
        %dma_start3A_150 = tpu.memref_slice %arg3[%add3A_143, %dma_start3A_148, %dma_start3A_149] : memref<2500x2x128xi32, #tpu.memory_space<hbm>> -> memref<1x2x128xi32, #tpu.memory_space<hbm>>
        %dma_start3A_151 = arith.constant 78 : i32
        %dma_start3A_152 = arith.constant 0 : i32
        %dma_start3A_153 = arith.constant 0 : i32
        %dma_start3A_154 = tpu.memref_slice %arg5[%dma_start3A_151, %dma_start3A_152, %dma_start3A_153] : memref<79x2x128xi32, #tpu.memory_space<vmem>> -> memref<1x2x128xi32, #tpu.memory_space<vmem>>
        %dma_start3A_155 = arith.constant 0 : i32
        %dma_start3A_156 = arith.constant 0 : i32
        %dma_start3A_157 = tpu.memref_slice %arg3[%add3A_143, %dma_start3A_155, %dma_start3A_156] : memref<2500x2x128xi32, #tpu.memory_space<hbm>> -> memref<1x2x128xi32, #tpu.memory_space<hbm>>
        tpu.enqueue_dma source(%dma_start3A_157 : memref<1x2x128xi32, #tpu.memory_space<hbm>>) target(%dma_start3A_154 : memref<1x2x128xi32, #tpu.memory_space<vmem>>) target_semaphore(%run_scoped3A : memref<!tpu.dma_semaphore, #tpu.memory_space<semaphore_mem>>)
        %dma_wait3A = arith.constant 78 : i32
        %dma_wait3A_158 = arith.constant 0 : i32
        %dma_wait3A_159 = arith.constant 0 : i32
        %dma_wait3A_160 = tpu.memref_slice %arg5[%dma_wait3A, %dma_wait3A_158, %dma_wait3A_159] : memref<79x2x128xi32, #tpu.memory_space<vmem>> -> memref<1x2x128xi32, #tpu.memory_space<vmem>>
        %dma_wait3A_161 = arith.constant 0 : i32
        %dma_wait3A_162 = arith.constant 0 : i32
        %dma_wait3A_163 = tpu.memref_slice %arg3[%add3A_143, %dma_wait3A_161, %dma_wait3A_162] : memref<2500x2x128xi32, #tpu.memory_space<hbm>> -> memref<1x2x128xi32, #tpu.memory_space<hbm>>
        %dma_wait3A_164 = arith.constant 78 : i32
        %dma_wait3A_165 = arith.constant 0 : i32
        %dma_wait3A_166 = arith.constant 0 : i32
        %dma_wait3A_167 = tpu.memref_slice %arg5[%dma_wait3A_164, %dma_wait3A_165, %dma_wait3A_166] : memref<79x2x128xi32, #tpu.memory_space<vmem>> -> memref<1x2x128xi32, #tpu.memory_space<vmem>>
        %dma_wait3A_168 = arith.constant 0 : i32
        %dma_wait3A_169 = arith.constant 0 : i32
        %dma_wait3A_170 = tpu.memref_slice %arg3[%add3A_143, %dma_wait3A_168, %dma_wait3A_169] : memref<2500x2x128xi32, #tpu.memory_space<hbm>> -> memref<1x2x128xi32, #tpu.memory_space<hbm>>
        tpu.wait_dma2 semaphore(%run_scoped3A : memref<!tpu.dma_semaphore, #tpu.memory_space<semaphore_mem>>) src(%dma_wait3A_170 : memref<1x2x128xi32, #tpu.memory_space<hbm>>) dst(%dma_wait3A_167 : memref<1x2x128xi32, #tpu.memory_space<vmem>>)
        tpu.yield
      }) : () -> ()
    } else {
    }
    %mul3A_11 = arith.constant 625 : i32
    %mul3A_12 = arith.muli %arg1, %mul3A_11 : i32
    %add3A_13 = arith.constant 0 : i32
    %add3A_14 = arith.addi %mul3A_12, %add3A_13 : i32
    "tpu.region"() ({
      %run_scoped3A = tpu.sem_alloc : memref<!tpu.dma_semaphore, #tpu.memory_space<semaphore_mem>>
      %dma_start3A_142 = arith.constant 0 : i32
      %dma_start3A_143 = tpu.memref_slice %arg9[%add3A_14, %dma_start3A_142] : memref<10000x128xbf16, #tpu.memory_space<vmem_shared>> -> memref<125x128xbf16, #tpu.memory_space<vmem_shared>>
      %dma_start3A_144 = arith.constant 0 : i32
      %dma_start3A_145 = tpu.memref_slice %arg9[%add3A_14, %dma_start3A_144] : memref<10000x128xbf16, #tpu.memory_space<vmem_shared>> -> memref<125x128xbf16, #tpu.memory_space<vmem_shared>>
      tpu.enqueue_dma source(%arg7 : memref<125x128xbf16, #tpu.memory_space<vmem>>) target(%dma_start3A_145 : memref<125x128xbf16, #tpu.memory_space<vmem_shared>>) target_semaphore(%run_scoped3A : memref<!tpu.dma_semaphore, #tpu.memory_space<semaphore_mem>>)
      %dma_wait3A = arith.constant 0 : i32
      %dma_wait3A_146 = tpu.memref_slice %arg9[%add3A_14, %dma_wait3A] : memref<10000x128xbf16, #tpu.memory_space<vmem_shared>> -> memref<125x128xbf16, #tpu.memory_space<vmem_shared>>
      %dma_wait3A_147 = arith.constant 0 : i32
      %dma_wait3A_148 = tpu.memref_slice %arg9[%add3A_14, %dma_wait3A_147] : memref<10000x128xbf16, #tpu.memory_space<vmem_shared>> -> memref<125x128xbf16, #tpu.memory_space<vmem_shared>>
      tpu.wait_dma2 semaphore(%run_scoped3A : memref<!tpu.dma_semaphore, #tpu.memory_space<semaphore_mem>>) src(%arg7 : memref<125x128xbf16, #tpu.memory_space<vmem>>) dst(%dma_wait3A_148 : memref<125x128xbf16, #tpu.memory_space<vmem_shared>>)
      tpu.yield
    }) : () -> ()
    %mul3A_15 = arith.constant 625 : i32
    %mul3A_16 = arith.muli %arg1, %mul3A_15 : i32
    %add3A_17 = arith.constant 125 : i32
    %add3A_18 = arith.addi %mul3A_16, %add3A_17 : i32
    "tpu.region"() ({
      %run_scoped3A = tpu.sem_alloc : memref<!tpu.dma_semaphore, #tpu.memory_space<semaphore_mem>>
      %dma_start3A_142 = arith.constant 0 : i32
      %dma_start3A_143 = tpu.memref_slice %arg9[%add3A_18, %dma_start3A_142] : memref<10000x128xbf16, #tpu.memory_space<vmem_shared>> -> memref<125x128xbf16, #tpu.memory_space<vmem_shared>>
      %dma_start3A_144 = arith.constant 0 : i32
      %dma_start3A_145 = tpu.memref_slice %arg9[%add3A_18, %dma_start3A_144] : memref<10000x128xbf16, #tpu.memory_space<vmem_shared>> -> memref<125x128xbf16, #tpu.memory_space<vmem_shared>>
      tpu.enqueue_dma source(%arg7 : memref<125x128xbf16, #tpu.memory_space<vmem>>) target(%dma_start3A_145 : memref<125x128xbf16, #tpu.memory_space<vmem_shared>>) target_semaphore(%run_scoped3A : memref<!tpu.dma_semaphore, #tpu.memory_space<semaphore_mem>>)
      %dma_wait3A = arith.constant 0 : i32
      %dma_wait3A_146 = tpu.memref_slice %arg9[%add3A_18, %dma_wait3A] : memref<10000x128xbf16, #tpu.memory_space<vmem_shared>> -> memref<125x128xbf16, #tpu.memory_space<vmem_shared>>
      %dma_wait3A_147 = arith.constant 0 : i32
      %dma_wait3A_148 = tpu.memref_slice %arg9[%add3A_18, %dma_wait3A_147] : memref<10000x128xbf16, #tpu.memory_space<vmem_shared>> -> memref<125x128xbf16, #tpu.memory_space<vmem_shared>>
      tpu.wait_dma2 semaphore(%run_scoped3A : memref<!tpu.dma_semaphore, #tpu.memory_space<semaphore_mem>>) src(%arg7 : memref<125x128xbf16, #tpu.memory_space<vmem>>) dst(%dma_wait3A_148 : memref<125x128xbf16, #tpu.memory_space<vmem_shared>>)
      tpu.yield
    }) : () -> ()
    %mul3A_19 = arith.constant 625 : i32
    %mul3A_20 = arith.muli %arg1, %mul3A_19 : i32
    %add3A_21 = arith.constant 250 : i32
    %add3A_22 = arith.addi %mul3A_20, %add3A_21 : i32
    "tpu.region"() ({
      %run_scoped3A = tpu.sem_alloc : memref<!tpu.dma_semaphore, #tpu.memory_space<semaphore_mem>>
      %dma_start3A_142 = arith.constant 0 : i32
      %dma_start3A_143 = tpu.memref_slice %arg9[%add3A_22, %dma_start3A_142] : memref<10000x128xbf16, #tpu.memory_space<vmem_shared>> -> memref<125x128xbf16, #tpu.memory_space<vmem_shared>>
      %dma_start3A_144 = arith.constant 0 : i32
      %dma_start3A_145 = tpu.memref_slice %arg9[%add3A_22, %dma_start3A_144] : memref<10000x128xbf16, #tpu.memory_space<vmem_shared>> -> memref<125x128xbf16, #tpu.memory_space<vmem_shared>>
      tpu.enqueue_dma source(%arg7 : memref<125x128xbf16, #tpu.memory_space<vmem>>) target(%dma_start3A_145 : memref<125x128xbf16, #tpu.memory_space<vmem_shared>>) target_semaphore(%run_scoped3A : memref<!tpu.dma_semaphore, #tpu.memory_space<semaphore_mem>>)
      %dma_wait3A = arith.constant 0 : i32
      %dma_wait3A_146 = tpu.memref_slice %arg9[%add3A_22, %dma_wait3A] : memref<10000x128xbf16, #tpu.memory_space<vmem_shared>> -> memref<125x128xbf16, #tpu.memory_space<vmem_shared>>
      %dma_wait3A_147 = arith.constant 0 : i32
      %dma_wait3A_148 = tpu.memref_slice %arg9[%add3A_22, %dma_wait3A_147] : memref<10000x128xbf16, #tpu.memory_space<vmem_shared>> -> memref<125x128xbf16, #tpu.memory_space<vmem_shared>>
      tpu.wait_dma2 semaphore(%run_scoped3A : memref<!tpu.dma_semaphore, #tpu.memory_space<semaphore_mem>>) src(%arg7 : memref<125x128xbf16, #tpu.memory_space<vmem>>) dst(%dma_wait3A_148 : memref<125x128xbf16, #tpu.memory_space<vmem_shared>>)
      tpu.yield
    }) : () -> ()
    %mul3A_23 = arith.constant 625 : i32
    %mul3A_24 = arith.muli %arg1, %mul3A_23 : i32
    %add3A_25 = arith.constant 375 : i32
    %add3A_26 = arith.addi %mul3A_24, %add3A_25 : i32
    "tpu.region"() ({
      %run_scoped3A = tpu.sem_alloc : memref<!tpu.dma_semaphore, #tpu.memory_space<semaphore_mem>>
      %dma_start3A_142 = arith.constant 0 : i32
      %dma_start3A_143 = tpu.memref_slice %arg9[%add3A_26, %dma_start3A_142] : memref<10000x128xbf16, #tpu.memory_space<vmem_shared>> -> memref<125x128xbf16, #tpu.memory_space<vmem_shared>>
      %dma_start3A_144 = arith.constant 0 : i32
      %dma_start3A_145 = tpu.memref_slice %arg9[%add3A_26, %dma_start3A_144] : memref<10000x128xbf16, #tpu.memory_space<vmem_shared>> -> memref<125x128xbf16, #tpu.memory_space<vmem_shared>>
      tpu.enqueue_dma source(%arg7 : memref<125x128xbf16, #tpu.memory_space<vmem>>) target(%dma_start3A_145 : memref<125x128xbf16, #tpu.memory_space<vmem_shared>>) target_semaphore(%run_scoped3A : memref<!tpu.dma_semaphore, #tpu.memory_space<semaphore_mem>>)
      %dma_wait3A = arith.constant 0 : i32
      %dma_wait3A_146 = tpu.memref_slice %arg9[%add3A_26, %dma_wait3A] : memref<10000x128xbf16, #tpu.memory_space<vmem_shared>> -> memref<125x128xbf16, #tpu.memory_space<vmem_shared>>
      %dma_wait3A_147 = arith.constant 0 : i32
      %dma_wait3A_148 = tpu.memref_slice %arg9[%add3A_26, %dma_wait3A_147] : memref<10000x128xbf16, #tpu.memory_space<vmem_shared>> -> memref<125x128xbf16, #tpu.memory_space<vmem_shared>>
      tpu.wait_dma2 semaphore(%run_scoped3A : memref<!tpu.dma_semaphore, #tpu.memory_space<semaphore_mem>>) src(%arg7 : memref<125x128xbf16, #tpu.memory_space<vmem>>) dst(%dma_wait3A_148 : memref<125x128xbf16, #tpu.memory_space<vmem_shared>>)
      tpu.yield
    }) : () -> ()
    %mul3A_27 = arith.constant 625 : i32
    %mul3A_28 = arith.muli %arg1, %mul3A_27 : i32
    %add3A_29 = arith.constant 500 : i32
    %add3A_30 = arith.addi %mul3A_28, %add3A_29 : i32
    "tpu.region"() ({
      %run_scoped3A = tpu.sem_alloc : memref<!tpu.dma_semaphore, #tpu.memory_space<semaphore_mem>>
      %dma_start3A_142 = arith.constant 0 : i32
      %dma_start3A_143 = tpu.memref_slice %arg9[%add3A_30, %dma_start3A_142] : memref<10000x128xbf16, #tpu.memory_space<vmem_shared>> -> memref<125x128xbf16, #tpu.memory_space<vmem_shared>>
      %dma_start3A_144 = arith.constant 0 : i32
      %dma_start3A_145 = tpu.memref_slice %arg9[%add3A_30, %dma_start3A_144] : memref<10000x128xbf16, #tpu.memory_space<vmem_shared>> -> memref<125x128xbf16, #tpu.memory_space<vmem_shared>>
      tpu.enqueue_dma source(%arg7 : memref<125x128xbf16, #tpu.memory_space<vmem>>) target(%dma_start3A_145 : memref<125x128xbf16, #tpu.memory_space<vmem_shared>>) target_semaphore(%run_scoped3A : memref<!tpu.dma_semaphore, #tpu.memory_space<semaphore_mem>>)
      %dma_wait3A = arith.constant 0 : i32
      %dma_wait3A_146 = tpu.memref_slice %arg9[%add3A_30, %dma_wait3A] : memref<10000x128xbf16, #tpu.memory_space<vmem_shared>> -> memref<125x128xbf16, #tpu.memory_space<vmem_shared>>
      %dma_wait3A_147 = arith.constant 0 : i32
      %dma_wait3A_148 = tpu.memref_slice %arg9[%add3A_30, %dma_wait3A_147] : memref<10000x128xbf16, #tpu.memory_space<vmem_shared>> -> memref<125x128xbf16, #tpu.memory_space<vmem_shared>>
      tpu.wait_dma2 semaphore(%run_scoped3A : memref<!tpu.dma_semaphore, #tpu.memory_space<semaphore_mem>>) src(%arg7 : memref<125x128xbf16, #tpu.memory_space<vmem>>) dst(%dma_wait3A_148 : memref<125x128xbf16, #tpu.memory_space<vmem_shared>>)
      tpu.yield
    }) : () -> ()
    %barrier3A = arith.constant 0 : index
    tpu.barrier barrier_id(%barrier3A)
    %dma_start3A = arith.constant 0 : i32
    %dma_start3A_31 = arith.constant 0 : i32
    %dma_start3A_32 = arith.constant 0 : i32
    %dma_start3A_33 = arith.constant 0 : i32
    %dma_start3A_34 = arith.constant 0 : i32
    %dma_start3A_35 = arith.constant 0 : i32
    %dma_start3A_36 = tpu.memref_slice %arg6[%dma_start3A_32, %dma_start3A_34, %dma_start3A_35] : memref<6x128x128xbf16, #tpu.memory_space<vmem>> -> memref<1x128x128xbf16, #tpu.memory_space<vmem>>
    %dma_start3A_37 = tpu.memref_squeeze %dma_start3A_36 : memref<1x128x128xbf16, #tpu.memory_space<vmem>> -> memref<128x128xbf16, #tpu.memory_space<vmem>>
    %dma_start3A_38 = arith.constant 0 : i32
    %dma_start3A_39 = tpu.memref_slice %arg5[%dma_start3A, %dma_start3A_31, %dma_start3A_38] : memref<79x2x128xi32, #tpu.memory_space<vmem>> -> memref<1x1x128xi32, #tpu.memory_space<vmem>>
    %dma_start3A_40 = tpu.memref_squeeze %dma_start3A_39 : memref<1x1x128xi32, #tpu.memory_space<vmem>> -> memref<128xi32, #tpu.memory_space<vmem>>
    %dma_start3A_41 = arith.constant 0 : i32
    %dma_start3A_42 = arith.constant 0 : i32
    %dma_start3A_43 = tpu.memref_slice %arg2[%dma_start3A_41, %dma_start3A_42] : memref<10000x128xbf16, #tpu.memory_space<hbm>> -> memref<10000x128xbf16, #tpu.memory_space<hbm>>
    %dma_start3A_44 = tpu.memref_slice %arg8[%dma_start3A_33] : memref<6x!tpu.dma_semaphore, #tpu.memory_space<semaphore_mem>> -> memref<1x!tpu.dma_semaphore, #tpu.memory_space<semaphore_mem>>
    %dma_start3A_45 = tpu.memref_squeeze %dma_start3A_44 : memref<1x!tpu.dma_semaphore, #tpu.memory_space<semaphore_mem>> -> memref<!tpu.dma_semaphore, #tpu.memory_space<semaphore_mem>>
    tpu.enqueue_indirect_dma source(%dma_start3A_43 : memref<10000x128xbf16, #tpu.memory_space<hbm>>) target(%dma_start3A_37 : memref<128x128xbf16, #tpu.memory_space<vmem>>) offsets(%dma_start3A_40 : memref<128xi32, #tpu.memory_space<vmem>>) semaphore(%dma_start3A_45 : memref<!tpu.dma_semaphore, #tpu.memory_space<semaphore_mem>>)
    %dma_start3A_46 = arith.constant 1 : i32
    %dma_start3A_47 = arith.constant 0 : i32
    %dma_start3A_48 = arith.constant 1 : i32
    %dma_start3A_49 = arith.constant 1 : i32
    %dma_start3A_50 = arith.constant 0 : i32
    %dma_start3A_51 = arith.constant 0 : i32
    %dma_start3A_52 = tpu.memref_slice %arg6[%dma_start3A_48, %dma_start3A_50, %dma_start3A_51] : memref<6x128x128xbf16, #tpu.memory_space<vmem>> -> memref<1x128x128xbf16, #tpu.memory_space<vmem>>
    %dma_start3A_53 = tpu.memref_squeeze %dma_start3A_52 : memref<1x128x128xbf16, #tpu.memory_space<vmem>> -> memref<128x128xbf16, #tpu.memory_space<vmem>>
    %dma_start3A_54 = arith.constant 0 : i32
    %dma_start3A_55 = tpu.memref_slice %arg5[%dma_start3A_46, %dma_start3A_47, %dma_start3A_54] : memref<79x2x128xi32, #tpu.memory_space<vmem>> -> memref<1x1x128xi32, #tpu.memory_space<vmem>>
    %dma_start3A_56 = tpu.memref_squeeze %dma_start3A_55 : memref<1x1x128xi32, #tpu.memory_space<vmem>> -> memref<128xi32, #tpu.memory_space<vmem>>
    %dma_start3A_57 = arith.constant 0 : i32
    %dma_start3A_58 = arith.constant 0 : i32
    %dma_start3A_59 = tpu.memref_slice %arg2[%dma_start3A_57, %dma_start3A_58] : memref<10000x128xbf16, #tpu.memory_space<hbm>> -> memref<10000x128xbf16, #tpu.memory_space<hbm>>
    %dma_start3A_60 = tpu.memref_slice %arg8[%dma_start3A_49] : memref<6x!tpu.dma_semaphore, #tpu.memory_space<semaphore_mem>> -> memref<1x!tpu.dma_semaphore, #tpu.memory_space<semaphore_mem>>
    %dma_start3A_61 = tpu.memref_squeeze %dma_start3A_60 : memref<1x!tpu.dma_semaphore, #tpu.memory_space<semaphore_mem>> -> memref<!tpu.dma_semaphore, #tpu.memory_space<semaphore_mem>>
    tpu.enqueue_indirect_dma source(%dma_start3A_59 : memref<10000x128xbf16, #tpu.memory_space<hbm>>) target(%dma_start3A_53 : memref<128x128xbf16, #tpu.memory_space<vmem>>) offsets(%dma_start3A_56 : memref<128xi32, #tpu.memory_space<vmem>>) semaphore(%dma_start3A_61 : memref<!tpu.dma_semaphore, #tpu.memory_space<semaphore_mem>>)
    %dma_start3A_62 = arith.constant 2 : i32
    %dma_start3A_63 = arith.constant 0 : i32
    %dma_start3A_64 = arith.constant 2 : i32
    %dma_start3A_65 = arith.constant 2 : i32
    %dma_start3A_66 = arith.constant 0 : i32
    %dma_start3A_67 = arith.constant 0 : i32
    %dma_start3A_68 = tpu.memref_slice %arg6[%dma_start3A_64, %dma_start3A_66, %dma_start3A_67] : memref<6x128x128xbf16, #tpu.memory_space<vmem>> -> memref<1x128x128xbf16, #tpu.memory_space<vmem>>
    %dma_start3A_69 = tpu.memref_squeeze %dma_start3A_68 : memref<1x128x128xbf16, #tpu.memory_space<vmem>> -> memref<128x128xbf16, #tpu.memory_space<vmem>>
    %dma_start3A_70 = arith.constant 0 : i32
    %dma_start3A_71 = tpu.memref_slice %arg5[%dma_start3A_62, %dma_start3A_63, %dma_start3A_70] : memref<79x2x128xi32, #tpu.memory_space<vmem>> -> memref<1x1x128xi32, #tpu.memory_space<vmem>>
    %dma_start3A_72 = tpu.memref_squeeze %dma_start3A_71 : memref<1x1x128xi32, #tpu.memory_space<vmem>> -> memref<128xi32, #tpu.memory_space<vmem>>
    %dma_start3A_73 = arith.constant 0 : i32
    %dma_start3A_74 = arith.constant 0 : i32
    %dma_start3A_75 = tpu.memref_slice %arg2[%dma_start3A_73, %dma_start3A_74] : memref<10000x128xbf16, #tpu.memory_space<hbm>> -> memref<10000x128xbf16, #tpu.memory_space<hbm>>
    %dma_start3A_76 = tpu.memref_slice %arg8[%dma_start3A_65] : memref<6x!tpu.dma_semaphore, #tpu.memory_space<semaphore_mem>> -> memref<1x!tpu.dma_semaphore, #tpu.memory_space<semaphore_mem>>
    %dma_start3A_77 = tpu.memref_squeeze %dma_start3A_76 : memref<1x!tpu.dma_semaphore, #tpu.memory_space<semaphore_mem>> -> memref<!tpu.dma_semaphore, #tpu.memory_space<semaphore_mem>>
    tpu.enqueue_indirect_dma source(%dma_start3A_75 : memref<10000x128xbf16, #tpu.memory_space<hbm>>) target(%dma_start3A_69 : memref<128x128xbf16, #tpu.memory_space<vmem>>) offsets(%dma_start3A_72 : memref<128xi32, #tpu.memory_space<vmem>>) semaphore(%dma_start3A_77 : memref<!tpu.dma_semaphore, #tpu.memory_space<semaphore_mem>>)
    %dma_start3A_78 = arith.constant 3 : i32
    %dma_start3A_79 = arith.constant 0 : i32
    %dma_start3A_80 = arith.constant 3 : i32
    %dma_start3A_81 = arith.constant 3 : i32
    %dma_start3A_82 = arith.constant 0 : i32
    %dma_start3A_83 = arith.constant 0 : i32
    %dma_start3A_84 = tpu.memref_slice %arg6[%dma_start3A_80, %dma_start3A_82, %dma_start3A_83] : memref<6x128x128xbf16, #tpu.memory_space<vmem>> -> memref<1x128x128xbf16, #tpu.memory_space<vmem>>
    %dma_start3A_85 = tpu.memref_squeeze %dma_start3A_84 : memref<1x128x128xbf16, #tpu.memory_space<vmem>> -> memref<128x128xbf16, #tpu.memory_space<vmem>>
    %dma_start3A_86 = arith.constant 0 : i32
    %dma_start3A_87 = tpu.memref_slice %arg5[%dma_start3A_78, %dma_start3A_79, %dma_start3A_86] : memref<79x2x128xi32, #tpu.memory_space<vmem>> -> memref<1x1x128xi32, #tpu.memory_space<vmem>>
    %dma_start3A_88 = tpu.memref_squeeze %dma_start3A_87 : memref<1x1x128xi32, #tpu.memory_space<vmem>> -> memref<128xi32, #tpu.memory_space<vmem>>
    %dma_start3A_89 = arith.constant 0 : i32
    %dma_start3A_90 = arith.constant 0 : i32
    %dma_start3A_91 = tpu.memref_slice %arg2[%dma_start3A_89, %dma_start3A_90] : memref<10000x128xbf16, #tpu.memory_space<hbm>> -> memref<10000x128xbf16, #tpu.memory_space<hbm>>
    %dma_start3A_92 = tpu.memref_slice %arg8[%dma_start3A_81] : memref<6x!tpu.dma_semaphore, #tpu.memory_space<semaphore_mem>> -> memref<1x!tpu.dma_semaphore, #tpu.memory_space<semaphore_mem>>
    %dma_start3A_93 = tpu.memref_squeeze %dma_start3A_92 : memref<1x!tpu.dma_semaphore, #tpu.memory_space<semaphore_mem>> -> memref<!tpu.dma_semaphore, #tpu.memory_space<semaphore_mem>>
    tpu.enqueue_indirect_dma source(%dma_start3A_91 : memref<10000x128xbf16, #tpu.memory_space<hbm>>) target(%dma_start3A_85 : memref<128x128xbf16, #tpu.memory_space<vmem>>) offsets(%dma_start3A_88 : memref<128xi32, #tpu.memory_space<vmem>>) semaphore(%dma_start3A_93 : memref<!tpu.dma_semaphore, #tpu.memory_space<semaphore_mem>>)
    %dma_start3A_94 = arith.constant 4 : i32
    %dma_start3A_95 = arith.constant 0 : i32
    %dma_start3A_96 = arith.constant 4 : i32
    %dma_start3A_97 = arith.constant 4 : i32
    %dma_start3A_98 = arith.constant 0 : i32
    %dma_start3A_99 = arith.constant 0 : i32
    %dma_start3A_100 = tpu.memref_slice %arg6[%dma_start3A_96, %dma_start3A_98, %dma_start3A_99] : memref<6x128x128xbf16, #tpu.memory_space<vmem>> -> memref<1x128x128xbf16, #tpu.memory_space<vmem>>
    %dma_start3A_101 = tpu.memref_squeeze %dma_start3A_100 : memref<1x128x128xbf16, #tpu.memory_space<vmem>> -> memref<128x128xbf16, #tpu.memory_space<vmem>>
    %dma_start3A_102 = arith.constant 0 : i32
    %dma_start3A_103 = tpu.memref_slice %arg5[%dma_start3A_94, %dma_start3A_95, %dma_start3A_102] : memref<79x2x128xi32, #tpu.memory_space<vmem>> -> memref<1x1x128xi32, #tpu.memory_space<vmem>>
    %dma_start3A_104 = tpu.memref_squeeze %dma_start3A_103 : memref<1x1x128xi32, #tpu.memory_space<vmem>> -> memref<128xi32, #tpu.memory_space<vmem>>
    %dma_start3A_105 = arith.constant 0 : i32
    %dma_start3A_106 = arith.constant 0 : i32
    %dma_start3A_107 = tpu.memref_slice %arg2[%dma_start3A_105, %dma_start3A_106] : memref<10000x128xbf16, #tpu.memory_space<hbm>> -> memref<10000x128xbf16, #tpu.memory_space<hbm>>
    %dma_start3A_108 = tpu.memref_slice %arg8[%dma_start3A_97] : memref<6x!tpu.dma_semaphore, #tpu.memory_space<semaphore_mem>> -> memref<1x!tpu.dma_semaphore, #tpu.memory_space<semaphore_mem>>
    %dma_start3A_109 = tpu.memref_squeeze %dma_start3A_108 : memref<1x!tpu.dma_semaphore, #tpu.memory_space<semaphore_mem>> -> memref<!tpu.dma_semaphore, #tpu.memory_space<semaphore_mem>>
    tpu.enqueue_indirect_dma source(%dma_start3A_107 : memref<10000x128xbf16, #tpu.memory_space<hbm>>) target(%dma_start3A_101 : memref<128x128xbf16, #tpu.memory_space<vmem>>) offsets(%dma_start3A_104 : memref<128xi32, #tpu.memory_space<vmem>>) semaphore(%dma_start3A_109 : memref<!tpu.dma_semaphore, #tpu.memory_space<semaphore_mem>>)
    %dma_start3A_110 = arith.constant 5 : i32
    %dma_start3A_111 = arith.constant 0 : i32
    %dma_start3A_112 = arith.constant 5 : i32
    %dma_start3A_113 = arith.constant 5 : i32
    %dma_start3A_114 = arith.constant 0 : i32
    %dma_start3A_115 = arith.constant 0 : i32
    %dma_start3A_116 = tpu.memref_slice %arg6[%dma_start3A_112, %dma_start3A_114, %dma_start3A_115] : memref<6x128x128xbf16, #tpu.memory_space<vmem>> -> memref<1x128x128xbf16, #tpu.memory_space<vmem>>
    %dma_start3A_117 = tpu.memref_squeeze %dma_start3A_116 : memref<1x128x128xbf16, #tpu.memory_space<vmem>> -> memref<128x128xbf16, #tpu.memory_space<vmem>>
    %dma_start3A_118 = arith.constant 0 : i32
    %dma_start3A_119 = tpu.memref_slice %arg5[%dma_start3A_110, %dma_start3A_111, %dma_start3A_118] : memref<79x2x128xi32, #tpu.memory_space<vmem>> -> memref<1x1x128xi32, #tpu.memory_space<vmem>>
    %dma_start3A_120 = tpu.memref_squeeze %dma_start3A_119 : memref<1x1x128xi32, #tpu.memory_space<vmem>> -> memref<128xi32, #tpu.memory_space<vmem>>
    %dma_start3A_121 = arith.constant 0 : i32
    %dma_start3A_122 = arith.constant 0 : i32
    %dma_start3A_123 = tpu.memref_slice %arg2[%dma_start3A_121, %dma_start3A_122] : memref<10000x128xbf16, #tpu.memory_space<hbm>> -> memref<10000x128xbf16, #tpu.memory_space<hbm>>
    %dma_start3A_124 = tpu.memref_slice %arg8[%dma_start3A_113] : memref<6x!tpu.dma_semaphore, #tpu.memory_space<semaphore_mem>> -> memref<1x!tpu.dma_semaphore, #tpu.memory_space<semaphore_mem>>
    %dma_start3A_125 = tpu.memref_squeeze %dma_start3A_124 : memref<1x!tpu.dma_semaphore, #tpu.memory_space<semaphore_mem>> -> memref<!tpu.dma_semaphore, #tpu.memory_space<semaphore_mem>>
    tpu.enqueue_indirect_dma source(%dma_start3A_123 : memref<10000x128xbf16, #tpu.memory_space<hbm>>) target(%dma_start3A_117 : memref<128x128xbf16, #tpu.memory_space<vmem>>) offsets(%dma_start3A_120 : memref<128xi32, #tpu.memory_space<vmem>>) semaphore(%dma_start3A_125 : memref<!tpu.dma_semaphore, #tpu.memory_space<semaphore_mem>>)
    %scan3A_126 = arith.constant 0 : i32
    %scan3A_127 = arith.constant 0 : i32
    %scan3A_128 = arith.constant 13 : i32
    %scan3A_129 = arith.addi %scan3A_127, %scan3A_128 : i32
    %scan3A_130 = arith.constant 1 : i32
    scf.for %scan3A_142 = %scan3A_127 to %scan3A_129 step %scan3A_130  : i32 {
      %mul3A_143 = arith.constant 6 : i32
      %mul3A_144 = arith.muli %scan3A_142, %mul3A_143 : i32
      %add3A_145 = arith.constant 0 : i32
      %add3A_146 = arith.addi %mul3A_144, %add3A_145 : i32
      %dma_wait3A = arith.constant 0 : i32
      %dma_wait3A_147 = arith.constant 0 : i32
      %dma_wait3A_148 = arith.constant 0 : i32
      %dma_wait3A_149 = arith.constant 0 : i32
      %dma_wait3A_150 = arith.constant 0 : i32
      %dma_wait3A_151 = tpu.memref_slice %arg6[%dma_wait3A_147, %dma_wait3A_149, %dma_wait3A_150] : memref<6x128x128xbf16, #tpu.memory_space<vmem>> -> memref<1x128x128xbf16, #tpu.memory_space<vmem>>
      %dma_wait3A_152 = tpu.memref_squeeze %dma_wait3A_151 : memref<1x128x128xbf16, #tpu.memory_space<vmem>> -> memref<128x128xbf16, #tpu.memory_space<vmem>>
      %dma_wait3A_153 = arith.constant 0 : i32
      %dma_wait3A_154 = tpu.memref_slice %arg5[%add3A_146, %dma_wait3A, %dma_wait3A_153] : memref<79x2x128xi32, #tpu.memory_space<vmem>> -> memref<1x1x128xi32, #tpu.memory_space<vmem>>
      %dma_wait3A_155 = tpu.memref_squeeze %dma_wait3A_154 : memref<1x1x128xi32, #tpu.memory_space<vmem>> -> memref<128xi32, #tpu.memory_space<vmem>>
      %dma_wait3A_156 = arith.constant 0 : i32
      %dma_wait3A_157 = arith.constant 0 : i32
      %dma_wait3A_158 = tpu.memref_slice %arg2[%dma_wait3A_156, %dma_wait3A_157] : memref<10000x128xbf16, #tpu.memory_space<hbm>> -> memref<10000x128xbf16, #tpu.memory_space<hbm>>
      %dma_wait3A_159 = tpu.memref_slice %arg8[%dma_wait3A_148] : memref<6x!tpu.dma_semaphore, #tpu.memory_space<semaphore_mem>> -> memref<1x!tpu.dma_semaphore, #tpu.memory_space<semaphore_mem>>
      %dma_wait3A_160 = tpu.memref_squeeze %dma_wait3A_159 : memref<1x!tpu.dma_semaphore, #tpu.memory_space<semaphore_mem>> -> memref<!tpu.dma_semaphore, #tpu.memory_space<semaphore_mem>>
      tpu.wait_indirect_dma semaphore(%dma_wait3A_160 : memref<!tpu.dma_semaphore, #tpu.memory_space<semaphore_mem>>) src(%dma_wait3A_158 : memref<10000x128xbf16, #tpu.memory_space<hbm>>) dst(%dma_wait3A_152 : memref<128x128xbf16, #tpu.memory_space<vmem>>)
      %run_scoped3A = arith.constant 0 : i32
      %run_scoped3A_161 = arith.constant 1 : i32
      "tpu.region"() ({
        %run_scoped3A_309 = tpu.sem_alloc : memref<!tpu.dma_semaphore, #tpu.memory_space<semaphore_mem>>
        %dma_start3A_310 = arith.constant 0 : i32
        %dma_start3A_311 = arith.constant 0 : i32
        %dma_start3A_312 = tpu.memref_slice %arg6[%run_scoped3A, %dma_start3A_310, %dma_start3A_311] : memref<6x128x128xbf16, #tpu.memory_space<vmem>> -> memref<1x128x128xbf16, #tpu.memory_space<vmem>>
        %dma_start3A_313 = tpu.memref_squeeze %dma_start3A_312 : memref<1x128x128xbf16, #tpu.memory_space<vmem>> -> memref<128x128xbf16, #tpu.memory_space<vmem>>
        %dma_start3A_314 = arith.constant 0 : i32
        %dma_start3A_315 = tpu.memref_slice %arg5[%add3A_146, %run_scoped3A_161, %dma_start3A_314] : memref<79x2x128xi32, #tpu.memory_space<vmem>> -> memref<1x1x128xi32, #tpu.memory_space<vmem>>
        %dma_start3A_316 = tpu.memref_squeeze %dma_start3A_315 : memref<1x1x128xi32, #tpu.memory_space<vmem>> -> memref<128xi32, #tpu.memory_space<vmem>>
        %dma_start3A_317 = arith.constant 0 : i32
        %dma_start3A_318 = arith.constant 0 : i32
        %dma_start3A_319 = tpu.memref_slice %arg9[%dma_start3A_317, %dma_start3A_318] : memref<10000x128xbf16, #tpu.memory_space<vmem_shared>> -> memref<10000x128xbf16, #tpu.memory_space<vmem_shared>>
        tpu.enqueue_indirect_dma source(%dma_start3A_313 : memref<128x128xbf16, #tpu.memory_space<vmem>>) target(%dma_start3A_319 : memref<10000x128xbf16, #tpu.memory_space<vmem_shared>>) offsets(%dma_start3A_316 : memref<128xi32, #tpu.memory_space<vmem>>) semaphore(%run_scoped3A_309 : memref<!tpu.dma_semaphore, #tpu.memory_space<semaphore_mem>>) {add = true}
        %dma_wait3A_320 = arith.constant 0 : i32
        %dma_wait3A_321 = arith.constant 0 : i32
        %dma_wait3A_322 = tpu.memref_slice %arg6[%run_scoped3A, %dma_wait3A_320, %dma_wait3A_321] : memref<6x128x128xbf16, #tpu.memory_space<vmem>> -> memref<1x128x128xbf16, #tpu.memory_space<vmem>>
        %dma_wait3A_323 = tpu.memref_squeeze %dma_wait3A_322 : memref<1x128x128xbf16, #tpu.memory_space<vmem>> -> memref<128x128xbf16, #tpu.memory_space<vmem>>
        %dma_wait3A_324 = arith.constant 0 : i32
        %dma_wait3A_325 = tpu.memref_slice %arg5[%add3A_146, %run_scoped3A_161, %dma_wait3A_324] : memref<79x2x128xi32, #tpu.memory_space<vmem>> -> memref<1x1x128xi32, #tpu.memory_space<vmem>>
        %dma_wait3A_326 = tpu.memref_squeeze %dma_wait3A_325 : memref<1x1x128xi32, #tpu.memory_space<vmem>> -> memref<128xi32, #tpu.memory_space<vmem>>
        %dma_wait3A_327 = arith.constant 0 : i32
        %dma_wait3A_328 = arith.constant 0 : i32
        %dma_wait3A_329 = tpu.memref_slice %arg9[%dma_wait3A_327, %dma_wait3A_328] : memref<10000x128xbf16, #tpu.memory_space<vmem_shared>> -> memref<10000x128xbf16, #tpu.memory_space<vmem_shared>>
        tpu.wait_indirect_dma semaphore(%run_scoped3A_309 : memref<!tpu.dma_semaphore, #tpu.memory_space<semaphore_mem>>) src(%dma_wait3A_323 : memref<128x128xbf16, #tpu.memory_space<vmem>>) dst(%dma_wait3A_329 : memref<10000x128xbf16, #tpu.memory_space<vmem_shared>>)
        tpu.yield
      }) : () -> ()
      %add3A_162 = arith.constant 6 : i32
      %add3A_163 = arith.addi %add3A_146, %add3A_162 : i32
      %lt3A_164 = arith.constant 78 : i32
      %lt3A_165 = arith.cmpi slt, %add3A_163, %lt3A_164 : i32
      %convert_element_type3A_166 = arith.extui %lt3A_165 : i1 to i32
      %cond3A_167 = arith.constant 0 : i32
      %cond3A_168 = arith.cmpi ne, %convert_element_type3A_166, %cond3A_167 : i32
      scf.if %cond3A_168 {
        %add3A_309 = arith.constant 6 : i32
        %add3A_310 = arith.addi %add3A_146, %add3A_309 : i32
        %dma_start3A_311 = arith.constant 0 : i32
        %dma_start3A_312 = arith.constant 0 : i32
        %dma_start3A_313 = arith.constant 0 : i32
        %dma_start3A_314 = arith.constant 0 : i32
        %dma_start3A_315 = arith.constant 0 : i32
        %dma_start3A_316 = tpu.memref_slice %arg6[%dma_start3A_312, %dma_start3A_314, %dma_start3A_315] : memref<6x128x128xbf16, #tpu.memory_space<vmem>> -> memref<1x128x128xbf16, #tpu.memory_space<vmem>>
        %dma_start3A_317 = tpu.memref_squeeze %dma_start3A_316 : memref<1x128x128xbf16, #tpu.memory_space<vmem>> -> memref<128x128xbf16, #tpu.memory_space<vmem>>
        %dma_start3A_318 = arith.constant 0 : i32
        %dma_start3A_319 = tpu.memref_slice %arg5[%add3A_310, %dma_start3A_311, %dma_start3A_318] : memref<79x2x128xi32, #tpu.memory_space<vmem>> -> memref<1x1x128xi32, #tpu.memory_space<vmem>>
        %dma_start3A_320 = tpu.memref_squeeze %dma_start3A_319 : memref<1x1x128xi32, #tpu.memory_space<vmem>> -> memref<128xi32, #tpu.memory_space<vmem>>
        %dma_start3A_321 = arith.constant 0 : i32
        %dma_start3A_322 = arith.constant 0 : i32
        %dma_start3A_323 = tpu.memref_slice %arg2[%dma_start3A_321, %dma_start3A_322] : memref<10000x128xbf16, #tpu.memory_space<hbm>> -> memref<10000x128xbf16, #tpu.memory_space<hbm>>
        %dma_start3A_324 = tpu.memref_slice %arg8[%dma_start3A_313] : memref<6x!tpu.dma_semaphore, #tpu.memory_space<semaphore_mem>> -> memref<1x!tpu.dma_semaphore, #tpu.memory_space<semaphore_mem>>
        %dma_start3A_325 = tpu.memref_squeeze %dma_start3A_324 : memref<1x!tpu.dma_semaphore, #tpu.memory_space<semaphore_mem>> -> memref<!tpu.dma_semaphore, #tpu.memory_space<semaphore_mem>>
        tpu.enqueue_indirect_dma source(%dma_start3A_323 : memref<10000x128xbf16, #tpu.memory_space<hbm>>) target(%dma_start3A_317 : memref<128x128xbf16, #tpu.memory_space<vmem>>) offsets(%dma_start3A_320 : memref<128xi32, #tpu.memory_space<vmem>>) semaphore(%dma_start3A_325 : memref<!tpu.dma_semaphore, #tpu.memory_space<semaphore_mem>>)
      } else {
      }
      %mul3A_169 = arith.constant 6 : i32
      %mul3A_170 = arith.muli %scan3A_142, %mul3A_169 : i32
      %add3A_171 = arith.constant 1 : i32
      %add3A_172 = arith.addi %mul3A_170, %add3A_171 : i32
      %dma_wait3A_173 = arith.constant 0 : i32
      %dma_wait3A_174 = arith.constant 1 : i32
      %dma_wait3A_175 = arith.constant 1 : i32
      %dma_wait3A_176 = arith.constant 0 : i32
      %dma_wait3A_177 = arith.constant 0 : i32
      %dma_wait3A_178 = tpu.memref_slice %arg6[%dma_wait3A_174, %dma_wait3A_176, %dma_wait3A_177] : memref<6x128x128xbf16, #tpu.memory_space<vmem>> -> memref<1x128x128xbf16, #tpu.memory_space<vmem>>
      %dma_wait3A_179 = tpu.memref_squeeze %dma_wait3A_178 : memref<1x128x128xbf16, #tpu.memory_space<vmem>> -> memref<128x128xbf16, #tpu.memory_space<vmem>>
      %dma_wait3A_180 = arith.constant 0 : i32
      %dma_wait3A_181 = tpu.memref_slice %arg5[%add3A_172, %dma_wait3A_173, %dma_wait3A_180] : memref<79x2x128xi32, #tpu.memory_space<vmem>> -> memref<1x1x128xi32, #tpu.memory_space<vmem>>
      %dma_wait3A_182 = tpu.memref_squeeze %dma_wait3A_181 : memref<1x1x128xi32, #tpu.memory_space<vmem>> -> memref<128xi32, #tpu.memory_space<vmem>>
      %dma_wait3A_183 = arith.constant 0 : i32
      %dma_wait3A_184 = arith.constant 0 : i32
      %dma_wait3A_185 = tpu.memref_slice %arg2[%dma_wait3A_183, %dma_wait3A_184] : memref<10000x128xbf16, #tpu.memory_space<hbm>> -> memref<10000x128xbf16, #tpu.memory_space<hbm>>
      %dma_wait3A_186 = tpu.memref_slice %arg8[%dma_wait3A_175] : memref<6x!tpu.dma_semaphore, #tpu.memory_space<semaphore_mem>> -> memref<1x!tpu.dma_semaphore, #tpu.memory_space<semaphore_mem>>
      %dma_wait3A_187 = tpu.memref_squeeze %dma_wait3A_186 : memref<1x!tpu.dma_semaphore, #tpu.memory_space<semaphore_mem>> -> memref<!tpu.dma_semaphore, #tpu.memory_space<semaphore_mem>>
      tpu.wait_indirect_dma semaphore(%dma_wait3A_187 : memref<!tpu.dma_semaphore, #tpu.memory_space<semaphore_mem>>) src(%dma_wait3A_185 : memref<10000x128xbf16, #tpu.memory_space<hbm>>) dst(%dma_wait3A_179 : memref<128x128xbf16, #tpu.memory_space<vmem>>)
      %run_scoped3A_188 = arith.constant 1 : i32
      %run_scoped3A_189 = arith.constant 1 : i32
      "tpu.region"() ({
        %run_scoped3A_309 = tpu.sem_alloc : memref<!tpu.dma_semaphore, #tpu.memory_space<semaphore_mem>>
        %dma_start3A_310 = arith.constant 0 : i32
        %dma_start3A_311 = arith.constant 0 : i32
        %dma_start3A_312 = tpu.memref_slice %arg6[%run_scoped3A_188, %dma_start3A_310, %dma_start3A_311] : memref<6x128x128xbf16, #tpu.memory_space<vmem>> -> memref<1x128x128xbf16, #tpu.memory_space<vmem>>
        %dma_start3A_313 = tpu.memref_squeeze %dma_start3A_312 : memref<1x128x128xbf16, #tpu.memory_space<vmem>> -> memref<128x128xbf16, #tpu.memory_space<vmem>>
        %dma_start3A_314 = arith.constant 0 : i32
        %dma_start3A_315 = tpu.memref_slice %arg5[%add3A_172, %run_scoped3A_189, %dma_start3A_314] : memref<79x2x128xi32, #tpu.memory_space<vmem>> -> memref<1x1x128xi32, #tpu.memory_space<vmem>>
        %dma_start3A_316 = tpu.memref_squeeze %dma_start3A_315 : memref<1x1x128xi32, #tpu.memory_space<vmem>> -> memref<128xi32, #tpu.memory_space<vmem>>
        %dma_start3A_317 = arith.constant 0 : i32
        %dma_start3A_318 = arith.constant 0 : i32
        %dma_start3A_319 = tpu.memref_slice %arg9[%dma_start3A_317, %dma_start3A_318] : memref<10000x128xbf16, #tpu.memory_space<vmem_shared>> -> memref<10000x128xbf16, #tpu.memory_space<vmem_shared>>
        tpu.enqueue_indirect_dma source(%dma_start3A_313 : memref<128x128xbf16, #tpu.memory_space<vmem>>) target(%dma_start3A_319 : memref<10000x128xbf16, #tpu.memory_space<vmem_shared>>) offsets(%dma_start3A_316 : memref<128xi32, #tpu.memory_space<vmem>>) semaphore(%run_scoped3A_309 : memref<!tpu.dma_semaphore, #tpu.memory_space<semaphore_mem>>) {add = true}
        %dma_wait3A_320 = arith.constant 0 : i32
        %dma_wait3A_321 = arith.constant 0 : i32
        %dma_wait3A_322 = tpu.memref_slice %arg6[%run_scoped3A_188, %dma_wait3A_320, %dma_wait3A_321] : memref<6x128x128xbf16, #tpu.memory_space<vmem>> -> memref<1x128x128xbf16, #tpu.memory_space<vmem>>
        %dma_wait3A_323 = tpu.memref_squeeze %dma_wait3A_322 : memref<1x128x128xbf16, #tpu.memory_space<vmem>> -> memref<128x128xbf16, #tpu.memory_space<vmem>>
        %dma_wait3A_324 = arith.constant 0 : i32
        %dma_wait3A_325 = tpu.memref_slice %arg5[%add3A_172, %run_scoped3A_189, %dma_wait3A_324] : memref<79x2x128xi32, #tpu.memory_space<vmem>> -> memref<1x1x128xi32, #tpu.memory_space<vmem>>
        %dma_wait3A_326 = tpu.memref_squeeze %dma_wait3A_325 : memref<1x1x128xi32, #tpu.memory_space<vmem>> -> memref<128xi32, #tpu.memory_space<vmem>>
        %dma_wait3A_327 = arith.constant 0 : i32
        %dma_wait3A_328 = arith.constant 0 : i32
        %dma_wait3A_329 = tpu.memref_slice %arg9[%dma_wait3A_327, %dma_wait3A_328] : memref<10000x128xbf16, #tpu.memory_space<vmem_shared>> -> memref<10000x128xbf16, #tpu.memory_space<vmem_shared>>
        tpu.wait_indirect_dma semaphore(%run_scoped3A_309 : memref<!tpu.dma_semaphore, #tpu.memory_space<semaphore_mem>>) src(%dma_wait3A_323 : memref<128x128xbf16, #tpu.memory_space<vmem>>) dst(%dma_wait3A_329 : memref<10000x128xbf16, #tpu.memory_space<vmem_shared>>)
        tpu.yield
      }) : () -> ()
      %add3A_190 = arith.constant 6 : i32
      %add3A_191 = arith.addi %add3A_172, %add3A_190 : i32
      %lt3A_192 = arith.constant 78 : i32
      %lt3A_193 = arith.cmpi slt, %add3A_191, %lt3A_192 : i32
      %convert_element_type3A_194 = arith.extui %lt3A_193 : i1 to i32
      %cond3A_195 = arith.constant 0 : i32
      %cond3A_196 = arith.cmpi ne, %convert_element_type3A_194, %cond3A_195 : i32
      scf.if %cond3A_196 {
        %add3A_309 = arith.constant 6 : i32
        %add3A_310 = arith.addi %add3A_172, %add3A_309 : i32
        %dma_start3A_311 = arith.constant 0 : i32
        %dma_start3A_312 = arith.constant 1 : i32
        %dma_start3A_313 = arith.constant 1 : i32
        %dma_start3A_314 = arith.constant 0 : i32
        %dma_start3A_315 = arith.constant 0 : i32
        %dma_start3A_316 = tpu.memref_slice %arg6[%dma_start3A_312, %dma_start3A_314, %dma_start3A_315] : memref<6x128x128xbf16, #tpu.memory_space<vmem>> -> memref<1x128x128xbf16, #tpu.memory_space<vmem>>
        %dma_start3A_317 = tpu.memref_squeeze %dma_start3A_316 : memref<1x128x128xbf16, #tpu.memory_space<vmem>> -> memref<128x128xbf16, #tpu.memory_space<vmem>>
        %dma_start3A_318 = arith.constant 0 : i32
        %dma_start3A_319 = tpu.memref_slice %arg5[%add3A_310, %dma_start3A_311, %dma_start3A_318] : memref<79x2x128xi32, #tpu.memory_space<vmem>> -> memref<1x1x128xi32, #tpu.memory_space<vmem>>
        %dma_start3A_320 = tpu.memref_squeeze %dma_start3A_319 : memref<1x1x128xi32, #tpu.memory_space<vmem>> -> memref<128xi32, #tpu.memory_space<vmem>>
        %dma_start3A_321 = arith.constant 0 : i32
        %dma_start3A_322 = arith.constant 0 : i32
        %dma_start3A_323 = tpu.memref_slice %arg2[%dma_start3A_321, %dma_start3A_322] : memref<10000x128xbf16, #tpu.memory_space<hbm>> -> memref<10000x128xbf16, #tpu.memory_space<hbm>>
        %dma_start3A_324 = tpu.memref_slice %arg8[%dma_start3A_313] : memref<6x!tpu.dma_semaphore, #tpu.memory_space<semaphore_mem>> -> memref<1x!tpu.dma_semaphore, #tpu.memory_space<semaphore_mem>>
        %dma_start3A_325 = tpu.memref_squeeze %dma_start3A_324 : memref<1x!tpu.dma_semaphore, #tpu.memory_space<semaphore_mem>> -> memref<!tpu.dma_semaphore, #tpu.memory_space<semaphore_mem>>
        tpu.enqueue_indirect_dma source(%dma_start3A_323 : memref<10000x128xbf16, #tpu.memory_space<hbm>>) target(%dma_start3A_317 : memref<128x128xbf16, #tpu.memory_space<vmem>>) offsets(%dma_start3A_320 : memref<128xi32, #tpu.memory_space<vmem>>) semaphore(%dma_start3A_325 : memref<!tpu.dma_semaphore, #tpu.memory_space<semaphore_mem>>)
      } else {
      }
      %mul3A_197 = arith.constant 6 : i32
      %mul3A_198 = arith.muli %scan3A_142, %mul3A_197 : i32
      %add3A_199 = arith.constant 2 : i32
      %add3A_200 = arith.addi %mul3A_198, %add3A_199 : i32
      %dma_wait3A_201 = arith.constant 0 : i32
      %dma_wait3A_202 = arith.constant 2 : i32
      %dma_wait3A_203 = arith.constant 2 : i32
      %dma_wait3A_204 = arith.constant 0 : i32
      %dma_wait3A_205 = arith.constant 0 : i32
      %dma_wait3A_206 = tpu.memref_slice %arg6[%dma_wait3A_202, %dma_wait3A_204, %dma_wait3A_205] : memref<6x128x128xbf16, #tpu.memory_space<vmem>> -> memref<1x128x128xbf16, #tpu.memory_space<vmem>>
      %dma_wait3A_207 = tpu.memref_squeeze %dma_wait3A_206 : memref<1x128x128xbf16, #tpu.memory_space<vmem>> -> memref<128x128xbf16, #tpu.memory_space<vmem>>
      %dma_wait3A_208 = arith.constant 0 : i32
      %dma_wait3A_209 = tpu.memref_slice %arg5[%add3A_200, %dma_wait3A_201, %dma_wait3A_208] : memref<79x2x128xi32, #tpu.memory_space<vmem>> -> memref<1x1x128xi32, #tpu.memory_space<vmem>>
      %dma_wait3A_210 = tpu.memref_squeeze %dma_wait3A_209 : memref<1x1x128xi32, #tpu.memory_space<vmem>> -> memref<128xi32, #tpu.memory_space<vmem>>
      %dma_wait3A_211 = arith.constant 0 : i32
      %dma_wait3A_212 = arith.constant 0 : i32
      %dma_wait3A_213 = tpu.memref_slice %arg2[%dma_wait3A_211, %dma_wait3A_212] : memref<10000x128xbf16, #tpu.memory_space<hbm>> -> memref<10000x128xbf16, #tpu.memory_space<hbm>>
      %dma_wait3A_214 = tpu.memref_slice %arg8[%dma_wait3A_203] : memref<6x!tpu.dma_semaphore, #tpu.memory_space<semaphore_mem>> -> memref<1x!tpu.dma_semaphore, #tpu.memory_space<semaphore_mem>>
      %dma_wait3A_215 = tpu.memref_squeeze %dma_wait3A_214 : memref<1x!tpu.dma_semaphore, #tpu.memory_space<semaphore_mem>> -> memref<!tpu.dma_semaphore, #tpu.memory_space<semaphore_mem>>
      tpu.wait_indirect_dma semaphore(%dma_wait3A_215 : memref<!tpu.dma_semaphore, #tpu.memory_space<semaphore_mem>>) src(%dma_wait3A_213 : memref<10000x128xbf16, #tpu.memory_space<hbm>>) dst(%dma_wait3A_207 : memref<128x128xbf16, #tpu.memory_space<vmem>>)
      %run_scoped3A_216 = arith.constant 2 : i32
      %run_scoped3A_217 = arith.constant 1 : i32
      "tpu.region"() ({
        %run_scoped3A_309 = tpu.sem_alloc : memref<!tpu.dma_semaphore, #tpu.memory_space<semaphore_mem>>
        %dma_start3A_310 = arith.constant 0 : i32
        %dma_start3A_311 = arith.constant 0 : i32
        %dma_start3A_312 = tpu.memref_slice %arg6[%run_scoped3A_216, %dma_start3A_310, %dma_start3A_311] : memref<6x128x128xbf16, #tpu.memory_space<vmem>> -> memref<1x128x128xbf16, #tpu.memory_space<vmem>>
        %dma_start3A_313 = tpu.memref_squeeze %dma_start3A_312 : memref<1x128x128xbf16, #tpu.memory_space<vmem>> -> memref<128x128xbf16, #tpu.memory_space<vmem>>
        %dma_start3A_314 = arith.constant 0 : i32
        %dma_start3A_315 = tpu.memref_slice %arg5[%add3A_200, %run_scoped3A_217, %dma_start3A_314] : memref<79x2x128xi32, #tpu.memory_space<vmem>> -> memref<1x1x128xi32, #tpu.memory_space<vmem>>
        %dma_start3A_316 = tpu.memref_squeeze %dma_start3A_315 : memref<1x1x128xi32, #tpu.memory_space<vmem>> -> memref<128xi32, #tpu.memory_space<vmem>>
        %dma_start3A_317 = arith.constant 0 : i32
        %dma_start3A_318 = arith.constant 0 : i32
        %dma_start3A_319 = tpu.memref_slice %arg9[%dma_start3A_317, %dma_start3A_318] : memref<10000x128xbf16, #tpu.memory_space<vmem_shared>> -> memref<10000x128xbf16, #tpu.memory_space<vmem_shared>>
        tpu.enqueue_indirect_dma source(%dma_start3A_313 : memref<128x128xbf16, #tpu.memory_space<vmem>>) target(%dma_start3A_319 : memref<10000x128xbf16, #tpu.memory_space<vmem_shared>>) offsets(%dma_start3A_316 : memref<128xi32, #tpu.memory_space<vmem>>) semaphore(%run_scoped3A_309 : memref<!tpu.dma_semaphore, #tpu.memory_space<semaphore_mem>>) {add = true}
        %dma_wait3A_320 = arith.constant 0 : i32
        %dma_wait3A_321 = arith.constant 0 : i32
        %dma_wait3A_322 = tpu.memref_slice %arg6[%run_scoped3A_216, %dma_wait3A_320, %dma_wait3A_321] : memref<6x128x128xbf16, #tpu.memory_space<vmem>> -> memref<1x128x128xbf16, #tpu.memory_space<vmem>>
        %dma_wait3A_323 = tpu.memref_squeeze %dma_wait3A_322 : memref<1x128x128xbf16, #tpu.memory_space<vmem>> -> memref<128x128xbf16, #tpu.memory_space<vmem>>
        %dma_wait3A_324 = arith.constant 0 : i32
        %dma_wait3A_325 = tpu.memref_slice %arg5[%add3A_200, %run_scoped3A_217, %dma_wait3A_324] : memref<79x2x128xi32, #tpu.memory_space<vmem>> -> memref<1x1x128xi32, #tpu.memory_space<vmem>>
        %dma_wait3A_326 = tpu.memref_squeeze %dma_wait3A_325 : memref<1x1x128xi32, #tpu.memory_space<vmem>> -> memref<128xi32, #tpu.memory_space<vmem>>
        %dma_wait3A_327 = arith.constant 0 : i32
        %dma_wait3A_328 = arith.constant 0 : i32
        %dma_wait3A_329 = tpu.memref_slice %arg9[%dma_wait3A_327, %dma_wait3A_328] : memref<10000x128xbf16, #tpu.memory_space<vmem_shared>> -> memref<10000x128xbf16, #tpu.memory_space<vmem_shared>>
        tpu.wait_indirect_dma semaphore(%run_scoped3A_309 : memref<!tpu.dma_semaphore, #tpu.memory_space<semaphore_mem>>) src(%dma_wait3A_323 : memref<128x128xbf16, #tpu.memory_space<vmem>>) dst(%dma_wait3A_329 : memref<10000x128xbf16, #tpu.memory_space<vmem_shared>>)
        tpu.yield
      }) : () -> ()
      %add3A_218 = arith.constant 6 : i32
      %add3A_219 = arith.addi %add3A_200, %add3A_218 : i32
      %lt3A_220 = arith.constant 78 : i32
      %lt3A_221 = arith.cmpi slt, %add3A_219, %lt3A_220 : i32
      %convert_element_type3A_222 = arith.extui %lt3A_221 : i1 to i32
      %cond3A_223 = arith.constant 0 : i32
      %cond3A_224 = arith.cmpi ne, %convert_element_type3A_222, %cond3A_223 : i32
      scf.if %cond3A_224 {
        %add3A_309 = arith.constant 6 : i32
        %add3A_310 = arith.addi %add3A_200, %add3A_309 : i32
        %dma_start3A_311 = arith.constant 0 : i32
        %dma_start3A_312 = arith.constant 2 : i32
        %dma_start3A_313 = arith.constant 2 : i32
        %dma_start3A_314 = arith.constant 0 : i32
        %dma_start3A_315 = arith.constant 0 : i32
        %dma_start3A_316 = tpu.memref_slice %arg6[%dma_start3A_312, %dma_start3A_314, %dma_start3A_315] : memref<6x128x128xbf16, #tpu.memory_space<vmem>> -> memref<1x128x128xbf16, #tpu.memory_space<vmem>>
        %dma_start3A_317 = tpu.memref_squeeze %dma_start3A_316 : memref<1x128x128xbf16, #tpu.memory_space<vmem>> -> memref<128x128xbf16, #tpu.memory_space<vmem>>
        %dma_start3A_318 = arith.constant 0 : i32
        %dma_start3A_319 = tpu.memref_slice %arg5[%add3A_310, %dma_start3A_311, %dma_start3A_318] : memref<79x2x128xi32, #tpu.memory_space<vmem>> -> memref<1x1x128xi32, #tpu.memory_space<vmem>>
        %dma_start3A_320 = tpu.memref_squeeze %dma_start3A_319 : memref<1x1x128xi32, #tpu.memory_space<vmem>> -> memref<128xi32, #tpu.memory_space<vmem>>
        %dma_start3A_321 = arith.constant 0 : i32
        %dma_start3A_322 = arith.constant 0 : i32
        %dma_start3A_323 = tpu.memref_slice %arg2[%dma_start3A_321, %dma_start3A_322] : memref<10000x128xbf16, #tpu.memory_space<hbm>> -> memref<10000x128xbf16, #tpu.memory_space<hbm>>
        %dma_start3A_324 = tpu.memref_slice %arg8[%dma_start3A_313] : memref<6x!tpu.dma_semaphore, #tpu.memory_space<semaphore_mem>> -> memref<1x!tpu.dma_semaphore, #tpu.memory_space<semaphore_mem>>
        %dma_start3A_325 = tpu.memref_squeeze %dma_start3A_324 : memref<1x!tpu.dma_semaphore, #tpu.memory_space<semaphore_mem>> -> memref<!tpu.dma_semaphore, #tpu.memory_space<semaphore_mem>>
        tpu.enqueue_indirect_dma source(%dma_start3A_323 : memref<10000x128xbf16, #tpu.memory_space<hbm>>) target(%dma_start3A_317 : memref<128x128xbf16, #tpu.memory_space<vmem>>) offsets(%dma_start3A_320 : memref<128xi32, #tpu.memory_space<vmem>>) semaphore(%dma_start3A_325 : memref<!tpu.dma_semaphore, #tpu.memory_space<semaphore_mem>>)
      } else {
      }
      %mul3A_225 = arith.constant 6 : i32
      %mul3A_226 = arith.muli %scan3A_142, %mul3A_225 : i32
      %add3A_227 = arith.constant 3 : i32
      %add3A_228 = arith.addi %mul3A_226, %add3A_227 : i32
      %dma_wait3A_229 = arith.constant 0 : i32
      %dma_wait3A_230 = arith.constant 3 : i32
      %dma_wait3A_231 = arith.constant 3 : i32
      %dma_wait3A_232 = arith.constant 0 : i32
      %dma_wait3A_233 = arith.constant 0 : i32
      %dma_wait3A_234 = tpu.memref_slice %arg6[%dma_wait3A_230, %dma_wait3A_232, %dma_wait3A_233] : memref<6x128x128xbf16, #tpu.memory_space<vmem>> -> memref<1x128x128xbf16, #tpu.memory_space<vmem>>
      %dma_wait3A_235 = tpu.memref_squeeze %dma_wait3A_234 : memref<1x128x128xbf16, #tpu.memory_space<vmem>> -> memref<128x128xbf16, #tpu.memory_space<vmem>>
      %dma_wait3A_236 = arith.constant 0 : i32
      %dma_wait3A_237 = tpu.memref_slice %arg5[%add3A_228, %dma_wait3A_229, %dma_wait3A_236] : memref<79x2x128xi32, #tpu.memory_space<vmem>> -> memref<1x1x128xi32, #tpu.memory_space<vmem>>
      %dma_wait3A_238 = tpu.memref_squeeze %dma_wait3A_237 : memref<1x1x128xi32, #tpu.memory_space<vmem>> -> memref<128xi32, #tpu.memory_space<vmem>>
      %dma_wait3A_239 = arith.constant 0 : i32
      %dma_wait3A_240 = arith.constant 0 : i32
      %dma_wait3A_241 = tpu.memref_slice %arg2[%dma_wait3A_239, %dma_wait3A_240] : memref<10000x128xbf16, #tpu.memory_space<hbm>> -> memref<10000x128xbf16, #tpu.memory_space<hbm>>
      %dma_wait3A_242 = tpu.memref_slice %arg8[%dma_wait3A_231] : memref<6x!tpu.dma_semaphore, #tpu.memory_space<semaphore_mem>> -> memref<1x!tpu.dma_semaphore, #tpu.memory_space<semaphore_mem>>
      %dma_wait3A_243 = tpu.memref_squeeze %dma_wait3A_242 : memref<1x!tpu.dma_semaphore, #tpu.memory_space<semaphore_mem>> -> memref<!tpu.dma_semaphore, #tpu.memory_space<semaphore_mem>>
      tpu.wait_indirect_dma semaphore(%dma_wait3A_243 : memref<!tpu.dma_semaphore, #tpu.memory_space<semaphore_mem>>) src(%dma_wait3A_241 : memref<10000x128xbf16, #tpu.memory_space<hbm>>) dst(%dma_wait3A_235 : memref<128x128xbf16, #tpu.memory_space<vmem>>)
      %run_scoped3A_244 = arith.constant 3 : i32
      %run_scoped3A_245 = arith.constant 1 : i32
      "tpu.region"() ({
        %run_scoped3A_309 = tpu.sem_alloc : memref<!tpu.dma_semaphore, #tpu.memory_space<semaphore_mem>>
        %dma_start3A_310 = arith.constant 0 : i32
        %dma_start3A_311 = arith.constant 0 : i32
        %dma_start3A_312 = tpu.memref_slice %arg6[%run_scoped3A_244, %dma_start3A_310, %dma_start3A_311] : memref<6x128x128xbf16, #tpu.memory_space<vmem>> -> memref<1x128x128xbf16, #tpu.memory_space<vmem>>
        %dma_start3A_313 = tpu.memref_squeeze %dma_start3A_312 : memref<1x128x128xbf16, #tpu.memory_space<vmem>> -> memref<128x128xbf16, #tpu.memory_space<vmem>>
        %dma_start3A_314 = arith.constant 0 : i32
        %dma_start3A_315 = tpu.memref_slice %arg5[%add3A_228, %run_scoped3A_245, %dma_start3A_314] : memref<79x2x128xi32, #tpu.memory_space<vmem>> -> memref<1x1x128xi32, #tpu.memory_space<vmem>>
        %dma_start3A_316 = tpu.memref_squeeze %dma_start3A_315 : memref<1x1x128xi32, #tpu.memory_space<vmem>> -> memref<128xi32, #tpu.memory_space<vmem>>
        %dma_start3A_317 = arith.constant 0 : i32
        %dma_start3A_318 = arith.constant 0 : i32
        %dma_start3A_319 = tpu.memref_slice %arg9[%dma_start3A_317, %dma_start3A_318] : memref<10000x128xbf16, #tpu.memory_space<vmem_shared>> -> memref<10000x128xbf16, #tpu.memory_space<vmem_shared>>
        tpu.enqueue_indirect_dma source(%dma_start3A_313 : memref<128x128xbf16, #tpu.memory_space<vmem>>) target(%dma_start3A_319 : memref<10000x128xbf16, #tpu.memory_space<vmem_shared>>) offsets(%dma_start3A_316 : memref<128xi32, #tpu.memory_space<vmem>>) semaphore(%run_scoped3A_309 : memref<!tpu.dma_semaphore, #tpu.memory_space<semaphore_mem>>) {add = true}
        %dma_wait3A_320 = arith.constant 0 : i32
        %dma_wait3A_321 = arith.constant 0 : i32
        %dma_wait3A_322 = tpu.memref_slice %arg6[%run_scoped3A_244, %dma_wait3A_320, %dma_wait3A_321] : memref<6x128x128xbf16, #tpu.memory_space<vmem>> -> memref<1x128x128xbf16, #tpu.memory_space<vmem>>
        %dma_wait3A_323 = tpu.memref_squeeze %dma_wait3A_322 : memref<1x128x128xbf16, #tpu.memory_space<vmem>> -> memref<128x128xbf16, #tpu.memory_space<vmem>>
        %dma_wait3A_324 = arith.constant 0 : i32
        %dma_wait3A_325 = tpu.memref_slice %arg5[%add3A_228, %run_scoped3A_245, %dma_wait3A_324] : memref<79x2x128xi32, #tpu.memory_space<vmem>> -> memref<1x1x128xi32, #tpu.memory_space<vmem>>
        %dma_wait3A_326 = tpu.memref_squeeze %dma_wait3A_325 : memref<1x1x128xi32, #tpu.memory_space<vmem>> -> memref<128xi32, #tpu.memory_space<vmem>>
        %dma_wait3A_327 = arith.constant 0 : i32
        %dma_wait3A_328 = arith.constant 0 : i32
        %dma_wait3A_329 = tpu.memref_slice %arg9[%dma_wait3A_327, %dma_wait3A_328] : memref<10000x128xbf16, #tpu.memory_space<vmem_shared>> -> memref<10000x128xbf16, #tpu.memory_space<vmem_shared>>
        tpu.wait_indirect_dma semaphore(%run_scoped3A_309 : memref<!tpu.dma_semaphore, #tpu.memory_space<semaphore_mem>>) src(%dma_wait3A_323 : memref<128x128xbf16, #tpu.memory_space<vmem>>) dst(%dma_wait3A_329 : memref<10000x128xbf16, #tpu.memory_space<vmem_shared>>)
        tpu.yield
      }) : () -> ()
      %add3A_246 = arith.constant 6 : i32
      %add3A_247 = arith.addi %add3A_228, %add3A_246 : i32
      %lt3A_248 = arith.constant 78 : i32
      %lt3A_249 = arith.cmpi slt, %add3A_247, %lt3A_248 : i32
      %convert_element_type3A_250 = arith.extui %lt3A_249 : i1 to i32
      %cond3A_251 = arith.constant 0 : i32
      %cond3A_252 = arith.cmpi ne, %convert_element_type3A_250, %cond3A_251 : i32
      scf.if %cond3A_252 {
        %add3A_309 = arith.constant 6 : i32
        %add3A_310 = arith.addi %add3A_228, %add3A_309 : i32
        %dma_start3A_311 = arith.constant 0 : i32
        %dma_start3A_312 = arith.constant 3 : i32
        %dma_start3A_313 = arith.constant 3 : i32
        %dma_start3A_314 = arith.constant 0 : i32
        %dma_start3A_315 = arith.constant 0 : i32
        %dma_start3A_316 = tpu.memref_slice %arg6[%dma_start3A_312, %dma_start3A_314, %dma_start3A_315] : memref<6x128x128xbf16, #tpu.memory_space<vmem>> -> memref<1x128x128xbf16, #tpu.memory_space<vmem>>
        %dma_start3A_317 = tpu.memref_squeeze %dma_start3A_316 : memref<1x128x128xbf16, #tpu.memory_space<vmem>> -> memref<128x128xbf16, #tpu.memory_space<vmem>>
        %dma_start3A_318 = arith.constant 0 : i32
        %dma_start3A_319 = tpu.memref_slice %arg5[%add3A_310, %dma_start3A_311, %dma_start3A_318] : memref<79x2x128xi32, #tpu.memory_space<vmem>> -> memref<1x1x128xi32, #tpu.memory_space<vmem>>
        %dma_start3A_320 = tpu.memref_squeeze %dma_start3A_319 : memref<1x1x128xi32, #tpu.memory_space<vmem>> -> memref<128xi32, #tpu.memory_space<vmem>>
        %dma_start3A_321 = arith.constant 0 : i32
        %dma_start3A_322 = arith.constant 0 : i32
        %dma_start3A_323 = tpu.memref_slice %arg2[%dma_start3A_321, %dma_start3A_322] : memref<10000x128xbf16, #tpu.memory_space<hbm>> -> memref<10000x128xbf16, #tpu.memory_space<hbm>>
        %dma_start3A_324 = tpu.memref_slice %arg8[%dma_start3A_313] : memref<6x!tpu.dma_semaphore, #tpu.memory_space<semaphore_mem>> -> memref<1x!tpu.dma_semaphore, #tpu.memory_space<semaphore_mem>>
        %dma_start3A_325 = tpu.memref_squeeze %dma_start3A_324 : memref<1x!tpu.dma_semaphore, #tpu.memory_space<semaphore_mem>> -> memref<!tpu.dma_semaphore, #tpu.memory_space<semaphore_mem>>
        tpu.enqueue_indirect_dma source(%dma_start3A_323 : memref<10000x128xbf16, #tpu.memory_space<hbm>>) target(%dma_start3A_317 : memref<128x128xbf16, #tpu.memory_space<vmem>>) offsets(%dma_start3A_320 : memref<128xi32, #tpu.memory_space<vmem>>) semaphore(%dma_start3A_325 : memref<!tpu.dma_semaphore, #tpu.memory_space<semaphore_mem>>)
      } else {
      }
      %mul3A_253 = arith.constant 6 : i32
      %mul3A_254 = arith.muli %scan3A_142, %mul3A_253 : i32
      %add3A_255 = arith.constant 4 : i32
      %add3A_256 = arith.addi %mul3A_254, %add3A_255 : i32
      %dma_wait3A_257 = arith.constant 0 : i32
      %dma_wait3A_258 = arith.constant 4 : i32
      %dma_wait3A_259 = arith.constant 4 : i32
      %dma_wait3A_260 = arith.constant 0 : i32
      %dma_wait3A_261 = arith.constant 0 : i32
      %dma_wait3A_262 = tpu.memref_slice %arg6[%dma_wait3A_258, %dma_wait3A_260, %dma_wait3A_261] : memref<6x128x128xbf16, #tpu.memory_space<vmem>> -> memref<1x128x128xbf16, #tpu.memory_space<vmem>>
      %dma_wait3A_263 = tpu.memref_squeeze %dma_wait3A_262 : memref<1x128x128xbf16, #tpu.memory_space<vmem>> -> memref<128x128xbf16, #tpu.memory_space<vmem>>
      %dma_wait3A_264 = arith.constant 0 : i32
      %dma_wait3A_265 = tpu.memref_slice %arg5[%add3A_256, %dma_wait3A_257, %dma_wait3A_264] : memref<79x2x128xi32, #tpu.memory_space<vmem>> -> memref<1x1x128xi32, #tpu.memory_space<vmem>>
      %dma_wait3A_266 = tpu.memref_squeeze %dma_wait3A_265 : memref<1x1x128xi32, #tpu.memory_space<vmem>> -> memref<128xi32, #tpu.memory_space<vmem>>
      %dma_wait3A_267 = arith.constant 0 : i32
      %dma_wait3A_268 = arith.constant 0 : i32
      %dma_wait3A_269 = tpu.memref_slice %arg2[%dma_wait3A_267, %dma_wait3A_268] : memref<10000x128xbf16, #tpu.memory_space<hbm>> -> memref<10000x128xbf16, #tpu.memory_space<hbm>>
      %dma_wait3A_270 = tpu.memref_slice %arg8[%dma_wait3A_259] : memref<6x!tpu.dma_semaphore, #tpu.memory_space<semaphore_mem>> -> memref<1x!tpu.dma_semaphore, #tpu.memory_space<semaphore_mem>>
      %dma_wait3A_271 = tpu.memref_squeeze %dma_wait3A_270 : memref<1x!tpu.dma_semaphore, #tpu.memory_space<semaphore_mem>> -> memref<!tpu.dma_semaphore, #tpu.memory_space<semaphore_mem>>
      tpu.wait_indirect_dma semaphore(%dma_wait3A_271 : memref<!tpu.dma_semaphore, #tpu.memory_space<semaphore_mem>>) src(%dma_wait3A_269 : memref<10000x128xbf16, #tpu.memory_space<hbm>>) dst(%dma_wait3A_263 : memref<128x128xbf16, #tpu.memory_space<vmem>>)
      %run_scoped3A_272 = arith.constant 4 : i32
      %run_scoped3A_273 = arith.constant 1 : i32
      "tpu.region"() ({
        %run_scoped3A_309 = tpu.sem_alloc : memref<!tpu.dma_semaphore, #tpu.memory_space<semaphore_mem>>
        %dma_start3A_310 = arith.constant 0 : i32
        %dma_start3A_311 = arith.constant 0 : i32
        %dma_start3A_312 = tpu.memref_slice %arg6[%run_scoped3A_272, %dma_start3A_310, %dma_start3A_311] : memref<6x128x128xbf16, #tpu.memory_space<vmem>> -> memref<1x128x128xbf16, #tpu.memory_space<vmem>>
        %dma_start3A_313 = tpu.memref_squeeze %dma_start3A_312 : memref<1x128x128xbf16, #tpu.memory_space<vmem>> -> memref<128x128xbf16, #tpu.memory_space<vmem>>
        %dma_start3A_314 = arith.constant 0 : i32
        %dma_start3A_315 = tpu.memref_slice %arg5[%add3A_256, %run_scoped3A_273, %dma_start3A_314] : memref<79x2x128xi32, #tpu.memory_space<vmem>> -> memref<1x1x128xi32, #tpu.memory_space<vmem>>
        %dma_start3A_316 = tpu.memref_squeeze %dma_start3A_315 : memref<1x1x128xi32, #tpu.memory_space<vmem>> -> memref<128xi32, #tpu.memory_space<vmem>>
        %dma_start3A_317 = arith.constant 0 : i32
        %dma_start3A_318 = arith.constant 0 : i32
        %dma_start3A_319 = tpu.memref_slice %arg9[%dma_start3A_317, %dma_start3A_318] : memref<10000x128xbf16, #tpu.memory_space<vmem_shared>> -> memref<10000x128xbf16, #tpu.memory_space<vmem_shared>>
        tpu.enqueue_indirect_dma source(%dma_start3A_313 : memref<128x128xbf16, #tpu.memory_space<vmem>>) target(%dma_start3A_319 : memref<10000x128xbf16, #tpu.memory_space<vmem_shared>>) offsets(%dma_start3A_316 : memref<128xi32, #tpu.memory_space<vmem>>) semaphore(%run_scoped3A_309 : memref<!tpu.dma_semaphore, #tpu.memory_space<semaphore_mem>>) {add = true}
        %dma_wait3A_320 = arith.constant 0 : i32
        %dma_wait3A_321 = arith.constant 0 : i32
        %dma_wait3A_322 = tpu.memref_slice %arg6[%run_scoped3A_272, %dma_wait3A_320, %dma_wait3A_321] : memref<6x128x128xbf16, #tpu.memory_space<vmem>> -> memref<1x128x128xbf16, #tpu.memory_space<vmem>>
        %dma_wait3A_323 = tpu.memref_squeeze %dma_wait3A_322 : memref<1x128x128xbf16, #tpu.memory_space<vmem>> -> memref<128x128xbf16, #tpu.memory_space<vmem>>
        %dma_wait3A_324 = arith.constant 0 : i32
        %dma_wait3A_325 = tpu.memref_slice %arg5[%add3A_256, %run_scoped3A_273, %dma_wait3A_324] : memref<79x2x128xi32, #tpu.memory_space<vmem>> -> memref<1x1x128xi32, #tpu.memory_space<vmem>>
        %dma_wait3A_326 = tpu.memref_squeeze %dma_wait3A_325 : memref<1x1x128xi32, #tpu.memory_space<vmem>> -> memref<128xi32, #tpu.memory_space<vmem>>
        %dma_wait3A_327 = arith.constant 0 : i32
        %dma_wait3A_328 = arith.constant 0 : i32
        %dma_wait3A_329 = tpu.memref_slice %arg9[%dma_wait3A_327, %dma_wait3A_328] : memref<10000x128xbf16, #tpu.memory_space<vmem_shared>> -> memref<10000x128xbf16, #tpu.memory_space<vmem_shared>>
        tpu.wait_indirect_dma semaphore(%run_scoped3A_309 : memref<!tpu.dma_semaphore, #tpu.memory_space<semaphore_mem>>) src(%dma_wait3A_323 : memref<128x128xbf16, #tpu.memory_space<vmem>>) dst(%dma_wait3A_329 : memref<10000x128xbf16, #tpu.memory_space<vmem_shared>>)
        tpu.yield
      }) : () -> ()
      %add3A_274 = arith.constant 6 : i32
      %add3A_275 = arith.addi %add3A_256, %add3A_274 : i32
      %lt3A_276 = arith.constant 78 : i32
      %lt3A_277 = arith.cmpi slt, %add3A_275, %lt3A_276 : i32
      %convert_element_type3A_278 = arith.extui %lt3A_277 : i1 to i32
      %cond3A_279 = arith.constant 0 : i32
      %cond3A_280 = arith.cmpi ne, %convert_element_type3A_278, %cond3A_279 : i32
      scf.if %cond3A_280 {
        %add3A_309 = arith.constant 6 : i32
        %add3A_310 = arith.addi %add3A_256, %add3A_309 : i32
        %dma_start3A_311 = arith.constant 0 : i32
        %dma_start3A_312 = arith.constant 4 : i32
        %dma_start3A_313 = arith.constant 4 : i32
        %dma_start3A_314 = arith.constant 0 : i32
        %dma_start3A_315 = arith.constant 0 : i32
        %dma_start3A_316 = tpu.memref_slice %arg6[%dma_start3A_312, %dma_start3A_314, %dma_start3A_315] : memref<6x128x128xbf16, #tpu.memory_space<vmem>> -> memref<1x128x128xbf16, #tpu.memory_space<vmem>>
        %dma_start3A_317 = tpu.memref_squeeze %dma_start3A_316 : memref<1x128x128xbf16, #tpu.memory_space<vmem>> -> memref<128x128xbf16, #tpu.memory_space<vmem>>
        %dma_start3A_318 = arith.constant 0 : i32
        %dma_start3A_319 = tpu.memref_slice %arg5[%add3A_310, %dma_start3A_311, %dma_start3A_318] : memref<79x2x128xi32, #tpu.memory_space<vmem>> -> memref<1x1x128xi32, #tpu.memory_space<vmem>>
        %dma_start3A_320 = tpu.memref_squeeze %dma_start3A_319 : memref<1x1x128xi32, #tpu.memory_space<vmem>> -> memref<128xi32, #tpu.memory_space<vmem>>
        %dma_start3A_321 = arith.constant 0 : i32
        %dma_start3A_322 = arith.constant 0 : i32
        %dma_start3A_323 = tpu.memref_slice %arg2[%dma_start3A_321, %dma_start3A_322] : memref<10000x128xbf16, #tpu.memory_space<hbm>> -> memref<10000x128xbf16, #tpu.memory_space<hbm>>
        %dma_start3A_324 = tpu.memref_slice %arg8[%dma_start3A_313] : memref<6x!tpu.dma_semaphore, #tpu.memory_space<semaphore_mem>> -> memref<1x!tpu.dma_semaphore, #tpu.memory_space<semaphore_mem>>
        %dma_start3A_325 = tpu.memref_squeeze %dma_start3A_324 : memref<1x!tpu.dma_semaphore, #tpu.memory_space<semaphore_mem>> -> memref<!tpu.dma_semaphore, #tpu.memory_space<semaphore_mem>>
        tpu.enqueue_indirect_dma source(%dma_start3A_323 : memref<10000x128xbf16, #tpu.memory_space<hbm>>) target(%dma_start3A_317 : memref<128x128xbf16, #tpu.memory_space<vmem>>) offsets(%dma_start3A_320 : memref<128xi32, #tpu.memory_space<vmem>>) semaphore(%dma_start3A_325 : memref<!tpu.dma_semaphore, #tpu.memory_space<semaphore_mem>>)
      } else {
      }
      %mul3A_281 = arith.constant 6 : i32
      %mul3A_282 = arith.muli %scan3A_142, %mul3A_281 : i32
      %add3A_283 = arith.constant 5 : i32
      %add3A_284 = arith.addi %mul3A_282, %add3A_283 : i32
      %dma_wait3A_285 = arith.constant 0 : i32
      %dma_wait3A_286 = arith.constant 5 : i32
      %dma_wait3A_287 = arith.constant 5 : i32
      %dma_wait3A_288 = arith.constant 0 : i32
      %dma_wait3A_289 = arith.constant 0 : i32
      %dma_wait3A_290 = tpu.memref_slice %arg6[%dma_wait3A_286, %dma_wait3A_288, %dma_wait3A_289] : memref<6x128x128xbf16, #tpu.memory_space<vmem>> -> memref<1x128x128xbf16, #tpu.memory_space<vmem>>
      %dma_wait3A_291 = tpu.memref_squeeze %dma_wait3A_290 : memref<1x128x128xbf16, #tpu.memory_space<vmem>> -> memref<128x128xbf16, #tpu.memory_space<vmem>>
      %dma_wait3A_292 = arith.constant 0 : i32
      %dma_wait3A_293 = tpu.memref_slice %arg5[%add3A_284, %dma_wait3A_285, %dma_wait3A_292] : memref<79x2x128xi32, #tpu.memory_space<vmem>> -> memref<1x1x128xi32, #tpu.memory_space<vmem>>
      %dma_wait3A_294 = tpu.memref_squeeze %dma_wait3A_293 : memref<1x1x128xi32, #tpu.memory_space<vmem>> -> memref<128xi32, #tpu.memory_space<vmem>>
      %dma_wait3A_295 = arith.constant 0 : i32
      %dma_wait3A_296 = arith.constant 0 : i32
      %dma_wait3A_297 = tpu.memref_slice %arg2[%dma_wait3A_295, %dma_wait3A_296] : memref<10000x128xbf16, #tpu.memory_space<hbm>> -> memref<10000x128xbf16, #tpu.memory_space<hbm>>
      %dma_wait3A_298 = tpu.memref_slice %arg8[%dma_wait3A_287] : memref<6x!tpu.dma_semaphore, #tpu.memory_space<semaphore_mem>> -> memref<1x!tpu.dma_semaphore, #tpu.memory_space<semaphore_mem>>
      %dma_wait3A_299 = tpu.memref_squeeze %dma_wait3A_298 : memref<1x!tpu.dma_semaphore, #tpu.memory_space<semaphore_mem>> -> memref<!tpu.dma_semaphore, #tpu.memory_space<semaphore_mem>>
      tpu.wait_indirect_dma semaphore(%dma_wait3A_299 : memref<!tpu.dma_semaphore, #tpu.memory_space<semaphore_mem>>) src(%dma_wait3A_297 : memref<10000x128xbf16, #tpu.memory_space<hbm>>) dst(%dma_wait3A_291 : memref<128x128xbf16, #tpu.memory_space<vmem>>)
      %run_scoped3A_300 = arith.constant 5 : i32
      %run_scoped3A_301 = arith.constant 1 : i32
      "tpu.region"() ({
        %run_scoped3A_309 = tpu.sem_alloc : memref<!tpu.dma_semaphore, #tpu.memory_space<semaphore_mem>>
        %dma_start3A_310 = arith.constant 0 : i32
        %dma_start3A_311 = arith.constant 0 : i32
        %dma_start3A_312 = tpu.memref_slice %arg6[%run_scoped3A_300, %dma_start3A_310, %dma_start3A_311] : memref<6x128x128xbf16, #tpu.memory_space<vmem>> -> memref<1x128x128xbf16, #tpu.memory_space<vmem>>
        %dma_start3A_313 = tpu.memref_squeeze %dma_start3A_312 : memref<1x128x128xbf16, #tpu.memory_space<vmem>> -> memref<128x128xbf16, #tpu.memory_space<vmem>>
        %dma_start3A_314 = arith.constant 0 : i32
        %dma_start3A_315 = tpu.memref_slice %arg5[%add3A_284, %run_scoped3A_301, %dma_start3A_314] : memref<79x2x128xi32, #tpu.memory_space<vmem>> -> memref<1x1x128xi32, #tpu.memory_space<vmem>>
        %dma_start3A_316 = tpu.memref_squeeze %dma_start3A_315 : memref<1x1x128xi32, #tpu.memory_space<vmem>> -> memref<128xi32, #tpu.memory_space<vmem>>
        %dma_start3A_317 = arith.constant 0 : i32
        %dma_start3A_318 = arith.constant 0 : i32
        %dma_start3A_319 = tpu.memref_slice %arg9[%dma_start3A_317, %dma_start3A_318] : memref<10000x128xbf16, #tpu.memory_space<vmem_shared>> -> memref<10000x128xbf16, #tpu.memory_space<vmem_shared>>
        tpu.enqueue_indirect_dma source(%dma_start3A_313 : memref<128x128xbf16, #tpu.memory_space<vmem>>) target(%dma_start3A_319 : memref<10000x128xbf16, #tpu.memory_space<vmem_shared>>) offsets(%dma_start3A_316 : memref<128xi32, #tpu.memory_space<vmem>>) semaphore(%run_scoped3A_309 : memref<!tpu.dma_semaphore, #tpu.memory_space<semaphore_mem>>) {add = true}
        %dma_wait3A_320 = arith.constant 0 : i32
        %dma_wait3A_321 = arith.constant 0 : i32
        %dma_wait3A_322 = tpu.memref_slice %arg6[%run_scoped3A_300, %dma_wait3A_320, %dma_wait3A_321] : memref<6x128x128xbf16, #tpu.memory_space<vmem>> -> memref<1x128x128xbf16, #tpu.memory_space<vmem>>
        %dma_wait3A_323 = tpu.memref_squeeze %dma_wait3A_322 : memref<1x128x128xbf16, #tpu.memory_space<vmem>> -> memref<128x128xbf16, #tpu.memory_space<vmem>>
        %dma_wait3A_324 = arith.constant 0 : i32
        %dma_wait3A_325 = tpu.memref_slice %arg5[%add3A_284, %run_scoped3A_301, %dma_wait3A_324] : memref<79x2x128xi32, #tpu.memory_space<vmem>> -> memref<1x1x128xi32, #tpu.memory_space<vmem>>
        %dma_wait3A_326 = tpu.memref_squeeze %dma_wait3A_325 : memref<1x1x128xi32, #tpu.memory_space<vmem>> -> memref<128xi32, #tpu.memory_space<vmem>>
        %dma_wait3A_327 = arith.constant 0 : i32
        %dma_wait3A_328 = arith.constant 0 : i32
        %dma_wait3A_329 = tpu.memref_slice %arg9[%dma_wait3A_327, %dma_wait3A_328] : memref<10000x128xbf16, #tpu.memory_space<vmem_shared>> -> memref<10000x128xbf16, #tpu.memory_space<vmem_shared>>
        tpu.wait_indirect_dma semaphore(%run_scoped3A_309 : memref<!tpu.dma_semaphore, #tpu.memory_space<semaphore_mem>>) src(%dma_wait3A_323 : memref<128x128xbf16, #tpu.memory_space<vmem>>) dst(%dma_wait3A_329 : memref<10000x128xbf16, #tpu.memory_space<vmem_shared>>)
        tpu.yield
      }) : () -> ()
      %add3A_302 = arith.constant 6 : i32
      %add3A_303 = arith.addi %add3A_284, %add3A_302 : i32
      %lt3A_304 = arith.constant 78 : i32
      %lt3A_305 = arith.cmpi slt, %add3A_303, %lt3A_304 : i32
      %convert_element_type3A_306 = arith.extui %lt3A_305 : i1 to i32
      %cond3A_307 = arith.constant 0 : i32
      %cond3A_308 = arith.cmpi ne, %convert_element_type3A_306, %cond3A_307 : i32
      scf.if %cond3A_308 {
        %add3A_309 = arith.constant 6 : i32
        %add3A_310 = arith.addi %add3A_284, %add3A_309 : i32
        %dma_start3A_311 = arith.constant 0 : i32
        %dma_start3A_312 = arith.constant 5 : i32
        %dma_start3A_313 = arith.constant 5 : i32
        %dma_start3A_314 = arith.constant 0 : i32
        %dma_start3A_315 = arith.constant 0 : i32
        %dma_start3A_316 = tpu.memref_slice %arg6[%dma_start3A_312, %dma_start3A_314, %dma_start3A_315] : memref<6x128x128xbf16, #tpu.memory_space<vmem>> -> memref<1x128x128xbf16, #tpu.memory_space<vmem>>
        %dma_start3A_317 = tpu.memref_squeeze %dma_start3A_316 : memref<1x128x128xbf16, #tpu.memory_space<vmem>> -> memref<128x128xbf16, #tpu.memory_space<vmem>>
        %dma_start3A_318 = arith.constant 0 : i32
        %dma_start3A_319 = tpu.memref_slice %arg5[%add3A_310, %dma_start3A_311, %dma_start3A_318] : memref<79x2x128xi32, #tpu.memory_space<vmem>> -> memref<1x1x128xi32, #tpu.memory_space<vmem>>
        %dma_start3A_320 = tpu.memref_squeeze %dma_start3A_319 : memref<1x1x128xi32, #tpu.memory_space<vmem>> -> memref<128xi32, #tpu.memory_space<vmem>>
        %dma_start3A_321 = arith.constant 0 : i32
        %dma_start3A_322 = arith.constant 0 : i32
        %dma_start3A_323 = tpu.memref_slice %arg2[%dma_start3A_321, %dma_start3A_322] : memref<10000x128xbf16, #tpu.memory_space<hbm>> -> memref<10000x128xbf16, #tpu.memory_space<hbm>>
        %dma_start3A_324 = tpu.memref_slice %arg8[%dma_start3A_313] : memref<6x!tpu.dma_semaphore, #tpu.memory_space<semaphore_mem>> -> memref<1x!tpu.dma_semaphore, #tpu.memory_space<semaphore_mem>>
        %dma_start3A_325 = tpu.memref_squeeze %dma_start3A_324 : memref<1x!tpu.dma_semaphore, #tpu.memory_space<semaphore_mem>> -> memref<!tpu.dma_semaphore, #tpu.memory_space<semaphore_mem>>
        tpu.enqueue_indirect_dma source(%dma_start3A_323 : memref<10000x128xbf16, #tpu.memory_space<hbm>>) target(%dma_start3A_317 : memref<128x128xbf16, #tpu.memory_space<vmem>>) offsets(%dma_start3A_320 : memref<128xi32, #tpu.memory_space<vmem>>) semaphore(%dma_start3A_325 : memref<!tpu.dma_semaphore, #tpu.memory_space<semaphore_mem>>)
      } else {
      }
    }
    %scan3A_131 = arith.constant 13 : i32
    %lt3A_132 = arith.constant 4 : i32
    %lt3A_133 = arith.cmpi slt, %add3A, %lt3A_132 : i32
    %convert_element_type3A_134 = arith.extui %lt3A_133 : i1 to i32
    %cond3A_135 = arith.constant 0 : i32
    %cond3A_136 = arith.cmpi ne, %convert_element_type3A_134, %cond3A_135 : i32
    scf.if %cond3A_136 {
      %dma_start3A_142 = arith.constant 78 : i32
      %dma_start3A_143 = arith.constant 0 : i32
      %dma_start3A_144 = arith.constant 0 : i32
      %dma_start3A_145 = arith.constant 0 : i32
      %dma_start3A_146 = arith.constant 0 : i32
      %dma_start3A_147 = arith.constant 0 : i32
      %dma_start3A_148 = tpu.memref_slice %arg6[%dma_start3A_144, %dma_start3A_146, %dma_start3A_147] : memref<6x128x128xbf16, #tpu.memory_space<vmem>> -> memref<1x128x128xbf16, #tpu.memory_space<vmem>>
      %dma_start3A_149 = tpu.memref_squeeze %dma_start3A_148 : memref<1x128x128xbf16, #tpu.memory_space<vmem>> -> memref<128x128xbf16, #tpu.memory_space<vmem>>
      %dma_start3A_150 = arith.constant 0 : i32
      %dma_start3A_151 = tpu.memref_slice %arg5[%dma_start3A_142, %dma_start3A_143, %dma_start3A_150] : memref<79x2x128xi32, #tpu.memory_space<vmem>> -> memref<1x1x128xi32, #tpu.memory_space<vmem>>
      %dma_start3A_152 = tpu.memref_squeeze %dma_start3A_151 : memref<1x1x128xi32, #tpu.memory_space<vmem>> -> memref<128xi32, #tpu.memory_space<vmem>>
      %dma_start3A_153 = arith.constant 0 : i32
      %dma_start3A_154 = arith.constant 0 : i32
      %dma_start3A_155 = tpu.memref_slice %arg2[%dma_start3A_153, %dma_start3A_154] : memref<10000x128xbf16, #tpu.memory_space<hbm>> -> memref<10000x128xbf16, #tpu.memory_space<hbm>>
      %dma_start3A_156 = tpu.memref_slice %arg8[%dma_start3A_145] : memref<6x!tpu.dma_semaphore, #tpu.memory_space<semaphore_mem>> -> memref<1x!tpu.dma_semaphore, #tpu.memory_space<semaphore_mem>>
      %dma_start3A_157 = tpu.memref_squeeze %dma_start3A_156 : memref<1x!tpu.dma_semaphore, #tpu.memory_space<semaphore_mem>> -> memref<!tpu.dma_semaphore, #tpu.memory_space<semaphore_mem>>
      tpu.enqueue_indirect_dma source(%dma_start3A_155 : memref<10000x128xbf16, #tpu.memory_space<hbm>>) target(%dma_start3A_149 : memref<128x128xbf16, #tpu.memory_space<vmem>>) offsets(%dma_start3A_152 : memref<128xi32, #tpu.memory_space<vmem>>) semaphore(%dma_start3A_157 : memref<!tpu.dma_semaphore, #tpu.memory_space<semaphore_mem>>)
      %dma_wait3A = arith.constant 78 : i32
      %dma_wait3A_158 = arith.constant 0 : i32
      %dma_wait3A_159 = arith.constant 0 : i32
      %dma_wait3A_160 = arith.constant 0 : i32
      %dma_wait3A_161 = arith.constant 0 : i32
      %dma_wait3A_162 = arith.constant 0 : i32
      %dma_wait3A_163 = tpu.memref_slice %arg6[%dma_wait3A_159, %dma_wait3A_161, %dma_wait3A_162] : memref<6x128x128xbf16, #tpu.memory_space<vmem>> -> memref<1x128x128xbf16, #tpu.memory_space<vmem>>
      %dma_wait3A_164 = tpu.memref_squeeze %dma_wait3A_163 : memref<1x128x128xbf16, #tpu.memory_space<vmem>> -> memref<128x128xbf16, #tpu.memory_space<vmem>>
      %dma_wait3A_165 = arith.constant 0 : i32
      %dma_wait3A_166 = tpu.memref_slice %arg5[%dma_wait3A, %dma_wait3A_158, %dma_wait3A_165] : memref<79x2x128xi32, #tpu.memory_space<vmem>> -> memref<1x1x128xi32, #tpu.memory_space<vmem>>
      %dma_wait3A_167 = tpu.memref_squeeze %dma_wait3A_166 : memref<1x1x128xi32, #tpu.memory_space<vmem>> -> memref<128xi32, #tpu.memory_space<vmem>>
      %dma_wait3A_168 = arith.constant 0 : i32
      %dma_wait3A_169 = arith.constant 0 : i32
      %dma_wait3A_170 = tpu.memref_slice %arg2[%dma_wait3A_168, %dma_wait3A_169] : memref<10000x128xbf16, #tpu.memory_space<hbm>> -> memref<10000x128xbf16, #tpu.memory_space<hbm>>
      %dma_wait3A_171 = tpu.memref_slice %arg8[%dma_wait3A_160] : memref<6x!tpu.dma_semaphore, #tpu.memory_space<semaphore_mem>> -> memref<1x!tpu.dma_semaphore, #tpu.memory_space<semaphore_mem>>
      %dma_wait3A_172 = tpu.memref_squeeze %dma_wait3A_171 : memref<1x!tpu.dma_semaphore, #tpu.memory_space<semaphore_mem>> -> memref<!tpu.dma_semaphore, #tpu.memory_space<semaphore_mem>>
      tpu.wait_indirect_dma semaphore(%dma_wait3A_172 : memref<!tpu.dma_semaphore, #tpu.memory_space<semaphore_mem>>) src(%dma_wait3A_170 : memref<10000x128xbf16, #tpu.memory_space<hbm>>) dst(%dma_wait3A_164 : memref<128x128xbf16, #tpu.memory_space<vmem>>)
      %run_scoped3A = arith.constant 0 : i32
      %run_scoped3A_173 = arith.constant 78 : i32
      %run_scoped3A_174 = arith.constant 1 : i32
      "tpu.region"() ({
        %run_scoped3A_175 = tpu.sem_alloc : memref<!tpu.dma_semaphore, #tpu.memory_space<semaphore_mem>>
        %dma_start3A_176 = arith.constant 0 : i32
        %dma_start3A_177 = arith.constant 0 : i32
        %dma_start3A_178 = tpu.memref_slice %arg6[%run_scoped3A, %dma_start3A_176, %dma_start3A_177] : memref<6x128x128xbf16, #tpu.memory_space<vmem>> -> memref<1x128x128xbf16, #tpu.memory_space<vmem>>
        %dma_start3A_179 = tpu.memref_squeeze %dma_start3A_178 : memref<1x128x128xbf16, #tpu.memory_space<vmem>> -> memref<128x128xbf16, #tpu.memory_space<vmem>>
        %dma_start3A_180 = arith.constant 0 : i32
        %dma_start3A_181 = tpu.memref_slice %arg5[%run_scoped3A_173, %run_scoped3A_174, %dma_start3A_180] : memref<79x2x128xi32, #tpu.memory_space<vmem>> -> memref<1x1x128xi32, #tpu.memory_space<vmem>>
        %dma_start3A_182 = tpu.memref_squeeze %dma_start3A_181 : memref<1x1x128xi32, #tpu.memory_space<vmem>> -> memref<128xi32, #tpu.memory_space<vmem>>
        %dma_start3A_183 = arith.constant 0 : i32
        %dma_start3A_184 = arith.constant 0 : i32
        %dma_start3A_185 = tpu.memref_slice %arg9[%dma_start3A_183, %dma_start3A_184] : memref<10000x128xbf16, #tpu.memory_space<vmem_shared>> -> memref<10000x128xbf16, #tpu.memory_space<vmem_shared>>
        tpu.enqueue_indirect_dma source(%dma_start3A_179 : memref<128x128xbf16, #tpu.memory_space<vmem>>) target(%dma_start3A_185 : memref<10000x128xbf16, #tpu.memory_space<vmem_shared>>) offsets(%dma_start3A_182 : memref<128xi32, #tpu.memory_space<vmem>>) semaphore(%run_scoped3A_175 : memref<!tpu.dma_semaphore, #tpu.memory_space<semaphore_mem>>) {add = true}
        %dma_wait3A_186 = arith.constant 0 : i32
        %dma_wait3A_187 = arith.constant 0 : i32
        %dma_wait3A_188 = tpu.memref_slice %arg6[%run_scoped3A, %dma_wait3A_186, %dma_wait3A_187] : memref<6x128x128xbf16, #tpu.memory_space<vmem>> -> memref<1x128x128xbf16, #tpu.memory_space<vmem>>
        %dma_wait3A_189 = tpu.memref_squeeze %dma_wait3A_188 : memref<1x128x128xbf16, #tpu.memory_space<vmem>> -> memref<128x128xbf16, #tpu.memory_space<vmem>>
        %dma_wait3A_190 = arith.constant 0 : i32
        %dma_wait3A_191 = tpu.memref_slice %arg5[%run_scoped3A_173, %run_scoped3A_174, %dma_wait3A_190] : memref<79x2x128xi32, #tpu.memory_space<vmem>> -> memref<1x1x128xi32, #tpu.memory_space<vmem>>
        %dma_wait3A_192 = tpu.memref_squeeze %dma_wait3A_191 : memref<1x1x128xi32, #tpu.memory_space<vmem>> -> memref<128xi32, #tpu.memory_space<vmem>>
        %dma_wait3A_193 = arith.constant 0 : i32
        %dma_wait3A_194 = arith.constant 0 : i32
        %dma_wait3A_195 = tpu.memref_slice %arg9[%dma_wait3A_193, %dma_wait3A_194] : memref<10000x128xbf16, #tpu.memory_space<vmem_shared>> -> memref<10000x128xbf16, #tpu.memory_space<vmem_shared>>
        tpu.wait_indirect_dma semaphore(%run_scoped3A_175 : memref<!tpu.dma_semaphore, #tpu.memory_space<semaphore_mem>>) src(%dma_wait3A_189 : memref<128x128xbf16, #tpu.memory_space<vmem>>) dst(%dma_wait3A_195 : memref<10000x128xbf16, #tpu.memory_space<vmem_shared>>)
        tpu.yield
      }) : () -> ()
    } else {
    }
    %barrier3A_137 = arith.constant 0 : index
    tpu.barrier barrier_id(%barrier3A_137)
    %mul3A_138 = arith.constant 625 : i32
    %mul3A_139 = arith.muli %arg1, %mul3A_138 : i32
    %mul3A_140 = arith.constant 625 : i32
    %mul3A_141 = arith.muli %arg1, %mul3A_140 : i32
    "tpu.region"() ({
      %run_scoped3A = tpu.sem_alloc : memref<!tpu.dma_semaphore, #tpu.memory_space<semaphore_mem>>
      %dma_start3A_142 = arith.constant 0 : i32
      %dma_start3A_143 = tpu.memref_slice %arg4[%arg0, %mul3A_141, %dma_start3A_142] : memref<2x10000x128xbf16, #tpu.memory_space<hbm>> -> memref<1x625x128xbf16, #tpu.memory_space<hbm>>
      %dma_start3A_144 = tpu.memref_squeeze %dma_start3A_143 : memref<1x625x128xbf16, #tpu.memory_space<hbm>> -> memref<625x128xbf16, #tpu.memory_space<hbm>>
      %dma_start3A_145 = arith.constant 0 : i32
      %dma_start3A_146 = tpu.memref_slice %arg9[%mul3A_139, %dma_start3A_145] : memref<10000x128xbf16, #tpu.memory_space<vmem_shared>> -> memref<625x128xbf16, #tpu.memory_space<vmem_shared>>
      tpu.enqueue_dma source(%dma_start3A_146 : memref<625x128xbf16, #tpu.memory_space<vmem_shared>>) target(%dma_start3A_144 : memref<625x128xbf16, #tpu.memory_space<hbm>>) target_semaphore(%run_scoped3A : memref<!tpu.dma_semaphore, #tpu.memory_space<semaphore_mem>>)
      %dma_wait3A = arith.constant 0 : i32
      %dma_wait3A_147 = tpu.memref_slice %arg4[%arg0, %mul3A_141, %dma_wait3A] : memref<2x10000x128xbf16, #tpu.memory_space<hbm>> -> memref<1x625x128xbf16, #tpu.memory_space<hbm>>
      %dma_wait3A_148 = tpu.memref_squeeze %dma_wait3A_147 : memref<1x625x128xbf16, #tpu.memory_space<hbm>> -> memref<625x128xbf16, #tpu.memory_space<hbm>>
      %dma_wait3A_149 = arith.constant 0 : i32
      %dma_wait3A_150 = tpu.memref_slice %arg9[%mul3A_139, %dma_wait3A_149] : memref<10000x128xbf16, #tpu.memory_space<vmem_shared>> -> memref<625x128xbf16, #tpu.memory_space<vmem_shared>>
      tpu.wait_dma2 semaphore(%run_scoped3A : memref<!tpu.dma_semaphore, #tpu.memory_space<semaphore_mem>>) src(%dma_wait3A_150 : memref<625x128xbf16, #tpu.memory_space<vmem_shared>>) dst(%dma_wait3A_148 : memref<625x128xbf16, #tpu.memory_space<hbm>>)
      tpu.yield
    }) : () -> ()
    return
  }
}

#map = affine_map<(d0, d1) -> (0, 0, 0)>
#map1 = affine_map<(d0, d1) -> (0)>
module attributes {stable_mosaic.version = 14 : i64} {
  func.func @_deg_kernel(%arg0: i32, %arg1: i32, %arg2: memref<2500x2x128xi32, #tpu.memory_space<hbm>>, %arg3: memref<10240xf32, #tpu.memory_space<hbm>>, %arg4: memref<157x2x128xi32, #tpu.memory_space<vmem>>, %arg5: memref<128xf32, #tpu.memory_space<vmem>>, %arg6: memref<640xf32, #tpu.memory_space<vmem>>, %arg7: memref<!tpu.dma_semaphore, #tpu.memory_space<semaphore_mem>>, %arg8: memref<10240xf32, #tpu.memory_space<vmem_shared>>) attributes {dimension_semantics = [#tpu.dimension_semantics<core_parallel>, #tpu.dimension_semantics<subcore_parallel>], iteration_bounds = array<i64: 2, 16>, scalar_prefetch = 0 : i64, scratch_operands = 5 : i64, tpu.core_type = #tpu.core_type<sc_vector_subcore>, window_params = [{transform_indices = #map}, {transform_indices = #map1}]} {
    %broadcast_in_dim3A = arith.constant 1.000000e+00 : f32
    %broadcast_in_dim3A_0 = vector.broadcast %broadcast_in_dim3A : f32 to vector<16xf32>
    %broadcast_in_dim3A_1 = arith.constant 0.000000e+00 : f32
    %broadcast_in_dim3A_2 = vector.broadcast %broadcast_in_dim3A_1 : f32 to vector<16xf32>
    %swap3A = arith.constant 0 : index
    %swap3A_3 = tpu.vector_load %arg5[%swap3A] {strides = array<i32>} : memref<128xf32, #tpu.memory_space<vmem>>, vector<16xf32>,
    tpu.vector_store %arg5[%swap3A], %broadcast_in_dim3A_0 {strides = array<i32>} : memref<128xf32, #tpu.memory_space<vmem>>, vector<16xf32>,
    %swap3A_4 = arith.constant 16 : index
    %swap3A_5 = tpu.vector_load %arg5[%swap3A_4] {strides = array<i32>} : memref<128xf32, #tpu.memory_space<vmem>>, vector<16xf32>,
    tpu.vector_store %arg5[%swap3A_4], %broadcast_in_dim3A_0 {strides = array<i32>} : memref<128xf32, #tpu.memory_space<vmem>>, vector<16xf32>,
    %swap3A_6 = arith.constant 32 : index
    %swap3A_7 = tpu.vector_load %arg5[%swap3A_6] {strides = array<i32>} : memref<128xf32, #tpu.memory_space<vmem>>, vector<16xf32>,
    tpu.vector_store %arg5[%swap3A_6], %broadcast_in_dim3A_0 {strides = array<i32>} : memref<128xf32, #tpu.memory_space<vmem>>, vector<16xf32>,
    %swap3A_8 = arith.constant 48 : index
    %swap3A_9 = tpu.vector_load %arg5[%swap3A_8] {strides = array<i32>} : memref<128xf32, #tpu.memory_space<vmem>>, vector<16xf32>,
    tpu.vector_store %arg5[%swap3A_8], %broadcast_in_dim3A_0 {strides = array<i32>} : memref<128xf32, #tpu.memory_space<vmem>>, vector<16xf32>,
    %swap3A_10 = arith.constant 64 : index
    %swap3A_11 = tpu.vector_load %arg5[%swap3A_10] {strides = array<i32>} : memref<128xf32, #tpu.memory_space<vmem>>, vector<16xf32>,
    tpu.vector_store %arg5[%swap3A_10], %broadcast_in_dim3A_0 {strides = array<i32>} : memref<128xf32, #tpu.memory_space<vmem>>, vector<16xf32>,
    %swap3A_12 = arith.constant 80 : index
    %swap3A_13 = tpu.vector_load %arg5[%swap3A_12] {strides = array<i32>} : memref<128xf32, #tpu.memory_space<vmem>>, vector<16xf32>,
    tpu.vector_store %arg5[%swap3A_12], %broadcast_in_dim3A_0 {strides = array<i32>} : memref<128xf32, #tpu.memory_space<vmem>>, vector<16xf32>,
    %swap3A_14 = arith.constant 96 : index
    %swap3A_15 = tpu.vector_load %arg5[%swap3A_14] {strides = array<i32>} : memref<128xf32, #tpu.memory_space<vmem>>, vector<16xf32>,
    tpu.vector_store %arg5[%swap3A_14], %broadcast_in_dim3A_0 {strides = array<i32>} : memref<128xf32, #tpu.memory_space<vmem>>, vector<16xf32>,
    %swap3A_16 = arith.constant 112 : index
    %swap3A_17 = tpu.vector_load %arg5[%swap3A_16] {strides = array<i32>} : memref<128xf32, #tpu.memory_space<vmem>>, vector<16xf32>,
    tpu.vector_store %arg5[%swap3A_16], %broadcast_in_dim3A_0 {strides = array<i32>} : memref<128xf32, #tpu.memory_space<vmem>>, vector<16xf32>,
    %swap3A_18 = arith.constant 0 : index
    %swap3A_19 = tpu.vector_load %arg6[%swap3A_18] {strides = array<i32>} : memref<640xf32, #tpu.memory_space<vmem>>, vector<16xf32>,
    tpu.vector_store %arg6[%swap3A_18], %broadcast_in_dim3A_2 {strides = array<i32>} : memref<640xf32, #tpu.memory_space<vmem>>, vector<16xf32>,
    %swap3A_20 = arith.constant 16 : index
    %swap3A_21 = tpu.vector_load %arg6[%swap3A_20] {strides = array<i32>} : memref<640xf32, #tpu.memory_space<vmem>>, vector<16xf32>,
    tpu.vector_store %arg6[%swap3A_20], %broadcast_in_dim3A_2 {strides = array<i32>} : memref<640xf32, #tpu.memory_space<vmem>>, vector<16xf32>,
    %swap3A_22 = arith.constant 32 : index
    %swap3A_23 = tpu.vector_load %arg6[%swap3A_22] {strides = array<i32>} : memref<640xf32, #tpu.memory_space<vmem>>, vector<16xf32>,
    tpu.vector_store %arg6[%swap3A_22], %broadcast_in_dim3A_2 {strides = array<i32>} : memref<640xf32, #tpu.memory_space<vmem>>, vector<16xf32>,
    %swap3A_24 = arith.constant 48 : index
    %swap3A_25 = tpu.vector_load %arg6[%swap3A_24] {strides = array<i32>} : memref<640xf32, #tpu.memory_space<vmem>>, vector<16xf32>,
    tpu.vector_store %arg6[%swap3A_24], %broadcast_in_dim3A_2 {strides = array<i32>} : memref<640xf32, #tpu.memory_space<vmem>>, vector<16xf32>,
    %swap3A_26 = arith.constant 64 : index
    %swap3A_27 = tpu.vector_load %arg6[%swap3A_26] {strides = array<i32>} : memref<640xf32, #tpu.memory_space<vmem>>, vector<16xf32>,
    tpu.vector_store %arg6[%swap3A_26], %broadcast_in_dim3A_2 {strides = array<i32>} : memref<640xf32, #tpu.memory_space<vmem>>, vector<16xf32>,
    %swap3A_28 = arith.constant 80 : index
    %swap3A_29 = tpu.vector_load %arg6[%swap3A_28] {strides = array<i32>} : memref<640xf32, #tpu.memory_space<vmem>>, vector<16xf32>,
    tpu.vector_store %arg6[%swap3A_28], %broadcast_in_dim3A_2 {strides = array<i32>} : memref<640xf32, #tpu.memory_space<vmem>>, vector<16xf32>,
    %swap3A_30 = arith.constant 96 : index
    %swap3A_31 = tpu.vector_load %arg6[%swap3A_30] {strides = array<i32>} : memref<640xf32, #tpu.memory_space<vmem>>, vector<16xf32>,
    tpu.vector_store %arg6[%swap3A_30], %broadcast_in_dim3A_2 {strides = array<i32>} : memref<640xf32, #tpu.memory_space<vmem>>, vector<16xf32>,
    %swap3A_32 = arith.constant 112 : index
    %swap3A_33 = tpu.vector_load %arg6[%swap3A_32] {strides = array<i32>} : memref<640xf32, #tpu.memory_space<vmem>>, vector<16xf32>,
    tpu.vector_store %arg6[%swap3A_32], %broadcast_in_dim3A_2 {strides = array<i32>} : memref<640xf32, #tpu.memory_space<vmem>>, vector<16xf32>,
    %swap3A_34 = arith.constant 128 : index
    %swap3A_35 = tpu.vector_load %arg6[%swap3A_34] {strides = array<i32>} : memref<640xf32, #tpu.memory_space<vmem>>, vector<16xf32>,
    tpu.vector_store %arg6[%swap3A_34], %broadcast_in_dim3A_2 {strides = array<i32>} : memref<640xf32, #tpu.memory_space<vmem>>, vector<16xf32>,
    %swap3A_36 = arith.constant 144 : index
    %swap3A_37 = tpu.vector_load %arg6[%swap3A_36] {strides = array<i32>} : memref<640xf32, #tpu.memory_space<vmem>>, vector<16xf32>,
    tpu.vector_store %arg6[%swap3A_36], %broadcast_in_dim3A_2 {strides = array<i32>} : memref<640xf32, #tpu.memory_space<vmem>>, vector<16xf32>,
    %swap3A_38 = arith.constant 160 : index
    %swap3A_39 = tpu.vector_load %arg6[%swap3A_38] {strides = array<i32>} : memref<640xf32, #tpu.memory_space<vmem>>, vector<16xf32>,
    tpu.vector_store %arg6[%swap3A_38], %broadcast_in_dim3A_2 {strides = array<i32>} : memref<640xf32, #tpu.memory_space<vmem>>, vector<16xf32>,
    %swap3A_40 = arith.constant 176 : index
    %swap3A_41 = tpu.vector_load %arg6[%swap3A_40] {strides = array<i32>} : memref<640xf32, #tpu.memory_space<vmem>>, vector<16xf32>,
    tpu.vector_store %arg6[%swap3A_40], %broadcast_in_dim3A_2 {strides = array<i32>} : memref<640xf32, #tpu.memory_space<vmem>>, vector<16xf32>,
    %swap3A_42 = arith.constant 192 : index
    %swap3A_43 = tpu.vector_load %arg6[%swap3A_42] {strides = array<i32>} : memref<640xf32, #tpu.memory_space<vmem>>, vector<16xf32>,
    tpu.vector_store %arg6[%swap3A_42], %broadcast_in_dim3A_2 {strides = array<i32>} : memref<640xf32, #tpu.memory_space<vmem>>, vector<16xf32>,
    %swap3A_44 = arith.constant 208 : index
    %swap3A_45 = tpu.vector_load %arg6[%swap3A_44] {strides = array<i32>} : memref<640xf32, #tpu.memory_space<vmem>>, vector<16xf32>,
    tpu.vector_store %arg6[%swap3A_44], %broadcast_in_dim3A_2 {strides = array<i32>} : memref<640xf32, #tpu.memory_space<vmem>>, vector<16xf32>,
    %swap3A_46 = arith.constant 224 : index
    %swap3A_47 = tpu.vector_load %arg6[%swap3A_46] {strides = array<i32>} : memref<640xf32, #tpu.memory_space<vmem>>, vector<16xf32>,
    tpu.vector_store %arg6[%swap3A_46], %broadcast_in_dim3A_2 {strides = array<i32>} : memref<640xf32, #tpu.memory_space<vmem>>, vector<16xf32>,
    %swap3A_48 = arith.constant 240 : index
    %swap3A_49 = tpu.vector_load %arg6[%swap3A_48] {strides = array<i32>} : memref<640xf32, #tpu.memory_space<vmem>>, vector<16xf32>,
    tpu.vector_store %arg6[%swap3A_48], %broadcast_in_dim3A_2 {strides = array<i32>} : memref<640xf32, #tpu.memory_space<vmem>>, vector<16xf32>,
    %swap3A_50 = arith.constant 256 : index
    %swap3A_51 = tpu.vector_load %arg6[%swap3A_50] {strides = array<i32>} : memref<640xf32, #tpu.memory_space<vmem>>, vector<16xf32>,
    tpu.vector_store %arg6[%swap3A_50], %broadcast_in_dim3A_2 {strides = array<i32>} : memref<640xf32, #tpu.memory_space<vmem>>, vector<16xf32>,
    %swap3A_52 = arith.constant 272 : index
    %swap3A_53 = tpu.vector_load %arg6[%swap3A_52] {strides = array<i32>} : memref<640xf32, #tpu.memory_space<vmem>>, vector<16xf32>,
    tpu.vector_store %arg6[%swap3A_52], %broadcast_in_dim3A_2 {strides = array<i32>} : memref<640xf32, #tpu.memory_space<vmem>>, vector<16xf32>,
    %swap3A_54 = arith.constant 288 : index
    %swap3A_55 = tpu.vector_load %arg6[%swap3A_54] {strides = array<i32>} : memref<640xf32, #tpu.memory_space<vmem>>, vector<16xf32>,
    tpu.vector_store %arg6[%swap3A_54], %broadcast_in_dim3A_2 {strides = array<i32>} : memref<640xf32, #tpu.memory_space<vmem>>, vector<16xf32>,
    %swap3A_56 = arith.constant 304 : index
    %swap3A_57 = tpu.vector_load %arg6[%swap3A_56] {strides = array<i32>} : memref<640xf32, #tpu.memory_space<vmem>>, vector<16xf32>,
    tpu.vector_store %arg6[%swap3A_56], %broadcast_in_dim3A_2 {strides = array<i32>} : memref<640xf32, #tpu.memory_space<vmem>>, vector<16xf32>,
    %swap3A_58 = arith.constant 320 : index
    %swap3A_59 = tpu.vector_load %arg6[%swap3A_58] {strides = array<i32>} : memref<640xf32, #tpu.memory_space<vmem>>, vector<16xf32>,
    tpu.vector_store %arg6[%swap3A_58], %broadcast_in_dim3A_2 {strides = array<i32>} : memref<640xf32, #tpu.memory_space<vmem>>, vector<16xf32>,
    %swap3A_60 = arith.constant 336 : index
    %swap3A_61 = tpu.vector_load %arg6[%swap3A_60] {strides = array<i32>} : memref<640xf32, #tpu.memory_space<vmem>>, vector<16xf32>,
    tpu.vector_store %arg6[%swap3A_60], %broadcast_in_dim3A_2 {strides = array<i32>} : memref<640xf32, #tpu.memory_space<vmem>>, vector<16xf32>,
    %swap3A_62 = arith.constant 352 : index
    %swap3A_63 = tpu.vector_load %arg6[%swap3A_62] {strides = array<i32>} : memref<640xf32, #tpu.memory_space<vmem>>, vector<16xf32>,
    tpu.vector_store %arg6[%swap3A_62], %broadcast_in_dim3A_2 {strides = array<i32>} : memref<640xf32, #tpu.memory_space<vmem>>, vector<16xf32>,
    %swap3A_64 = arith.constant 368 : index
    %swap3A_65 = tpu.vector_load %arg6[%swap3A_64] {strides = array<i32>} : memref<640xf32, #tpu.memory_space<vmem>>, vector<16xf32>,
    tpu.vector_store %arg6[%swap3A_64], %broadcast_in_dim3A_2 {strides = array<i32>} : memref<640xf32, #tpu.memory_space<vmem>>, vector<16xf32>,
    %swap3A_66 = arith.constant 384 : index
    %swap3A_67 = tpu.vector_load %arg6[%swap3A_66] {strides = array<i32>} : memref<640xf32, #tpu.memory_space<vmem>>, vector<16xf32>,
    tpu.vector_store %arg6[%swap3A_66], %broadcast_in_dim3A_2 {strides = array<i32>} : memref<640xf32, #tpu.memory_space<vmem>>, vector<16xf32>,
    %swap3A_68 = arith.constant 400 : index
    %swap3A_69 = tpu.vector_load %arg6[%swap3A_68] {strides = array<i32>} : memref<640xf32, #tpu.memory_space<vmem>>, vector<16xf32>,
    tpu.vector_store %arg6[%swap3A_68], %broadcast_in_dim3A_2 {strides = array<i32>} : memref<640xf32, #tpu.memory_space<vmem>>, vector<16xf32>,
    %swap3A_70 = arith.constant 416 : index
    %swap3A_71 = tpu.vector_load %arg6[%swap3A_70] {strides = array<i32>} : memref<640xf32, #tpu.memory_space<vmem>>, vector<16xf32>,
    tpu.vector_store %arg6[%swap3A_70], %broadcast_in_dim3A_2 {strides = array<i32>} : memref<640xf32, #tpu.memory_space<vmem>>, vector<16xf32>,
    %swap3A_72 = arith.constant 432 : index
    %swap3A_73 = tpu.vector_load %arg6[%swap3A_72] {strides = array<i32>} : memref<640xf32, #tpu.memory_space<vmem>>, vector<16xf32>,
    tpu.vector_store %arg6[%swap3A_72], %broadcast_in_dim3A_2 {strides = array<i32>} : memref<640xf32, #tpu.memory_space<vmem>>, vector<16xf32>,
    %swap3A_74 = arith.constant 448 : index
    %swap3A_75 = tpu.vector_load %arg6[%swap3A_74] {strides = array<i32>} : memref<640xf32, #tpu.memory_space<vmem>>, vector<16xf32>,
    tpu.vector_store %arg6[%swap3A_74], %broadcast_in_dim3A_2 {strides = array<i32>} : memref<640xf32, #tpu.memory_space<vmem>>, vector<16xf32>,
    %swap3A_76 = arith.constant 464 : index
    %swap3A_77 = tpu.vector_load %arg6[%swap3A_76] {strides = array<i32>} : memref<640xf32, #tpu.memory_space<vmem>>, vector<16xf32>,
    tpu.vector_store %arg6[%swap3A_76], %broadcast_in_dim3A_2 {strides = array<i32>} : memref<640xf32, #tpu.memory_space<vmem>>, vector<16xf32>,
    %swap3A_78 = arith.constant 480 : index
    %swap3A_79 = tpu.vector_load %arg6[%swap3A_78] {strides = array<i32>} : memref<640xf32, #tpu.memory_space<vmem>>, vector<16xf32>,
    tpu.vector_store %arg6[%swap3A_78], %broadcast_in_dim3A_2 {strides = array<i32>} : memref<640xf32, #tpu.memory_space<vmem>>, vector<16xf32>,
    %swap3A_80 = arith.constant 496 : index
    %swap3A_81 = tpu.vector_load %arg6[%swap3A_80] {strides = array<i32>} : memref<640xf32, #tpu.memory_space<vmem>>, vector<16xf32>,
    tpu.vector_store %arg6[%swap3A_80], %broadcast_in_dim3A_2 {strides = array<i32>} : memref<640xf32, #tpu.memory_space<vmem>>, vector<16xf32>,
    %swap3A_82 = arith.constant 512 : index
    %swap3A_83 = tpu.vector_load %arg6[%swap3A_82] {strides = array<i32>} : memref<640xf32, #tpu.memory_space<vmem>>, vector<16xf32>,
    tpu.vector_store %arg6[%swap3A_82], %broadcast_in_dim3A_2 {strides = array<i32>} : memref<640xf32, #tpu.memory_space<vmem>>, vector<16xf32>,
    %swap3A_84 = arith.constant 528 : index
    %swap3A_85 = tpu.vector_load %arg6[%swap3A_84] {strides = array<i32>} : memref<640xf32, #tpu.memory_space<vmem>>, vector<16xf32>,
    tpu.vector_store %arg6[%swap3A_84], %broadcast_in_dim3A_2 {strides = array<i32>} : memref<640xf32, #tpu.memory_space<vmem>>, vector<16xf32>,
    %swap3A_86 = arith.constant 544 : index
    %swap3A_87 = tpu.vector_load %arg6[%swap3A_86] {strides = array<i32>} : memref<640xf32, #tpu.memory_space<vmem>>, vector<16xf32>,
    tpu.vector_store %arg6[%swap3A_86], %broadcast_in_dim3A_2 {strides = array<i32>} : memref<640xf32, #tpu.memory_space<vmem>>, vector<16xf32>,
    %swap3A_88 = arith.constant 560 : index
    %swap3A_89 = tpu.vector_load %arg6[%swap3A_88] {strides = array<i32>} : memref<640xf32, #tpu.memory_space<vmem>>, vector<16xf32>,
    tpu.vector_store %arg6[%swap3A_88], %broadcast_in_dim3A_2 {strides = array<i32>} : memref<640xf32, #tpu.memory_space<vmem>>, vector<16xf32>,
    %swap3A_90 = arith.constant 576 : index
    %swap3A_91 = tpu.vector_load %arg6[%swap3A_90] {strides = array<i32>} : memref<640xf32, #tpu.memory_space<vmem>>, vector<16xf32>,
    tpu.vector_store %arg6[%swap3A_90], %broadcast_in_dim3A_2 {strides = array<i32>} : memref<640xf32, #tpu.memory_space<vmem>>, vector<16xf32>,
    %swap3A_92 = arith.constant 592 : index
    %swap3A_93 = tpu.vector_load %arg6[%swap3A_92] {strides = array<i32>} : memref<640xf32, #tpu.memory_space<vmem>>, vector<16xf32>,
    tpu.vector_store %arg6[%swap3A_92], %broadcast_in_dim3A_2 {strides = array<i32>} : memref<640xf32, #tpu.memory_space<vmem>>, vector<16xf32>,
    %swap3A_94 = arith.constant 608 : index
    %swap3A_95 = tpu.vector_load %arg6[%swap3A_94] {strides = array<i32>} : memref<640xf32, #tpu.memory_space<vmem>>, vector<16xf32>,
    tpu.vector_store %arg6[%swap3A_94], %broadcast_in_dim3A_2 {strides = array<i32>} : memref<640xf32, #tpu.memory_space<vmem>>, vector<16xf32>,
    %swap3A_96 = arith.constant 624 : index
    %swap3A_97 = tpu.vector_load %arg6[%swap3A_96] {strides = array<i32>} : memref<640xf32, #tpu.memory_space<vmem>>, vector<16xf32>,
    tpu.vector_store %arg6[%swap3A_96], %broadcast_in_dim3A_2 {strides = array<i32>} : memref<640xf32, #tpu.memory_space<vmem>>, vector<16xf32>,
    %mul3A = arith.constant 640 : i32
    %mul3A_98 = arith.muli %arg1, %mul3A : i32
    "tpu.region"() ({
      %run_scoped3A = tpu.sem_alloc : memref<!tpu.dma_semaphore, #tpu.memory_space<semaphore_mem>>
      %dma_start3A = tpu.memref_slice %arg8[%mul3A_98] : memref<10240xf32, #tpu.memory_space<vmem_shared>> -> memref<640xf32, #tpu.memory_space<vmem_shared>>
      %dma_start3A_1906 = tpu.memref_slice %arg8[%mul3A_98] : memref<10240xf32, #tpu.memory_space<vmem_shared>> -> memref<640xf32, #tpu.memory_space<vmem_shared>>
      tpu.enqueue_dma source(%arg6 : memref<640xf32, #tpu.memory_space<vmem>>) target(%dma_start3A_1906 : memref<640xf32, #tpu.memory_space<vmem_shared>>) target_semaphore(%run_scoped3A : memref<!tpu.dma_semaphore, #tpu.memory_space<semaphore_mem>>)
      %dma_wait3A_1907 = tpu.memref_slice %arg8[%mul3A_98] : memref<10240xf32, #tpu.memory_space<vmem_shared>> -> memref<640xf32, #tpu.memory_space<vmem_shared>>
      %dma_wait3A_1908 = tpu.memref_slice %arg8[%mul3A_98] : memref<10240xf32, #tpu.memory_space<vmem_shared>> -> memref<640xf32, #tpu.memory_space<vmem_shared>>
      tpu.wait_dma2 semaphore(%run_scoped3A : memref<!tpu.dma_semaphore, #tpu.memory_space<semaphore_mem>>) src(%arg6 : memref<640xf32, #tpu.memory_space<vmem>>) dst(%dma_wait3A_1908 : memref<640xf32, #tpu.memory_space<vmem_shared>>)
      tpu.yield
    }) : () -> ()
    %mul3A_99 = arith.constant 156 : i32
    %mul3A_100 = arith.muli %arg1, %mul3A_99 : i32
    "tpu.region"() ({
      %run_scoped3A = tpu.sem_alloc : memref<!tpu.dma_semaphore, #tpu.memory_space<semaphore_mem>>
      %dma_start3A = arith.constant 0 : i32
      %dma_start3A_1906 = arith.constant 0 : i32
      %dma_start3A_1907 = arith.constant 0 : i32
      %dma_start3A_1908 = tpu.memref_slice %arg4[%dma_start3A, %dma_start3A_1906, %dma_start3A_1907] : memref<157x2x128xi32, #tpu.memory_space<vmem>> -> memref<156x2x128xi32, #tpu.memory_space<vmem>>
      %dma_start3A_1909 = arith.constant 0 : i32
      %dma_start3A_1910 = arith.constant 0 : i32
      %dma_start3A_1911 = tpu.memref_slice %arg2[%mul3A_100, %dma_start3A_1909, %dma_start3A_1910] : memref<2500x2x128xi32, #tpu.memory_space<hbm>> -> memref<156x2x128xi32, #tpu.memory_space<hbm>>
      %dma_start3A_1912 = arith.constant 0 : i32
      %dma_start3A_1913 = arith.constant 0 : i32
      %dma_start3A_1914 = arith.constant 0 : i32
      %dma_start3A_1915 = tpu.memref_slice %arg4[%dma_start3A_1912, %dma_start3A_1913, %dma_start3A_1914] : memref<157x2x128xi32, #tpu.memory_space<vmem>> -> memref<156x2x128xi32, #tpu.memory_space<vmem>>
      %dma_start3A_1916 = arith.constant 0 : i32
      %dma_start3A_1917 = arith.constant 0 : i32
      %dma_start3A_1918 = tpu.memref_slice %arg2[%mul3A_100, %dma_start3A_1916, %dma_start3A_1917] : memref<2500x2x128xi32, #tpu.memory_space<hbm>> -> memref<156x2x128xi32, #tpu.memory_space<hbm>>
      tpu.enqueue_dma source(%dma_start3A_1918 : memref<156x2x128xi32, #tpu.memory_space<hbm>>) target(%dma_start3A_1915 : memref<156x2x128xi32, #tpu.memory_space<vmem>>) target_semaphore(%run_scoped3A : memref<!tpu.dma_semaphore, #tpu.memory_space<semaphore_mem>>)
      %dma_wait3A_1919 = arith.constant 0 : i32
      %dma_wait3A_1920 = arith.constant 0 : i32
      %dma_wait3A_1921 = arith.constant 0 : i32
      %dma_wait3A_1922 = tpu.memref_slice %arg4[%dma_wait3A_1919, %dma_wait3A_1920, %dma_wait3A_1921] : memref<157x2x128xi32, #tpu.memory_space<vmem>> -> memref<156x2x128xi32, #tpu.memory_space<vmem>>
      %dma_wait3A_1923 = arith.constant 0 : i32
      %dma_wait3A_1924 = arith.constant 0 : i32
      %dma_wait3A_1925 = tpu.memref_slice %arg2[%mul3A_100, %dma_wait3A_1923, %dma_wait3A_1924] : memref<2500x2x128xi32, #tpu.memory_space<hbm>> -> memref<156x2x128xi32, #tpu.memory_space<hbm>>
      %dma_wait3A_1926 = arith.constant 0 : i32
      %dma_wait3A_1927 = arith.constant 0 : i32
      %dma_wait3A_1928 = arith.constant 0 : i32
      %dma_wait3A_1929 = tpu.memref_slice %arg4[%dma_wait3A_1926, %dma_wait3A_1927, %dma_wait3A_1928] : memref<157x2x128xi32, #tpu.memory_space<vmem>> -> memref<156x2x128xi32, #tpu.memory_space<vmem>>
      %dma_wait3A_1930 = arith.constant 0 : i32
      %dma_wait3A_1931 = arith.constant 0 : i32
      %dma_wait3A_1932 = tpu.memref_slice %arg2[%mul3A_100, %dma_wait3A_1930, %dma_wait3A_1931] : memref<2500x2x128xi32, #tpu.memory_space<hbm>> -> memref<156x2x128xi32, #tpu.memory_space<hbm>>
      tpu.wait_dma2 semaphore(%run_scoped3A : memref<!tpu.dma_semaphore, #tpu.memory_space<semaphore_mem>>) src(%dma_wait3A_1932 : memref<156x2x128xi32, #tpu.memory_space<hbm>>) dst(%dma_wait3A_1929 : memref<156x2x128xi32, #tpu.memory_space<vmem>>)
      tpu.yield
    }) : () -> ()
    %lt3A = arith.constant 4 : i32
    %lt3A_101 = arith.cmpi slt, %arg1, %lt3A : i32
    %convert_element_type3A = arith.extui %lt3A_101 : i1 to i32
    %cond3A = arith.constant 0 : i32
    %cond3A_102 = arith.cmpi ne, %convert_element_type3A, %cond3A : i32
    scf.if %cond3A_102 {
      %add3A_1906 = arith.constant 2496 : i32
      %add3A_1907 = arith.addi %add3A_1906, %arg1 : i32
      "tpu.region"() ({
        %run_scoped3A = tpu.sem_alloc : memref<!tpu.dma_semaphore, #tpu.memory_space<semaphore_mem>>
        %dma_start3A = arith.constant 156 : i32
        %dma_start3A_1908 = arith.constant 0 : i32
        %dma_start3A_1909 = arith.constant 0 : i32
        %dma_start3A_1910 = tpu.memref_slice %arg4[%dma_start3A, %dma_start3A_1908, %dma_start3A_1909] : memref<157x2x128xi32, #tpu.memory_space<vmem>> -> memref<1x2x128xi32, #tpu.memory_space<vmem>>
        %dma_start3A_1911 = arith.constant 0 : i32
        %dma_start3A_1912 = arith.constant 0 : i32
        %dma_start3A_1913 = tpu.memref_slice %arg2[%add3A_1907, %dma_start3A_1911, %dma_start3A_1912] : memref<2500x2x128xi32, #tpu.memory_space<hbm>> -> memref<1x2x128xi32, #tpu.memory_space<hbm>>
        %dma_start3A_1914 = arith.constant 156 : i32
        %dma_start3A_1915 = arith.constant 0 : i32
        %dma_start3A_1916 = arith.constant 0 : i32
        %dma_start3A_1917 = tpu.memref_slice %arg4[%dma_start3A_1914, %dma_start3A_1915, %dma_start3A_1916] : memref<157x2x128xi32, #tpu.memory_space<vmem>> -> memref<1x2x128xi32, #tpu.memory_space<vmem>>
        %dma_start3A_1918 = arith.constant 0 : i32
        %dma_start3A_1919 = arith.constant 0 : i32
        %dma_start3A_1920 = tpu.memref_slice %arg2[%add3A_1907, %dma_start3A_1918, %dma_start3A_1919] : memref<2500x2x128xi32, #tpu.memory_space<hbm>> -> memref<1x2x128xi32, #tpu.memory_space<hbm>>
        tpu.enqueue_dma source(%dma_start3A_1920 : memref<1x2x128xi32, #tpu.memory_space<hbm>>) target(%dma_start3A_1917 : memref<1x2x128xi32, #tpu.memory_space<vmem>>) target_semaphore(%run_scoped3A : memref<!tpu.dma_semaphore, #tpu.memory_space<semaphore_mem>>)
        %dma_wait3A_1921 = arith.constant 156 : i32
        %dma_wait3A_1922 = arith.constant 0 : i32
        %dma_wait3A_1923 = arith.constant 0 : i32
        %dma_wait3A_1924 = tpu.memref_slice %arg4[%dma_wait3A_1921, %dma_wait3A_1922, %dma_wait3A_1923] : memref<157x2x128xi32, #tpu.memory_space<vmem>> -> memref<1x2x128xi32, #tpu.memory_space<vmem>>
        %dma_wait3A_1925 = arith.constant 0 : i32
        %dma_wait3A_1926 = arith.constant 0 : i32
        %dma_wait3A_1927 = tpu.memref_slice %arg2[%add3A_1907, %dma_wait3A_1925, %dma_wait3A_1926] : memref<2500x2x128xi32, #tpu.memory_space<hbm>> -> memref<1x2x128xi32, #tpu.memory_space<hbm>>
        %dma_wait3A_1928 = arith.constant 156 : i32
        %dma_wait3A_1929 = arith.constant 0 : i32
        %dma_wait3A_1930 = arith.constant 0 : i32
        %dma_wait3A_1931 = tpu.memref_slice %arg4[%dma_wait3A_1928, %dma_wait3A_1929, %dma_wait3A_1930] : memref<157x2x128xi32, #tpu.memory_space<vmem>> -> memref<1x2x128xi32, #tpu.memory_space<vmem>>
        %dma_wait3A_1932 = arith.constant 0 : i32
        %dma_wait3A_1933 = arith.constant 0 : i32
        %dma_wait3A_1934 = tpu.memref_slice %arg2[%add3A_1907, %dma_wait3A_1932, %dma_wait3A_1933] : memref<2500x2x128xi32, #tpu.memory_space<hbm>> -> memref<1x2x128xi32, #tpu.memory_space<hbm>>
        tpu.wait_dma2 semaphore(%run_scoped3A : memref<!tpu.dma_semaphore, #tpu.memory_space<semaphore_mem>>) src(%dma_wait3A_1934 : memref<1x2x128xi32, #tpu.memory_space<hbm>>) dst(%dma_wait3A_1931 : memref<1x2x128xi32, #tpu.memory_space<vmem>>)
        tpu.yield
      }) : () -> ()
    } else {
    }
    %barrier3A = arith.constant 0 : index
    tpu.barrier barrier_id(%barrier3A)
    %scan3A = arith.constant 0 : i32
    %scan3A_103 = arith.constant 0 : i32
    %scan3A_104 = arith.constant 39 : i32
    %scan3A_105 = arith.addi %scan3A_103, %scan3A_104 : i32
    %scan3A_106 = arith.constant 1 : i32
    scf.for %scan3A_1906 = %scan3A_103 to %scan3A_105 step %scan3A_106  : i32 {
      %mul3A_1907 = arith.constant 4 : i32
      %mul3A_1908 = arith.muli %scan3A_1906, %mul3A_1907 : i32
      %add3A_1909 = arith.constant 0 : i32
      %add3A_1910 = arith.addi %mul3A_1908, %add3A_1909 : i32
      %dma_start3A = arith.constant 1 : i32
      %dma_start3A_1911 = arith.constant 0 : i32
      %dma_start3A_1912 = tpu.memref_slice %arg4[%add3A_1910, %dma_start3A, %dma_start3A_1911] : memref<157x2x128xi32, #tpu.memory_space<vmem>> -> memref<1x1x128xi32, #tpu.memory_space<vmem>>
      %dma_start3A_1913 = tpu.memref_squeeze %dma_start3A_1912 : memref<1x1x128xi32, #tpu.memory_space<vmem>> -> memref<128xi32, #tpu.memory_space<vmem>>
      %dma_start3A_1914 = arith.constant 0 : i32
      %dma_start3A_1915 = tpu.memref_slice %arg8[%dma_start3A_1914] : memref<10240xf32, #tpu.memory_space<vmem_shared>> -> memref<10240xf32, #tpu.memory_space<vmem_shared>>
      tpu.enqueue_indirect_dma source(%arg5 : memref<128xf32, #tpu.memory_space<vmem>>) target(%dma_start3A_1915 : memref<10240xf32, #tpu.memory_space<vmem_shared>>) offsets(%dma_start3A_1913 : memref<128xi32, #tpu.memory_space<vmem>>) semaphore(%arg7 : memref<!tpu.dma_semaphore, #tpu.memory_space<semaphore_mem>>) {add = true}
      %mul3A_1916 = arith.constant 4 : i32
      %mul3A_1917 = arith.muli %scan3A_1906, %mul3A_1916 : i32
      %add3A_1918 = arith.constant 1 : i32
      %add3A_1919 = arith.addi %mul3A_1917, %add3A_1918 : i32
      %dma_start3A_1920 = arith.constant 1 : i32
      %dma_start3A_1921 = arith.constant 0 : i32
      %dma_start3A_1922 = tpu.memref_slice %arg4[%add3A_1919, %dma_start3A_1920, %dma_start3A_1921] : memref<157x2x128xi32, #tpu.memory_space<vmem>> -> memref<1x1x128xi32, #tpu.memory_space<vmem>>
      %dma_start3A_1923 = tpu.memref_squeeze %dma_start3A_1922 : memref<1x1x128xi32, #tpu.memory_space<vmem>> -> memref<128xi32, #tpu.memory_space<vmem>>
      %dma_start3A_1924 = arith.constant 0 : i32
      %dma_start3A_1925 = tpu.memref_slice %arg8[%dma_start3A_1924] : memref<10240xf32, #tpu.memory_space<vmem_shared>> -> memref<10240xf32, #tpu.memory_space<vmem_shared>>
      tpu.enqueue_indirect_dma source(%arg5 : memref<128xf32, #tpu.memory_space<vmem>>) target(%dma_start3A_1925 : memref<10240xf32, #tpu.memory_space<vmem_shared>>) offsets(%dma_start3A_1923 : memref<128xi32, #tpu.memory_space<vmem>>) semaphore(%arg7 : memref<!tpu.dma_semaphore, #tpu.memory_space<semaphore_mem>>) {add = true}
      %mul3A_1926 = arith.constant 4 : i32
      %mul3A_1927 = arith.muli %scan3A_1906, %mul3A_1926 : i32
      %add3A_1928 = arith.constant 2 : i32
      %add3A_1929 = arith.addi %mul3A_1927, %add3A_1928 : i32
      %dma_start3A_1930 = arith.constant 1 : i32
      %dma_start3A_1931 = arith.constant 0 : i32
      %dma_start3A_1932 = tpu.memref_slice %arg4[%add3A_1929, %dma_start3A_1930, %dma_start3A_1931] : memref<157x2x128xi32, #tpu.memory_space<vmem>> -> memref<1x1x128xi32, #tpu.memory_space<vmem>>
      %dma_start3A_1933 = tpu.memref_squeeze %dma_start3A_1932 : memref<1x1x128xi32, #tpu.memory_space<vmem>> -> memref<128xi32, #tpu.memory_space<vmem>>
      %dma_start3A_1934 = arith.constant 0 : i32
      %dma_start3A_1935 = tpu.memref_slice %arg8[%dma_start3A_1934] : memref<10240xf32, #tpu.memory_space<vmem_shared>> -> memref<10240xf32, #tpu.memory_space<vmem_shared>>
      tpu.enqueue_indirect_dma source(%arg5 : memref<128xf32, #tpu.memory_space<vmem>>) target(%dma_start3A_1935 : memref<10240xf32, #tpu.memory_space<vmem_shared>>) offsets(%dma_start3A_1933 : memref<128xi32, #tpu.memory_space<vmem>>) semaphore(%arg7 : memref<!tpu.dma_semaphore, #tpu.memory_space<semaphore_mem>>) {add = true}
      %mul3A_1936 = arith.constant 4 : i32
      %mul3A_1937 = arith.muli %scan3A_1906, %mul3A_1936 : i32
      %add3A_1938 = arith.constant 3 : i32
      %add3A_1939 = arith.addi %mul3A_1937, %add3A_1938 : i32
      %dma_start3A_1940 = arith.constant 1 : i32
      %dma_start3A_1941 = arith.constant 0 : i32
      %dma_start3A_1942 = tpu.memref_slice %arg4[%add3A_1939, %dma_start3A_1940, %dma_start3A_1941] : memref<157x2x128xi32, #tpu.memory_space<vmem>> -> memref<1x1x128xi32, #tpu.memory_space<vmem>>
      %dma_start3A_1943 = tpu.memref_squeeze %dma_start3A_1942 : memref<1x1x128xi32, #tpu.memory_space<vmem>> -> memref<128xi32, #tpu.memory_space<vmem>>
      %dma_start3A_1944 = arith.constant 0 : i32
      %dma_start3A_1945 = tpu.memref_slice %arg8[%dma_start3A_1944] : memref<10240xf32, #tpu.memory_space<vmem_shared>> -> memref<10240xf32, #tpu.memory_space<vmem_shared>>
      tpu.enqueue_indirect_dma source(%arg5 : memref<128xf32, #tpu.memory_space<vmem>>) target(%dma_start3A_1945 : memref<10240xf32, #tpu.memory_space<vmem_shared>>) offsets(%dma_start3A_1943 : memref<128xi32, #tpu.memory_space<vmem>>) semaphore(%arg7 : memref<!tpu.dma_semaphore, #tpu.memory_space<semaphore_mem>>) {add = true}
      %ge3A = arith.constant 4 : i32
      %ge3A_1946 = arith.cmpi sge, %scan3A_1906, %ge3A : i32
      %convert_element_type3A_1947 = arith.extui %ge3A_1946 : i1 to i32
      %cond3A_1948 = arith.constant 0 : i32
      %cond3A_1949 = arith.cmpi ne, %convert_element_type3A_1947, %cond3A_1948 : i32
      scf.if %cond3A_1949 {
        %dma_wait3A_1950 = arith.constant 0 : i32
        %dma_wait3A_1951 = arith.constant 1 : i32
        %dma_wait3A_1952 = arith.constant 0 : i32
        %dma_wait3A_1953 = tpu.memref_slice %arg4[%dma_wait3A_1950, %dma_wait3A_1951, %dma_wait3A_1952] : memref<157x2x128xi32, #tpu.memory_space<vmem>> -> memref<1x1x128xi32, #tpu.memory_space<vmem>>
        %dma_wait3A_1954 = tpu.memref_squeeze %dma_wait3A_1953 : memref<1x1x128xi32, #tpu.memory_space<vmem>> -> memref<128xi32, #tpu.memory_space<vmem>>
        %dma_wait3A_1955 = arith.constant 0 : i32
        %dma_wait3A_1956 = tpu.memref_slice %arg8[%dma_wait3A_1955] : memref<10240xf32, #tpu.memory_space<vmem_shared>> -> memref<10240xf32, #tpu.memory_space<vmem_shared>>
        tpu.wait_indirect_dma semaphore(%arg7 : memref<!tpu.dma_semaphore, #tpu.memory_space<semaphore_mem>>) src(%arg5 : memref<128xf32, #tpu.memory_space<vmem>>) dst(%dma_wait3A_1956 : memref<10240xf32, #tpu.memory_space<vmem_shared>>)
        %dma_wait3A_1957 = arith.constant 0 : i32
        %dma_wait3A_1958 = arith.constant 1 : i32
        %dma_wait3A_1959 = arith.constant 0 : i32
        %dma_wait3A_1960 = tpu.memref_slice %arg4[%dma_wait3A_1957, %dma_wait3A_1958, %dma_wait3A_1959] : memref<157x2x128xi32, #tpu.memory_space<vmem>> -> memref<1x1x128xi32, #tpu.memory_space<vmem>>
        %dma_wait3A_1961 = tpu.memref_squeeze %dma_wait3A_1960 : memref<1x1x128xi32, #tpu.memory_space<vmem>> -> memref<128xi32, #tpu.memory_space<vmem>>
        %dma_wait3A_1962 = arith.constant 0 : i32
        %dma_wait3A_1963 = tpu.memref_slice %arg8[%dma_wait3A_1962] : memref<10240xf32, #tpu.memory_space<vmem_shared>> -> memref<10240xf32, #tpu.memory_space<vmem_shared>>
        tpu.wait_indirect_dma semaphore(%arg7 : memref<!tpu.dma_semaphore, #tpu.memory_space<semaphore_mem>>) src(%arg5 : memref<128xf32, #tpu.memory_space<vmem>>) dst(%dma_wait3A_1963 : memref<10240xf32, #tpu.memory_space<vmem_shared>>)
        %dma_wait3A_1964 = arith.constant 0 : i32
        %dma_wait3A_1965 = arith.constant 1 : i32
        %dma_wait3A_1966 = arith.constant 0 : i32
        %dma_wait3A_1967 = tpu.memref_slice %arg4[%dma_wait3A_1964, %dma_wait3A_1965, %dma_wait3A_1966] : memref<157x2x128xi32, #tpu.memory_space<vmem>> -> memref<1x1x128xi32, #tpu.memory_space<vmem>>
        %dma_wait3A_1968 = tpu.memref_squeeze %dma_wait3A_1967 : memref<1x1x128xi32, #tpu.memory_space<vmem>> -> memref<128xi32, #tpu.memory_space<vmem>>
        %dma_wait3A_1969 = arith.constant 0 : i32
        %dma_wait3A_1970 = tpu.memref_slice %arg8[%dma_wait3A_1969] : memref<10240xf32, #tpu.memory_space<vmem_shared>> -> memref<10240xf32, #tpu.memory_space<vmem_shared>>
        tpu.wait_indirect_dma semaphore(%arg7 : memref<!tpu.dma_semaphore, #tpu.memory_space<semaphore_mem>>) src(%arg5 : memref<128xf32, #tpu.memory_space<vmem>>) dst(%dma_wait3A_1970 : memref<10240xf32, #tpu.memory_space<vmem_shared>>)
        %dma_wait3A_1971 = arith.constant 0 : i32
        %dma_wait3A_1972 = arith.constant 1 : i32
        %dma_wait3A_1973 = arith.constant 0 : i32
        %dma_wait3A_1974 = tpu.memref_slice %arg4[%dma_wait3A_1971, %dma_wait3A_1972, %dma_wait3A_1973] : memref<157x2x128xi32, #tpu.memory_space<vmem>> -> memref<1x1x128xi32, #tpu.memory_space<vmem>>
        %dma_wait3A_1975 = tpu.memref_squeeze %dma_wait3A_1974 : memref<1x1x128xi32, #tpu.memory_space<vmem>> -> memref<128xi32, #tpu.memory_space<vmem>>
        %dma_wait3A_1976 = arith.constant 0 : i32
        %dma_wait3A_1977 = tpu.memref_slice %arg8[%dma_wait3A_1976] : memref<10240xf32, #tpu.memory_space<vmem_shared>> -> memref<10240xf32, #tpu.memory_space<vmem_shared>>
        tpu.wait_indirect_dma semaphore(%arg7 : memref<!tpu.dma_semaphore, #tpu.memory_space<semaphore_mem>>) src(%arg5 : memref<128xf32, #tpu.memory_space<vmem>>) dst(%dma_wait3A_1977 : memref<10240xf32, #tpu.memory_space<vmem_shared>>)
      } else {
      }
    }
    %scan3A_107 = arith.constant 39 : i32
    %dma_wait3A = arith.constant 0 : i32
    %dma_wait3A_108 = arith.constant 1 : i32
    %dma_wait3A_109 = arith.constant 0 : i32
    %dma_wait3A_110 = tpu.memref_slice %arg4[%dma_wait3A, %dma_wait3A_108, %dma_wait3A_109] : memref<157x2x128xi32, #tpu.memory_space<vmem>> -> memref<1x1x128xi32, #tpu.memory_space<vmem>>
    %dma_wait3A_111 = tpu.memref_squeeze %dma_wait3A_110 : memref<1x1x128xi32, #tpu.memory_space<vmem>> -> memref<128xi32, #tpu.memory_space<vmem>>
    %dma_wait3A_112 = arith.constant 0 : i32
    %dma_wait3A_113 = tpu.memref_slice %arg8[%dma_wait3A_112] : memref<10240xf32, #tpu.memory_space<vmem_shared>> -> memref<10240xf32, #tpu.memory_space<vmem_shared>>
    tpu.wait_indirect_dma semaphore(%arg7 : memref<!tpu.dma_semaphore, #tpu.memory_space<semaphore_mem>>) src(%arg5 : memref<128xf32, #tpu.memory_space<vmem>>) dst(%dma_wait3A_113 : memref<10240xf32, #tpu.memory_space<vmem_shared>>)
    %dma_wait3A_114 = arith.constant 0 : i32
    %dma_wait3A_115 = arith.constant 1 : i32
    %dma_wait3A_116 = arith.constant 0 : i32
    %dma_wait3A_117 = tpu.memref_slice %arg4[%dma_wait3A_114, %dma_wait3A_115, %dma_wait3A_116] : memref<157x2x128xi32, #tpu.memory_space<vmem>> -> memref<1x1x128xi32, #tpu.memory_space<vmem>>
    %dma_wait3A_118 = tpu.memref_squeeze %dma_wait3A_117 : memref<1x1x128xi32, #tpu.memory_space<vmem>> -> memref<128xi32, #tpu.memory_space<vmem>>
    %dma_wait3A_119 = arith.constant 0 : i32
    %dma_wait3A_120 = tpu.memref_slice %arg8[%dma_wait3A_119] : memref<10240xf32, #tpu.memory_space<vmem_shared>> -> memref<10240xf32, #tpu.memory_space<vmem_shared>>
    tpu.wait_indirect_dma semaphore(%arg7 : memref<!tpu.dma_semaphore, #tpu.memory_space<semaphore_mem>>) src(%arg5 : memref<128xf32, #tpu.memory_space<vmem>>) dst(%dma_wait3A_120 : memref<10240xf32, #tpu.memory_space<vmem_shared>>)
    %dma_wait3A_121 = arith.constant 0 : i32
    %dma_wait3A_122 = arith.constant 1 : i32
    %dma_wait3A_123 = arith.constant 0 : i32
    %dma_wait3A_124 = tpu.memref_slice %arg4[%dma_wait3A_121, %dma_wait3A_122, %dma_wait3A_123] : memref<157x2x128xi32, #tpu.memory_space<vmem>> -> memref<1x1x128xi32, #tpu.memory_space<vmem>>
    %dma_wait3A_125 = tpu.memref_squeeze %dma_wait3A_124 : memref<1x1x128xi32, #tpu.memory_space<vmem>> -> memref<128xi32, #tpu.memory_space<vmem>>
    %dma_wait3A_126 = arith.constant 0 : i32
    %dma_wait3A_127 = tpu.memref_slice %arg8[%dma_wait3A_126] : memref<10240xf32, #tpu.memory_space<vmem_shared>> -> memref<10240xf32, #tpu.memory_space<vmem_shared>>
    tpu.wait_indirect_dma semaphore(%arg7 : memref<!tpu.dma_semaphore, #tpu.memory_space<semaphore_mem>>) src(%arg5 : memref<128xf32, #tpu.memory_space<vmem>>) dst(%dma_wait3A_127 : memref<10240xf32, #tpu.memory_space<vmem_shared>>)
    %dma_wait3A_128 = arith.constant 0 : i32
    %dma_wait3A_129 = arith.constant 1 : i32
    %dma_wait3A_130 = arith.constant 0 : i32
    %dma_wait3A_131 = tpu.memref_slice %arg4[%dma_wait3A_128, %dma_wait3A_129, %dma_wait3A_130] : memref<157x2x128xi32, #tpu.memory_space<vmem>> -> memref<1x1x128xi32, #tpu.memory_space<vmem>>
    %dma_wait3A_132 = tpu.memref_squeeze %dma_wait3A_131 : memref<1x1x128xi32, #tpu.memory_space<vmem>> -> memref<128xi32, #tpu.memory_space<vmem>>
    %dma_wait3A_133 = arith.constant 0 : i32
    %dma_wait3A_134 = tpu.memref_slice %arg8[%dma_wait3A_133] : memref<10240xf32, #tpu.memory_space<vmem_shared>> -> memref<10240xf32, #tpu.memory_space<vmem_shared>>
    tpu.wait_indirect_dma semaphore(%arg7 : memref<!tpu.dma_semaphore, #tpu.memory_space<semaphore_mem>>) src(%arg5 : memref<128xf32, #tpu.memory_space<vmem>>) dst(%dma_wait3A_134 : memref<10240xf32, #tpu.memory_space<vmem_shared>>)
    %dma_wait3A_135 = arith.constant 0 : i32
    %dma_wait3A_136 = arith.constant 1 : i32
    %dma_wait3A_137 = arith.constant 0 : i32
    %dma_wait3A_138 = tpu.memref_slice %arg4[%dma_wait3A_135, %dma_wait3A_136, %dma_wait3A_137] : memref<157x2x128xi32, #tpu.memory_space<vmem>> -> memref<1x1x128xi32, #tpu.memory_space<vmem>>
    %dma_wait3A_139 = tpu.memref_squeeze %dma_wait3A_138 : memref<1x1x128xi32, #tpu.memory_space<vmem>> -> memref<128xi32, #tpu.memory_space<vmem>>
    %dma_wait3A_140 = arith.constant 0 : i32
    %dma_wait3A_141 = tpu.memref_slice %arg8[%dma_wait3A_140] : memref<10240xf32, #tpu.memory_space<vmem_shared>> -> memref<10240xf32, #tpu.memory_space<vmem_shared>>
    tpu.wait_indirect_dma semaphore(%arg7 : memref<!tpu.dma_semaphore, #tpu.memory_space<semaphore_mem>>) src(%arg5 : memref<128xf32, #tpu.memory_space<vmem>>) dst(%dma_wait3A_141 : memref<10240xf32, #tpu.memory_space<vmem_shared>>)
    %dma_wait3A_142 = arith.constant 0 : i32
    %dma_wait3A_143 = arith.constant 1 : i32
    %dma_wait3A_144 = arith.constant 0 : i32
    %dma_wait3A_145 = tpu.memref_slice %arg4[%dma_wait3A_142, %dma_wait3A_143, %dma_wait3A_144] : memref<157x2x128xi32, #tpu.memory_space<vmem>> -> memref<1x1x128xi32, #tpu.memory_space<vmem>>
    %dma_wait3A_146 = tpu.memref_squeeze %dma_wait3A_145 : memref<1x1x128xi32, #tpu.memory_space<vmem>> -> memref<128xi32, #tpu.memory_space<vmem>>
    %dma_wait3A_147 = arith.constant 0 : i32
    %dma_wait3A_148 = tpu.memref_slice %arg8[%dma_wait3A_147] : memref<10240xf32, #tpu.memory_space<vmem_shared>> -> memref<10240xf32, #tpu.memory_space<vmem_shared>>
    tpu.wait_indirect_dma semaphore(%arg7 : memref<!tpu.dma_semaphore, #tpu.memory_space<semaphore_mem>>) src(%arg5 : memref<128xf32, #tpu.memory_space<vmem>>) dst(%dma_wait3A_148 : memref<10240xf32, #tpu.memory_space<vmem_shared>>)
    %dma_wait3A_149 = arith.constant 0 : i32
    %dma_wait3A_150 = arith.constant 1 : i32
    %dma_wait3A_151 = arith.constant 0 : i32
    %dma_wait3A_152 = tpu.memref_slice %arg4[%dma_wait3A_149, %dma_wait3A_150, %dma_wait3A_151] : memref<157x2x128xi32, #tpu.memory_space<vmem>> -> memref<1x1x128xi32, #tpu.memory_space<vmem>>
    %dma_wait3A_153 = tpu.memref_squeeze %dma_wait3A_152 : memref<1x1x128xi32, #tpu.memory_space<vmem>> -> memref<128xi32, #tpu.memory_space<vmem>>
    %dma_wait3A_154 = arith.constant 0 : i32
    %dma_wait3A_155 = tpu.memref_slice %arg8[%dma_wait3A_154] : memref<10240xf32, #tpu.memory_space<vmem_shared>> -> memref<10240xf32, #tpu.memory_space<vmem_shared>>
    tpu.wait_indirect_dma semaphore(%arg7 : memref<!tpu.dma_semaphore, #tpu.memory_space<semaphore_mem>>) src(%arg5 : memref<128xf32, #tpu.memory_space<vmem>>) dst(%dma_wait3A_155 : memref<10240xf32, #tpu.memory_space<vmem_shared>>)
    %dma_wait3A_156 = arith.constant 0 : i32
    %dma_wait3A_157 = arith.constant 1 : i32
    %dma_wait3A_158 = arith.constant 0 : i32
    %dma_wait3A_159 = tpu.memref_slice %arg4[%dma_wait3A_156, %dma_wait3A_157, %dma_wait3A_158] : memref<157x2x128xi32, #tpu.memory_space<vmem>> -> memref<1x1x128xi32, #tpu.memory_space<vmem>>
    %dma_wait3A_160 = tpu.memref_squeeze %dma_wait3A_159 : memref<1x1x128xi32, #tpu.memory_space<vmem>> -> memref<128xi32, #tpu.memory_space<vmem>>
    %dma_wait3A_161 = arith.constant 0 : i32
    %dma_wait3A_162 = tpu.memref_slice %arg8[%dma_wait3A_161] : memref<10240xf32, #tpu.memory_space<vmem_shared>> -> memref<10240xf32, #tpu.memory_space<vmem_shared>>
    tpu.wait_indirect_dma semaphore(%arg7 : memref<!tpu.dma_semaphore, #tpu.memory_space<semaphore_mem>>) src(%arg5 : memref<128xf32, #tpu.memory_space<vmem>>) dst(%dma_wait3A_162 : memref<10240xf32, #tpu.memory_space<vmem_shared>>)
    %dma_wait3A_163 = arith.constant 0 : i32
    %dma_wait3A_164 = arith.constant 1 : i32
    %dma_wait3A_165 = arith.constant 0 : i32
    %dma_wait3A_166 = tpu.memref_slice %arg4[%dma_wait3A_163, %dma_wait3A_164, %dma_wait3A_165] : memref<157x2x128xi32, #tpu.memory_space<vmem>> -> memref<1x1x128xi32, #tpu.memory_space<vmem>>
    %dma_wait3A_167 = tpu.memref_squeeze %dma_wait3A_166 : memref<1x1x128xi32, #tpu.memory_space<vmem>> -> memref<128xi32, #tpu.memory_space<vmem>>
    %dma_wait3A_168 = arith.constant 0 : i32
    %dma_wait3A_169 = tpu.memref_slice %arg8[%dma_wait3A_168] : memref<10240xf32, #tpu.memory_space<vmem_shared>> -> memref<10240xf32, #tpu.memory_space<vmem_shared>>
    tpu.wait_indirect_dma semaphore(%arg7 : memref<!tpu.dma_semaphore, #tpu.memory_space<semaphore_mem>>) src(%arg5 : memref<128xf32, #tpu.memory_space<vmem>>) dst(%dma_wait3A_169 : memref<10240xf32, #tpu.memory_space<vmem_shared>>)
    %dma_wait3A_170 = arith.constant 0 : i32
    %dma_wait3A_171 = arith.constant 1 : i32
    %dma_wait3A_172 = arith.constant 0 : i32
    %dma_wait3A_173 = tpu.memref_slice %arg4[%dma_wait3A_170, %dma_wait3A_171, %dma_wait3A_172] : memref<157x2x128xi32, #tpu.memory_space<vmem>> -> memref<1x1x128xi32, #tpu.memory_space<vmem>>
    %dma_wait3A_174 = tpu.memref_squeeze %dma_wait3A_173 : memref<1x1x128xi32, #tpu.memory_space<vmem>> -> memref<128xi32, #tpu.memory_space<vmem>>
    %dma_wait3A_175 = arith.constant 0 : i32
    %dma_wait3A_176 = tpu.memref_slice %arg8[%dma_wait3A_175] : memref<10240xf32, #tpu.memory_space<vmem_shared>> -> memref<10240xf32, #tpu.memory_space<vmem_shared>>
    tpu.wait_indirect_dma semaphore(%arg7 : memref<!tpu.dma_semaphore, #tpu.memory_space<semaphore_mem>>) src(%arg5 : memref<128xf32, #tpu.memory_space<vmem>>) dst(%dma_wait3A_176 : memref<10240xf32, #tpu.memory_space<vmem_shared>>)
    %dma_wait3A_177 = arith.constant 0 : i32
    %dma_wait3A_178 = arith.constant 1 : i32
    %dma_wait3A_179 = arith.constant 0 : i32
    %dma_wait3A_180 = tpu.memref_slice %arg4[%dma_wait3A_177, %dma_wait3A_178, %dma_wait3A_179] : memref<157x2x128xi32, #tpu.memory_space<vmem>> -> memref<1x1x128xi32, #tpu.memory_space<vmem>>
    %dma_wait3A_181 = tpu.memref_squeeze %dma_wait3A_180 : memref<1x1x128xi32, #tpu.memory_space<vmem>> -> memref<128xi32, #tpu.memory_space<vmem>>
    %dma_wait3A_182 = arith.constant 0 : i32
    %dma_wait3A_183 = tpu.memref_slice %arg8[%dma_wait3A_182] : memref<10240xf32, #tpu.memory_space<vmem_shared>> -> memref<10240xf32, #tpu.memory_space<vmem_shared>>
    tpu.wait_indirect_dma semaphore(%arg7 : memref<!tpu.dma_semaphore, #tpu.memory_space<semaphore_mem>>) src(%arg5 : memref<128xf32, #tpu.memory_space<vmem>>) dst(%dma_wait3A_183 : memref<10240xf32, #tpu.memory_space<vmem_shared>>)
    %dma_wait3A_184 = arith.constant 0 : i32
    %dma_wait3A_185 = arith.constant 1 : i32
    %dma_wait3A_186 = arith.constant 0 : i32
    %dma_wait3A_187 = tpu.memref_slice %arg4[%dma_wait3A_184, %dma_wait3A_185, %dma_wait3A_186] : memref<157x2x128xi32, #tpu.memory_space<vmem>> -> memref<1x1x128xi32, #tpu.memory_space<vmem>>
    %dma_wait3A_188 = tpu.memref_squeeze %dma_wait3A_187 : memref<1x1x128xi32, #tpu.memory_space<vmem>> -> memref<128xi32, #tpu.memory_space<vmem>>
    %dma_wait3A_189 = arith.constant 0 : i32
    %dma_wait3A_190 = tpu.memref_slice %arg8[%dma_wait3A_189] : memref<10240xf32, #tpu.memory_space<vmem_shared>> -> memref<10240xf32, #tpu.memory_space<vmem_shared>>
    tpu.wait_indirect_dma semaphore(%arg7 : memref<!tpu.dma_semaphore, #tpu.memory_space<semaphore_mem>>) src(%arg5 : memref<128xf32, #tpu.memory_space<vmem>>) dst(%dma_wait3A_190 : memref<10240xf32, #tpu.memory_space<vmem_shared>>)
    %dma_wait3A_191 = arith.constant 0 : i32
    %dma_wait3A_192 = arith.constant 1 : i32
    %dma_wait3A_193 = arith.constant 0 : i32
    %dma_wait3A_194 = tpu.memref_slice %arg4[%dma_wait3A_191, %dma_wait3A_192, %dma_wait3A_193] : memref<157x2x128xi32, #tpu.memory_space<vmem>> -> memref<1x1x128xi32, #tpu.memory_space<vmem>>
    %dma_wait3A_195 = tpu.memref_squeeze %dma_wait3A_194 : memref<1x1x128xi32, #tpu.memory_space<vmem>> -> memref<128xi32, #tpu.memory_space<vmem>>
    %dma_wait3A_196 = arith.constant 0 : i32
    %dma_wait3A_197 = tpu.memref_slice %arg8[%dma_wait3A_196] : memref<10240xf32, #tpu.memory_space<vmem_shared>> -> memref<10240xf32, #tpu.memory_space<vmem_shared>>
    tpu.wait_indirect_dma semaphore(%arg7 : memref<!tpu.dma_semaphore, #tpu.memory_space<semaphore_mem>>) src(%arg5 : memref<128xf32, #tpu.memory_space<vmem>>) dst(%dma_wait3A_197 : memref<10240xf32, #tpu.memory_space<vmem_shared>>)
    %dma_wait3A_198 = arith.constant 0 : i32
    %dma_wait3A_199 = arith.constant 1 : i32
    %dma_wait3A_200 = arith.constant 0 : i32
    %dma_wait3A_201 = tpu.memref_slice %arg4[%dma_wait3A_198, %dma_wait3A_199, %dma_wait3A_200] : memref<157x2x128xi32, #tpu.memory_space<vmem>> -> memref<1x1x128xi32, #tpu.memory_space<vmem>>
    %dma_wait3A_202 = tpu.memref_squeeze %dma_wait3A_201 : memref<1x1x128xi32, #tpu.memory_space<vmem>> -> memref<128xi32, #tpu.memory_space<vmem>>
    %dma_wait3A_203 = arith.constant 0 : i32
    %dma_wait3A_204 = tpu.memref_slice %arg8[%dma_wait3A_203] : memref<10240xf32, #tpu.memory_space<vmem_shared>> -> memref<10240xf32, #tpu.memory_space<vmem_shared>>
    tpu.wait_indirect_dma semaphore(%arg7 : memref<!tpu.dma_semaphore, #tpu.memory_space<semaphore_mem>>) src(%arg5 : memref<128xf32, #tpu.memory_space<vmem>>) dst(%dma_wait3A_204 : memref<10240xf32, #tpu.memory_space<vmem_shared>>)
    %dma_wait3A_205 = arith.constant 0 : i32
    %dma_wait3A_206 = arith.constant 1 : i32
    %dma_wait3A_207 = arith.constant 0 : i32
    %dma_wait3A_208 = tpu.memref_slice %arg4[%dma_wait3A_205, %dma_wait3A_206, %dma_wait3A_207] : memref<157x2x128xi32, #tpu.memory_space<vmem>> -> memref<1x1x128xi32, #tpu.memory_space<vmem>>
    %dma_wait3A_209 = tpu.memref_squeeze %dma_wait3A_208 : memref<1x1x128xi32, #tpu.memory_space<vmem>> -> memref<128xi32, #tpu.memory_space<vmem>>
    %dma_wait3A_210 = arith.constant 0 : i32
    %dma_wait3A_211 = tpu.memref_slice %arg8[%dma_wait3A_210] : memref<10240xf32, #tpu.memory_space<vmem_shared>> -> memref<10240xf32, #tpu.memory_space<vmem_shared>>
    tpu.wait_indirect_dma semaphore(%arg7 : memref<!tpu.dma_semaphore, #tpu.memory_space<semaphore_mem>>) src(%arg5 : memref<128xf32, #tpu.memory_space<vmem>>) dst(%dma_wait3A_211 : memref<10240xf32, #tpu.memory_space<vmem_shared>>)
    %dma_wait3A_212 = arith.constant 0 : i32
    %dma_wait3A_213 = arith.constant 1 : i32
    %dma_wait3A_214 = arith.constant 0 : i32
    %dma_wait3A_215 = tpu.memref_slice %arg4[%dma_wait3A_212, %dma_wait3A_213, %dma_wait3A_214] : memref<157x2x128xi32, #tpu.memory_space<vmem>> -> memref<1x1x128xi32, #tpu.memory_space<vmem>>
    %dma_wait3A_216 = tpu.memref_squeeze %dma_wait3A_215 : memref<1x1x128xi32, #tpu.memory_space<vmem>> -> memref<128xi32, #tpu.memory_space<vmem>>
    %dma_wait3A_217 = arith.constant 0 : i32
    %dma_wait3A_218 = tpu.memref_slice %arg8[%dma_wait3A_217] : memref<10240xf32, #tpu.memory_space<vmem_shared>> -> memref<10240xf32, #tpu.memory_space<vmem_shared>>
    tpu.wait_indirect_dma semaphore(%arg7 : memref<!tpu.dma_semaphore, #tpu.memory_space<semaphore_mem>>) src(%arg5 : memref<128xf32, #tpu.memory_space<vmem>>) dst(%dma_wait3A_218 : memref<10240xf32, #tpu.memory_space<vmem_shared>>)
    %lt3A_219 = arith.constant 4 : i32
    %lt3A_220 = arith.cmpi slt, %arg1, %lt3A_219 : i32
    %convert_element_type3A_221 = arith.extui %lt3A_220 : i1 to i32
    %cond3A_222 = arith.constant 0 : i32
    %cond3A_223 = arith.cmpi ne, %convert_element_type3A_221, %cond3A_222 : i32
    scf.if %cond3A_223 {
      %run_scoped3A = arith.constant 156 : i32
      %run_scoped3A_1906 = arith.constant 1 : i32
      "tpu.region"() ({
        %run_scoped3A_1907 = tpu.sem_alloc : memref<!tpu.dma_semaphore, #tpu.memory_space<semaphore_mem>>
        %dma_start3A = arith.constant 0 : i32
        %dma_start3A_1908 = tpu.memref_slice %arg4[%run_scoped3A, %run_scoped3A_1906, %dma_start3A] : memref<157x2x128xi32, #tpu.memory_space<vmem>> -> memref<1x1x128xi32, #tpu.memory_space<vmem>>
        %dma_start3A_1909 = tpu.memref_squeeze %dma_start3A_1908 : memref<1x1x128xi32, #tpu.memory_space<vmem>> -> memref<128xi32, #tpu.memory_space<vmem>>
        %dma_start3A_1910 = arith.constant 0 : i32
        %dma_start3A_1911 = tpu.memref_slice %arg8[%dma_start3A_1910] : memref<10240xf32, #tpu.memory_space<vmem_shared>> -> memref<10240xf32, #tpu.memory_space<vmem_shared>>
        tpu.enqueue_indirect_dma source(%arg5 : memref<128xf32, #tpu.memory_space<vmem>>) target(%dma_start3A_1911 : memref<10240xf32, #tpu.memory_space<vmem_shared>>) offsets(%dma_start3A_1909 : memref<128xi32, #tpu.memory_space<vmem>>) semaphore(%run_scoped3A_1907 : memref<!tpu.dma_semaphore, #tpu.memory_space<semaphore_mem>>) {add = true}
        %dma_wait3A_1912 = arith.constant 0 : i32
        %dma_wait3A_1913 = tpu.memref_slice %arg4[%run_scoped3A, %run_scoped3A_1906, %dma_wait3A_1912] : memref<157x2x128xi32, #tpu.memory_space<vmem>> -> memref<1x1x128xi32, #tpu.memory_space<vmem>>
        %dma_wait3A_1914 = tpu.memref_squeeze %dma_wait3A_1913 : memref<1x1x128xi32, #tpu.memory_space<vmem>> -> memref<128xi32, #tpu.memory_space<vmem>>
        %dma_wait3A_1915 = arith.constant 0 : i32
        %dma_wait3A_1916 = tpu.memref_slice %arg8[%dma_wait3A_1915] : memref<10240xf32, #tpu.memory_space<vmem_shared>> -> memref<10240xf32, #tpu.memory_space<vmem_shared>>
        tpu.wait_indirect_dma semaphore(%run_scoped3A_1907 : memref<!tpu.dma_semaphore, #tpu.memory_space<semaphore_mem>>) src(%arg5 : memref<128xf32, #tpu.memory_space<vmem>>) dst(%dma_wait3A_1916 : memref<10240xf32, #tpu.memory_space<vmem_shared>>)
        tpu.yield
      }) : () -> ()
    } else {
    }
    %barrier3A_224 = arith.constant 0 : index
    tpu.barrier barrier_id(%barrier3A_224)
    %mul3A_225 = arith.constant 640 : i32
    %mul3A_226 = arith.muli %arg1, %mul3A_225 : i32
    "tpu.region"() ({
      %run_scoped3A = tpu.sem_alloc : memref<!tpu.dma_semaphore, #tpu.memory_space<semaphore_mem>>
      %dma_start3A = tpu.memref_slice %arg8[%mul3A_226] : memref<10240xf32, #tpu.memory_space<vmem_shared>> -> memref<640xf32, #tpu.memory_space<vmem_shared>>
      %dma_start3A_1906 = tpu.memref_slice %arg8[%mul3A_226] : memref<10240xf32, #tpu.memory_space<vmem_shared>> -> memref<640xf32, #tpu.memory_space<vmem_shared>>
      tpu.enqueue_dma source(%dma_start3A_1906 : memref<640xf32, #tpu.memory_space<vmem_shared>>) target(%arg6 : memref<640xf32, #tpu.memory_space<vmem>>) target_semaphore(%run_scoped3A : memref<!tpu.dma_semaphore, #tpu.memory_space<semaphore_mem>>)
      %dma_wait3A_1907 = tpu.memref_slice %arg8[%mul3A_226] : memref<10240xf32, #tpu.memory_space<vmem_shared>> -> memref<640xf32, #tpu.memory_space<vmem_shared>>
      %dma_wait3A_1908 = tpu.memref_slice %arg8[%mul3A_226] : memref<10240xf32, #tpu.memory_space<vmem_shared>> -> memref<640xf32, #tpu.memory_space<vmem_shared>>
      tpu.wait_dma2 semaphore(%run_scoped3A : memref<!tpu.dma_semaphore, #tpu.memory_space<semaphore_mem>>) src(%dma_wait3A_1908 : memref<640xf32, #tpu.memory_space<vmem_shared>>) dst(%arg6 : memref<640xf32, #tpu.memory_space<vmem>>)
      tpu.yield
    }) : () -> ()
    %get3A = arith.constant 0 : index
    %get3A_227 = tpu.vector_load %arg6[%get3A] {strides = array<i32>} : memref<640xf32, #tpu.memory_space<vmem>>, vector<16xf32>,
    %add3A = arith.constant 1.000000e+00 : f32
    %add3A_228 = vector.broadcast %add3A : f32 to vector<16xf32>
    %add3A_229 = arith.addf %get3A_227, %add3A_228 : vector<16xf32>
    %bitcast3A = vector.bitcast %add3A_229 : vector<16xf32> to vector<16xi32>
    %shift_right_logical3A = arith.constant 1 : i32
    %shift_right_logical3A_230 = vector.broadcast %shift_right_logical3A : i32 to vector<16xi32>
    %shift_right_logical3A_231 = arith.shrui %bitcast3A, %shift_right_logical3A_230 : vector<16xi32>
    %sub3A = arith.constant 1597463007 : i32
    %sub3A_232 = vector.broadcast %sub3A : i32 to vector<16xi32>
    %sub3A_233 = arith.subi %sub3A_232, %shift_right_logical3A_231 : vector<16xi32>
    %bitcast3A_234 = vector.bitcast %sub3A_233 : vector<16xi32> to vector<16xf32>
    %mul3A_235 = arith.constant 5.000000e-01 : f32
    %mul3A_236 = vector.broadcast %mul3A_235 : f32 to vector<16xf32>
    %mul3A_237 = arith.mulf %mul3A_236, %add3A_229 : vector<16xf32>
    %mul3A_238 = arith.mulf %mul3A_237, %bitcast3A_234 : vector<16xf32>
    %mul3A_239 = arith.mulf %mul3A_238, %bitcast3A_234 : vector<16xf32>
    %sub3A_240 = arith.constant 1.500000e+00 : f32
    %sub3A_241 = vector.broadcast %sub3A_240 : f32 to vector<16xf32>
    %sub3A_242 = arith.subf %sub3A_241, %mul3A_239 : vector<16xf32>
    %mul3A_243 = arith.mulf %bitcast3A_234, %sub3A_242 : vector<16xf32>
    %mul3A_244 = arith.constant 5.000000e-01 : f32
    %mul3A_245 = vector.broadcast %mul3A_244 : f32 to vector<16xf32>
    %mul3A_246 = arith.mulf %mul3A_245, %add3A_229 : vector<16xf32>
    %mul3A_247 = arith.mulf %mul3A_246, %mul3A_243 : vector<16xf32>
    %mul3A_248 = arith.mulf %mul3A_247, %mul3A_243 : vector<16xf32>
    %sub3A_249 = arith.constant 1.500000e+00 : f32
    %sub3A_250 = vector.broadcast %sub3A_249 : f32 to vector<16xf32>
    %sub3A_251 = arith.subf %sub3A_250, %mul3A_248 : vector<16xf32>
    %mul3A_252 = arith.mulf %mul3A_243, %sub3A_251 : vector<16xf32>
    %mul3A_253 = arith.constant 5.000000e-01 : f32
    %mul3A_254 = vector.broadcast %mul3A_253 : f32 to vector<16xf32>
    %mul3A_255 = arith.mulf %mul3A_254, %add3A_229 : vector<16xf32>
    %mul3A_256 = arith.mulf %mul3A_255, %mul3A_252 : vector<16xf32>
    %mul3A_257 = arith.mulf %mul3A_256, %mul3A_252 : vector<16xf32>
    %sub3A_258 = arith.constant 1.500000e+00 : f32
    %sub3A_259 = vector.broadcast %sub3A_258 : f32 to vector<16xf32>
    %sub3A_260 = arith.subf %sub3A_259, %mul3A_257 : vector<16xf32>
    %mul3A_261 = arith.mulf %mul3A_252, %sub3A_260 : vector<16xf32>
    %swap3A_262 = arith.constant 0 : index
    %swap3A_263 = tpu.vector_load %arg6[%swap3A_262] {strides = array<i32>} : memref<640xf32, #tpu.memory_space<vmem>>, vector<16xf32>,
    tpu.vector_store %arg6[%swap3A_262], %mul3A_261 {strides = array<i32>} : memref<640xf32, #tpu.memory_space<vmem>>, vector<16xf32>,
    %get3A_264 = arith.constant 16 : index
    %get3A_265 = tpu.vector_load %arg6[%get3A_264] {strides = array<i32>} : memref<640xf32, #tpu.memory_space<vmem>>, vector<16xf32>,
    %add3A_266 = arith.constant 1.000000e+00 : f32
    %add3A_267 = vector.broadcast %add3A_266 : f32 to vector<16xf32>
    %add3A_268 = arith.addf %get3A_265, %add3A_267 : vector<16xf32>
    %bitcast3A_269 = vector.bitcast %add3A_268 : vector<16xf32> to vector<16xi32>
    %shift_right_logical3A_270 = arith.constant 1 : i32
    %shift_right_logical3A_271 = vector.broadcast %shift_right_logical3A_270 : i32 to vector<16xi32>
    %shift_right_logical3A_272 = arith.shrui %bitcast3A_269, %shift_right_logical3A_271 : vector<16xi32>
    %sub3A_273 = arith.constant 1597463007 : i32
    %sub3A_274 = vector.broadcast %sub3A_273 : i32 to vector<16xi32>
    %sub3A_275 = arith.subi %sub3A_274, %shift_right_logical3A_272 : vector<16xi32>
    %bitcast3A_276 = vector.bitcast %sub3A_275 : vector<16xi32> to vector<16xf32>
    %mul3A_277 = arith.constant 5.000000e-01 : f32
    %mul3A_278 = vector.broadcast %mul3A_277 : f32 to vector<16xf32>
    %mul3A_279 = arith.mulf %mul3A_278, %add3A_268 : vector<16xf32>
    %mul3A_280 = arith.mulf %mul3A_279, %bitcast3A_276 : vector<16xf32>
    %mul3A_281 = arith.mulf %mul3A_280, %bitcast3A_276 : vector<16xf32>
    %sub3A_282 = arith.constant 1.500000e+00 : f32
    %sub3A_283 = vector.broadcast %sub3A_282 : f32 to vector<16xf32>
    %sub3A_284 = arith.subf %sub3A_283, %mul3A_281 : vector<16xf32>
    %mul3A_285 = arith.mulf %bitcast3A_276, %sub3A_284 : vector<16xf32>
    %mul3A_286 = arith.constant 5.000000e-01 : f32
    %mul3A_287 = vector.broadcast %mul3A_286 : f32 to vector<16xf32>
    %mul3A_288 = arith.mulf %mul3A_287, %add3A_268 : vector<16xf32>
    %mul3A_289 = arith.mulf %mul3A_288, %mul3A_285 : vector<16xf32>
    %mul3A_290 = arith.mulf %mul3A_289, %mul3A_285 : vector<16xf32>
    %sub3A_291 = arith.constant 1.500000e+00 : f32
    %sub3A_292 = vector.broadcast %sub3A_291 : f32 to vector<16xf32>
    %sub3A_293 = arith.subf %sub3A_292, %mul3A_290 : vector<16xf32>
    %mul3A_294 = arith.mulf %mul3A_285, %sub3A_293 : vector<16xf32>
    %mul3A_295 = arith.constant 5.000000e-01 : f32
    %mul3A_296 = vector.broadcast %mul3A_295 : f32 to vector<16xf32>
    %mul3A_297 = arith.mulf %mul3A_296, %add3A_268 : vector<16xf32>
    %mul3A_298 = arith.mulf %mul3A_297, %mul3A_294 : vector<16xf32>
    %mul3A_299 = arith.mulf %mul3A_298, %mul3A_294 : vector<16xf32>
    %sub3A_300 = arith.constant 1.500000e+00 : f32
    %sub3A_301 = vector.broadcast %sub3A_300 : f32 to vector<16xf32>
    %sub3A_302 = arith.subf %sub3A_301, %mul3A_299 : vector<16xf32>
    %mul3A_303 = arith.mulf %mul3A_294, %sub3A_302 : vector<16xf32>
    %swap3A_304 = arith.constant 16 : index
    %swap3A_305 = tpu.vector_load %arg6[%swap3A_304] {strides = array<i32>} : memref<640xf32, #tpu.memory_space<vmem>>, vector<16xf32>,
    tpu.vector_store %arg6[%swap3A_304], %mul3A_303 {strides = array<i32>} : memref<640xf32, #tpu.memory_space<vmem>>, vector<16xf32>,
    %get3A_306 = arith.constant 32 : index
    %get3A_307 = tpu.vector_load %arg6[%get3A_306] {strides = array<i32>} : memref<640xf32, #tpu.memory_space<vmem>>, vector<16xf32>,
    %add3A_308 = arith.constant 1.000000e+00 : f32
    %add3A_309 = vector.broadcast %add3A_308 : f32 to vector<16xf32>
    %add3A_310 = arith.addf %get3A_307, %add3A_309 : vector<16xf32>
    %bitcast3A_311 = vector.bitcast %add3A_310 : vector<16xf32> to vector<16xi32>
    %shift_right_logical3A_312 = arith.constant 1 : i32
    %shift_right_logical3A_313 = vector.broadcast %shift_right_logical3A_312 : i32 to vector<16xi32>
    %shift_right_logical3A_314 = arith.shrui %bitcast3A_311, %shift_right_logical3A_313 : vector<16xi32>
    %sub3A_315 = arith.constant 1597463007 : i32
    %sub3A_316 = vector.broadcast %sub3A_315 : i32 to vector<16xi32>
    %sub3A_317 = arith.subi %sub3A_316, %shift_right_logical3A_314 : vector<16xi32>
    %bitcast3A_318 = vector.bitcast %sub3A_317 : vector<16xi32> to vector<16xf32>
    %mul3A_319 = arith.constant 5.000000e-01 : f32
    %mul3A_320 = vector.broadcast %mul3A_319 : f32 to vector<16xf32>
    %mul3A_321 = arith.mulf %mul3A_320, %add3A_310 : vector<16xf32>
    %mul3A_322 = arith.mulf %mul3A_321, %bitcast3A_318 : vector<16xf32>
    %mul3A_323 = arith.mulf %mul3A_322, %bitcast3A_318 : vector<16xf32>
    %sub3A_324 = arith.constant 1.500000e+00 : f32
    %sub3A_325 = vector.broadcast %sub3A_324 : f32 to vector<16xf32>
    %sub3A_326 = arith.subf %sub3A_325, %mul3A_323 : vector<16xf32>
    %mul3A_327 = arith.mulf %bitcast3A_318, %sub3A_326 : vector<16xf32>
    %mul3A_328 = arith.constant 5.000000e-01 : f32
    %mul3A_329 = vector.broadcast %mul3A_328 : f32 to vector<16xf32>
    %mul3A_330 = arith.mulf %mul3A_329, %add3A_310 : vector<16xf32>
    %mul3A_331 = arith.mulf %mul3A_330, %mul3A_327 : vector<16xf32>
    %mul3A_332 = arith.mulf %mul3A_331, %mul3A_327 : vector<16xf32>
    %sub3A_333 = arith.constant 1.500000e+00 : f32
    %sub3A_334 = vector.broadcast %sub3A_333 : f32 to vector<16xf32>
    %sub3A_335 = arith.subf %sub3A_334, %mul3A_332 : vector<16xf32>
    %mul3A_336 = arith.mulf %mul3A_327, %sub3A_335 : vector<16xf32>
    %mul3A_337 = arith.constant 5.000000e-01 : f32
    %mul3A_338 = vector.broadcast %mul3A_337 : f32 to vector<16xf32>
    %mul3A_339 = arith.mulf %mul3A_338, %add3A_310 : vector<16xf32>
    %mul3A_340 = arith.mulf %mul3A_339, %mul3A_336 : vector<16xf32>
    %mul3A_341 = arith.mulf %mul3A_340, %mul3A_336 : vector<16xf32>
    %sub3A_342 = arith.constant 1.500000e+00 : f32
    %sub3A_343 = vector.broadcast %sub3A_342 : f32 to vector<16xf32>
    %sub3A_344 = arith.subf %sub3A_343, %mul3A_341 : vector<16xf32>
    %mul3A_345 = arith.mulf %mul3A_336, %sub3A_344 : vector<16xf32>
    %swap3A_346 = arith.constant 32 : index
    %swap3A_347 = tpu.vector_load %arg6[%swap3A_346] {strides = array<i32>} : memref<640xf32, #tpu.memory_space<vmem>>, vector<16xf32>,
    tpu.vector_store %arg6[%swap3A_346], %mul3A_345 {strides = array<i32>} : memref<640xf32, #tpu.memory_space<vmem>>, vector<16xf32>,
    %get3A_348 = arith.constant 48 : index
    %get3A_349 = tpu.vector_load %arg6[%get3A_348] {strides = array<i32>} : memref<640xf32, #tpu.memory_space<vmem>>, vector<16xf32>,
    %add3A_350 = arith.constant 1.000000e+00 : f32
    %add3A_351 = vector.broadcast %add3A_350 : f32 to vector<16xf32>
    %add3A_352 = arith.addf %get3A_349, %add3A_351 : vector<16xf32>
    %bitcast3A_353 = vector.bitcast %add3A_352 : vector<16xf32> to vector<16xi32>
    %shift_right_logical3A_354 = arith.constant 1 : i32
    %shift_right_logical3A_355 = vector.broadcast %shift_right_logical3A_354 : i32 to vector<16xi32>
    %shift_right_logical3A_356 = arith.shrui %bitcast3A_353, %shift_right_logical3A_355 : vector<16xi32>
    %sub3A_357 = arith.constant 1597463007 : i32
    %sub3A_358 = vector.broadcast %sub3A_357 : i32 to vector<16xi32>
    %sub3A_359 = arith.subi %sub3A_358, %shift_right_logical3A_356 : vector<16xi32>
    %bitcast3A_360 = vector.bitcast %sub3A_359 : vector<16xi32> to vector<16xf32>
    %mul3A_361 = arith.constant 5.000000e-01 : f32
    %mul3A_362 = vector.broadcast %mul3A_361 : f32 to vector<16xf32>
    %mul3A_363 = arith.mulf %mul3A_362, %add3A_352 : vector<16xf32>
    %mul3A_364 = arith.mulf %mul3A_363, %bitcast3A_360 : vector<16xf32>
    %mul3A_365 = arith.mulf %mul3A_364, %bitcast3A_360 : vector<16xf32>
    %sub3A_366 = arith.constant 1.500000e+00 : f32
    %sub3A_367 = vector.broadcast %sub3A_366 : f32 to vector<16xf32>
    %sub3A_368 = arith.subf %sub3A_367, %mul3A_365 : vector<16xf32>
    %mul3A_369 = arith.mulf %bitcast3A_360, %sub3A_368 : vector<16xf32>
    %mul3A_370 = arith.constant 5.000000e-01 : f32
    %mul3A_371 = vector.broadcast %mul3A_370 : f32 to vector<16xf32>
    %mul3A_372 = arith.mulf %mul3A_371, %add3A_352 : vector<16xf32>
    %mul3A_373 = arith.mulf %mul3A_372, %mul3A_369 : vector<16xf32>
    %mul3A_374 = arith.mulf %mul3A_373, %mul3A_369 : vector<16xf32>
    %sub3A_375 = arith.constant 1.500000e+00 : f32
    %sub3A_376 = vector.broadcast %sub3A_375 : f32 to vector<16xf32>
    %sub3A_377 = arith.subf %sub3A_376, %mul3A_374 : vector<16xf32>
    %mul3A_378 = arith.mulf %mul3A_369, %sub3A_377 : vector<16xf32>
    %mul3A_379 = arith.constant 5.000000e-01 : f32
    %mul3A_380 = vector.broadcast %mul3A_379 : f32 to vector<16xf32>
    %mul3A_381 = arith.mulf %mul3A_380, %add3A_352 : vector<16xf32>
    %mul3A_382 = arith.mulf %mul3A_381, %mul3A_378 : vector<16xf32>
    %mul3A_383 = arith.mulf %mul3A_382, %mul3A_378 : vector<16xf32>
    %sub3A_384 = arith.constant 1.500000e+00 : f32
    %sub3A_385 = vector.broadcast %sub3A_384 : f32 to vector<16xf32>
    %sub3A_386 = arith.subf %sub3A_385, %mul3A_383 : vector<16xf32>
    %mul3A_387 = arith.mulf %mul3A_378, %sub3A_386 : vector<16xf32>
    %swap3A_388 = arith.constant 48 : index
    %swap3A_389 = tpu.vector_load %arg6[%swap3A_388] {strides = array<i32>} : memref<640xf32, #tpu.memory_space<vmem>>, vector<16xf32>,
    tpu.vector_store %arg6[%swap3A_388], %mul3A_387 {strides = array<i32>} : memref<640xf32, #tpu.memory_space<vmem>>, vector<16xf32>,
    %get3A_390 = arith.constant 64 : index
    %get3A_391 = tpu.vector_load %arg6[%get3A_390] {strides = array<i32>} : memref<640xf32, #tpu.memory_space<vmem>>, vector<16xf32>,
    %add3A_392 = arith.constant 1.000000e+00 : f32
    %add3A_393 = vector.broadcast %add3A_392 : f32 to vector<16xf32>
    %add3A_394 = arith.addf %get3A_391, %add3A_393 : vector<16xf32>
    %bitcast3A_395 = vector.bitcast %add3A_394 : vector<16xf32> to vector<16xi32>
    %shift_right_logical3A_396 = arith.constant 1 : i32
    %shift_right_logical3A_397 = vector.broadcast %shift_right_logical3A_396 : i32 to vector<16xi32>
    %shift_right_logical3A_398 = arith.shrui %bitcast3A_395, %shift_right_logical3A_397 : vector<16xi32>
    %sub3A_399 = arith.constant 1597463007 : i32
    %sub3A_400 = vector.broadcast %sub3A_399 : i32 to vector<16xi32>
    %sub3A_401 = arith.subi %sub3A_400, %shift_right_logical3A_398 : vector<16xi32>
    %bitcast3A_402 = vector.bitcast %sub3A_401 : vector<16xi32> to vector<16xf32>
    %mul3A_403 = arith.constant 5.000000e-01 : f32
    %mul3A_404 = vector.broadcast %mul3A_403 : f32 to vector<16xf32>
    %mul3A_405 = arith.mulf %mul3A_404, %add3A_394 : vector<16xf32>
    %mul3A_406 = arith.mulf %mul3A_405, %bitcast3A_402 : vector<16xf32>
    %mul3A_407 = arith.mulf %mul3A_406, %bitcast3A_402 : vector<16xf32>
    %sub3A_408 = arith.constant 1.500000e+00 : f32
    %sub3A_409 = vector.broadcast %sub3A_408 : f32 to vector<16xf32>
    %sub3A_410 = arith.subf %sub3A_409, %mul3A_407 : vector<16xf32>
    %mul3A_411 = arith.mulf %bitcast3A_402, %sub3A_410 : vector<16xf32>
    %mul3A_412 = arith.constant 5.000000e-01 : f32
    %mul3A_413 = vector.broadcast %mul3A_412 : f32 to vector<16xf32>
    %mul3A_414 = arith.mulf %mul3A_413, %add3A_394 : vector<16xf32>
    %mul3A_415 = arith.mulf %mul3A_414, %mul3A_411 : vector<16xf32>
    %mul3A_416 = arith.mulf %mul3A_415, %mul3A_411 : vector<16xf32>
    %sub3A_417 = arith.constant 1.500000e+00 : f32
    %sub3A_418 = vector.broadcast %sub3A_417 : f32 to vector<16xf32>
    %sub3A_419 = arith.subf %sub3A_418, %mul3A_416 : vector<16xf32>
    %mul3A_420 = arith.mulf %mul3A_411, %sub3A_419 : vector<16xf32>
    %mul3A_421 = arith.constant 5.000000e-01 : f32
    %mul3A_422 = vector.broadcast %mul3A_421 : f32 to vector<16xf32>
    %mul3A_423 = arith.mulf %mul3A_422, %add3A_394 : vector<16xf32>
    %mul3A_424 = arith.mulf %mul3A_423, %mul3A_420 : vector<16xf32>
    %mul3A_425 = arith.mulf %mul3A_424, %mul3A_420 : vector<16xf32>
    %sub3A_426 = arith.constant 1.500000e+00 : f32
    %sub3A_427 = vector.broadcast %sub3A_426 : f32 to vector<16xf32>
    %sub3A_428 = arith.subf %sub3A_427, %mul3A_425 : vector<16xf32>
    %mul3A_429 = arith.mulf %mul3A_420, %sub3A_428 : vector<16xf32>
    %swap3A_430 = arith.constant 64 : index
    %swap3A_431 = tpu.vector_load %arg6[%swap3A_430] {strides = array<i32>} : memref<640xf32, #tpu.memory_space<vmem>>, vector<16xf32>,
    tpu.vector_store %arg6[%swap3A_430], %mul3A_429 {strides = array<i32>} : memref<640xf32, #tpu.memory_space<vmem>>, vector<16xf32>,
    %get3A_432 = arith.constant 80 : index
    %get3A_433 = tpu.vector_load %arg6[%get3A_432] {strides = array<i32>} : memref<640xf32, #tpu.memory_space<vmem>>, vector<16xf32>,
    %add3A_434 = arith.constant 1.000000e+00 : f32
    %add3A_435 = vector.broadcast %add3A_434 : f32 to vector<16xf32>
    %add3A_436 = arith.addf %get3A_433, %add3A_435 : vector<16xf32>
    %bitcast3A_437 = vector.bitcast %add3A_436 : vector<16xf32> to vector<16xi32>
    %shift_right_logical3A_438 = arith.constant 1 : i32
    %shift_right_logical3A_439 = vector.broadcast %shift_right_logical3A_438 : i32 to vector<16xi32>
    %shift_right_logical3A_440 = arith.shrui %bitcast3A_437, %shift_right_logical3A_439 : vector<16xi32>
    %sub3A_441 = arith.constant 1597463007 : i32
    %sub3A_442 = vector.broadcast %sub3A_441 : i32 to vector<16xi32>
    %sub3A_443 = arith.subi %sub3A_442, %shift_right_logical3A_440 : vector<16xi32>
    %bitcast3A_444 = vector.bitcast %sub3A_443 : vector<16xi32> to vector<16xf32>
    %mul3A_445 = arith.constant 5.000000e-01 : f32
    %mul3A_446 = vector.broadcast %mul3A_445 : f32 to vector<16xf32>
    %mul3A_447 = arith.mulf %mul3A_446, %add3A_436 : vector<16xf32>
    %mul3A_448 = arith.mulf %mul3A_447, %bitcast3A_444 : vector<16xf32>
    %mul3A_449 = arith.mulf %mul3A_448, %bitcast3A_444 : vector<16xf32>
    %sub3A_450 = arith.constant 1.500000e+00 : f32
    %sub3A_451 = vector.broadcast %sub3A_450 : f32 to vector<16xf32>
    %sub3A_452 = arith.subf %sub3A_451, %mul3A_449 : vector<16xf32>
    %mul3A_453 = arith.mulf %bitcast3A_444, %sub3A_452 : vector<16xf32>
    %mul3A_454 = arith.constant 5.000000e-01 : f32
    %mul3A_455 = vector.broadcast %mul3A_454 : f32 to vector<16xf32>
    %mul3A_456 = arith.mulf %mul3A_455, %add3A_436 : vector<16xf32>
    %mul3A_457 = arith.mulf %mul3A_456, %mul3A_453 : vector<16xf32>
    %mul3A_458 = arith.mulf %mul3A_457, %mul3A_453 : vector<16xf32>
    %sub3A_459 = arith.constant 1.500000e+00 : f32
    %sub3A_460 = vector.broadcast %sub3A_459 : f32 to vector<16xf32>
    %sub3A_461 = arith.subf %sub3A_460, %mul3A_458 : vector<16xf32>
    %mul3A_462 = arith.mulf %mul3A_453, %sub3A_461 : vector<16xf32>
    %mul3A_463 = arith.constant 5.000000e-01 : f32
    %mul3A_464 = vector.broadcast %mul3A_463 : f32 to vector<16xf32>
    %mul3A_465 = arith.mulf %mul3A_464, %add3A_436 : vector<16xf32>
    %mul3A_466 = arith.mulf %mul3A_465, %mul3A_462 : vector<16xf32>
    %mul3A_467 = arith.mulf %mul3A_466, %mul3A_462 : vector<16xf32>
    %sub3A_468 = arith.constant 1.500000e+00 : f32
    %sub3A_469 = vector.broadcast %sub3A_468 : f32 to vector<16xf32>
    %sub3A_470 = arith.subf %sub3A_469, %mul3A_467 : vector<16xf32>
    %mul3A_471 = arith.mulf %mul3A_462, %sub3A_470 : vector<16xf32>
    %swap3A_472 = arith.constant 80 : index
    %swap3A_473 = tpu.vector_load %arg6[%swap3A_472] {strides = array<i32>} : memref<640xf32, #tpu.memory_space<vmem>>, vector<16xf32>,
    tpu.vector_store %arg6[%swap3A_472], %mul3A_471 {strides = array<i32>} : memref<640xf32, #tpu.memory_space<vmem>>, vector<16xf32>,
    %get3A_474 = arith.constant 96 : index
    %get3A_475 = tpu.vector_load %arg6[%get3A_474] {strides = array<i32>} : memref<640xf32, #tpu.memory_space<vmem>>, vector<16xf32>,
    %add3A_476 = arith.constant 1.000000e+00 : f32
    %add3A_477 = vector.broadcast %add3A_476 : f32 to vector<16xf32>
    %add3A_478 = arith.addf %get3A_475, %add3A_477 : vector<16xf32>
    %bitcast3A_479 = vector.bitcast %add3A_478 : vector<16xf32> to vector<16xi32>
    %shift_right_logical3A_480 = arith.constant 1 : i32
    %shift_right_logical3A_481 = vector.broadcast %shift_right_logical3A_480 : i32 to vector<16xi32>
    %shift_right_logical3A_482 = arith.shrui %bitcast3A_479, %shift_right_logical3A_481 : vector<16xi32>
    %sub3A_483 = arith.constant 1597463007 : i32
    %sub3A_484 = vector.broadcast %sub3A_483 : i32 to vector<16xi32>
    %sub3A_485 = arith.subi %sub3A_484, %shift_right_logical3A_482 : vector<16xi32>
    %bitcast3A_486 = vector.bitcast %sub3A_485 : vector<16xi32> to vector<16xf32>
    %mul3A_487 = arith.constant 5.000000e-01 : f32
    %mul3A_488 = vector.broadcast %mul3A_487 : f32 to vector<16xf32>
    %mul3A_489 = arith.mulf %mul3A_488, %add3A_478 : vector<16xf32>
    %mul3A_490 = arith.mulf %mul3A_489, %bitcast3A_486 : vector<16xf32>
    %mul3A_491 = arith.mulf %mul3A_490, %bitcast3A_486 : vector<16xf32>
    %sub3A_492 = arith.constant 1.500000e+00 : f32
    %sub3A_493 = vector.broadcast %sub3A_492 : f32 to vector<16xf32>
    %sub3A_494 = arith.subf %sub3A_493, %mul3A_491 : vector<16xf32>
    %mul3A_495 = arith.mulf %bitcast3A_486, %sub3A_494 : vector<16xf32>
    %mul3A_496 = arith.constant 5.000000e-01 : f32
    %mul3A_497 = vector.broadcast %mul3A_496 : f32 to vector<16xf32>
    %mul3A_498 = arith.mulf %mul3A_497, %add3A_478 : vector<16xf32>
    %mul3A_499 = arith.mulf %mul3A_498, %mul3A_495 : vector<16xf32>
    %mul3A_500 = arith.mulf %mul3A_499, %mul3A_495 : vector<16xf32>
    %sub3A_501 = arith.constant 1.500000e+00 : f32
    %sub3A_502 = vector.broadcast %sub3A_501 : f32 to vector<16xf32>
    %sub3A_503 = arith.subf %sub3A_502, %mul3A_500 : vector<16xf32>
    %mul3A_504 = arith.mulf %mul3A_495, %sub3A_503 : vector<16xf32>
    %mul3A_505 = arith.constant 5.000000e-01 : f32
    %mul3A_506 = vector.broadcast %mul3A_505 : f32 to vector<16xf32>
    %mul3A_507 = arith.mulf %mul3A_506, %add3A_478 : vector<16xf32>
    %mul3A_508 = arith.mulf %mul3A_507, %mul3A_504 : vector<16xf32>
    %mul3A_509 = arith.mulf %mul3A_508, %mul3A_504 : vector<16xf32>
    %sub3A_510 = arith.constant 1.500000e+00 : f32
    %sub3A_511 = vector.broadcast %sub3A_510 : f32 to vector<16xf32>
    %sub3A_512 = arith.subf %sub3A_511, %mul3A_509 : vector<16xf32>
    %mul3A_513 = arith.mulf %mul3A_504, %sub3A_512 : vector<16xf32>
    %swap3A_514 = arith.constant 96 : index
    %swap3A_515 = tpu.vector_load %arg6[%swap3A_514] {strides = array<i32>} : memref<640xf32, #tpu.memory_space<vmem>>, vector<16xf32>,
    tpu.vector_store %arg6[%swap3A_514], %mul3A_513 {strides = array<i32>} : memref<640xf32, #tpu.memory_space<vmem>>, vector<16xf32>,
    %get3A_516 = arith.constant 112 : index
    %get3A_517 = tpu.vector_load %arg6[%get3A_516] {strides = array<i32>} : memref<640xf32, #tpu.memory_space<vmem>>, vector<16xf32>,
    %add3A_518 = arith.constant 1.000000e+00 : f32
    %add3A_519 = vector.broadcast %add3A_518 : f32 to vector<16xf32>
    %add3A_520 = arith.addf %get3A_517, %add3A_519 : vector<16xf32>
    %bitcast3A_521 = vector.bitcast %add3A_520 : vector<16xf32> to vector<16xi32>
    %shift_right_logical3A_522 = arith.constant 1 : i32
    %shift_right_logical3A_523 = vector.broadcast %shift_right_logical3A_522 : i32 to vector<16xi32>
    %shift_right_logical3A_524 = arith.shrui %bitcast3A_521, %shift_right_logical3A_523 : vector<16xi32>
    %sub3A_525 = arith.constant 1597463007 : i32
    %sub3A_526 = vector.broadcast %sub3A_525 : i32 to vector<16xi32>
    %sub3A_527 = arith.subi %sub3A_526, %shift_right_logical3A_524 : vector<16xi32>
    %bitcast3A_528 = vector.bitcast %sub3A_527 : vector<16xi32> to vector<16xf32>
    %mul3A_529 = arith.constant 5.000000e-01 : f32
    %mul3A_530 = vector.broadcast %mul3A_529 : f32 to vector<16xf32>
    %mul3A_531 = arith.mulf %mul3A_530, %add3A_520 : vector<16xf32>
    %mul3A_532 = arith.mulf %mul3A_531, %bitcast3A_528 : vector<16xf32>
    %mul3A_533 = arith.mulf %mul3A_532, %bitcast3A_528 : vector<16xf32>
    %sub3A_534 = arith.constant 1.500000e+00 : f32
    %sub3A_535 = vector.broadcast %sub3A_534 : f32 to vector<16xf32>
    %sub3A_536 = arith.subf %sub3A_535, %mul3A_533 : vector<16xf32>
    %mul3A_537 = arith.mulf %bitcast3A_528, %sub3A_536 : vector<16xf32>
    %mul3A_538 = arith.constant 5.000000e-01 : f32
    %mul3A_539 = vector.broadcast %mul3A_538 : f32 to vector<16xf32>
    %mul3A_540 = arith.mulf %mul3A_539, %add3A_520 : vector<16xf32>
    %mul3A_541 = arith.mulf %mul3A_540, %mul3A_537 : vector<16xf32>
    %mul3A_542 = arith.mulf %mul3A_541, %mul3A_537 : vector<16xf32>
    %sub3A_543 = arith.constant 1.500000e+00 : f32
    %sub3A_544 = vector.broadcast %sub3A_543 : f32 to vector<16xf32>
    %sub3A_545 = arith.subf %sub3A_544, %mul3A_542 : vector<16xf32>
    %mul3A_546 = arith.mulf %mul3A_537, %sub3A_545 : vector<16xf32>
    %mul3A_547 = arith.constant 5.000000e-01 : f32
    %mul3A_548 = vector.broadcast %mul3A_547 : f32 to vector<16xf32>
    %mul3A_549 = arith.mulf %mul3A_548, %add3A_520 : vector<16xf32>
    %mul3A_550 = arith.mulf %mul3A_549, %mul3A_546 : vector<16xf32>
    %mul3A_551 = arith.mulf %mul3A_550, %mul3A_546 : vector<16xf32>
    %sub3A_552 = arith.constant 1.500000e+00 : f32
    %sub3A_553 = vector.broadcast %sub3A_552 : f32 to vector<16xf32>
    %sub3A_554 = arith.subf %sub3A_553, %mul3A_551 : vector<16xf32>
    %mul3A_555 = arith.mulf %mul3A_546, %sub3A_554 : vector<16xf32>
    %swap3A_556 = arith.constant 112 : index
    %swap3A_557 = tpu.vector_load %arg6[%swap3A_556] {strides = array<i32>} : memref<640xf32, #tpu.memory_space<vmem>>, vector<16xf32>,
    tpu.vector_store %arg6[%swap3A_556], %mul3A_555 {strides = array<i32>} : memref<640xf32, #tpu.memory_space<vmem>>, vector<16xf32>,
    %get3A_558 = arith.constant 128 : index
    %get3A_559 = tpu.vector_load %arg6[%get3A_558] {strides = array<i32>} : memref<640xf32, #tpu.memory_space<vmem>>, vector<16xf32>,
    %add3A_560 = arith.constant 1.000000e+00 : f32
    %add3A_561 = vector.broadcast %add3A_560 : f32 to vector<16xf32>
    %add3A_562 = arith.addf %get3A_559, %add3A_561 : vector<16xf32>
    %bitcast3A_563 = vector.bitcast %add3A_562 : vector<16xf32> to vector<16xi32>
    %shift_right_logical3A_564 = arith.constant 1 : i32
    %shift_right_logical3A_565 = vector.broadcast %shift_right_logical3A_564 : i32 to vector<16xi32>
    %shift_right_logical3A_566 = arith.shrui %bitcast3A_563, %shift_right_logical3A_565 : vector<16xi32>
    %sub3A_567 = arith.constant 1597463007 : i32
    %sub3A_568 = vector.broadcast %sub3A_567 : i32 to vector<16xi32>
    %sub3A_569 = arith.subi %sub3A_568, %shift_right_logical3A_566 : vector<16xi32>
    %bitcast3A_570 = vector.bitcast %sub3A_569 : vector<16xi32> to vector<16xf32>
    %mul3A_571 = arith.constant 5.000000e-01 : f32
    %mul3A_572 = vector.broadcast %mul3A_571 : f32 to vector<16xf32>
    %mul3A_573 = arith.mulf %mul3A_572, %add3A_562 : vector<16xf32>
    %mul3A_574 = arith.mulf %mul3A_573, %bitcast3A_570 : vector<16xf32>
    %mul3A_575 = arith.mulf %mul3A_574, %bitcast3A_570 : vector<16xf32>
    %sub3A_576 = arith.constant 1.500000e+00 : f32
    %sub3A_577 = vector.broadcast %sub3A_576 : f32 to vector<16xf32>
    %sub3A_578 = arith.subf %sub3A_577, %mul3A_575 : vector<16xf32>
    %mul3A_579 = arith.mulf %bitcast3A_570, %sub3A_578 : vector<16xf32>
    %mul3A_580 = arith.constant 5.000000e-01 : f32
    %mul3A_581 = vector.broadcast %mul3A_580 : f32 to vector<16xf32>
    %mul3A_582 = arith.mulf %mul3A_581, %add3A_562 : vector<16xf32>
    %mul3A_583 = arith.mulf %mul3A_582, %mul3A_579 : vector<16xf32>
    %mul3A_584 = arith.mulf %mul3A_583, %mul3A_579 : vector<16xf32>
    %sub3A_585 = arith.constant 1.500000e+00 : f32
    %sub3A_586 = vector.broadcast %sub3A_585 : f32 to vector<16xf32>
    %sub3A_587 = arith.subf %sub3A_586, %mul3A_584 : vector<16xf32>
    %mul3A_588 = arith.mulf %mul3A_579, %sub3A_587 : vector<16xf32>
    %mul3A_589 = arith.constant 5.000000e-01 : f32
    %mul3A_590 = vector.broadcast %mul3A_589 : f32 to vector<16xf32>
    %mul3A_591 = arith.mulf %mul3A_590, %add3A_562 : vector<16xf32>
    %mul3A_592 = arith.mulf %mul3A_591, %mul3A_588 : vector<16xf32>
    %mul3A_593 = arith.mulf %mul3A_592, %mul3A_588 : vector<16xf32>
    %sub3A_594 = arith.constant 1.500000e+00 : f32
    %sub3A_595 = vector.broadcast %sub3A_594 : f32 to vector<16xf32>
    %sub3A_596 = arith.subf %sub3A_595, %mul3A_593 : vector<16xf32>
    %mul3A_597 = arith.mulf %mul3A_588, %sub3A_596 : vector<16xf32>
    %swap3A_598 = arith.constant 128 : index
    %swap3A_599 = tpu.vector_load %arg6[%swap3A_598] {strides = array<i32>} : memref<640xf32, #tpu.memory_space<vmem>>, vector<16xf32>,
    tpu.vector_store %arg6[%swap3A_598], %mul3A_597 {strides = array<i32>} : memref<640xf32, #tpu.memory_space<vmem>>, vector<16xf32>,
    %get3A_600 = arith.constant 144 : index
    %get3A_601 = tpu.vector_load %arg6[%get3A_600] {strides = array<i32>} : memref<640xf32, #tpu.memory_space<vmem>>, vector<16xf32>,
    %add3A_602 = arith.constant 1.000000e+00 : f32
    %add3A_603 = vector.broadcast %add3A_602 : f32 to vector<16xf32>
    %add3A_604 = arith.addf %get3A_601, %add3A_603 : vector<16xf32>
    %bitcast3A_605 = vector.bitcast %add3A_604 : vector<16xf32> to vector<16xi32>
    %shift_right_logical3A_606 = arith.constant 1 : i32
    %shift_right_logical3A_607 = vector.broadcast %shift_right_logical3A_606 : i32 to vector<16xi32>
    %shift_right_logical3A_608 = arith.shrui %bitcast3A_605, %shift_right_logical3A_607 : vector<16xi32>
    %sub3A_609 = arith.constant 1597463007 : i32
    %sub3A_610 = vector.broadcast %sub3A_609 : i32 to vector<16xi32>
    %sub3A_611 = arith.subi %sub3A_610, %shift_right_logical3A_608 : vector<16xi32>
    %bitcast3A_612 = vector.bitcast %sub3A_611 : vector<16xi32> to vector<16xf32>
    %mul3A_613 = arith.constant 5.000000e-01 : f32
    %mul3A_614 = vector.broadcast %mul3A_613 : f32 to vector<16xf32>
    %mul3A_615 = arith.mulf %mul3A_614, %add3A_604 : vector<16xf32>
    %mul3A_616 = arith.mulf %mul3A_615, %bitcast3A_612 : vector<16xf32>
    %mul3A_617 = arith.mulf %mul3A_616, %bitcast3A_612 : vector<16xf32>
    %sub3A_618 = arith.constant 1.500000e+00 : f32
    %sub3A_619 = vector.broadcast %sub3A_618 : f32 to vector<16xf32>
    %sub3A_620 = arith.subf %sub3A_619, %mul3A_617 : vector<16xf32>
    %mul3A_621 = arith.mulf %bitcast3A_612, %sub3A_620 : vector<16xf32>
    %mul3A_622 = arith.constant 5.000000e-01 : f32
    %mul3A_623 = vector.broadcast %mul3A_622 : f32 to vector<16xf32>
    %mul3A_624 = arith.mulf %mul3A_623, %add3A_604 : vector<16xf32>
    %mul3A_625 = arith.mulf %mul3A_624, %mul3A_621 : vector<16xf32>
    %mul3A_626 = arith.mulf %mul3A_625, %mul3A_621 : vector<16xf32>
    %sub3A_627 = arith.constant 1.500000e+00 : f32
    %sub3A_628 = vector.broadcast %sub3A_627 : f32 to vector<16xf32>
    %sub3A_629 = arith.subf %sub3A_628, %mul3A_626 : vector<16xf32>
    %mul3A_630 = arith.mulf %mul3A_621, %sub3A_629 : vector<16xf32>
    %mul3A_631 = arith.constant 5.000000e-01 : f32
    %mul3A_632 = vector.broadcast %mul3A_631 : f32 to vector<16xf32>
    %mul3A_633 = arith.mulf %mul3A_632, %add3A_604 : vector<16xf32>
    %mul3A_634 = arith.mulf %mul3A_633, %mul3A_630 : vector<16xf32>
    %mul3A_635 = arith.mulf %mul3A_634, %mul3A_630 : vector<16xf32>
    %sub3A_636 = arith.constant 1.500000e+00 : f32
    %sub3A_637 = vector.broadcast %sub3A_636 : f32 to vector<16xf32>
    %sub3A_638 = arith.subf %sub3A_637, %mul3A_635 : vector<16xf32>
    %mul3A_639 = arith.mulf %mul3A_630, %sub3A_638 : vector<16xf32>
    %swap3A_640 = arith.constant 144 : index
    %swap3A_641 = tpu.vector_load %arg6[%swap3A_640] {strides = array<i32>} : memref<640xf32, #tpu.memory_space<vmem>>, vector<16xf32>,
    tpu.vector_store %arg6[%swap3A_640], %mul3A_639 {strides = array<i32>} : memref<640xf32, #tpu.memory_space<vmem>>, vector<16xf32>,
    %get3A_642 = arith.constant 160 : index
    %get3A_643 = tpu.vector_load %arg6[%get3A_642] {strides = array<i32>} : memref<640xf32, #tpu.memory_space<vmem>>, vector<16xf32>,
    %add3A_644 = arith.constant 1.000000e+00 : f32
    %add3A_645 = vector.broadcast %add3A_644 : f32 to vector<16xf32>
    %add3A_646 = arith.addf %get3A_643, %add3A_645 : vector<16xf32>
    %bitcast3A_647 = vector.bitcast %add3A_646 : vector<16xf32> to vector<16xi32>
    %shift_right_logical3A_648 = arith.constant 1 : i32
    %shift_right_logical3A_649 = vector.broadcast %shift_right_logical3A_648 : i32 to vector<16xi32>
    %shift_right_logical3A_650 = arith.shrui %bitcast3A_647, %shift_right_logical3A_649 : vector<16xi32>
    %sub3A_651 = arith.constant 1597463007 : i32
    %sub3A_652 = vector.broadcast %sub3A_651 : i32 to vector<16xi32>
    %sub3A_653 = arith.subi %sub3A_652, %shift_right_logical3A_650 : vector<16xi32>
    %bitcast3A_654 = vector.bitcast %sub3A_653 : vector<16xi32> to vector<16xf32>
    %mul3A_655 = arith.constant 5.000000e-01 : f32
    %mul3A_656 = vector.broadcast %mul3A_655 : f32 to vector<16xf32>
    %mul3A_657 = arith.mulf %mul3A_656, %add3A_646 : vector<16xf32>
    %mul3A_658 = arith.mulf %mul3A_657, %bitcast3A_654 : vector<16xf32>
    %mul3A_659 = arith.mulf %mul3A_658, %bitcast3A_654 : vector<16xf32>
    %sub3A_660 = arith.constant 1.500000e+00 : f32
    %sub3A_661 = vector.broadcast %sub3A_660 : f32 to vector<16xf32>
    %sub3A_662 = arith.subf %sub3A_661, %mul3A_659 : vector<16xf32>
    %mul3A_663 = arith.mulf %bitcast3A_654, %sub3A_662 : vector<16xf32>
    %mul3A_664 = arith.constant 5.000000e-01 : f32
    %mul3A_665 = vector.broadcast %mul3A_664 : f32 to vector<16xf32>
    %mul3A_666 = arith.mulf %mul3A_665, %add3A_646 : vector<16xf32>
    %mul3A_667 = arith.mulf %mul3A_666, %mul3A_663 : vector<16xf32>
    %mul3A_668 = arith.mulf %mul3A_667, %mul3A_663 : vector<16xf32>
    %sub3A_669 = arith.constant 1.500000e+00 : f32
    %sub3A_670 = vector.broadcast %sub3A_669 : f32 to vector<16xf32>
    %sub3A_671 = arith.subf %sub3A_670, %mul3A_668 : vector<16xf32>
    %mul3A_672 = arith.mulf %mul3A_663, %sub3A_671 : vector<16xf32>
    %mul3A_673 = arith.constant 5.000000e-01 : f32
    %mul3A_674 = vector.broadcast %mul3A_673 : f32 to vector<16xf32>
    %mul3A_675 = arith.mulf %mul3A_674, %add3A_646 : vector<16xf32>
    %mul3A_676 = arith.mulf %mul3A_675, %mul3A_672 : vector<16xf32>
    %mul3A_677 = arith.mulf %mul3A_676, %mul3A_672 : vector<16xf32>
    %sub3A_678 = arith.constant 1.500000e+00 : f32
    %sub3A_679 = vector.broadcast %sub3A_678 : f32 to vector<16xf32>
    %sub3A_680 = arith.subf %sub3A_679, %mul3A_677 : vector<16xf32>
    %mul3A_681 = arith.mulf %mul3A_672, %sub3A_680 : vector<16xf32>
    %swap3A_682 = arith.constant 160 : index
    %swap3A_683 = tpu.vector_load %arg6[%swap3A_682] {strides = array<i32>} : memref<640xf32, #tpu.memory_space<vmem>>, vector<16xf32>,
    tpu.vector_store %arg6[%swap3A_682], %mul3A_681 {strides = array<i32>} : memref<640xf32, #tpu.memory_space<vmem>>, vector<16xf32>,
    %get3A_684 = arith.constant 176 : index
    %get3A_685 = tpu.vector_load %arg6[%get3A_684] {strides = array<i32>} : memref<640xf32, #tpu.memory_space<vmem>>, vector<16xf32>,
    %add3A_686 = arith.constant 1.000000e+00 : f32
    %add3A_687 = vector.broadcast %add3A_686 : f32 to vector<16xf32>
    %add3A_688 = arith.addf %get3A_685, %add3A_687 : vector<16xf32>
    %bitcast3A_689 = vector.bitcast %add3A_688 : vector<16xf32> to vector<16xi32>
    %shift_right_logical3A_690 = arith.constant 1 : i32
    %shift_right_logical3A_691 = vector.broadcast %shift_right_logical3A_690 : i32 to vector<16xi32>
    %shift_right_logical3A_692 = arith.shrui %bitcast3A_689, %shift_right_logical3A_691 : vector<16xi32>
    %sub3A_693 = arith.constant 1597463007 : i32
    %sub3A_694 = vector.broadcast %sub3A_693 : i32 to vector<16xi32>
    %sub3A_695 = arith.subi %sub3A_694, %shift_right_logical3A_692 : vector<16xi32>
    %bitcast3A_696 = vector.bitcast %sub3A_695 : vector<16xi32> to vector<16xf32>
    %mul3A_697 = arith.constant 5.000000e-01 : f32
    %mul3A_698 = vector.broadcast %mul3A_697 : f32 to vector<16xf32>
    %mul3A_699 = arith.mulf %mul3A_698, %add3A_688 : vector<16xf32>
    %mul3A_700 = arith.mulf %mul3A_699, %bitcast3A_696 : vector<16xf32>
    %mul3A_701 = arith.mulf %mul3A_700, %bitcast3A_696 : vector<16xf32>
    %sub3A_702 = arith.constant 1.500000e+00 : f32
    %sub3A_703 = vector.broadcast %sub3A_702 : f32 to vector<16xf32>
    %sub3A_704 = arith.subf %sub3A_703, %mul3A_701 : vector<16xf32>
    %mul3A_705 = arith.mulf %bitcast3A_696, %sub3A_704 : vector<16xf32>
    %mul3A_706 = arith.constant 5.000000e-01 : f32
    %mul3A_707 = vector.broadcast %mul3A_706 : f32 to vector<16xf32>
    %mul3A_708 = arith.mulf %mul3A_707, %add3A_688 : vector<16xf32>
    %mul3A_709 = arith.mulf %mul3A_708, %mul3A_705 : vector<16xf32>
    %mul3A_710 = arith.mulf %mul3A_709, %mul3A_705 : vector<16xf32>
    %sub3A_711 = arith.constant 1.500000e+00 : f32
    %sub3A_712 = vector.broadcast %sub3A_711 : f32 to vector<16xf32>
    %sub3A_713 = arith.subf %sub3A_712, %mul3A_710 : vector<16xf32>
    %mul3A_714 = arith.mulf %mul3A_705, %sub3A_713 : vector<16xf32>
    %mul3A_715 = arith.constant 5.000000e-01 : f32
    %mul3A_716 = vector.broadcast %mul3A_715 : f32 to vector<16xf32>
    %mul3A_717 = arith.mulf %mul3A_716, %add3A_688 : vector<16xf32>
    %mul3A_718 = arith.mulf %mul3A_717, %mul3A_714 : vector<16xf32>
    %mul3A_719 = arith.mulf %mul3A_718, %mul3A_714 : vector<16xf32>
    %sub3A_720 = arith.constant 1.500000e+00 : f32
    %sub3A_721 = vector.broadcast %sub3A_720 : f32 to vector<16xf32>
    %sub3A_722 = arith.subf %sub3A_721, %mul3A_719 : vector<16xf32>
    %mul3A_723 = arith.mulf %mul3A_714, %sub3A_722 : vector<16xf32>
    %swap3A_724 = arith.constant 176 : index
    %swap3A_725 = tpu.vector_load %arg6[%swap3A_724] {strides = array<i32>} : memref<640xf32, #tpu.memory_space<vmem>>, vector<16xf32>,
    tpu.vector_store %arg6[%swap3A_724], %mul3A_723 {strides = array<i32>} : memref<640xf32, #tpu.memory_space<vmem>>, vector<16xf32>,
    %get3A_726 = arith.constant 192 : index
    %get3A_727 = tpu.vector_load %arg6[%get3A_726] {strides = array<i32>} : memref<640xf32, #tpu.memory_space<vmem>>, vector<16xf32>,
    %add3A_728 = arith.constant 1.000000e+00 : f32
    %add3A_729 = vector.broadcast %add3A_728 : f32 to vector<16xf32>
    %add3A_730 = arith.addf %get3A_727, %add3A_729 : vector<16xf32>
    %bitcast3A_731 = vector.bitcast %add3A_730 : vector<16xf32> to vector<16xi32>
    %shift_right_logical3A_732 = arith.constant 1 : i32
    %shift_right_logical3A_733 = vector.broadcast %shift_right_logical3A_732 : i32 to vector<16xi32>
    %shift_right_logical3A_734 = arith.shrui %bitcast3A_731, %shift_right_logical3A_733 : vector<16xi32>
    %sub3A_735 = arith.constant 1597463007 : i32
    %sub3A_736 = vector.broadcast %sub3A_735 : i32 to vector<16xi32>
    %sub3A_737 = arith.subi %sub3A_736, %shift_right_logical3A_734 : vector<16xi32>
    %bitcast3A_738 = vector.bitcast %sub3A_737 : vector<16xi32> to vector<16xf32>
    %mul3A_739 = arith.constant 5.000000e-01 : f32
    %mul3A_740 = vector.broadcast %mul3A_739 : f32 to vector<16xf32>
    %mul3A_741 = arith.mulf %mul3A_740, %add3A_730 : vector<16xf32>
    %mul3A_742 = arith.mulf %mul3A_741, %bitcast3A_738 : vector<16xf32>
    %mul3A_743 = arith.mulf %mul3A_742, %bitcast3A_738 : vector<16xf32>
    %sub3A_744 = arith.constant 1.500000e+00 : f32
    %sub3A_745 = vector.broadcast %sub3A_744 : f32 to vector<16xf32>
    %sub3A_746 = arith.subf %sub3A_745, %mul3A_743 : vector<16xf32>
    %mul3A_747 = arith.mulf %bitcast3A_738, %sub3A_746 : vector<16xf32>
    %mul3A_748 = arith.constant 5.000000e-01 : f32
    %mul3A_749 = vector.broadcast %mul3A_748 : f32 to vector<16xf32>
    %mul3A_750 = arith.mulf %mul3A_749, %add3A_730 : vector<16xf32>
    %mul3A_751 = arith.mulf %mul3A_750, %mul3A_747 : vector<16xf32>
    %mul3A_752 = arith.mulf %mul3A_751, %mul3A_747 : vector<16xf32>
    %sub3A_753 = arith.constant 1.500000e+00 : f32
    %sub3A_754 = vector.broadcast %sub3A_753 : f32 to vector<16xf32>
    %sub3A_755 = arith.subf %sub3A_754, %mul3A_752 : vector<16xf32>
    %mul3A_756 = arith.mulf %mul3A_747, %sub3A_755 : vector<16xf32>
    %mul3A_757 = arith.constant 5.000000e-01 : f32
    %mul3A_758 = vector.broadcast %mul3A_757 : f32 to vector<16xf32>
    %mul3A_759 = arith.mulf %mul3A_758, %add3A_730 : vector<16xf32>
    %mul3A_760 = arith.mulf %mul3A_759, %mul3A_756 : vector<16xf32>
    %mul3A_761 = arith.mulf %mul3A_760, %mul3A_756 : vector<16xf32>
    %sub3A_762 = arith.constant 1.500000e+00 : f32
    %sub3A_763 = vector.broadcast %sub3A_762 : f32 to vector<16xf32>
    %sub3A_764 = arith.subf %sub3A_763, %mul3A_761 : vector<16xf32>
    %mul3A_765 = arith.mulf %mul3A_756, %sub3A_764 : vector<16xf32>
    %swap3A_766 = arith.constant 192 : index
    %swap3A_767 = tpu.vector_load %arg6[%swap3A_766] {strides = array<i32>} : memref<640xf32, #tpu.memory_space<vmem>>, vector<16xf32>,
    tpu.vector_store %arg6[%swap3A_766], %mul3A_765 {strides = array<i32>} : memref<640xf32, #tpu.memory_space<vmem>>, vector<16xf32>,
    %get3A_768 = arith.constant 208 : index
    %get3A_769 = tpu.vector_load %arg6[%get3A_768] {strides = array<i32>} : memref<640xf32, #tpu.memory_space<vmem>>, vector<16xf32>,
    %add3A_770 = arith.constant 1.000000e+00 : f32
    %add3A_771 = vector.broadcast %add3A_770 : f32 to vector<16xf32>
    %add3A_772 = arith.addf %get3A_769, %add3A_771 : vector<16xf32>
    %bitcast3A_773 = vector.bitcast %add3A_772 : vector<16xf32> to vector<16xi32>
    %shift_right_logical3A_774 = arith.constant 1 : i32
    %shift_right_logical3A_775 = vector.broadcast %shift_right_logical3A_774 : i32 to vector<16xi32>
    %shift_right_logical3A_776 = arith.shrui %bitcast3A_773, %shift_right_logical3A_775 : vector<16xi32>
    %sub3A_777 = arith.constant 1597463007 : i32
    %sub3A_778 = vector.broadcast %sub3A_777 : i32 to vector<16xi32>
    %sub3A_779 = arith.subi %sub3A_778, %shift_right_logical3A_776 : vector<16xi32>
    %bitcast3A_780 = vector.bitcast %sub3A_779 : vector<16xi32> to vector<16xf32>
    %mul3A_781 = arith.constant 5.000000e-01 : f32
    %mul3A_782 = vector.broadcast %mul3A_781 : f32 to vector<16xf32>
    %mul3A_783 = arith.mulf %mul3A_782, %add3A_772 : vector<16xf32>
    %mul3A_784 = arith.mulf %mul3A_783, %bitcast3A_780 : vector<16xf32>
    %mul3A_785 = arith.mulf %mul3A_784, %bitcast3A_780 : vector<16xf32>
    %sub3A_786 = arith.constant 1.500000e+00 : f32
    %sub3A_787 = vector.broadcast %sub3A_786 : f32 to vector<16xf32>
    %sub3A_788 = arith.subf %sub3A_787, %mul3A_785 : vector<16xf32>
    %mul3A_789 = arith.mulf %bitcast3A_780, %sub3A_788 : vector<16xf32>
    %mul3A_790 = arith.constant 5.000000e-01 : f32
    %mul3A_791 = vector.broadcast %mul3A_790 : f32 to vector<16xf32>
    %mul3A_792 = arith.mulf %mul3A_791, %add3A_772 : vector<16xf32>
    %mul3A_793 = arith.mulf %mul3A_792, %mul3A_789 : vector<16xf32>
    %mul3A_794 = arith.mulf %mul3A_793, %mul3A_789 : vector<16xf32>
    %sub3A_795 = arith.constant 1.500000e+00 : f32
    %sub3A_796 = vector.broadcast %sub3A_795 : f32 to vector<16xf32>
    %sub3A_797 = arith.subf %sub3A_796, %mul3A_794 : vector<16xf32>
    %mul3A_798 = arith.mulf %mul3A_789, %sub3A_797 : vector<16xf32>
    %mul3A_799 = arith.constant 5.000000e-01 : f32
    %mul3A_800 = vector.broadcast %mul3A_799 : f32 to vector<16xf32>
    %mul3A_801 = arith.mulf %mul3A_800, %add3A_772 : vector<16xf32>
    %mul3A_802 = arith.mulf %mul3A_801, %mul3A_798 : vector<16xf32>
    %mul3A_803 = arith.mulf %mul3A_802, %mul3A_798 : vector<16xf32>
    %sub3A_804 = arith.constant 1.500000e+00 : f32
    %sub3A_805 = vector.broadcast %sub3A_804 : f32 to vector<16xf32>
    %sub3A_806 = arith.subf %sub3A_805, %mul3A_803 : vector<16xf32>
    %mul3A_807 = arith.mulf %mul3A_798, %sub3A_806 : vector<16xf32>
    %swap3A_808 = arith.constant 208 : index
    %swap3A_809 = tpu.vector_load %arg6[%swap3A_808] {strides = array<i32>} : memref<640xf32, #tpu.memory_space<vmem>>, vector<16xf32>,
    tpu.vector_store %arg6[%swap3A_808], %mul3A_807 {strides = array<i32>} : memref<640xf32, #tpu.memory_space<vmem>>, vector<16xf32>,
    %get3A_810 = arith.constant 224 : index
    %get3A_811 = tpu.vector_load %arg6[%get3A_810] {strides = array<i32>} : memref<640xf32, #tpu.memory_space<vmem>>, vector<16xf32>,
    %add3A_812 = arith.constant 1.000000e+00 : f32
    %add3A_813 = vector.broadcast %add3A_812 : f32 to vector<16xf32>
    %add3A_814 = arith.addf %get3A_811, %add3A_813 : vector<16xf32>
    %bitcast3A_815 = vector.bitcast %add3A_814 : vector<16xf32> to vector<16xi32>
    %shift_right_logical3A_816 = arith.constant 1 : i32
    %shift_right_logical3A_817 = vector.broadcast %shift_right_logical3A_816 : i32 to vector<16xi32>
    %shift_right_logical3A_818 = arith.shrui %bitcast3A_815, %shift_right_logical3A_817 : vector<16xi32>
    %sub3A_819 = arith.constant 1597463007 : i32
    %sub3A_820 = vector.broadcast %sub3A_819 : i32 to vector<16xi32>
    %sub3A_821 = arith.subi %sub3A_820, %shift_right_logical3A_818 : vector<16xi32>
    %bitcast3A_822 = vector.bitcast %sub3A_821 : vector<16xi32> to vector<16xf32>
    %mul3A_823 = arith.constant 5.000000e-01 : f32
    %mul3A_824 = vector.broadcast %mul3A_823 : f32 to vector<16xf32>
    %mul3A_825 = arith.mulf %mul3A_824, %add3A_814 : vector<16xf32>
    %mul3A_826 = arith.mulf %mul3A_825, %bitcast3A_822 : vector<16xf32>
    %mul3A_827 = arith.mulf %mul3A_826, %bitcast3A_822 : vector<16xf32>
    %sub3A_828 = arith.constant 1.500000e+00 : f32
    %sub3A_829 = vector.broadcast %sub3A_828 : f32 to vector<16xf32>
    %sub3A_830 = arith.subf %sub3A_829, %mul3A_827 : vector<16xf32>
    %mul3A_831 = arith.mulf %bitcast3A_822, %sub3A_830 : vector<16xf32>
    %mul3A_832 = arith.constant 5.000000e-01 : f32
    %mul3A_833 = vector.broadcast %mul3A_832 : f32 to vector<16xf32>
    %mul3A_834 = arith.mulf %mul3A_833, %add3A_814 : vector<16xf32>
    %mul3A_835 = arith.mulf %mul3A_834, %mul3A_831 : vector<16xf32>
    %mul3A_836 = arith.mulf %mul3A_835, %mul3A_831 : vector<16xf32>
    %sub3A_837 = arith.constant 1.500000e+00 : f32
    %sub3A_838 = vector.broadcast %sub3A_837 : f32 to vector<16xf32>
    %sub3A_839 = arith.subf %sub3A_838, %mul3A_836 : vector<16xf32>
    %mul3A_840 = arith.mulf %mul3A_831, %sub3A_839 : vector<16xf32>
    %mul3A_841 = arith.constant 5.000000e-01 : f32
    %mul3A_842 = vector.broadcast %mul3A_841 : f32 to vector<16xf32>
    %mul3A_843 = arith.mulf %mul3A_842, %add3A_814 : vector<16xf32>
    %mul3A_844 = arith.mulf %mul3A_843, %mul3A_840 : vector<16xf32>
    %mul3A_845 = arith.mulf %mul3A_844, %mul3A_840 : vector<16xf32>
    %sub3A_846 = arith.constant 1.500000e+00 : f32
    %sub3A_847 = vector.broadcast %sub3A_846 : f32 to vector<16xf32>
    %sub3A_848 = arith.subf %sub3A_847, %mul3A_845 : vector<16xf32>
    %mul3A_849 = arith.mulf %mul3A_840, %sub3A_848 : vector<16xf32>
    %swap3A_850 = arith.constant 224 : index
    %swap3A_851 = tpu.vector_load %arg6[%swap3A_850] {strides = array<i32>} : memref<640xf32, #tpu.memory_space<vmem>>, vector<16xf32>,
    tpu.vector_store %arg6[%swap3A_850], %mul3A_849 {strides = array<i32>} : memref<640xf32, #tpu.memory_space<vmem>>, vector<16xf32>,
    %get3A_852 = arith.constant 240 : index
    %get3A_853 = tpu.vector_load %arg6[%get3A_852] {strides = array<i32>} : memref<640xf32, #tpu.memory_space<vmem>>, vector<16xf32>,
    %add3A_854 = arith.constant 1.000000e+00 : f32
    %add3A_855 = vector.broadcast %add3A_854 : f32 to vector<16xf32>
    %add3A_856 = arith.addf %get3A_853, %add3A_855 : vector<16xf32>
    %bitcast3A_857 = vector.bitcast %add3A_856 : vector<16xf32> to vector<16xi32>
    %shift_right_logical3A_858 = arith.constant 1 : i32
    %shift_right_logical3A_859 = vector.broadcast %shift_right_logical3A_858 : i32 to vector<16xi32>
    %shift_right_logical3A_860 = arith.shrui %bitcast3A_857, %shift_right_logical3A_859 : vector<16xi32>
    %sub3A_861 = arith.constant 1597463007 : i32
    %sub3A_862 = vector.broadcast %sub3A_861 : i32 to vector<16xi32>
    %sub3A_863 = arith.subi %sub3A_862, %shift_right_logical3A_860 : vector<16xi32>
    %bitcast3A_864 = vector.bitcast %sub3A_863 : vector<16xi32> to vector<16xf32>
    %mul3A_865 = arith.constant 5.000000e-01 : f32
    %mul3A_866 = vector.broadcast %mul3A_865 : f32 to vector<16xf32>
    %mul3A_867 = arith.mulf %mul3A_866, %add3A_856 : vector<16xf32>
    %mul3A_868 = arith.mulf %mul3A_867, %bitcast3A_864 : vector<16xf32>
    %mul3A_869 = arith.mulf %mul3A_868, %bitcast3A_864 : vector<16xf32>
    %sub3A_870 = arith.constant 1.500000e+00 : f32
    %sub3A_871 = vector.broadcast %sub3A_870 : f32 to vector<16xf32>
    %sub3A_872 = arith.subf %sub3A_871, %mul3A_869 : vector<16xf32>
    %mul3A_873 = arith.mulf %bitcast3A_864, %sub3A_872 : vector<16xf32>
    %mul3A_874 = arith.constant 5.000000e-01 : f32
    %mul3A_875 = vector.broadcast %mul3A_874 : f32 to vector<16xf32>
    %mul3A_876 = arith.mulf %mul3A_875, %add3A_856 : vector<16xf32>
    %mul3A_877 = arith.mulf %mul3A_876, %mul3A_873 : vector<16xf32>
    %mul3A_878 = arith.mulf %mul3A_877, %mul3A_873 : vector<16xf32>
    %sub3A_879 = arith.constant 1.500000e+00 : f32
    %sub3A_880 = vector.broadcast %sub3A_879 : f32 to vector<16xf32>
    %sub3A_881 = arith.subf %sub3A_880, %mul3A_878 : vector<16xf32>
    %mul3A_882 = arith.mulf %mul3A_873, %sub3A_881 : vector<16xf32>
    %mul3A_883 = arith.constant 5.000000e-01 : f32
    %mul3A_884 = vector.broadcast %mul3A_883 : f32 to vector<16xf32>
    %mul3A_885 = arith.mulf %mul3A_884, %add3A_856 : vector<16xf32>
    %mul3A_886 = arith.mulf %mul3A_885, %mul3A_882 : vector<16xf32>
    %mul3A_887 = arith.mulf %mul3A_886, %mul3A_882 : vector<16xf32>
    %sub3A_888 = arith.constant 1.500000e+00 : f32
    %sub3A_889 = vector.broadcast %sub3A_888 : f32 to vector<16xf32>
    %sub3A_890 = arith.subf %sub3A_889, %mul3A_887 : vector<16xf32>
    %mul3A_891 = arith.mulf %mul3A_882, %sub3A_890 : vector<16xf32>
    %swap3A_892 = arith.constant 240 : index
    %swap3A_893 = tpu.vector_load %arg6[%swap3A_892] {strides = array<i32>} : memref<640xf32, #tpu.memory_space<vmem>>, vector<16xf32>,
    tpu.vector_store %arg6[%swap3A_892], %mul3A_891 {strides = array<i32>} : memref<640xf32, #tpu.memory_space<vmem>>, vector<16xf32>,
    %get3A_894 = arith.constant 256 : index
    %get3A_895 = tpu.vector_load %arg6[%get3A_894] {strides = array<i32>} : memref<640xf32, #tpu.memory_space<vmem>>, vector<16xf32>,
    %add3A_896 = arith.constant 1.000000e+00 : f32
    %add3A_897 = vector.broadcast %add3A_896 : f32 to vector<16xf32>
    %add3A_898 = arith.addf %get3A_895, %add3A_897 : vector<16xf32>
    %bitcast3A_899 = vector.bitcast %add3A_898 : vector<16xf32> to vector<16xi32>
    %shift_right_logical3A_900 = arith.constant 1 : i32
    %shift_right_logical3A_901 = vector.broadcast %shift_right_logical3A_900 : i32 to vector<16xi32>
    %shift_right_logical3A_902 = arith.shrui %bitcast3A_899, %shift_right_logical3A_901 : vector<16xi32>
    %sub3A_903 = arith.constant 1597463007 : i32
    %sub3A_904 = vector.broadcast %sub3A_903 : i32 to vector<16xi32>
    %sub3A_905 = arith.subi %sub3A_904, %shift_right_logical3A_902 : vector<16xi32>
    %bitcast3A_906 = vector.bitcast %sub3A_905 : vector<16xi32> to vector<16xf32>
    %mul3A_907 = arith.constant 5.000000e-01 : f32
    %mul3A_908 = vector.broadcast %mul3A_907 : f32 to vector<16xf32>
    %mul3A_909 = arith.mulf %mul3A_908, %add3A_898 : vector<16xf32>
    %mul3A_910 = arith.mulf %mul3A_909, %bitcast3A_906 : vector<16xf32>
    %mul3A_911 = arith.mulf %mul3A_910, %bitcast3A_906 : vector<16xf32>
    %sub3A_912 = arith.constant 1.500000e+00 : f32
    %sub3A_913 = vector.broadcast %sub3A_912 : f32 to vector<16xf32>
    %sub3A_914 = arith.subf %sub3A_913, %mul3A_911 : vector<16xf32>
    %mul3A_915 = arith.mulf %bitcast3A_906, %sub3A_914 : vector<16xf32>
    %mul3A_916 = arith.constant 5.000000e-01 : f32
    %mul3A_917 = vector.broadcast %mul3A_916 : f32 to vector<16xf32>
    %mul3A_918 = arith.mulf %mul3A_917, %add3A_898 : vector<16xf32>
    %mul3A_919 = arith.mulf %mul3A_918, %mul3A_915 : vector<16xf32>
    %mul3A_920 = arith.mulf %mul3A_919, %mul3A_915 : vector<16xf32>
    %sub3A_921 = arith.constant 1.500000e+00 : f32
    %sub3A_922 = vector.broadcast %sub3A_921 : f32 to vector<16xf32>
    %sub3A_923 = arith.subf %sub3A_922, %mul3A_920 : vector<16xf32>
    %mul3A_924 = arith.mulf %mul3A_915, %sub3A_923 : vector<16xf32>
    %mul3A_925 = arith.constant 5.000000e-01 : f32
    %mul3A_926 = vector.broadcast %mul3A_925 : f32 to vector<16xf32>
    %mul3A_927 = arith.mulf %mul3A_926, %add3A_898 : vector<16xf32>
    %mul3A_928 = arith.mulf %mul3A_927, %mul3A_924 : vector<16xf32>
    %mul3A_929 = arith.mulf %mul3A_928, %mul3A_924 : vector<16xf32>
    %sub3A_930 = arith.constant 1.500000e+00 : f32
    %sub3A_931 = vector.broadcast %sub3A_930 : f32 to vector<16xf32>
    %sub3A_932 = arith.subf %sub3A_931, %mul3A_929 : vector<16xf32>
    %mul3A_933 = arith.mulf %mul3A_924, %sub3A_932 : vector<16xf32>
    %swap3A_934 = arith.constant 256 : index
    %swap3A_935 = tpu.vector_load %arg6[%swap3A_934] {strides = array<i32>} : memref<640xf32, #tpu.memory_space<vmem>>, vector<16xf32>,
    tpu.vector_store %arg6[%swap3A_934], %mul3A_933 {strides = array<i32>} : memref<640xf32, #tpu.memory_space<vmem>>, vector<16xf32>,
    %get3A_936 = arith.constant 272 : index
    %get3A_937 = tpu.vector_load %arg6[%get3A_936] {strides = array<i32>} : memref<640xf32, #tpu.memory_space<vmem>>, vector<16xf32>,
    %add3A_938 = arith.constant 1.000000e+00 : f32
    %add3A_939 = vector.broadcast %add3A_938 : f32 to vector<16xf32>
    %add3A_940 = arith.addf %get3A_937, %add3A_939 : vector<16xf32>
    %bitcast3A_941 = vector.bitcast %add3A_940 : vector<16xf32> to vector<16xi32>
    %shift_right_logical3A_942 = arith.constant 1 : i32
    %shift_right_logical3A_943 = vector.broadcast %shift_right_logical3A_942 : i32 to vector<16xi32>
    %shift_right_logical3A_944 = arith.shrui %bitcast3A_941, %shift_right_logical3A_943 : vector<16xi32>
    %sub3A_945 = arith.constant 1597463007 : i32
    %sub3A_946 = vector.broadcast %sub3A_945 : i32 to vector<16xi32>
    %sub3A_947 = arith.subi %sub3A_946, %shift_right_logical3A_944 : vector<16xi32>
    %bitcast3A_948 = vector.bitcast %sub3A_947 : vector<16xi32> to vector<16xf32>
    %mul3A_949 = arith.constant 5.000000e-01 : f32
    %mul3A_950 = vector.broadcast %mul3A_949 : f32 to vector<16xf32>
    %mul3A_951 = arith.mulf %mul3A_950, %add3A_940 : vector<16xf32>
    %mul3A_952 = arith.mulf %mul3A_951, %bitcast3A_948 : vector<16xf32>
    %mul3A_953 = arith.mulf %mul3A_952, %bitcast3A_948 : vector<16xf32>
    %sub3A_954 = arith.constant 1.500000e+00 : f32
    %sub3A_955 = vector.broadcast %sub3A_954 : f32 to vector<16xf32>
    %sub3A_956 = arith.subf %sub3A_955, %mul3A_953 : vector<16xf32>
    %mul3A_957 = arith.mulf %bitcast3A_948, %sub3A_956 : vector<16xf32>
    %mul3A_958 = arith.constant 5.000000e-01 : f32
    %mul3A_959 = vector.broadcast %mul3A_958 : f32 to vector<16xf32>
    %mul3A_960 = arith.mulf %mul3A_959, %add3A_940 : vector<16xf32>
    %mul3A_961 = arith.mulf %mul3A_960, %mul3A_957 : vector<16xf32>
    %mul3A_962 = arith.mulf %mul3A_961, %mul3A_957 : vector<16xf32>
    %sub3A_963 = arith.constant 1.500000e+00 : f32
    %sub3A_964 = vector.broadcast %sub3A_963 : f32 to vector<16xf32>
    %sub3A_965 = arith.subf %sub3A_964, %mul3A_962 : vector<16xf32>
    %mul3A_966 = arith.mulf %mul3A_957, %sub3A_965 : vector<16xf32>
    %mul3A_967 = arith.constant 5.000000e-01 : f32
    %mul3A_968 = vector.broadcast %mul3A_967 : f32 to vector<16xf32>
    %mul3A_969 = arith.mulf %mul3A_968, %add3A_940 : vector<16xf32>
    %mul3A_970 = arith.mulf %mul3A_969, %mul3A_966 : vector<16xf32>
    %mul3A_971 = arith.mulf %mul3A_970, %mul3A_966 : vector<16xf32>
    %sub3A_972 = arith.constant 1.500000e+00 : f32
    %sub3A_973 = vector.broadcast %sub3A_972 : f32 to vector<16xf32>
    %sub3A_974 = arith.subf %sub3A_973, %mul3A_971 : vector<16xf32>
    %mul3A_975 = arith.mulf %mul3A_966, %sub3A_974 : vector<16xf32>
    %swap3A_976 = arith.constant 272 : index
    %swap3A_977 = tpu.vector_load %arg6[%swap3A_976] {strides = array<i32>} : memref<640xf32, #tpu.memory_space<vmem>>, vector<16xf32>,
    tpu.vector_store %arg6[%swap3A_976], %mul3A_975 {strides = array<i32>} : memref<640xf32, #tpu.memory_space<vmem>>, vector<16xf32>,
    %get3A_978 = arith.constant 288 : index
    %get3A_979 = tpu.vector_load %arg6[%get3A_978] {strides = array<i32>} : memref<640xf32, #tpu.memory_space<vmem>>, vector<16xf32>,
    %add3A_980 = arith.constant 1.000000e+00 : f32
    %add3A_981 = vector.broadcast %add3A_980 : f32 to vector<16xf32>
    %add3A_982 = arith.addf %get3A_979, %add3A_981 : vector<16xf32>
    %bitcast3A_983 = vector.bitcast %add3A_982 : vector<16xf32> to vector<16xi32>
    %shift_right_logical3A_984 = arith.constant 1 : i32
    %shift_right_logical3A_985 = vector.broadcast %shift_right_logical3A_984 : i32 to vector<16xi32>
    %shift_right_logical3A_986 = arith.shrui %bitcast3A_983, %shift_right_logical3A_985 : vector<16xi32>
    %sub3A_987 = arith.constant 1597463007 : i32
    %sub3A_988 = vector.broadcast %sub3A_987 : i32 to vector<16xi32>
    %sub3A_989 = arith.subi %sub3A_988, %shift_right_logical3A_986 : vector<16xi32>
    %bitcast3A_990 = vector.bitcast %sub3A_989 : vector<16xi32> to vector<16xf32>
    %mul3A_991 = arith.constant 5.000000e-01 : f32
    %mul3A_992 = vector.broadcast %mul3A_991 : f32 to vector<16xf32>
    %mul3A_993 = arith.mulf %mul3A_992, %add3A_982 : vector<16xf32>
    %mul3A_994 = arith.mulf %mul3A_993, %bitcast3A_990 : vector<16xf32>
    %mul3A_995 = arith.mulf %mul3A_994, %bitcast3A_990 : vector<16xf32>
    %sub3A_996 = arith.constant 1.500000e+00 : f32
    %sub3A_997 = vector.broadcast %sub3A_996 : f32 to vector<16xf32>
    %sub3A_998 = arith.subf %sub3A_997, %mul3A_995 : vector<16xf32>
    %mul3A_999 = arith.mulf %bitcast3A_990, %sub3A_998 : vector<16xf32>
    %mul3A_1000 = arith.constant 5.000000e-01 : f32
    %mul3A_1001 = vector.broadcast %mul3A_1000 : f32 to vector<16xf32>
    %mul3A_1002 = arith.mulf %mul3A_1001, %add3A_982 : vector<16xf32>
    %mul3A_1003 = arith.mulf %mul3A_1002, %mul3A_999 : vector<16xf32>
    %mul3A_1004 = arith.mulf %mul3A_1003, %mul3A_999 : vector<16xf32>
    %sub3A_1005 = arith.constant 1.500000e+00 : f32
    %sub3A_1006 = vector.broadcast %sub3A_1005 : f32 to vector<16xf32>
    %sub3A_1007 = arith.subf %sub3A_1006, %mul3A_1004 : vector<16xf32>
    %mul3A_1008 = arith.mulf %mul3A_999, %sub3A_1007 : vector<16xf32>
    %mul3A_1009 = arith.constant 5.000000e-01 : f32
    %mul3A_1010 = vector.broadcast %mul3A_1009 : f32 to vector<16xf32>
    %mul3A_1011 = arith.mulf %mul3A_1010, %add3A_982 : vector<16xf32>
    %mul3A_1012 = arith.mulf %mul3A_1011, %mul3A_1008 : vector<16xf32>
    %mul3A_1013 = arith.mulf %mul3A_1012, %mul3A_1008 : vector<16xf32>
    %sub3A_1014 = arith.constant 1.500000e+00 : f32
    %sub3A_1015 = vector.broadcast %sub3A_1014 : f32 to vector<16xf32>
    %sub3A_1016 = arith.subf %sub3A_1015, %mul3A_1013 : vector<16xf32>
    %mul3A_1017 = arith.mulf %mul3A_1008, %sub3A_1016 : vector<16xf32>
    %swap3A_1018 = arith.constant 288 : index
    %swap3A_1019 = tpu.vector_load %arg6[%swap3A_1018] {strides = array<i32>} : memref<640xf32, #tpu.memory_space<vmem>>, vector<16xf32>,
    tpu.vector_store %arg6[%swap3A_1018], %mul3A_1017 {strides = array<i32>} : memref<640xf32, #tpu.memory_space<vmem>>, vector<16xf32>,
    %get3A_1020 = arith.constant 304 : index
    %get3A_1021 = tpu.vector_load %arg6[%get3A_1020] {strides = array<i32>} : memref<640xf32, #tpu.memory_space<vmem>>, vector<16xf32>,
    %add3A_1022 = arith.constant 1.000000e+00 : f32
    %add3A_1023 = vector.broadcast %add3A_1022 : f32 to vector<16xf32>
    %add3A_1024 = arith.addf %get3A_1021, %add3A_1023 : vector<16xf32>
    %bitcast3A_1025 = vector.bitcast %add3A_1024 : vector<16xf32> to vector<16xi32>
    %shift_right_logical3A_1026 = arith.constant 1 : i32
    %shift_right_logical3A_1027 = vector.broadcast %shift_right_logical3A_1026 : i32 to vector<16xi32>
    %shift_right_logical3A_1028 = arith.shrui %bitcast3A_1025, %shift_right_logical3A_1027 : vector<16xi32>
    %sub3A_1029 = arith.constant 1597463007 : i32
    %sub3A_1030 = vector.broadcast %sub3A_1029 : i32 to vector<16xi32>
    %sub3A_1031 = arith.subi %sub3A_1030, %shift_right_logical3A_1028 : vector<16xi32>
    %bitcast3A_1032 = vector.bitcast %sub3A_1031 : vector<16xi32> to vector<16xf32>
    %mul3A_1033 = arith.constant 5.000000e-01 : f32
    %mul3A_1034 = vector.broadcast %mul3A_1033 : f32 to vector<16xf32>
    %mul3A_1035 = arith.mulf %mul3A_1034, %add3A_1024 : vector<16xf32>
    %mul3A_1036 = arith.mulf %mul3A_1035, %bitcast3A_1032 : vector<16xf32>
    %mul3A_1037 = arith.mulf %mul3A_1036, %bitcast3A_1032 : vector<16xf32>
    %sub3A_1038 = arith.constant 1.500000e+00 : f32
    %sub3A_1039 = vector.broadcast %sub3A_1038 : f32 to vector<16xf32>
    %sub3A_1040 = arith.subf %sub3A_1039, %mul3A_1037 : vector<16xf32>
    %mul3A_1041 = arith.mulf %bitcast3A_1032, %sub3A_1040 : vector<16xf32>
    %mul3A_1042 = arith.constant 5.000000e-01 : f32
    %mul3A_1043 = vector.broadcast %mul3A_1042 : f32 to vector<16xf32>
    %mul3A_1044 = arith.mulf %mul3A_1043, %add3A_1024 : vector<16xf32>
    %mul3A_1045 = arith.mulf %mul3A_1044, %mul3A_1041 : vector<16xf32>
    %mul3A_1046 = arith.mulf %mul3A_1045, %mul3A_1041 : vector<16xf32>
    %sub3A_1047 = arith.constant 1.500000e+00 : f32
    %sub3A_1048 = vector.broadcast %sub3A_1047 : f32 to vector<16xf32>
    %sub3A_1049 = arith.subf %sub3A_1048, %mul3A_1046 : vector<16xf32>
    %mul3A_1050 = arith.mulf %mul3A_1041, %sub3A_1049 : vector<16xf32>
    %mul3A_1051 = arith.constant 5.000000e-01 : f32
    %mul3A_1052 = vector.broadcast %mul3A_1051 : f32 to vector<16xf32>
    %mul3A_1053 = arith.mulf %mul3A_1052, %add3A_1024 : vector<16xf32>
    %mul3A_1054 = arith.mulf %mul3A_1053, %mul3A_1050 : vector<16xf32>
    %mul3A_1055 = arith.mulf %mul3A_1054, %mul3A_1050 : vector<16xf32>
    %sub3A_1056 = arith.constant 1.500000e+00 : f32
    %sub3A_1057 = vector.broadcast %sub3A_1056 : f32 to vector<16xf32>
    %sub3A_1058 = arith.subf %sub3A_1057, %mul3A_1055 : vector<16xf32>
    %mul3A_1059 = arith.mulf %mul3A_1050, %sub3A_1058 : vector<16xf32>
    %swap3A_1060 = arith.constant 304 : index
    %swap3A_1061 = tpu.vector_load %arg6[%swap3A_1060] {strides = array<i32>} : memref<640xf32, #tpu.memory_space<vmem>>, vector<16xf32>,
    tpu.vector_store %arg6[%swap3A_1060], %mul3A_1059 {strides = array<i32>} : memref<640xf32, #tpu.memory_space<vmem>>, vector<16xf32>,
    %get3A_1062 = arith.constant 320 : index
    %get3A_1063 = tpu.vector_load %arg6[%get3A_1062] {strides = array<i32>} : memref<640xf32, #tpu.memory_space<vmem>>, vector<16xf32>,
    %add3A_1064 = arith.constant 1.000000e+00 : f32
    %add3A_1065 = vector.broadcast %add3A_1064 : f32 to vector<16xf32>
    %add3A_1066 = arith.addf %get3A_1063, %add3A_1065 : vector<16xf32>
    %bitcast3A_1067 = vector.bitcast %add3A_1066 : vector<16xf32> to vector<16xi32>
    %shift_right_logical3A_1068 = arith.constant 1 : i32
    %shift_right_logical3A_1069 = vector.broadcast %shift_right_logical3A_1068 : i32 to vector<16xi32>
    %shift_right_logical3A_1070 = arith.shrui %bitcast3A_1067, %shift_right_logical3A_1069 : vector<16xi32>
    %sub3A_1071 = arith.constant 1597463007 : i32
    %sub3A_1072 = vector.broadcast %sub3A_1071 : i32 to vector<16xi32>
    %sub3A_1073 = arith.subi %sub3A_1072, %shift_right_logical3A_1070 : vector<16xi32>
    %bitcast3A_1074 = vector.bitcast %sub3A_1073 : vector<16xi32> to vector<16xf32>
    %mul3A_1075 = arith.constant 5.000000e-01 : f32
    %mul3A_1076 = vector.broadcast %mul3A_1075 : f32 to vector<16xf32>
    %mul3A_1077 = arith.mulf %mul3A_1076, %add3A_1066 : vector<16xf32>
    %mul3A_1078 = arith.mulf %mul3A_1077, %bitcast3A_1074 : vector<16xf32>
    %mul3A_1079 = arith.mulf %mul3A_1078, %bitcast3A_1074 : vector<16xf32>
    %sub3A_1080 = arith.constant 1.500000e+00 : f32
    %sub3A_1081 = vector.broadcast %sub3A_1080 : f32 to vector<16xf32>
    %sub3A_1082 = arith.subf %sub3A_1081, %mul3A_1079 : vector<16xf32>
    %mul3A_1083 = arith.mulf %bitcast3A_1074, %sub3A_1082 : vector<16xf32>
    %mul3A_1084 = arith.constant 5.000000e-01 : f32
    %mul3A_1085 = vector.broadcast %mul3A_1084 : f32 to vector<16xf32>
    %mul3A_1086 = arith.mulf %mul3A_1085, %add3A_1066 : vector<16xf32>
    %mul3A_1087 = arith.mulf %mul3A_1086, %mul3A_1083 : vector<16xf32>
    %mul3A_1088 = arith.mulf %mul3A_1087, %mul3A_1083 : vector<16xf32>
    %sub3A_1089 = arith.constant 1.500000e+00 : f32
    %sub3A_1090 = vector.broadcast %sub3A_1089 : f32 to vector<16xf32>
    %sub3A_1091 = arith.subf %sub3A_1090, %mul3A_1088 : vector<16xf32>
    %mul3A_1092 = arith.mulf %mul3A_1083, %sub3A_1091 : vector<16xf32>
    %mul3A_1093 = arith.constant 5.000000e-01 : f32
    %mul3A_1094 = vector.broadcast %mul3A_1093 : f32 to vector<16xf32>
    %mul3A_1095 = arith.mulf %mul3A_1094, %add3A_1066 : vector<16xf32>
    %mul3A_1096 = arith.mulf %mul3A_1095, %mul3A_1092 : vector<16xf32>
    %mul3A_1097 = arith.mulf %mul3A_1096, %mul3A_1092 : vector<16xf32>
    %sub3A_1098 = arith.constant 1.500000e+00 : f32
    %sub3A_1099 = vector.broadcast %sub3A_1098 : f32 to vector<16xf32>
    %sub3A_1100 = arith.subf %sub3A_1099, %mul3A_1097 : vector<16xf32>
    %mul3A_1101 = arith.mulf %mul3A_1092, %sub3A_1100 : vector<16xf32>
    %swap3A_1102 = arith.constant 320 : index
    %swap3A_1103 = tpu.vector_load %arg6[%swap3A_1102] {strides = array<i32>} : memref<640xf32, #tpu.memory_space<vmem>>, vector<16xf32>,
    tpu.vector_store %arg6[%swap3A_1102], %mul3A_1101 {strides = array<i32>} : memref<640xf32, #tpu.memory_space<vmem>>, vector<16xf32>,
    %get3A_1104 = arith.constant 336 : index
    %get3A_1105 = tpu.vector_load %arg6[%get3A_1104] {strides = array<i32>} : memref<640xf32, #tpu.memory_space<vmem>>, vector<16xf32>,
    %add3A_1106 = arith.constant 1.000000e+00 : f32
    %add3A_1107 = vector.broadcast %add3A_1106 : f32 to vector<16xf32>
    %add3A_1108 = arith.addf %get3A_1105, %add3A_1107 : vector<16xf32>
    %bitcast3A_1109 = vector.bitcast %add3A_1108 : vector<16xf32> to vector<16xi32>
    %shift_right_logical3A_1110 = arith.constant 1 : i32
    %shift_right_logical3A_1111 = vector.broadcast %shift_right_logical3A_1110 : i32 to vector<16xi32>
    %shift_right_logical3A_1112 = arith.shrui %bitcast3A_1109, %shift_right_logical3A_1111 : vector<16xi32>
    %sub3A_1113 = arith.constant 1597463007 : i32
    %sub3A_1114 = vector.broadcast %sub3A_1113 : i32 to vector<16xi32>
    %sub3A_1115 = arith.subi %sub3A_1114, %shift_right_logical3A_1112 : vector<16xi32>
    %bitcast3A_1116 = vector.bitcast %sub3A_1115 : vector<16xi32> to vector<16xf32>
    %mul3A_1117 = arith.constant 5.000000e-01 : f32
    %mul3A_1118 = vector.broadcast %mul3A_1117 : f32 to vector<16xf32>
    %mul3A_1119 = arith.mulf %mul3A_1118, %add3A_1108 : vector<16xf32>
    %mul3A_1120 = arith.mulf %mul3A_1119, %bitcast3A_1116 : vector<16xf32>
    %mul3A_1121 = arith.mulf %mul3A_1120, %bitcast3A_1116 : vector<16xf32>
    %sub3A_1122 = arith.constant 1.500000e+00 : f32
    %sub3A_1123 = vector.broadcast %sub3A_1122 : f32 to vector<16xf32>
    %sub3A_1124 = arith.subf %sub3A_1123, %mul3A_1121 : vector<16xf32>
    %mul3A_1125 = arith.mulf %bitcast3A_1116, %sub3A_1124 : vector<16xf32>
    %mul3A_1126 = arith.constant 5.000000e-01 : f32
    %mul3A_1127 = vector.broadcast %mul3A_1126 : f32 to vector<16xf32>
    %mul3A_1128 = arith.mulf %mul3A_1127, %add3A_1108 : vector<16xf32>
    %mul3A_1129 = arith.mulf %mul3A_1128, %mul3A_1125 : vector<16xf32>
    %mul3A_1130 = arith.mulf %mul3A_1129, %mul3A_1125 : vector<16xf32>
    %sub3A_1131 = arith.constant 1.500000e+00 : f32
    %sub3A_1132 = vector.broadcast %sub3A_1131 : f32 to vector<16xf32>
    %sub3A_1133 = arith.subf %sub3A_1132, %mul3A_1130 : vector<16xf32>
    %mul3A_1134 = arith.mulf %mul3A_1125, %sub3A_1133 : vector<16xf32>
    %mul3A_1135 = arith.constant 5.000000e-01 : f32
    %mul3A_1136 = vector.broadcast %mul3A_1135 : f32 to vector<16xf32>
    %mul3A_1137 = arith.mulf %mul3A_1136, %add3A_1108 : vector<16xf32>
    %mul3A_1138 = arith.mulf %mul3A_1137, %mul3A_1134 : vector<16xf32>
    %mul3A_1139 = arith.mulf %mul3A_1138, %mul3A_1134 : vector<16xf32>
    %sub3A_1140 = arith.constant 1.500000e+00 : f32
    %sub3A_1141 = vector.broadcast %sub3A_1140 : f32 to vector<16xf32>
    %sub3A_1142 = arith.subf %sub3A_1141, %mul3A_1139 : vector<16xf32>
    %mul3A_1143 = arith.mulf %mul3A_1134, %sub3A_1142 : vector<16xf32>
    %swap3A_1144 = arith.constant 336 : index
    %swap3A_1145 = tpu.vector_load %arg6[%swap3A_1144] {strides = array<i32>} : memref<640xf32, #tpu.memory_space<vmem>>, vector<16xf32>,
    tpu.vector_store %arg6[%swap3A_1144], %mul3A_1143 {strides = array<i32>} : memref<640xf32, #tpu.memory_space<vmem>>, vector<16xf32>,
    %get3A_1146 = arith.constant 352 : index
    %get3A_1147 = tpu.vector_load %arg6[%get3A_1146] {strides = array<i32>} : memref<640xf32, #tpu.memory_space<vmem>>, vector<16xf32>,
    %add3A_1148 = arith.constant 1.000000e+00 : f32
    %add3A_1149 = vector.broadcast %add3A_1148 : f32 to vector<16xf32>
    %add3A_1150 = arith.addf %get3A_1147, %add3A_1149 : vector<16xf32>
    %bitcast3A_1151 = vector.bitcast %add3A_1150 : vector<16xf32> to vector<16xi32>
    %shift_right_logical3A_1152 = arith.constant 1 : i32
    %shift_right_logical3A_1153 = vector.broadcast %shift_right_logical3A_1152 : i32 to vector<16xi32>
    %shift_right_logical3A_1154 = arith.shrui %bitcast3A_1151, %shift_right_logical3A_1153 : vector<16xi32>
    %sub3A_1155 = arith.constant 1597463007 : i32
    %sub3A_1156 = vector.broadcast %sub3A_1155 : i32 to vector<16xi32>
    %sub3A_1157 = arith.subi %sub3A_1156, %shift_right_logical3A_1154 : vector<16xi32>
    %bitcast3A_1158 = vector.bitcast %sub3A_1157 : vector<16xi32> to vector<16xf32>
    %mul3A_1159 = arith.constant 5.000000e-01 : f32
    %mul3A_1160 = vector.broadcast %mul3A_1159 : f32 to vector<16xf32>
    %mul3A_1161 = arith.mulf %mul3A_1160, %add3A_1150 : vector<16xf32>
    %mul3A_1162 = arith.mulf %mul3A_1161, %bitcast3A_1158 : vector<16xf32>
    %mul3A_1163 = arith.mulf %mul3A_1162, %bitcast3A_1158 : vector<16xf32>
    %sub3A_1164 = arith.constant 1.500000e+00 : f32
    %sub3A_1165 = vector.broadcast %sub3A_1164 : f32 to vector<16xf32>
    %sub3A_1166 = arith.subf %sub3A_1165, %mul3A_1163 : vector<16xf32>
    %mul3A_1167 = arith.mulf %bitcast3A_1158, %sub3A_1166 : vector<16xf32>
    %mul3A_1168 = arith.constant 5.000000e-01 : f32
    %mul3A_1169 = vector.broadcast %mul3A_1168 : f32 to vector<16xf32>
    %mul3A_1170 = arith.mulf %mul3A_1169, %add3A_1150 : vector<16xf32>
    %mul3A_1171 = arith.mulf %mul3A_1170, %mul3A_1167 : vector<16xf32>
    %mul3A_1172 = arith.mulf %mul3A_1171, %mul3A_1167 : vector<16xf32>
    %sub3A_1173 = arith.constant 1.500000e+00 : f32
    %sub3A_1174 = vector.broadcast %sub3A_1173 : f32 to vector<16xf32>
    %sub3A_1175 = arith.subf %sub3A_1174, %mul3A_1172 : vector<16xf32>
    %mul3A_1176 = arith.mulf %mul3A_1167, %sub3A_1175 : vector<16xf32>
    %mul3A_1177 = arith.constant 5.000000e-01 : f32
    %mul3A_1178 = vector.broadcast %mul3A_1177 : f32 to vector<16xf32>
    %mul3A_1179 = arith.mulf %mul3A_1178, %add3A_1150 : vector<16xf32>
    %mul3A_1180 = arith.mulf %mul3A_1179, %mul3A_1176 : vector<16xf32>
    %mul3A_1181 = arith.mulf %mul3A_1180, %mul3A_1176 : vector<16xf32>
    %sub3A_1182 = arith.constant 1.500000e+00 : f32
    %sub3A_1183 = vector.broadcast %sub3A_1182 : f32 to vector<16xf32>
    %sub3A_1184 = arith.subf %sub3A_1183, %mul3A_1181 : vector<16xf32>
    %mul3A_1185 = arith.mulf %mul3A_1176, %sub3A_1184 : vector<16xf32>
    %swap3A_1186 = arith.constant 352 : index
    %swap3A_1187 = tpu.vector_load %arg6[%swap3A_1186] {strides = array<i32>} : memref<640xf32, #tpu.memory_space<vmem>>, vector<16xf32>,
    tpu.vector_store %arg6[%swap3A_1186], %mul3A_1185 {strides = array<i32>} : memref<640xf32, #tpu.memory_space<vmem>>, vector<16xf32>,
    %get3A_1188 = arith.constant 368 : index
    %get3A_1189 = tpu.vector_load %arg6[%get3A_1188] {strides = array<i32>} : memref<640xf32, #tpu.memory_space<vmem>>, vector<16xf32>,
    %add3A_1190 = arith.constant 1.000000e+00 : f32
    %add3A_1191 = vector.broadcast %add3A_1190 : f32 to vector<16xf32>
    %add3A_1192 = arith.addf %get3A_1189, %add3A_1191 : vector<16xf32>
    %bitcast3A_1193 = vector.bitcast %add3A_1192 : vector<16xf32> to vector<16xi32>
    %shift_right_logical3A_1194 = arith.constant 1 : i32
    %shift_right_logical3A_1195 = vector.broadcast %shift_right_logical3A_1194 : i32 to vector<16xi32>
    %shift_right_logical3A_1196 = arith.shrui %bitcast3A_1193, %shift_right_logical3A_1195 : vector<16xi32>
    %sub3A_1197 = arith.constant 1597463007 : i32
    %sub3A_1198 = vector.broadcast %sub3A_1197 : i32 to vector<16xi32>
    %sub3A_1199 = arith.subi %sub3A_1198, %shift_right_logical3A_1196 : vector<16xi32>
    %bitcast3A_1200 = vector.bitcast %sub3A_1199 : vector<16xi32> to vector<16xf32>
    %mul3A_1201 = arith.constant 5.000000e-01 : f32
    %mul3A_1202 = vector.broadcast %mul3A_1201 : f32 to vector<16xf32>
    %mul3A_1203 = arith.mulf %mul3A_1202, %add3A_1192 : vector<16xf32>
    %mul3A_1204 = arith.mulf %mul3A_1203, %bitcast3A_1200 : vector<16xf32>
    %mul3A_1205 = arith.mulf %mul3A_1204, %bitcast3A_1200 : vector<16xf32>
    %sub3A_1206 = arith.constant 1.500000e+00 : f32
    %sub3A_1207 = vector.broadcast %sub3A_1206 : f32 to vector<16xf32>
    %sub3A_1208 = arith.subf %sub3A_1207, %mul3A_1205 : vector<16xf32>
    %mul3A_1209 = arith.mulf %bitcast3A_1200, %sub3A_1208 : vector<16xf32>
    %mul3A_1210 = arith.constant 5.000000e-01 : f32
    %mul3A_1211 = vector.broadcast %mul3A_1210 : f32 to vector<16xf32>
    %mul3A_1212 = arith.mulf %mul3A_1211, %add3A_1192 : vector<16xf32>
    %mul3A_1213 = arith.mulf %mul3A_1212, %mul3A_1209 : vector<16xf32>
    %mul3A_1214 = arith.mulf %mul3A_1213, %mul3A_1209 : vector<16xf32>
    %sub3A_1215 = arith.constant 1.500000e+00 : f32
    %sub3A_1216 = vector.broadcast %sub3A_1215 : f32 to vector<16xf32>
    %sub3A_1217 = arith.subf %sub3A_1216, %mul3A_1214 : vector<16xf32>
    %mul3A_1218 = arith.mulf %mul3A_1209, %sub3A_1217 : vector<16xf32>
    %mul3A_1219 = arith.constant 5.000000e-01 : f32
    %mul3A_1220 = vector.broadcast %mul3A_1219 : f32 to vector<16xf32>
    %mul3A_1221 = arith.mulf %mul3A_1220, %add3A_1192 : vector<16xf32>
    %mul3A_1222 = arith.mulf %mul3A_1221, %mul3A_1218 : vector<16xf32>
    %mul3A_1223 = arith.mulf %mul3A_1222, %mul3A_1218 : vector<16xf32>
    %sub3A_1224 = arith.constant 1.500000e+00 : f32
    %sub3A_1225 = vector.broadcast %sub3A_1224 : f32 to vector<16xf32>
    %sub3A_1226 = arith.subf %sub3A_1225, %mul3A_1223 : vector<16xf32>
    %mul3A_1227 = arith.mulf %mul3A_1218, %sub3A_1226 : vector<16xf32>
    %swap3A_1228 = arith.constant 368 : index
    %swap3A_1229 = tpu.vector_load %arg6[%swap3A_1228] {strides = array<i32>} : memref<640xf32, #tpu.memory_space<vmem>>, vector<16xf32>,
    tpu.vector_store %arg6[%swap3A_1228], %mul3A_1227 {strides = array<i32>} : memref<640xf32, #tpu.memory_space<vmem>>, vector<16xf32>,
    %get3A_1230 = arith.constant 384 : index
    %get3A_1231 = tpu.vector_load %arg6[%get3A_1230] {strides = array<i32>} : memref<640xf32, #tpu.memory_space<vmem>>, vector<16xf32>,
    %add3A_1232 = arith.constant 1.000000e+00 : f32
    %add3A_1233 = vector.broadcast %add3A_1232 : f32 to vector<16xf32>
    %add3A_1234 = arith.addf %get3A_1231, %add3A_1233 : vector<16xf32>
    %bitcast3A_1235 = vector.bitcast %add3A_1234 : vector<16xf32> to vector<16xi32>
    %shift_right_logical3A_1236 = arith.constant 1 : i32
    %shift_right_logical3A_1237 = vector.broadcast %shift_right_logical3A_1236 : i32 to vector<16xi32>
    %shift_right_logical3A_1238 = arith.shrui %bitcast3A_1235, %shift_right_logical3A_1237 : vector<16xi32>
    %sub3A_1239 = arith.constant 1597463007 : i32
    %sub3A_1240 = vector.broadcast %sub3A_1239 : i32 to vector<16xi32>
    %sub3A_1241 = arith.subi %sub3A_1240, %shift_right_logical3A_1238 : vector<16xi32>
    %bitcast3A_1242 = vector.bitcast %sub3A_1241 : vector<16xi32> to vector<16xf32>
    %mul3A_1243 = arith.constant 5.000000e-01 : f32
    %mul3A_1244 = vector.broadcast %mul3A_1243 : f32 to vector<16xf32>
    %mul3A_1245 = arith.mulf %mul3A_1244, %add3A_1234 : vector<16xf32>
    %mul3A_1246 = arith.mulf %mul3A_1245, %bitcast3A_1242 : vector<16xf32>
    %mul3A_1247 = arith.mulf %mul3A_1246, %bitcast3A_1242 : vector<16xf32>
    %sub3A_1248 = arith.constant 1.500000e+00 : f32
    %sub3A_1249 = vector.broadcast %sub3A_1248 : f32 to vector<16xf32>
    %sub3A_1250 = arith.subf %sub3A_1249, %mul3A_1247 : vector<16xf32>
    %mul3A_1251 = arith.mulf %bitcast3A_1242, %sub3A_1250 : vector<16xf32>
    %mul3A_1252 = arith.constant 5.000000e-01 : f32
    %mul3A_1253 = vector.broadcast %mul3A_1252 : f32 to vector<16xf32>
    %mul3A_1254 = arith.mulf %mul3A_1253, %add3A_1234 : vector<16xf32>
    %mul3A_1255 = arith.mulf %mul3A_1254, %mul3A_1251 : vector<16xf32>
    %mul3A_1256 = arith.mulf %mul3A_1255, %mul3A_1251 : vector<16xf32>
    %sub3A_1257 = arith.constant 1.500000e+00 : f32
    %sub3A_1258 = vector.broadcast %sub3A_1257 : f32 to vector<16xf32>
    %sub3A_1259 = arith.subf %sub3A_1258, %mul3A_1256 : vector<16xf32>
    %mul3A_1260 = arith.mulf %mul3A_1251, %sub3A_1259 : vector<16xf32>
    %mul3A_1261 = arith.constant 5.000000e-01 : f32
    %mul3A_1262 = vector.broadcast %mul3A_1261 : f32 to vector<16xf32>
    %mul3A_1263 = arith.mulf %mul3A_1262, %add3A_1234 : vector<16xf32>
    %mul3A_1264 = arith.mulf %mul3A_1263, %mul3A_1260 : vector<16xf32>
    %mul3A_1265 = arith.mulf %mul3A_1264, %mul3A_1260 : vector<16xf32>
    %sub3A_1266 = arith.constant 1.500000e+00 : f32
    %sub3A_1267 = vector.broadcast %sub3A_1266 : f32 to vector<16xf32>
    %sub3A_1268 = arith.subf %sub3A_1267, %mul3A_1265 : vector<16xf32>
    %mul3A_1269 = arith.mulf %mul3A_1260, %sub3A_1268 : vector<16xf32>
    %swap3A_1270 = arith.constant 384 : index
    %swap3A_1271 = tpu.vector_load %arg6[%swap3A_1270] {strides = array<i32>} : memref<640xf32, #tpu.memory_space<vmem>>, vector<16xf32>,
    tpu.vector_store %arg6[%swap3A_1270], %mul3A_1269 {strides = array<i32>} : memref<640xf32, #tpu.memory_space<vmem>>, vector<16xf32>,
    %get3A_1272 = arith.constant 400 : index
    %get3A_1273 = tpu.vector_load %arg6[%get3A_1272] {strides = array<i32>} : memref<640xf32, #tpu.memory_space<vmem>>, vector<16xf32>,
    %add3A_1274 = arith.constant 1.000000e+00 : f32
    %add3A_1275 = vector.broadcast %add3A_1274 : f32 to vector<16xf32>
    %add3A_1276 = arith.addf %get3A_1273, %add3A_1275 : vector<16xf32>
    %bitcast3A_1277 = vector.bitcast %add3A_1276 : vector<16xf32> to vector<16xi32>
    %shift_right_logical3A_1278 = arith.constant 1 : i32
    %shift_right_logical3A_1279 = vector.broadcast %shift_right_logical3A_1278 : i32 to vector<16xi32>
    %shift_right_logical3A_1280 = arith.shrui %bitcast3A_1277, %shift_right_logical3A_1279 : vector<16xi32>
    %sub3A_1281 = arith.constant 1597463007 : i32
    %sub3A_1282 = vector.broadcast %sub3A_1281 : i32 to vector<16xi32>
    %sub3A_1283 = arith.subi %sub3A_1282, %shift_right_logical3A_1280 : vector<16xi32>
    %bitcast3A_1284 = vector.bitcast %sub3A_1283 : vector<16xi32> to vector<16xf32>
    %mul3A_1285 = arith.constant 5.000000e-01 : f32
    %mul3A_1286 = vector.broadcast %mul3A_1285 : f32 to vector<16xf32>
    %mul3A_1287 = arith.mulf %mul3A_1286, %add3A_1276 : vector<16xf32>
    %mul3A_1288 = arith.mulf %mul3A_1287, %bitcast3A_1284 : vector<16xf32>
    %mul3A_1289 = arith.mulf %mul3A_1288, %bitcast3A_1284 : vector<16xf32>
    %sub3A_1290 = arith.constant 1.500000e+00 : f32
    %sub3A_1291 = vector.broadcast %sub3A_1290 : f32 to vector<16xf32>
    %sub3A_1292 = arith.subf %sub3A_1291, %mul3A_1289 : vector<16xf32>
    %mul3A_1293 = arith.mulf %bitcast3A_1284, %sub3A_1292 : vector<16xf32>
    %mul3A_1294 = arith.constant 5.000000e-01 : f32
    %mul3A_1295 = vector.broadcast %mul3A_1294 : f32 to vector<16xf32>
    %mul3A_1296 = arith.mulf %mul3A_1295, %add3A_1276 : vector<16xf32>
    %mul3A_1297 = arith.mulf %mul3A_1296, %mul3A_1293 : vector<16xf32>
    %mul3A_1298 = arith.mulf %mul3A_1297, %mul3A_1293 : vector<16xf32>
    %sub3A_1299 = arith.constant 1.500000e+00 : f32
    %sub3A_1300 = vector.broadcast %sub3A_1299 : f32 to vector<16xf32>
    %sub3A_1301 = arith.subf %sub3A_1300, %mul3A_1298 : vector<16xf32>
    %mul3A_1302 = arith.mulf %mul3A_1293, %sub3A_1301 : vector<16xf32>
    %mul3A_1303 = arith.constant 5.000000e-01 : f32
    %mul3A_1304 = vector.broadcast %mul3A_1303 : f32 to vector<16xf32>
    %mul3A_1305 = arith.mulf %mul3A_1304, %add3A_1276 : vector<16xf32>
    %mul3A_1306 = arith.mulf %mul3A_1305, %mul3A_1302 : vector<16xf32>
    %mul3A_1307 = arith.mulf %mul3A_1306, %mul3A_1302 : vector<16xf32>
    %sub3A_1308 = arith.constant 1.500000e+00 : f32
    %sub3A_1309 = vector.broadcast %sub3A_1308 : f32 to vector<16xf32>
    %sub3A_1310 = arith.subf %sub3A_1309, %mul3A_1307 : vector<16xf32>
    %mul3A_1311 = arith.mulf %mul3A_1302, %sub3A_1310 : vector<16xf32>
    %swap3A_1312 = arith.constant 400 : index
    %swap3A_1313 = tpu.vector_load %arg6[%swap3A_1312] {strides = array<i32>} : memref<640xf32, #tpu.memory_space<vmem>>, vector<16xf32>,
    tpu.vector_store %arg6[%swap3A_1312], %mul3A_1311 {strides = array<i32>} : memref<640xf32, #tpu.memory_space<vmem>>, vector<16xf32>,
    %get3A_1314 = arith.constant 416 : index
    %get3A_1315 = tpu.vector_load %arg6[%get3A_1314] {strides = array<i32>} : memref<640xf32, #tpu.memory_space<vmem>>, vector<16xf32>,
    %add3A_1316 = arith.constant 1.000000e+00 : f32
    %add3A_1317 = vector.broadcast %add3A_1316 : f32 to vector<16xf32>
    %add3A_1318 = arith.addf %get3A_1315, %add3A_1317 : vector<16xf32>
    %bitcast3A_1319 = vector.bitcast %add3A_1318 : vector<16xf32> to vector<16xi32>
    %shift_right_logical3A_1320 = arith.constant 1 : i32
    %shift_right_logical3A_1321 = vector.broadcast %shift_right_logical3A_1320 : i32 to vector<16xi32>
    %shift_right_logical3A_1322 = arith.shrui %bitcast3A_1319, %shift_right_logical3A_1321 : vector<16xi32>
    %sub3A_1323 = arith.constant 1597463007 : i32
    %sub3A_1324 = vector.broadcast %sub3A_1323 : i32 to vector<16xi32>
    %sub3A_1325 = arith.subi %sub3A_1324, %shift_right_logical3A_1322 : vector<16xi32>
    %bitcast3A_1326 = vector.bitcast %sub3A_1325 : vector<16xi32> to vector<16xf32>
    %mul3A_1327 = arith.constant 5.000000e-01 : f32
    %mul3A_1328 = vector.broadcast %mul3A_1327 : f32 to vector<16xf32>
    %mul3A_1329 = arith.mulf %mul3A_1328, %add3A_1318 : vector<16xf32>
    %mul3A_1330 = arith.mulf %mul3A_1329, %bitcast3A_1326 : vector<16xf32>
    %mul3A_1331 = arith.mulf %mul3A_1330, %bitcast3A_1326 : vector<16xf32>
    %sub3A_1332 = arith.constant 1.500000e+00 : f32
    %sub3A_1333 = vector.broadcast %sub3A_1332 : f32 to vector<16xf32>
    %sub3A_1334 = arith.subf %sub3A_1333, %mul3A_1331 : vector<16xf32>
    %mul3A_1335 = arith.mulf %bitcast3A_1326, %sub3A_1334 : vector<16xf32>
    %mul3A_1336 = arith.constant 5.000000e-01 : f32
    %mul3A_1337 = vector.broadcast %mul3A_1336 : f32 to vector<16xf32>
    %mul3A_1338 = arith.mulf %mul3A_1337, %add3A_1318 : vector<16xf32>
    %mul3A_1339 = arith.mulf %mul3A_1338, %mul3A_1335 : vector<16xf32>
    %mul3A_1340 = arith.mulf %mul3A_1339, %mul3A_1335 : vector<16xf32>
    %sub3A_1341 = arith.constant 1.500000e+00 : f32
    %sub3A_1342 = vector.broadcast %sub3A_1341 : f32 to vector<16xf32>
    %sub3A_1343 = arith.subf %sub3A_1342, %mul3A_1340 : vector<16xf32>
    %mul3A_1344 = arith.mulf %mul3A_1335, %sub3A_1343 : vector<16xf32>
    %mul3A_1345 = arith.constant 5.000000e-01 : f32
    %mul3A_1346 = vector.broadcast %mul3A_1345 : f32 to vector<16xf32>
    %mul3A_1347 = arith.mulf %mul3A_1346, %add3A_1318 : vector<16xf32>
    %mul3A_1348 = arith.mulf %mul3A_1347, %mul3A_1344 : vector<16xf32>
    %mul3A_1349 = arith.mulf %mul3A_1348, %mul3A_1344 : vector<16xf32>
    %sub3A_1350 = arith.constant 1.500000e+00 : f32
    %sub3A_1351 = vector.broadcast %sub3A_1350 : f32 to vector<16xf32>
    %sub3A_1352 = arith.subf %sub3A_1351, %mul3A_1349 : vector<16xf32>
    %mul3A_1353 = arith.mulf %mul3A_1344, %sub3A_1352 : vector<16xf32>
    %swap3A_1354 = arith.constant 416 : index
    %swap3A_1355 = tpu.vector_load %arg6[%swap3A_1354] {strides = array<i32>} : memref<640xf32, #tpu.memory_space<vmem>>, vector<16xf32>,
    tpu.vector_store %arg6[%swap3A_1354], %mul3A_1353 {strides = array<i32>} : memref<640xf32, #tpu.memory_space<vmem>>, vector<16xf32>,
    %get3A_1356 = arith.constant 432 : index
    %get3A_1357 = tpu.vector_load %arg6[%get3A_1356] {strides = array<i32>} : memref<640xf32, #tpu.memory_space<vmem>>, vector<16xf32>,
    %add3A_1358 = arith.constant 1.000000e+00 : f32
    %add3A_1359 = vector.broadcast %add3A_1358 : f32 to vector<16xf32>
    %add3A_1360 = arith.addf %get3A_1357, %add3A_1359 : vector<16xf32>
    %bitcast3A_1361 = vector.bitcast %add3A_1360 : vector<16xf32> to vector<16xi32>
    %shift_right_logical3A_1362 = arith.constant 1 : i32
    %shift_right_logical3A_1363 = vector.broadcast %shift_right_logical3A_1362 : i32 to vector<16xi32>
    %shift_right_logical3A_1364 = arith.shrui %bitcast3A_1361, %shift_right_logical3A_1363 : vector<16xi32>
    %sub3A_1365 = arith.constant 1597463007 : i32
    %sub3A_1366 = vector.broadcast %sub3A_1365 : i32 to vector<16xi32>
    %sub3A_1367 = arith.subi %sub3A_1366, %shift_right_logical3A_1364 : vector<16xi32>
    %bitcast3A_1368 = vector.bitcast %sub3A_1367 : vector<16xi32> to vector<16xf32>
    %mul3A_1369 = arith.constant 5.000000e-01 : f32
    %mul3A_1370 = vector.broadcast %mul3A_1369 : f32 to vector<16xf32>
    %mul3A_1371 = arith.mulf %mul3A_1370, %add3A_1360 : vector<16xf32>
    %mul3A_1372 = arith.mulf %mul3A_1371, %bitcast3A_1368 : vector<16xf32>
    %mul3A_1373 = arith.mulf %mul3A_1372, %bitcast3A_1368 : vector<16xf32>
    %sub3A_1374 = arith.constant 1.500000e+00 : f32
    %sub3A_1375 = vector.broadcast %sub3A_1374 : f32 to vector<16xf32>
    %sub3A_1376 = arith.subf %sub3A_1375, %mul3A_1373 : vector<16xf32>
    %mul3A_1377 = arith.mulf %bitcast3A_1368, %sub3A_1376 : vector<16xf32>
    %mul3A_1378 = arith.constant 5.000000e-01 : f32
    %mul3A_1379 = vector.broadcast %mul3A_1378 : f32 to vector<16xf32>
    %mul3A_1380 = arith.mulf %mul3A_1379, %add3A_1360 : vector<16xf32>
    %mul3A_1381 = arith.mulf %mul3A_1380, %mul3A_1377 : vector<16xf32>
    %mul3A_1382 = arith.mulf %mul3A_1381, %mul3A_1377 : vector<16xf32>
    %sub3A_1383 = arith.constant 1.500000e+00 : f32
    %sub3A_1384 = vector.broadcast %sub3A_1383 : f32 to vector<16xf32>
    %sub3A_1385 = arith.subf %sub3A_1384, %mul3A_1382 : vector<16xf32>
    %mul3A_1386 = arith.mulf %mul3A_1377, %sub3A_1385 : vector<16xf32>
    %mul3A_1387 = arith.constant 5.000000e-01 : f32
    %mul3A_1388 = vector.broadcast %mul3A_1387 : f32 to vector<16xf32>
    %mul3A_1389 = arith.mulf %mul3A_1388, %add3A_1360 : vector<16xf32>
    %mul3A_1390 = arith.mulf %mul3A_1389, %mul3A_1386 : vector<16xf32>
    %mul3A_1391 = arith.mulf %mul3A_1390, %mul3A_1386 : vector<16xf32>
    %sub3A_1392 = arith.constant 1.500000e+00 : f32
    %sub3A_1393 = vector.broadcast %sub3A_1392 : f32 to vector<16xf32>
    %sub3A_1394 = arith.subf %sub3A_1393, %mul3A_1391 : vector<16xf32>
    %mul3A_1395 = arith.mulf %mul3A_1386, %sub3A_1394 : vector<16xf32>
    %swap3A_1396 = arith.constant 432 : index
    %swap3A_1397 = tpu.vector_load %arg6[%swap3A_1396] {strides = array<i32>} : memref<640xf32, #tpu.memory_space<vmem>>, vector<16xf32>,
    tpu.vector_store %arg6[%swap3A_1396], %mul3A_1395 {strides = array<i32>} : memref<640xf32, #tpu.memory_space<vmem>>, vector<16xf32>,
    %get3A_1398 = arith.constant 448 : index
    %get3A_1399 = tpu.vector_load %arg6[%get3A_1398] {strides = array<i32>} : memref<640xf32, #tpu.memory_space<vmem>>, vector<16xf32>,
    %add3A_1400 = arith.constant 1.000000e+00 : f32
    %add3A_1401 = vector.broadcast %add3A_1400 : f32 to vector<16xf32>
    %add3A_1402 = arith.addf %get3A_1399, %add3A_1401 : vector<16xf32>
    %bitcast3A_1403 = vector.bitcast %add3A_1402 : vector<16xf32> to vector<16xi32>
    %shift_right_logical3A_1404 = arith.constant 1 : i32
    %shift_right_logical3A_1405 = vector.broadcast %shift_right_logical3A_1404 : i32 to vector<16xi32>
    %shift_right_logical3A_1406 = arith.shrui %bitcast3A_1403, %shift_right_logical3A_1405 : vector<16xi32>
    %sub3A_1407 = arith.constant 1597463007 : i32
    %sub3A_1408 = vector.broadcast %sub3A_1407 : i32 to vector<16xi32>
    %sub3A_1409 = arith.subi %sub3A_1408, %shift_right_logical3A_1406 : vector<16xi32>
    %bitcast3A_1410 = vector.bitcast %sub3A_1409 : vector<16xi32> to vector<16xf32>
    %mul3A_1411 = arith.constant 5.000000e-01 : f32
    %mul3A_1412 = vector.broadcast %mul3A_1411 : f32 to vector<16xf32>
    %mul3A_1413 = arith.mulf %mul3A_1412, %add3A_1402 : vector<16xf32>
    %mul3A_1414 = arith.mulf %mul3A_1413, %bitcast3A_1410 : vector<16xf32>
    %mul3A_1415 = arith.mulf %mul3A_1414, %bitcast3A_1410 : vector<16xf32>
    %sub3A_1416 = arith.constant 1.500000e+00 : f32
    %sub3A_1417 = vector.broadcast %sub3A_1416 : f32 to vector<16xf32>
    %sub3A_1418 = arith.subf %sub3A_1417, %mul3A_1415 : vector<16xf32>
    %mul3A_1419 = arith.mulf %bitcast3A_1410, %sub3A_1418 : vector<16xf32>
    %mul3A_1420 = arith.constant 5.000000e-01 : f32
    %mul3A_1421 = vector.broadcast %mul3A_1420 : f32 to vector<16xf32>
    %mul3A_1422 = arith.mulf %mul3A_1421, %add3A_1402 : vector<16xf32>
    %mul3A_1423 = arith.mulf %mul3A_1422, %mul3A_1419 : vector<16xf32>
    %mul3A_1424 = arith.mulf %mul3A_1423, %mul3A_1419 : vector<16xf32>
    %sub3A_1425 = arith.constant 1.500000e+00 : f32
    %sub3A_1426 = vector.broadcast %sub3A_1425 : f32 to vector<16xf32>
    %sub3A_1427 = arith.subf %sub3A_1426, %mul3A_1424 : vector<16xf32>
    %mul3A_1428 = arith.mulf %mul3A_1419, %sub3A_1427 : vector<16xf32>
    %mul3A_1429 = arith.constant 5.000000e-01 : f32
    %mul3A_1430 = vector.broadcast %mul3A_1429 : f32 to vector<16xf32>
    %mul3A_1431 = arith.mulf %mul3A_1430, %add3A_1402 : vector<16xf32>
    %mul3A_1432 = arith.mulf %mul3A_1431, %mul3A_1428 : vector<16xf32>
    %mul3A_1433 = arith.mulf %mul3A_1432, %mul3A_1428 : vector<16xf32>
    %sub3A_1434 = arith.constant 1.500000e+00 : f32
    %sub3A_1435 = vector.broadcast %sub3A_1434 : f32 to vector<16xf32>
    %sub3A_1436 = arith.subf %sub3A_1435, %mul3A_1433 : vector<16xf32>
    %mul3A_1437 = arith.mulf %mul3A_1428, %sub3A_1436 : vector<16xf32>
    %swap3A_1438 = arith.constant 448 : index
    %swap3A_1439 = tpu.vector_load %arg6[%swap3A_1438] {strides = array<i32>} : memref<640xf32, #tpu.memory_space<vmem>>, vector<16xf32>,
    tpu.vector_store %arg6[%swap3A_1438], %mul3A_1437 {strides = array<i32>} : memref<640xf32, #tpu.memory_space<vmem>>, vector<16xf32>,
    %get3A_1440 = arith.constant 464 : index
    %get3A_1441 = tpu.vector_load %arg6[%get3A_1440] {strides = array<i32>} : memref<640xf32, #tpu.memory_space<vmem>>, vector<16xf32>,
    %add3A_1442 = arith.constant 1.000000e+00 : f32
    %add3A_1443 = vector.broadcast %add3A_1442 : f32 to vector<16xf32>
    %add3A_1444 = arith.addf %get3A_1441, %add3A_1443 : vector<16xf32>
    %bitcast3A_1445 = vector.bitcast %add3A_1444 : vector<16xf32> to vector<16xi32>
    %shift_right_logical3A_1446 = arith.constant 1 : i32
    %shift_right_logical3A_1447 = vector.broadcast %shift_right_logical3A_1446 : i32 to vector<16xi32>
    %shift_right_logical3A_1448 = arith.shrui %bitcast3A_1445, %shift_right_logical3A_1447 : vector<16xi32>
    %sub3A_1449 = arith.constant 1597463007 : i32
    %sub3A_1450 = vector.broadcast %sub3A_1449 : i32 to vector<16xi32>
    %sub3A_1451 = arith.subi %sub3A_1450, %shift_right_logical3A_1448 : vector<16xi32>
    %bitcast3A_1452 = vector.bitcast %sub3A_1451 : vector<16xi32> to vector<16xf32>
    %mul3A_1453 = arith.constant 5.000000e-01 : f32
    %mul3A_1454 = vector.broadcast %mul3A_1453 : f32 to vector<16xf32>
    %mul3A_1455 = arith.mulf %mul3A_1454, %add3A_1444 : vector<16xf32>
    %mul3A_1456 = arith.mulf %mul3A_1455, %bitcast3A_1452 : vector<16xf32>
    %mul3A_1457 = arith.mulf %mul3A_1456, %bitcast3A_1452 : vector<16xf32>
    %sub3A_1458 = arith.constant 1.500000e+00 : f32
    %sub3A_1459 = vector.broadcast %sub3A_1458 : f32 to vector<16xf32>
    %sub3A_1460 = arith.subf %sub3A_1459, %mul3A_1457 : vector<16xf32>
    %mul3A_1461 = arith.mulf %bitcast3A_1452, %sub3A_1460 : vector<16xf32>
    %mul3A_1462 = arith.constant 5.000000e-01 : f32
    %mul3A_1463 = vector.broadcast %mul3A_1462 : f32 to vector<16xf32>
    %mul3A_1464 = arith.mulf %mul3A_1463, %add3A_1444 : vector<16xf32>
    %mul3A_1465 = arith.mulf %mul3A_1464, %mul3A_1461 : vector<16xf32>
    %mul3A_1466 = arith.mulf %mul3A_1465, %mul3A_1461 : vector<16xf32>
    %sub3A_1467 = arith.constant 1.500000e+00 : f32
    %sub3A_1468 = vector.broadcast %sub3A_1467 : f32 to vector<16xf32>
    %sub3A_1469 = arith.subf %sub3A_1468, %mul3A_1466 : vector<16xf32>
    %mul3A_1470 = arith.mulf %mul3A_1461, %sub3A_1469 : vector<16xf32>
    %mul3A_1471 = arith.constant 5.000000e-01 : f32
    %mul3A_1472 = vector.broadcast %mul3A_1471 : f32 to vector<16xf32>
    %mul3A_1473 = arith.mulf %mul3A_1472, %add3A_1444 : vector<16xf32>
    %mul3A_1474 = arith.mulf %mul3A_1473, %mul3A_1470 : vector<16xf32>
    %mul3A_1475 = arith.mulf %mul3A_1474, %mul3A_1470 : vector<16xf32>
    %sub3A_1476 = arith.constant 1.500000e+00 : f32
    %sub3A_1477 = vector.broadcast %sub3A_1476 : f32 to vector<16xf32>
    %sub3A_1478 = arith.subf %sub3A_1477, %mul3A_1475 : vector<16xf32>
    %mul3A_1479 = arith.mulf %mul3A_1470, %sub3A_1478 : vector<16xf32>
    %swap3A_1480 = arith.constant 464 : index
    %swap3A_1481 = tpu.vector_load %arg6[%swap3A_1480] {strides = array<i32>} : memref<640xf32, #tpu.memory_space<vmem>>, vector<16xf32>,
    tpu.vector_store %arg6[%swap3A_1480], %mul3A_1479 {strides = array<i32>} : memref<640xf32, #tpu.memory_space<vmem>>, vector<16xf32>,
    %get3A_1482 = arith.constant 480 : index
    %get3A_1483 = tpu.vector_load %arg6[%get3A_1482] {strides = array<i32>} : memref<640xf32, #tpu.memory_space<vmem>>, vector<16xf32>,
    %add3A_1484 = arith.constant 1.000000e+00 : f32
    %add3A_1485 = vector.broadcast %add3A_1484 : f32 to vector<16xf32>
    %add3A_1486 = arith.addf %get3A_1483, %add3A_1485 : vector<16xf32>
    %bitcast3A_1487 = vector.bitcast %add3A_1486 : vector<16xf32> to vector<16xi32>
    %shift_right_logical3A_1488 = arith.constant 1 : i32
    %shift_right_logical3A_1489 = vector.broadcast %shift_right_logical3A_1488 : i32 to vector<16xi32>
    %shift_right_logical3A_1490 = arith.shrui %bitcast3A_1487, %shift_right_logical3A_1489 : vector<16xi32>
    %sub3A_1491 = arith.constant 1597463007 : i32
    %sub3A_1492 = vector.broadcast %sub3A_1491 : i32 to vector<16xi32>
    %sub3A_1493 = arith.subi %sub3A_1492, %shift_right_logical3A_1490 : vector<16xi32>
    %bitcast3A_1494 = vector.bitcast %sub3A_1493 : vector<16xi32> to vector<16xf32>
    %mul3A_1495 = arith.constant 5.000000e-01 : f32
    %mul3A_1496 = vector.broadcast %mul3A_1495 : f32 to vector<16xf32>
    %mul3A_1497 = arith.mulf %mul3A_1496, %add3A_1486 : vector<16xf32>
    %mul3A_1498 = arith.mulf %mul3A_1497, %bitcast3A_1494 : vector<16xf32>
    %mul3A_1499 = arith.mulf %mul3A_1498, %bitcast3A_1494 : vector<16xf32>
    %sub3A_1500 = arith.constant 1.500000e+00 : f32
    %sub3A_1501 = vector.broadcast %sub3A_1500 : f32 to vector<16xf32>
    %sub3A_1502 = arith.subf %sub3A_1501, %mul3A_1499 : vector<16xf32>
    %mul3A_1503 = arith.mulf %bitcast3A_1494, %sub3A_1502 : vector<16xf32>
    %mul3A_1504 = arith.constant 5.000000e-01 : f32
    %mul3A_1505 = vector.broadcast %mul3A_1504 : f32 to vector<16xf32>
    %mul3A_1506 = arith.mulf %mul3A_1505, %add3A_1486 : vector<16xf32>
    %mul3A_1507 = arith.mulf %mul3A_1506, %mul3A_1503 : vector<16xf32>
    %mul3A_1508 = arith.mulf %mul3A_1507, %mul3A_1503 : vector<16xf32>
    %sub3A_1509 = arith.constant 1.500000e+00 : f32
    %sub3A_1510 = vector.broadcast %sub3A_1509 : f32 to vector<16xf32>
    %sub3A_1511 = arith.subf %sub3A_1510, %mul3A_1508 : vector<16xf32>
    %mul3A_1512 = arith.mulf %mul3A_1503, %sub3A_1511 : vector<16xf32>
    %mul3A_1513 = arith.constant 5.000000e-01 : f32
    %mul3A_1514 = vector.broadcast %mul3A_1513 : f32 to vector<16xf32>
    %mul3A_1515 = arith.mulf %mul3A_1514, %add3A_1486 : vector<16xf32>
    %mul3A_1516 = arith.mulf %mul3A_1515, %mul3A_1512 : vector<16xf32>
    %mul3A_1517 = arith.mulf %mul3A_1516, %mul3A_1512 : vector<16xf32>
    %sub3A_1518 = arith.constant 1.500000e+00 : f32
    %sub3A_1519 = vector.broadcast %sub3A_1518 : f32 to vector<16xf32>
    %sub3A_1520 = arith.subf %sub3A_1519, %mul3A_1517 : vector<16xf32>
    %mul3A_1521 = arith.mulf %mul3A_1512, %sub3A_1520 : vector<16xf32>
    %swap3A_1522 = arith.constant 480 : index
    %swap3A_1523 = tpu.vector_load %arg6[%swap3A_1522] {strides = array<i32>} : memref<640xf32, #tpu.memory_space<vmem>>, vector<16xf32>,
    tpu.vector_store %arg6[%swap3A_1522], %mul3A_1521 {strides = array<i32>} : memref<640xf32, #tpu.memory_space<vmem>>, vector<16xf32>,
    %get3A_1524 = arith.constant 496 : index
    %get3A_1525 = tpu.vector_load %arg6[%get3A_1524] {strides = array<i32>} : memref<640xf32, #tpu.memory_space<vmem>>, vector<16xf32>,
    %add3A_1526 = arith.constant 1.000000e+00 : f32
    %add3A_1527 = vector.broadcast %add3A_1526 : f32 to vector<16xf32>
    %add3A_1528 = arith.addf %get3A_1525, %add3A_1527 : vector<16xf32>
    %bitcast3A_1529 = vector.bitcast %add3A_1528 : vector<16xf32> to vector<16xi32>
    %shift_right_logical3A_1530 = arith.constant 1 : i32
    %shift_right_logical3A_1531 = vector.broadcast %shift_right_logical3A_1530 : i32 to vector<16xi32>
    %shift_right_logical3A_1532 = arith.shrui %bitcast3A_1529, %shift_right_logical3A_1531 : vector<16xi32>
    %sub3A_1533 = arith.constant 1597463007 : i32
    %sub3A_1534 = vector.broadcast %sub3A_1533 : i32 to vector<16xi32>
    %sub3A_1535 = arith.subi %sub3A_1534, %shift_right_logical3A_1532 : vector<16xi32>
    %bitcast3A_1536 = vector.bitcast %sub3A_1535 : vector<16xi32> to vector<16xf32>
    %mul3A_1537 = arith.constant 5.000000e-01 : f32
    %mul3A_1538 = vector.broadcast %mul3A_1537 : f32 to vector<16xf32>
    %mul3A_1539 = arith.mulf %mul3A_1538, %add3A_1528 : vector<16xf32>
    %mul3A_1540 = arith.mulf %mul3A_1539, %bitcast3A_1536 : vector<16xf32>
    %mul3A_1541 = arith.mulf %mul3A_1540, %bitcast3A_1536 : vector<16xf32>
    %sub3A_1542 = arith.constant 1.500000e+00 : f32
    %sub3A_1543 = vector.broadcast %sub3A_1542 : f32 to vector<16xf32>
    %sub3A_1544 = arith.subf %sub3A_1543, %mul3A_1541 : vector<16xf32>
    %mul3A_1545 = arith.mulf %bitcast3A_1536, %sub3A_1544 : vector<16xf32>
    %mul3A_1546 = arith.constant 5.000000e-01 : f32
    %mul3A_1547 = vector.broadcast %mul3A_1546 : f32 to vector<16xf32>
    %mul3A_1548 = arith.mulf %mul3A_1547, %add3A_1528 : vector<16xf32>
    %mul3A_1549 = arith.mulf %mul3A_1548, %mul3A_1545 : vector<16xf32>
    %mul3A_1550 = arith.mulf %mul3A_1549, %mul3A_1545 : vector<16xf32>
    %sub3A_1551 = arith.constant 1.500000e+00 : f32
    %sub3A_1552 = vector.broadcast %sub3A_1551 : f32 to vector<16xf32>
    %sub3A_1553 = arith.subf %sub3A_1552, %mul3A_1550 : vector<16xf32>
    %mul3A_1554 = arith.mulf %mul3A_1545, %sub3A_1553 : vector<16xf32>
    %mul3A_1555 = arith.constant 5.000000e-01 : f32
    %mul3A_1556 = vector.broadcast %mul3A_1555 : f32 to vector<16xf32>
    %mul3A_1557 = arith.mulf %mul3A_1556, %add3A_1528 : vector<16xf32>
    %mul3A_1558 = arith.mulf %mul3A_1557, %mul3A_1554 : vector<16xf32>
    %mul3A_1559 = arith.mulf %mul3A_1558, %mul3A_1554 : vector<16xf32>
    %sub3A_1560 = arith.constant 1.500000e+00 : f32
    %sub3A_1561 = vector.broadcast %sub3A_1560 : f32 to vector<16xf32>
    %sub3A_1562 = arith.subf %sub3A_1561, %mul3A_1559 : vector<16xf32>
    %mul3A_1563 = arith.mulf %mul3A_1554, %sub3A_1562 : vector<16xf32>
    %swap3A_1564 = arith.constant 496 : index
    %swap3A_1565 = tpu.vector_load %arg6[%swap3A_1564] {strides = array<i32>} : memref<640xf32, #tpu.memory_space<vmem>>, vector<16xf32>,
    tpu.vector_store %arg6[%swap3A_1564], %mul3A_1563 {strides = array<i32>} : memref<640xf32, #tpu.memory_space<vmem>>, vector<16xf32>,
    %get3A_1566 = arith.constant 512 : index
    %get3A_1567 = tpu.vector_load %arg6[%get3A_1566] {strides = array<i32>} : memref<640xf32, #tpu.memory_space<vmem>>, vector<16xf32>,
    %add3A_1568 = arith.constant 1.000000e+00 : f32
    %add3A_1569 = vector.broadcast %add3A_1568 : f32 to vector<16xf32>
    %add3A_1570 = arith.addf %get3A_1567, %add3A_1569 : vector<16xf32>
    %bitcast3A_1571 = vector.bitcast %add3A_1570 : vector<16xf32> to vector<16xi32>
    %shift_right_logical3A_1572 = arith.constant 1 : i32
    %shift_right_logical3A_1573 = vector.broadcast %shift_right_logical3A_1572 : i32 to vector<16xi32>
    %shift_right_logical3A_1574 = arith.shrui %bitcast3A_1571, %shift_right_logical3A_1573 : vector<16xi32>
    %sub3A_1575 = arith.constant 1597463007 : i32
    %sub3A_1576 = vector.broadcast %sub3A_1575 : i32 to vector<16xi32>
    %sub3A_1577 = arith.subi %sub3A_1576, %shift_right_logical3A_1574 : vector<16xi32>
    %bitcast3A_1578 = vector.bitcast %sub3A_1577 : vector<16xi32> to vector<16xf32>
    %mul3A_1579 = arith.constant 5.000000e-01 : f32
    %mul3A_1580 = vector.broadcast %mul3A_1579 : f32 to vector<16xf32>
    %mul3A_1581 = arith.mulf %mul3A_1580, %add3A_1570 : vector<16xf32>
    %mul3A_1582 = arith.mulf %mul3A_1581, %bitcast3A_1578 : vector<16xf32>
    %mul3A_1583 = arith.mulf %mul3A_1582, %bitcast3A_1578 : vector<16xf32>
    %sub3A_1584 = arith.constant 1.500000e+00 : f32
    %sub3A_1585 = vector.broadcast %sub3A_1584 : f32 to vector<16xf32>
    %sub3A_1586 = arith.subf %sub3A_1585, %mul3A_1583 : vector<16xf32>
    %mul3A_1587 = arith.mulf %bitcast3A_1578, %sub3A_1586 : vector<16xf32>
    %mul3A_1588 = arith.constant 5.000000e-01 : f32
    %mul3A_1589 = vector.broadcast %mul3A_1588 : f32 to vector<16xf32>
    %mul3A_1590 = arith.mulf %mul3A_1589, %add3A_1570 : vector<16xf32>
    %mul3A_1591 = arith.mulf %mul3A_1590, %mul3A_1587 : vector<16xf32>
    %mul3A_1592 = arith.mulf %mul3A_1591, %mul3A_1587 : vector<16xf32>
    %sub3A_1593 = arith.constant 1.500000e+00 : f32
    %sub3A_1594 = vector.broadcast %sub3A_1593 : f32 to vector<16xf32>
    %sub3A_1595 = arith.subf %sub3A_1594, %mul3A_1592 : vector<16xf32>
    %mul3A_1596 = arith.mulf %mul3A_1587, %sub3A_1595 : vector<16xf32>
    %mul3A_1597 = arith.constant 5.000000e-01 : f32
    %mul3A_1598 = vector.broadcast %mul3A_1597 : f32 to vector<16xf32>
    %mul3A_1599 = arith.mulf %mul3A_1598, %add3A_1570 : vector<16xf32>
    %mul3A_1600 = arith.mulf %mul3A_1599, %mul3A_1596 : vector<16xf32>
    %mul3A_1601 = arith.mulf %mul3A_1600, %mul3A_1596 : vector<16xf32>
    %sub3A_1602 = arith.constant 1.500000e+00 : f32
    %sub3A_1603 = vector.broadcast %sub3A_1602 : f32 to vector<16xf32>
    %sub3A_1604 = arith.subf %sub3A_1603, %mul3A_1601 : vector<16xf32>
    %mul3A_1605 = arith.mulf %mul3A_1596, %sub3A_1604 : vector<16xf32>
    %swap3A_1606 = arith.constant 512 : index
    %swap3A_1607 = tpu.vector_load %arg6[%swap3A_1606] {strides = array<i32>} : memref<640xf32, #tpu.memory_space<vmem>>, vector<16xf32>,
    tpu.vector_store %arg6[%swap3A_1606], %mul3A_1605 {strides = array<i32>} : memref<640xf32, #tpu.memory_space<vmem>>, vector<16xf32>,
    %get3A_1608 = arith.constant 528 : index
    %get3A_1609 = tpu.vector_load %arg6[%get3A_1608] {strides = array<i32>} : memref<640xf32, #tpu.memory_space<vmem>>, vector<16xf32>,
    %add3A_1610 = arith.constant 1.000000e+00 : f32
    %add3A_1611 = vector.broadcast %add3A_1610 : f32 to vector<16xf32>
    %add3A_1612 = arith.addf %get3A_1609, %add3A_1611 : vector<16xf32>
    %bitcast3A_1613 = vector.bitcast %add3A_1612 : vector<16xf32> to vector<16xi32>
    %shift_right_logical3A_1614 = arith.constant 1 : i32
    %shift_right_logical3A_1615 = vector.broadcast %shift_right_logical3A_1614 : i32 to vector<16xi32>
    %shift_right_logical3A_1616 = arith.shrui %bitcast3A_1613, %shift_right_logical3A_1615 : vector<16xi32>
    %sub3A_1617 = arith.constant 1597463007 : i32
    %sub3A_1618 = vector.broadcast %sub3A_1617 : i32 to vector<16xi32>
    %sub3A_1619 = arith.subi %sub3A_1618, %shift_right_logical3A_1616 : vector<16xi32>
    %bitcast3A_1620 = vector.bitcast %sub3A_1619 : vector<16xi32> to vector<16xf32>
    %mul3A_1621 = arith.constant 5.000000e-01 : f32
    %mul3A_1622 = vector.broadcast %mul3A_1621 : f32 to vector<16xf32>
    %mul3A_1623 = arith.mulf %mul3A_1622, %add3A_1612 : vector<16xf32>
    %mul3A_1624 = arith.mulf %mul3A_1623, %bitcast3A_1620 : vector<16xf32>
    %mul3A_1625 = arith.mulf %mul3A_1624, %bitcast3A_1620 : vector<16xf32>
    %sub3A_1626 = arith.constant 1.500000e+00 : f32
    %sub3A_1627 = vector.broadcast %sub3A_1626 : f32 to vector<16xf32>
    %sub3A_1628 = arith.subf %sub3A_1627, %mul3A_1625 : vector<16xf32>
    %mul3A_1629 = arith.mulf %bitcast3A_1620, %sub3A_1628 : vector<16xf32>
    %mul3A_1630 = arith.constant 5.000000e-01 : f32
    %mul3A_1631 = vector.broadcast %mul3A_1630 : f32 to vector<16xf32>
    %mul3A_1632 = arith.mulf %mul3A_1631, %add3A_1612 : vector<16xf32>
    %mul3A_1633 = arith.mulf %mul3A_1632, %mul3A_1629 : vector<16xf32>
    %mul3A_1634 = arith.mulf %mul3A_1633, %mul3A_1629 : vector<16xf32>
    %sub3A_1635 = arith.constant 1.500000e+00 : f32
    %sub3A_1636 = vector.broadcast %sub3A_1635 : f32 to vector<16xf32>
    %sub3A_1637 = arith.subf %sub3A_1636, %mul3A_1634 : vector<16xf32>
    %mul3A_1638 = arith.mulf %mul3A_1629, %sub3A_1637 : vector<16xf32>
    %mul3A_1639 = arith.constant 5.000000e-01 : f32
    %mul3A_1640 = vector.broadcast %mul3A_1639 : f32 to vector<16xf32>
    %mul3A_1641 = arith.mulf %mul3A_1640, %add3A_1612 : vector<16xf32>
    %mul3A_1642 = arith.mulf %mul3A_1641, %mul3A_1638 : vector<16xf32>
    %mul3A_1643 = arith.mulf %mul3A_1642, %mul3A_1638 : vector<16xf32>
    %sub3A_1644 = arith.constant 1.500000e+00 : f32
    %sub3A_1645 = vector.broadcast %sub3A_1644 : f32 to vector<16xf32>
    %sub3A_1646 = arith.subf %sub3A_1645, %mul3A_1643 : vector<16xf32>
    %mul3A_1647 = arith.mulf %mul3A_1638, %sub3A_1646 : vector<16xf32>
    %swap3A_1648 = arith.constant 528 : index
    %swap3A_1649 = tpu.vector_load %arg6[%swap3A_1648] {strides = array<i32>} : memref<640xf32, #tpu.memory_space<vmem>>, vector<16xf32>,
    tpu.vector_store %arg6[%swap3A_1648], %mul3A_1647 {strides = array<i32>} : memref<640xf32, #tpu.memory_space<vmem>>, vector<16xf32>,
    %get3A_1650 = arith.constant 544 : index
    %get3A_1651 = tpu.vector_load %arg6[%get3A_1650] {strides = array<i32>} : memref<640xf32, #tpu.memory_space<vmem>>, vector<16xf32>,
    %add3A_1652 = arith.constant 1.000000e+00 : f32
    %add3A_1653 = vector.broadcast %add3A_1652 : f32 to vector<16xf32>
    %add3A_1654 = arith.addf %get3A_1651, %add3A_1653 : vector<16xf32>
    %bitcast3A_1655 = vector.bitcast %add3A_1654 : vector<16xf32> to vector<16xi32>
    %shift_right_logical3A_1656 = arith.constant 1 : i32
    %shift_right_logical3A_1657 = vector.broadcast %shift_right_logical3A_1656 : i32 to vector<16xi32>
    %shift_right_logical3A_1658 = arith.shrui %bitcast3A_1655, %shift_right_logical3A_1657 : vector<16xi32>
    %sub3A_1659 = arith.constant 1597463007 : i32
    %sub3A_1660 = vector.broadcast %sub3A_1659 : i32 to vector<16xi32>
    %sub3A_1661 = arith.subi %sub3A_1660, %shift_right_logical3A_1658 : vector<16xi32>
    %bitcast3A_1662 = vector.bitcast %sub3A_1661 : vector<16xi32> to vector<16xf32>
    %mul3A_1663 = arith.constant 5.000000e-01 : f32
    %mul3A_1664 = vector.broadcast %mul3A_1663 : f32 to vector<16xf32>
    %mul3A_1665 = arith.mulf %mul3A_1664, %add3A_1654 : vector<16xf32>
    %mul3A_1666 = arith.mulf %mul3A_1665, %bitcast3A_1662 : vector<16xf32>
    %mul3A_1667 = arith.mulf %mul3A_1666, %bitcast3A_1662 : vector<16xf32>
    %sub3A_1668 = arith.constant 1.500000e+00 : f32
    %sub3A_1669 = vector.broadcast %sub3A_1668 : f32 to vector<16xf32>
    %sub3A_1670 = arith.subf %sub3A_1669, %mul3A_1667 : vector<16xf32>
    %mul3A_1671 = arith.mulf %bitcast3A_1662, %sub3A_1670 : vector<16xf32>
    %mul3A_1672 = arith.constant 5.000000e-01 : f32
    %mul3A_1673 = vector.broadcast %mul3A_1672 : f32 to vector<16xf32>
    %mul3A_1674 = arith.mulf %mul3A_1673, %add3A_1654 : vector<16xf32>
    %mul3A_1675 = arith.mulf %mul3A_1674, %mul3A_1671 : vector<16xf32>
    %mul3A_1676 = arith.mulf %mul3A_1675, %mul3A_1671 : vector<16xf32>
    %sub3A_1677 = arith.constant 1.500000e+00 : f32
    %sub3A_1678 = vector.broadcast %sub3A_1677 : f32 to vector<16xf32>
    %sub3A_1679 = arith.subf %sub3A_1678, %mul3A_1676 : vector<16xf32>
    %mul3A_1680 = arith.mulf %mul3A_1671, %sub3A_1679 : vector<16xf32>
    %mul3A_1681 = arith.constant 5.000000e-01 : f32
    %mul3A_1682 = vector.broadcast %mul3A_1681 : f32 to vector<16xf32>
    %mul3A_1683 = arith.mulf %mul3A_1682, %add3A_1654 : vector<16xf32>
    %mul3A_1684 = arith.mulf %mul3A_1683, %mul3A_1680 : vector<16xf32>
    %mul3A_1685 = arith.mulf %mul3A_1684, %mul3A_1680 : vector<16xf32>
    %sub3A_1686 = arith.constant 1.500000e+00 : f32
    %sub3A_1687 = vector.broadcast %sub3A_1686 : f32 to vector<16xf32>
    %sub3A_1688 = arith.subf %sub3A_1687, %mul3A_1685 : vector<16xf32>
    %mul3A_1689 = arith.mulf %mul3A_1680, %sub3A_1688 : vector<16xf32>
    %swap3A_1690 = arith.constant 544 : index
    %swap3A_1691 = tpu.vector_load %arg6[%swap3A_1690] {strides = array<i32>} : memref<640xf32, #tpu.memory_space<vmem>>, vector<16xf32>,
    tpu.vector_store %arg6[%swap3A_1690], %mul3A_1689 {strides = array<i32>} : memref<640xf32, #tpu.memory_space<vmem>>, vector<16xf32>,
    %get3A_1692 = arith.constant 560 : index
    %get3A_1693 = tpu.vector_load %arg6[%get3A_1692] {strides = array<i32>} : memref<640xf32, #tpu.memory_space<vmem>>, vector<16xf32>,
    %add3A_1694 = arith.constant 1.000000e+00 : f32
    %add3A_1695 = vector.broadcast %add3A_1694 : f32 to vector<16xf32>
    %add3A_1696 = arith.addf %get3A_1693, %add3A_1695 : vector<16xf32>
    %bitcast3A_1697 = vector.bitcast %add3A_1696 : vector<16xf32> to vector<16xi32>
    %shift_right_logical3A_1698 = arith.constant 1 : i32
    %shift_right_logical3A_1699 = vector.broadcast %shift_right_logical3A_1698 : i32 to vector<16xi32>
    %shift_right_logical3A_1700 = arith.shrui %bitcast3A_1697, %shift_right_logical3A_1699 : vector<16xi32>
    %sub3A_1701 = arith.constant 1597463007 : i32
    %sub3A_1702 = vector.broadcast %sub3A_1701 : i32 to vector<16xi32>
    %sub3A_1703 = arith.subi %sub3A_1702, %shift_right_logical3A_1700 : vector<16xi32>
    %bitcast3A_1704 = vector.bitcast %sub3A_1703 : vector<16xi32> to vector<16xf32>
    %mul3A_1705 = arith.constant 5.000000e-01 : f32
    %mul3A_1706 = vector.broadcast %mul3A_1705 : f32 to vector<16xf32>
    %mul3A_1707 = arith.mulf %mul3A_1706, %add3A_1696 : vector<16xf32>
    %mul3A_1708 = arith.mulf %mul3A_1707, %bitcast3A_1704 : vector<16xf32>
    %mul3A_1709 = arith.mulf %mul3A_1708, %bitcast3A_1704 : vector<16xf32>
    %sub3A_1710 = arith.constant 1.500000e+00 : f32
    %sub3A_1711 = vector.broadcast %sub3A_1710 : f32 to vector<16xf32>
    %sub3A_1712 = arith.subf %sub3A_1711, %mul3A_1709 : vector<16xf32>
    %mul3A_1713 = arith.mulf %bitcast3A_1704, %sub3A_1712 : vector<16xf32>
    %mul3A_1714 = arith.constant 5.000000e-01 : f32
    %mul3A_1715 = vector.broadcast %mul3A_1714 : f32 to vector<16xf32>
    %mul3A_1716 = arith.mulf %mul3A_1715, %add3A_1696 : vector<16xf32>
    %mul3A_1717 = arith.mulf %mul3A_1716, %mul3A_1713 : vector<16xf32>
    %mul3A_1718 = arith.mulf %mul3A_1717, %mul3A_1713 : vector<16xf32>
    %sub3A_1719 = arith.constant 1.500000e+00 : f32
    %sub3A_1720 = vector.broadcast %sub3A_1719 : f32 to vector<16xf32>
    %sub3A_1721 = arith.subf %sub3A_1720, %mul3A_1718 : vector<16xf32>
    %mul3A_1722 = arith.mulf %mul3A_1713, %sub3A_1721 : vector<16xf32>
    %mul3A_1723 = arith.constant 5.000000e-01 : f32
    %mul3A_1724 = vector.broadcast %mul3A_1723 : f32 to vector<16xf32>
    %mul3A_1725 = arith.mulf %mul3A_1724, %add3A_1696 : vector<16xf32>
    %mul3A_1726 = arith.mulf %mul3A_1725, %mul3A_1722 : vector<16xf32>
    %mul3A_1727 = arith.mulf %mul3A_1726, %mul3A_1722 : vector<16xf32>
    %sub3A_1728 = arith.constant 1.500000e+00 : f32
    %sub3A_1729 = vector.broadcast %sub3A_1728 : f32 to vector<16xf32>
    %sub3A_1730 = arith.subf %sub3A_1729, %mul3A_1727 : vector<16xf32>
    %mul3A_1731 = arith.mulf %mul3A_1722, %sub3A_1730 : vector<16xf32>
    %swap3A_1732 = arith.constant 560 : index
    %swap3A_1733 = tpu.vector_load %arg6[%swap3A_1732] {strides = array<i32>} : memref<640xf32, #tpu.memory_space<vmem>>, vector<16xf32>,
    tpu.vector_store %arg6[%swap3A_1732], %mul3A_1731 {strides = array<i32>} : memref<640xf32, #tpu.memory_space<vmem>>, vector<16xf32>,
    %get3A_1734 = arith.constant 576 : index
    %get3A_1735 = tpu.vector_load %arg6[%get3A_1734] {strides = array<i32>} : memref<640xf32, #tpu.memory_space<vmem>>, vector<16xf32>,
    %add3A_1736 = arith.constant 1.000000e+00 : f32
    %add3A_1737 = vector.broadcast %add3A_1736 : f32 to vector<16xf32>
    %add3A_1738 = arith.addf %get3A_1735, %add3A_1737 : vector<16xf32>
    %bitcast3A_1739 = vector.bitcast %add3A_1738 : vector<16xf32> to vector<16xi32>
    %shift_right_logical3A_1740 = arith.constant 1 : i32
    %shift_right_logical3A_1741 = vector.broadcast %shift_right_logical3A_1740 : i32 to vector<16xi32>
    %shift_right_logical3A_1742 = arith.shrui %bitcast3A_1739, %shift_right_logical3A_1741 : vector<16xi32>
    %sub3A_1743 = arith.constant 1597463007 : i32
    %sub3A_1744 = vector.broadcast %sub3A_1743 : i32 to vector<16xi32>
    %sub3A_1745 = arith.subi %sub3A_1744, %shift_right_logical3A_1742 : vector<16xi32>
    %bitcast3A_1746 = vector.bitcast %sub3A_1745 : vector<16xi32> to vector<16xf32>
    %mul3A_1747 = arith.constant 5.000000e-01 : f32
    %mul3A_1748 = vector.broadcast %mul3A_1747 : f32 to vector<16xf32>
    %mul3A_1749 = arith.mulf %mul3A_1748, %add3A_1738 : vector<16xf32>
    %mul3A_1750 = arith.mulf %mul3A_1749, %bitcast3A_1746 : vector<16xf32>
    %mul3A_1751 = arith.mulf %mul3A_1750, %bitcast3A_1746 : vector<16xf32>
    %sub3A_1752 = arith.constant 1.500000e+00 : f32
    %sub3A_1753 = vector.broadcast %sub3A_1752 : f32 to vector<16xf32>
    %sub3A_1754 = arith.subf %sub3A_1753, %mul3A_1751 : vector<16xf32>
    %mul3A_1755 = arith.mulf %bitcast3A_1746, %sub3A_1754 : vector<16xf32>
    %mul3A_1756 = arith.constant 5.000000e-01 : f32
    %mul3A_1757 = vector.broadcast %mul3A_1756 : f32 to vector<16xf32>
    %mul3A_1758 = arith.mulf %mul3A_1757, %add3A_1738 : vector<16xf32>
    %mul3A_1759 = arith.mulf %mul3A_1758, %mul3A_1755 : vector<16xf32>
    %mul3A_1760 = arith.mulf %mul3A_1759, %mul3A_1755 : vector<16xf32>
    %sub3A_1761 = arith.constant 1.500000e+00 : f32
    %sub3A_1762 = vector.broadcast %sub3A_1761 : f32 to vector<16xf32>
    %sub3A_1763 = arith.subf %sub3A_1762, %mul3A_1760 : vector<16xf32>
    %mul3A_1764 = arith.mulf %mul3A_1755, %sub3A_1763 : vector<16xf32>
    %mul3A_1765 = arith.constant 5.000000e-01 : f32
    %mul3A_1766 = vector.broadcast %mul3A_1765 : f32 to vector<16xf32>
    %mul3A_1767 = arith.mulf %mul3A_1766, %add3A_1738 : vector<16xf32>
    %mul3A_1768 = arith.mulf %mul3A_1767, %mul3A_1764 : vector<16xf32>
    %mul3A_1769 = arith.mulf %mul3A_1768, %mul3A_1764 : vector<16xf32>
    %sub3A_1770 = arith.constant 1.500000e+00 : f32
    %sub3A_1771 = vector.broadcast %sub3A_1770 : f32 to vector<16xf32>
    %sub3A_1772 = arith.subf %sub3A_1771, %mul3A_1769 : vector<16xf32>
    %mul3A_1773 = arith.mulf %mul3A_1764, %sub3A_1772 : vector<16xf32>
    %swap3A_1774 = arith.constant 576 : index
    %swap3A_1775 = tpu.vector_load %arg6[%swap3A_1774] {strides = array<i32>} : memref<640xf32, #tpu.memory_space<vmem>>, vector<16xf32>,
    tpu.vector_store %arg6[%swap3A_1774], %mul3A_1773 {strides = array<i32>} : memref<640xf32, #tpu.memory_space<vmem>>, vector<16xf32>,
    %get3A_1776 = arith.constant 592 : index
    %get3A_1777 = tpu.vector_load %arg6[%get3A_1776] {strides = array<i32>} : memref<640xf32, #tpu.memory_space<vmem>>, vector<16xf32>,
    %add3A_1778 = arith.constant 1.000000e+00 : f32
    %add3A_1779 = vector.broadcast %add3A_1778 : f32 to vector<16xf32>
    %add3A_1780 = arith.addf %get3A_1777, %add3A_1779 : vector<16xf32>
    %bitcast3A_1781 = vector.bitcast %add3A_1780 : vector<16xf32> to vector<16xi32>
    %shift_right_logical3A_1782 = arith.constant 1 : i32
    %shift_right_logical3A_1783 = vector.broadcast %shift_right_logical3A_1782 : i32 to vector<16xi32>
    %shift_right_logical3A_1784 = arith.shrui %bitcast3A_1781, %shift_right_logical3A_1783 : vector<16xi32>
    %sub3A_1785 = arith.constant 1597463007 : i32
    %sub3A_1786 = vector.broadcast %sub3A_1785 : i32 to vector<16xi32>
    %sub3A_1787 = arith.subi %sub3A_1786, %shift_right_logical3A_1784 : vector<16xi32>
    %bitcast3A_1788 = vector.bitcast %sub3A_1787 : vector<16xi32> to vector<16xf32>
    %mul3A_1789 = arith.constant 5.000000e-01 : f32
    %mul3A_1790 = vector.broadcast %mul3A_1789 : f32 to vector<16xf32>
    %mul3A_1791 = arith.mulf %mul3A_1790, %add3A_1780 : vector<16xf32>
    %mul3A_1792 = arith.mulf %mul3A_1791, %bitcast3A_1788 : vector<16xf32>
    %mul3A_1793 = arith.mulf %mul3A_1792, %bitcast3A_1788 : vector<16xf32>
    %sub3A_1794 = arith.constant 1.500000e+00 : f32
    %sub3A_1795 = vector.broadcast %sub3A_1794 : f32 to vector<16xf32>
    %sub3A_1796 = arith.subf %sub3A_1795, %mul3A_1793 : vector<16xf32>
    %mul3A_1797 = arith.mulf %bitcast3A_1788, %sub3A_1796 : vector<16xf32>
    %mul3A_1798 = arith.constant 5.000000e-01 : f32
    %mul3A_1799 = vector.broadcast %mul3A_1798 : f32 to vector<16xf32>
    %mul3A_1800 = arith.mulf %mul3A_1799, %add3A_1780 : vector<16xf32>
    %mul3A_1801 = arith.mulf %mul3A_1800, %mul3A_1797 : vector<16xf32>
    %mul3A_1802 = arith.mulf %mul3A_1801, %mul3A_1797 : vector<16xf32>
    %sub3A_1803 = arith.constant 1.500000e+00 : f32
    %sub3A_1804 = vector.broadcast %sub3A_1803 : f32 to vector<16xf32>
    %sub3A_1805 = arith.subf %sub3A_1804, %mul3A_1802 : vector<16xf32>
    %mul3A_1806 = arith.mulf %mul3A_1797, %sub3A_1805 : vector<16xf32>
    %mul3A_1807 = arith.constant 5.000000e-01 : f32
    %mul3A_1808 = vector.broadcast %mul3A_1807 : f32 to vector<16xf32>
    %mul3A_1809 = arith.mulf %mul3A_1808, %add3A_1780 : vector<16xf32>
    %mul3A_1810 = arith.mulf %mul3A_1809, %mul3A_1806 : vector<16xf32>
    %mul3A_1811 = arith.mulf %mul3A_1810, %mul3A_1806 : vector<16xf32>
    %sub3A_1812 = arith.constant 1.500000e+00 : f32
    %sub3A_1813 = vector.broadcast %sub3A_1812 : f32 to vector<16xf32>
    %sub3A_1814 = arith.subf %sub3A_1813, %mul3A_1811 : vector<16xf32>
    %mul3A_1815 = arith.mulf %mul3A_1806, %sub3A_1814 : vector<16xf32>
    %swap3A_1816 = arith.constant 592 : index
    %swap3A_1817 = tpu.vector_load %arg6[%swap3A_1816] {strides = array<i32>} : memref<640xf32, #tpu.memory_space<vmem>>, vector<16xf32>,
    tpu.vector_store %arg6[%swap3A_1816], %mul3A_1815 {strides = array<i32>} : memref<640xf32, #tpu.memory_space<vmem>>, vector<16xf32>,
    %get3A_1818 = arith.constant 608 : index
    %get3A_1819 = tpu.vector_load %arg6[%get3A_1818] {strides = array<i32>} : memref<640xf32, #tpu.memory_space<vmem>>, vector<16xf32>,
    %add3A_1820 = arith.constant 1.000000e+00 : f32
    %add3A_1821 = vector.broadcast %add3A_1820 : f32 to vector<16xf32>
    %add3A_1822 = arith.addf %get3A_1819, %add3A_1821 : vector<16xf32>
    %bitcast3A_1823 = vector.bitcast %add3A_1822 : vector<16xf32> to vector<16xi32>
    %shift_right_logical3A_1824 = arith.constant 1 : i32
    %shift_right_logical3A_1825 = vector.broadcast %shift_right_logical3A_1824 : i32 to vector<16xi32>
    %shift_right_logical3A_1826 = arith.shrui %bitcast3A_1823, %shift_right_logical3A_1825 : vector<16xi32>
    %sub3A_1827 = arith.constant 1597463007 : i32
    %sub3A_1828 = vector.broadcast %sub3A_1827 : i32 to vector<16xi32>
    %sub3A_1829 = arith.subi %sub3A_1828, %shift_right_logical3A_1826 : vector<16xi32>
    %bitcast3A_1830 = vector.bitcast %sub3A_1829 : vector<16xi32> to vector<16xf32>
    %mul3A_1831 = arith.constant 5.000000e-01 : f32
    %mul3A_1832 = vector.broadcast %mul3A_1831 : f32 to vector<16xf32>
    %mul3A_1833 = arith.mulf %mul3A_1832, %add3A_1822 : vector<16xf32>
    %mul3A_1834 = arith.mulf %mul3A_1833, %bitcast3A_1830 : vector<16xf32>
    %mul3A_1835 = arith.mulf %mul3A_1834, %bitcast3A_1830 : vector<16xf32>
    %sub3A_1836 = arith.constant 1.500000e+00 : f32
    %sub3A_1837 = vector.broadcast %sub3A_1836 : f32 to vector<16xf32>
    %sub3A_1838 = arith.subf %sub3A_1837, %mul3A_1835 : vector<16xf32>
    %mul3A_1839 = arith.mulf %bitcast3A_1830, %sub3A_1838 : vector<16xf32>
    %mul3A_1840 = arith.constant 5.000000e-01 : f32
    %mul3A_1841 = vector.broadcast %mul3A_1840 : f32 to vector<16xf32>
    %mul3A_1842 = arith.mulf %mul3A_1841, %add3A_1822 : vector<16xf32>
    %mul3A_1843 = arith.mulf %mul3A_1842, %mul3A_1839 : vector<16xf32>
    %mul3A_1844 = arith.mulf %mul3A_1843, %mul3A_1839 : vector<16xf32>
    %sub3A_1845 = arith.constant 1.500000e+00 : f32
    %sub3A_1846 = vector.broadcast %sub3A_1845 : f32 to vector<16xf32>
    %sub3A_1847 = arith.subf %sub3A_1846, %mul3A_1844 : vector<16xf32>
    %mul3A_1848 = arith.mulf %mul3A_1839, %sub3A_1847 : vector<16xf32>
    %mul3A_1849 = arith.constant 5.000000e-01 : f32
    %mul3A_1850 = vector.broadcast %mul3A_1849 : f32 to vector<16xf32>
    %mul3A_1851 = arith.mulf %mul3A_1850, %add3A_1822 : vector<16xf32>
    %mul3A_1852 = arith.mulf %mul3A_1851, %mul3A_1848 : vector<16xf32>
    %mul3A_1853 = arith.mulf %mul3A_1852, %mul3A_1848 : vector<16xf32>
    %sub3A_1854 = arith.constant 1.500000e+00 : f32
    %sub3A_1855 = vector.broadcast %sub3A_1854 : f32 to vector<16xf32>
    %sub3A_1856 = arith.subf %sub3A_1855, %mul3A_1853 : vector<16xf32>
    %mul3A_1857 = arith.mulf %mul3A_1848, %sub3A_1856 : vector<16xf32>
    %swap3A_1858 = arith.constant 608 : index
    %swap3A_1859 = tpu.vector_load %arg6[%swap3A_1858] {strides = array<i32>} : memref<640xf32, #tpu.memory_space<vmem>>, vector<16xf32>,
    tpu.vector_store %arg6[%swap3A_1858], %mul3A_1857 {strides = array<i32>} : memref<640xf32, #tpu.memory_space<vmem>>, vector<16xf32>,
    %get3A_1860 = arith.constant 624 : index
    %get3A_1861 = tpu.vector_load %arg6[%get3A_1860] {strides = array<i32>} : memref<640xf32, #tpu.memory_space<vmem>>, vector<16xf32>,
    %add3A_1862 = arith.constant 1.000000e+00 : f32
    %add3A_1863 = vector.broadcast %add3A_1862 : f32 to vector<16xf32>
    %add3A_1864 = arith.addf %get3A_1861, %add3A_1863 : vector<16xf32>
    %bitcast3A_1865 = vector.bitcast %add3A_1864 : vector<16xf32> to vector<16xi32>
    %shift_right_logical3A_1866 = arith.constant 1 : i32
    %shift_right_logical3A_1867 = vector.broadcast %shift_right_logical3A_1866 : i32 to vector<16xi32>
    %shift_right_logical3A_1868 = arith.shrui %bitcast3A_1865, %shift_right_logical3A_1867 : vector<16xi32>
    %sub3A_1869 = arith.constant 1597463007 : i32
    %sub3A_1870 = vector.broadcast %sub3A_1869 : i32 to vector<16xi32>
    %sub3A_1871 = arith.subi %sub3A_1870, %shift_right_logical3A_1868 : vector<16xi32>
    %bitcast3A_1872 = vector.bitcast %sub3A_1871 : vector<16xi32> to vector<16xf32>
    %mul3A_1873 = arith.constant 5.000000e-01 : f32
    %mul3A_1874 = vector.broadcast %mul3A_1873 : f32 to vector<16xf32>
    %mul3A_1875 = arith.mulf %mul3A_1874, %add3A_1864 : vector<16xf32>
    %mul3A_1876 = arith.mulf %mul3A_1875, %bitcast3A_1872 : vector<16xf32>
    %mul3A_1877 = arith.mulf %mul3A_1876, %bitcast3A_1872 : vector<16xf32>
    %sub3A_1878 = arith.constant 1.500000e+00 : f32
    %sub3A_1879 = vector.broadcast %sub3A_1878 : f32 to vector<16xf32>
    %sub3A_1880 = arith.subf %sub3A_1879, %mul3A_1877 : vector<16xf32>
    %mul3A_1881 = arith.mulf %bitcast3A_1872, %sub3A_1880 : vector<16xf32>
    %mul3A_1882 = arith.constant 5.000000e-01 : f32
    %mul3A_1883 = vector.broadcast %mul3A_1882 : f32 to vector<16xf32>
    %mul3A_1884 = arith.mulf %mul3A_1883, %add3A_1864 : vector<16xf32>
    %mul3A_1885 = arith.mulf %mul3A_1884, %mul3A_1881 : vector<16xf32>
    %mul3A_1886 = arith.mulf %mul3A_1885, %mul3A_1881 : vector<16xf32>
    %sub3A_1887 = arith.constant 1.500000e+00 : f32
    %sub3A_1888 = vector.broadcast %sub3A_1887 : f32 to vector<16xf32>
    %sub3A_1889 = arith.subf %sub3A_1888, %mul3A_1886 : vector<16xf32>
    %mul3A_1890 = arith.mulf %mul3A_1881, %sub3A_1889 : vector<16xf32>
    %mul3A_1891 = arith.constant 5.000000e-01 : f32
    %mul3A_1892 = vector.broadcast %mul3A_1891 : f32 to vector<16xf32>
    %mul3A_1893 = arith.mulf %mul3A_1892, %add3A_1864 : vector<16xf32>
    %mul3A_1894 = arith.mulf %mul3A_1893, %mul3A_1890 : vector<16xf32>
    %mul3A_1895 = arith.mulf %mul3A_1894, %mul3A_1890 : vector<16xf32>
    %sub3A_1896 = arith.constant 1.500000e+00 : f32
    %sub3A_1897 = vector.broadcast %sub3A_1896 : f32 to vector<16xf32>
    %sub3A_1898 = arith.subf %sub3A_1897, %mul3A_1895 : vector<16xf32>
    %mul3A_1899 = arith.mulf %mul3A_1890, %sub3A_1898 : vector<16xf32>
    %swap3A_1900 = arith.constant 624 : index
    %swap3A_1901 = tpu.vector_load %arg6[%swap3A_1900] {strides = array<i32>} : memref<640xf32, #tpu.memory_space<vmem>>, vector<16xf32>,
    tpu.vector_store %arg6[%swap3A_1900], %mul3A_1899 {strides = array<i32>} : memref<640xf32, #tpu.memory_space<vmem>>, vector<16xf32>,
    %eq3A = arith.constant 0 : i32
    %eq3A_1902 = arith.cmpi eq, %arg0, %eq3A : i32
    %convert_element_type3A_1903 = arith.extui %eq3A_1902 : i1 to i32
    %cond3A_1904 = arith.constant 0 : i32
    %cond3A_1905 = arith.cmpi ne, %convert_element_type3A_1903, %cond3A_1904 : i32
    scf.if %cond3A_1905 {
      %mul3A_1906 = arith.constant 640 : i32
      %mul3A_1907 = arith.muli %arg1, %mul3A_1906 : i32
      "tpu.region"() ({
        %run_scoped3A = tpu.sem_alloc : memref<!tpu.dma_semaphore, #tpu.memory_space<semaphore_mem>>
        %dma_start3A = tpu.memref_slice %arg3[%mul3A_1907] : memref<10240xf32, #tpu.memory_space<hbm>> -> memref<640xf32, #tpu.memory_space<hbm>>
        %dma_start3A_1908 = tpu.memref_slice %arg3[%mul3A_1907] : memref<10240xf32, #tpu.memory_space<hbm>> -> memref<640xf32, #tpu.memory_space<hbm>>
        tpu.enqueue_dma source(%arg6 : memref<640xf32, #tpu.memory_space<vmem>>) target(%dma_start3A_1908 : memref<640xf32, #tpu.memory_space<hbm>>) target_semaphore(%run_scoped3A : memref<!tpu.dma_semaphore, #tpu.memory_space<semaphore_mem>>)
        %dma_wait3A_1909 = tpu.memref_slice %arg3[%mul3A_1907] : memref<10240xf32, #tpu.memory_space<hbm>> -> memref<640xf32, #tpu.memory_space<hbm>>
        %dma_wait3A_1910 = tpu.memref_slice %arg3[%mul3A_1907] : memref<10240xf32, #tpu.memory_space<hbm>> -> memref<640xf32, #tpu.memory_space<hbm>>
        tpu.wait_dma2 semaphore(%run_scoped3A : memref<!tpu.dma_semaphore, #tpu.memory_space<semaphore_mem>>) src(%arg6 : memref<640xf32, #tpu.memory_space<vmem>>) dst(%dma_wait3A_1910 : memref<640xf32, #tpu.memory_space<hbm>>)
        tpu.yield
      }) : () -> ()
    } else {
    }
    return
  }
}

module attributes {stable_mosaic.version = 14 : i64} {
  func.func @_scale_body(%arg0: i32, %arg1: memref<1000x128xf32, #tpu.memory_space<vmem>>, %arg2: memref<128x128xf32, #tpu.memory_space<vmem>>, %arg3: memref<1000x1xf32, #tpu.memory_space<vmem>>, %arg4: memref<1000x128xf32, #tpu.memory_space<vmem>>, %arg5: memref<1000x128xbf16, #tpu.memory_space<vmem>>) attributes {dimension_semantics = [#tpu.dimension_semantics<arbitrary>], iteration_bounds = array<i64: 10>, scalar_prefetch = 0 : i64, scratch_operands = 0 : i64, tpu.core_type = #tpu.core_type<tc>, window_params = [{transform_indices = @transform_0, window_bounds = array<i64: 1000, 128>}, {pipeline_mode = #tpu.pipeline_mode<synchronous>, transform_indices = @transform_1, window_bounds = array<i64: 128, 128>}, {transform_indices = @transform_2, window_bounds = array<i64: 1000, 1>}, {transform_indices = @transform_3, window_bounds = array<i64: 1000, 128>}, {transform_indices = @transform_4, window_bounds = array<i64: 1000, 128>}]} {
    %get3A = arith.constant 0 : index
    %get3A_0 = arith.constant 0 : index
    %get3A_1 = vector.load %arg3[%get3A, %get3A_0] : memref<1000x1xf32, #tpu.memory_space<vmem>>, vector<1000x1xf32>
    %get3A_2 = arith.constant 0 : index
    %get3A_3 = arith.constant 0 : index
    %get3A_4 = vector.load %arg1[%get3A_2, %get3A_3] : memref<1000x128xf32, #tpu.memory_space<vmem>>, vector<1000x128xf32>
    %get3A_5 = arith.constant 0 : index
    %get3A_6 = arith.constant 0 : index
    %get3A_7 = vector.load %arg2[%get3A_5, %get3A_6] : memref<128x128xf32, #tpu.memory_space<vmem>>, vector<128x128xf32>
    %dot_general3A = arith.constant dense<0.000000e+00> : vector<1000x128xf32>
    %dot_general3A_8 = tpu.matmul %get3A_4, %get3A_7, %dot_general3A {dimension_numbers = #tpu.dot_dimension_numbers<[1], [0], [0], [1], [0, 0, 1, 1], [], []>, transpose_lhs_hint = false} : vector<1000x128xf32>, vector<128x128xf32>, vector<1000x128xf32> -> vector<1000x128xf32>
    %mul3A = vector.broadcast %get3A_1 : vector<1000x1xf32> to vector<1000x128xf32>
    %mul3A_9 = arith.mulf %dot_general3A_8, %mul3A : vector<1000x128xf32>
    %swap3A = arith.constant 0 : index
    %swap3A_10 = arith.constant 0 : index
    %swap3A_11 = vector.load %arg4[%swap3A, %swap3A_10] : memref<1000x128xf32, #tpu.memory_space<vmem>>, vector<1000x128xf32>
    tpu.vector_store %arg4[%swap3A, %swap3A_10], %mul3A_9 {strides = array<i32>} : memref<1000x128xf32, #tpu.memory_space<vmem>>, vector<1000x128xf32>,
    %convert_element_type3A = arith.truncf %mul3A_9 : vector<1000x128xf32> to vector<1000x128xbf16>
    %swap3A_12 = arith.constant 0 : index
    %swap3A_13 = arith.constant 0 : index
    %swap3A_14 = vector.load %arg5[%swap3A_12, %swap3A_13] : memref<1000x128xbf16, #tpu.memory_space<vmem>>, vector<1000x128xbf16>
    tpu.vector_store %arg5[%swap3A_12, %swap3A_13], %convert_element_type3A {strides = array<i32>} : memref<1000x128xbf16, #tpu.memory_space<vmem>>, vector<1000x128xbf16>,
    return
  }
  func.func @transform_0(%arg0: i32) -> (i32, i32) {
    %c0_i32 = arith.constant 0 : i32
    %c0_i32_0 = arith.constant 0 : i32
    return %arg0, %c0_i32 : i32, i32
  }
  func.func @transform_1(%arg0: i32) -> (i32, i32) {
    %c0_i32 = arith.constant 0 : i32
    %c0_i32_0 = arith.constant 0 : i32
    %c0_i32_1 = arith.constant 0 : i32
    return %c0_i32, %c0_i32_0 : i32, i32
  }
  func.func @transform_2(%arg0: i32) -> (i32, i32) {
    %c0_i32 = arith.constant 0 : i32
    %c0_i32_0 = arith.constant 0 : i32
    return %arg0, %c0_i32 : i32, i32
  }
  func.func @transform_3(%arg0: i32) -> (i32, i32) {
    %c0_i32 = arith.constant 0 : i32
    %c0_i32_0 = arith.constant 0 : i32
    return %arg0, %c0_i32 : i32, i32
  }
  func.func @transform_4(%arg0: i32) -> (i32, i32) {
    %c0_i32 = arith.constant 0 : i32
    %c0_i32_0 = arith.constant 0 : i32
    return %arg0, %c0_i32 : i32, i32
  }
}

module attributes {stable_mosaic.version = 14 : i64} {
  func.func @_final_body(%arg0: i32, %arg1: memref<2x1000x128xbf16, #tpu.memory_space<vmem>>, %arg2: memref<1000x128xf32, #tpu.memory_space<vmem>>, %arg3: memref<1000x1xf32, #tpu.memory_space<vmem>>, %arg4: memref<1000x128xf32, #tpu.memory_space<vmem>>) attributes {dimension_semantics = [#tpu.dimension_semantics<arbitrary>], iteration_bounds = array<i64: 10>, scalar_prefetch = 0 : i64, scratch_operands = 0 : i64, tpu.core_type = #tpu.core_type<tc>, window_params = [{transform_indices = @transform_0, window_bounds = array<i64: 2, 1000, 128>}, {transform_indices = @transform_1, window_bounds = array<i64: 1000, 128>}, {transform_indices = @transform_2, window_bounds = array<i64: 1000, 1>}, {transform_indices = @transform_3, window_bounds = array<i64: 1000, 128>}]} {
    %get3A = arith.constant 0 : index
    %get3A_0 = arith.constant 0 : index
    %get3A_1 = arith.constant 0 : index
    %get3A_2 = vector.load %arg1[%get3A, %get3A_0, %get3A_1] : memref<2x1000x128xbf16, #tpu.memory_space<vmem>>, vector<1x1000x128xbf16>
    %get3A_3 = vector.shape_cast %get3A_2 : vector<1x1000x128xbf16> to vector<1000x128xbf16>
    %convert_element_type3A = arith.extf %get3A_3 : vector<1000x128xbf16> to vector<1000x128xf32>
    %get3A_4 = arith.constant 1 : index
    %get3A_5 = arith.constant 0 : index
    %get3A_6 = arith.constant 0 : index
    %get3A_7 = vector.load %arg1[%get3A_4, %get3A_5, %get3A_6] : memref<2x1000x128xbf16, #tpu.memory_space<vmem>>, vector<1x1000x128xbf16>
    %get3A_8 = vector.shape_cast %get3A_7 : vector<1x1000x128xbf16> to vector<1000x128xbf16>
    %convert_element_type3A_9 = arith.extf %get3A_8 : vector<1000x128xbf16> to vector<1000x128xf32>
    %add3A = arith.addf %convert_element_type3A, %convert_element_type3A_9 : vector<1000x128xf32>
    %get3A_10 = arith.constant 0 : index
    %get3A_11 = arith.constant 0 : index
    %get3A_12 = vector.load %arg2[%get3A_10, %get3A_11] : memref<1000x128xf32, #tpu.memory_space<vmem>>, vector<1000x128xf32>
    %add3A_13 = arith.addf %add3A, %get3A_12 : vector<1000x128xf32>
    %get3A_14 = arith.constant 0 : index
    %get3A_15 = arith.constant 0 : index
    %get3A_16 = vector.load %arg3[%get3A_14, %get3A_15] : memref<1000x1xf32, #tpu.memory_space<vmem>>, vector<1000x1xf32>
    %mul3A = vector.broadcast %get3A_16 : vector<1000x1xf32> to vector<1000x128xf32>
    %mul3A_17 = arith.mulf %add3A_13, %mul3A : vector<1000x128xf32>
    %swap3A = arith.constant 0 : index
    %swap3A_18 = arith.constant 0 : index
    %swap3A_19 = vector.load %arg4[%swap3A, %swap3A_18] : memref<1000x128xf32, #tpu.memory_space<vmem>>, vector<1000x128xf32>
    tpu.vector_store %arg4[%swap3A, %swap3A_18], %mul3A_17 {strides = array<i32>} : memref<1000x128xf32, #tpu.memory_space<vmem>>, vector<1000x128xf32>,
    return
  }
  func.func @transform_0(%arg0: i32) -> (i32, i32, i32) {
    %c0_i32 = arith.constant 0 : i32
    %c0_i32_0 = arith.constant 0 : i32
    %c0_i32_1 = arith.constant 0 : i32
    return %c0_i32, %arg0, %c0_i32_0 : i32, i32, i32
  }
  func.func @transform_1(%arg0: i32) -> (i32, i32) {
    %c0_i32 = arith.constant 0 : i32
    %c0_i32_0 = arith.constant 0 : i32
    return %arg0, %c0_i32 : i32, i32
  }
  func.func @transform_2(%arg0: i32) -> (i32, i32) {
    %c0_i32 = arith.constant 0 : i32
    %c0_i32_0 = arith.constant 0 : i32
    return %arg0, %c0_i32 : i32, i32
  }
  func.func @transform_3(%arg0: i32) -> (i32, i32) {
    %c0_i32 = arith.constant 0 : i32
    %c0_i32_0 = arith.constant 0 : i32
    return %arg0, %c0_i32 : i32, i32
  }
}

</mosaic_0001>

<sc_bundles>
// kernel: kernel.6.cloned.1.call-start
scs
__scs_entry_jumppad:
0x0: {  	(pc) =	sbr.rel $0x88, $3  }
0x1: {  	(tag) =	ssettag $0x0;
	lr =	simm.s32 $0x1  }
0x2: {  	[smem:$0x3F9E] =	sst lr;
	_ =	strace $0xD0000000  }
0x3: {  	_ = 	snop  }
0x4: {  	_ = 	snop  }
0x5: {  	_ = 	snop  }
0x6: {  	_ = 	snop  }
0x7: {  	_ = 	snop  }
__scs_overlays_trampoline_lowered:
0x8: {  	[smem:$0x3FAD] =	sst s0  }
0x9: {  	[smem:$0x3FAE] =	sst s1  }
0xa: {  	[smem:$0x3FAF] =	sst s2  }
0xb: {  	[smem:$0x3FB0] =	sst s3  }
0xc: {  	[smem:$0x3FB1] =	sst s4  }
0xd: {  	[smem:$0x3FB2] =	sst s5  }
0xe: {  	[smem:$0x3FB3] =	sst s6  }
0xf: {  	[smem:$0x3FB4] =	sst s7  }
0x10: {  	[smem:$0x3FB5] =	sst s8  }
0x11: {  	[smem:$0x3FB6] =	sst s9;
	s0 =	simm.s32 @!p0 $0x0  }
0x12: {  	s1 =	sld [smem:$0x3F9C];
	s0 =	simm.s32 @p0 $0x1  }
0x13: {  	[smem:$0x3FB7] =	sst s0;
	s0 =	simm.s32 @!p1 $0x0  }
0x14: {  	s2 =	sld [smem:$0x3F9B];
	s0 =	simm.s32 @p1 $0x1  }
0x15: {  	[smem:$0x3FB8] =	sst s0;
	s0 =	simm.s32 @!p2 $0x0  }
0x16: {  	s3 =	sld [smem:$0x3FDB];
	s0 =	simm.s32 @p2 $0x1  }
0x17: {  	s4 =	simm.s32 $0x1BF5;
	[smem:$0x3FBA] =	sst s0  }
0x18: {  	s0 =	sld [smem:$0x3F9D];
	_ =	swait.ge [sflag:s4], $0x0  }
0x19: {  	s7 =	sld [smem:$0x3F9E]  }
0x1a: {  	s8 =	sadd.s32 $0xFFFFE003, lr  }
0x1b: {  	s9 =	sadd.s32 $0xFFFFFEF7, lr;
	s5 =	simm.s32 $0xFFFFFFFF;
	p2 =	slt.u32 s8, $0xFFFFF086  }
0x1c: {  	p1 =	slt.u32 s9, $0xF7A;
	s5 =	simm.s32 @!p2 $0x0  }
0x1d: {  	s5 =	simm.s32 @p1 $0x1;
	p0 =	seq.s32 s7, s2  }
0x1e: {  	s7 =	smul.u32 @!p0 $0xF7A, s2;
	p2 =	seq.s32 @!p0 s5, $0x0  }
0x1f: {  	s9 =	smul.u32 $0xF7A, s1;
	s8 =	simm.s32 @!p0 $0x1BF5;
	p2 =	por !p2, p0  }
0x20: {  	[sflag:s8] =	ssyncset.s32 @!p0 $0xFFFFF086;
	s6 =	sadd.s32 @!p0 s3, s7;
	s7 =	simm.s32 @!p0 $0x108  }
0x21: {  	s3 =	sadd.s32 s3, s9;
	s6 =	sadd.s32 @!p0 $0x88, s6;
	s7 =	simm.s32 @p2 $0x1082  }
0x22: {  	[simem:s7], [sflag:s8] =	dma.local @!p0 [hbm:s6], $0xF7A  }
0x23: {  	s9 =	sor.u32 $0xD0000000, s2;
	s6 =	simm.s32 $0x108;
	_ =	swait.ge @!p0 [sflag:s8], $0x0  }
0x24: {  	s3 =	sadd.s32 $0x88, s3;
	s6 =	simm.s32 @!p1 $0x1082;
	[sflag:s4] =	ssyncset.s32 $0xFFFFF086  }
0x25: {  	[simem:s6], [sflag:s4] =	dma.local [hbm:s3], $0xF7A  }
0x26: {  	[smem:$0x3F9E] =	sst s1;
	(tag) =	ssettag s2;
	_ =	strace s9  }
0x27: {  	s1 =	sld [smem:$0x3FAE]  }
0x28: {  	s2 =	sld [smem:$0x3FAF]  }
0x29: {  	s4 =	sld [smem:$0x3FB1]  }
0x2a: {  	p0 =	seq.s32 s5, $0x0;
	s5 =	sld [smem:$0x3FB2]  }
0x2b: {  	s6 =	sld [smem:$0x3FB3]  }
0x2c: {  	s7 =	sld [smem:$0x3FB4]  }
0x2d: {  	s3 =	simm.s32 $0x108;
	s8 =	sld [smem:$0x3FB5]  }
0x2e: {  	s3 =	simm.s32 @!p0 $0x1082;
	s9 =	sld [smem:$0x3FB6]  }
0x2f: {  	lr =	sadd.s32 s0, s3;
	s0 =	sld [smem:$0x3FAD]  }
0x30: {  	s3 =	sld [smem:$0x3FB0]  }
0x31: {  	[smem:$0x3FB9] =	sst s10  }
0x32: {  	s10 =	sld [smem:$0x3FB7];
	_ =	sdelay $0x3  }
0x33: {  	p0 =	seq.s32 s10, $0x1;
	s10 =	sld [smem:$0x3FB9];
	_ =	sdelay $0x3  }
0x34: {  	[smem:$0x3FB9] =	sst s10  }
0x35: {  	s10 =	sld [smem:$0x3FB8];
	_ =	sdelay $0x3  }
0x36: {  	p1 =	seq.s32 s10, $0x1;
	s10 =	sld [smem:$0x3FB9];
	_ =	sdelay $0x3  }
0x37: {  	[smem:$0x3FB9] =	sst s10  }
0x38: {  	s10 =	sld [smem:$0x3FBA]  }
0x39: {  	_ = 	snop;
	(pc) =	sbr.ind lr, $3  }
0x3a: {  	_ = 	snop  }
0x3b: {  	_ = 	snop  }
0x3c: {  	p2 =	seq.s32 s10, $0x1;
	s10 =	sld [smem:$0x3FB9]  }
0x3d: {  	_ =	shalt  }
0x3e: {  	_ =	shalt  }
0x3f: {  	_ =	shalt  }
0x40: {  	_ =	shalt  }
0x41: {  	_ =	shalt  }
0x42: {  	_ =	shalt  }
0x43: {  	_ =	shalt  }
0x44: {  	_ =	shalt  }
0x45: {  	_ =	shalt  }
0x46: {  	_ =	shalt  }
0x47: {  	_ =	shalt  }
0x48: {  	_ =	shalt  }
0x49: {  	_ =	shalt  }
0x4a: {  	_ =	shalt  }
0x4b: {  	_ =	shalt  }
0x4c: {  	_ =	shalt  }
0x4d: {  	_ =	shalt  }
0x4e: {  	_ =	shalt  }
0x4f: {  	_ =	shalt  }
0x50: {  	_ =	shalt  }
0x51: {  	_ =	shalt  }
0x52: {  	_ =	shalt  }
0x53: {  	_ =	shalt  }
0x54: {  	_ =	shalt  }
0x55: {  	_ =	shalt  }
0x56: {  	_ =	shalt  }
0x57: {  	_ =	shalt  }
0x58: {  	_ =	shalt  }
0x59: {  	_ =	shalt  }
0x5a: {  	_ =	shalt  }
0x5b: {  	_ =	shalt  }
0x5c: {  	_ =	shalt  }
0x5d: {  	_ =	shalt  }
0x5e: {  	_ =	shalt  }
0x5f: {  	_ =	shalt  }
0x60: {  	_ =	shalt  }
0x61: {  	_ =	shalt  }
0x62: {  	_ =	shalt  }
0x63: {  	_ =	shalt  }
0x64: {  	_ =	shalt  }
0x65: {  	_ =	shalt  }
0x66: {  	_ =	shalt  }
0x67: {  	_ =	shalt  }
0x68: {  	_ =	shalt  }
0x69: {  	_ =	shalt  }
0x6a: {  	_ =	shalt  }
0x6b: {  	_ =	shalt  }
0x6c: {  	_ =	shalt  }
0x6d: {  	_ =	shalt  }
0x6e: {  	_ =	shalt  }
0x6f: {  	_ =	shalt  }
0x70: {  	_ =	shalt  }
0x71: {  	_ =	shalt  }
0x72: {  	_ =	shalt  }
0x73: {  	_ =	shalt  }
0x74: {  	_ =	shalt  }
0x75: {  	_ =	shalt  }
0x76: {  	_ =	shalt  }
0x77: {  	_ =	shalt  }
0x78: {  	_ =	shalt  }
0x79: {  	_ =	shalt  }
0x7a: {  	_ =	shalt  }
0x7b: {  	_ =	shalt  }
0x7c: {  	_ =	shalt  }
0x7d: {  	_ =	shalt  }
0x7e: {  	_ =	shalt  }
0x7f: {  	_ =	shalt  }
0x80: {  	_ =	shalt  }
0x81: {  	_ =	shalt  }
0x82: {  	_ =	shalt  }
0x83: {  	_ =	shalt  }
0x84: {  	_ =	shalt  }
0x85: {  	_ =	shalt  }
0x86: {  	_ =	shalt  }
0x87: {  	_ =	shalt  }
.Lfunc_end0:
.L_simem_size_0:
called_computation_lowered:
.L_overlay_start_0:
0x88: {  	s2 =	sld [smem:$0x3FD9]  }
0x89: {  	s3 =	sld [smem:$0x3FFE];
	_ =	sdelay $0x1  }
0x8a: {  	s1 =	srdreg.scid  }
0x8b: {  	s0 =	sand.u32 $0x1, s1  }
0x8c: {  	s18 =	sshll.u32 s0, $0xA;
	s2 =	sadd.s32 s3, s2  }
0x8d: {  	s2 =	sadd.s32 s2, s18  }
0x8e: {  	[smem:$0x3FC5] =	sst s2  }
0x8f: {  	_ = 	snop  }
0x90: {  	s2 =	sld [smem:$0x3FC8]  }
0x91: {  	s19 =	sld [smem:$0x3FD0];
	(tm) =	ssettm $0x1  }
0x92: {  	s4 =	sld [smem:$0x3FFB];
	_ =	sdelay $0x3  }
0x93: {  	_ =	strace s4  }
0x94: {  	s4 =	sld [smem:$0x3FFC];
	_ =	sdelay $0x3  }
0x95: {  	_ =	strace s4  }
0x96: {  	s4 =	sld [smem:$0x3FFD];
	_ =	sdelay $0x3  }
0x97: {  	_ =	strace s4  }
0x98: {  	_ =	strace $0x8FFFFFFF  }
0x99: {  	s20 =	sld [smem:$0x3FDB];
	_ =	sdelay $0x1  }
0x9a: {  	s5 =	simm.s32 $_scs_section_size  }
0x9b: {  	s6 =	simm.s32 $_size__tile_overlayer_lowered;
	s7 =	simm.s32 $_tile_overlayer_lowered  }
0x9c: {  	s23 =	simm.s32 $0x1BFF;
	s22 =	sshll.u32 s7, $0x1;
	s4 =	sadd.s32 s5, s20  }
0x9d: {  	s8 =	simm.s32 $0x0;
	s21 =	sshll.u32 s6, $0x1;
	s6 =	sadd.s32 s22, s4  }
0x9e: {  	[timem:s8], [sflag:s23] =	dma.local [hbm:s6], s21  }
0x9f: {  	_ =	swait.ge [sflag:s23], s21  }
0xa0: {  	s5 =	ssub.s32 $0x0, s21;
	[sflag:s23] =	ssyncset.done $0x0  }
0xa1: {  	[sflag:s23] =	ssyncadd.s32 s5;
	_ =	sdelay $0x1  }
0xa2: {  	s24 =	simm.s32 $0x1B8B  }
0xa3: {  	_ =	swait.ge [sflag:s24], $0x1  }
0xa4: {  	[sflag:s24] =	ssyncset.done $0x0  }
0xa5: {  	s25 =	simm.s32 $0x1B8E;
	[sflag:s24] =	ssyncadd.s32 $0xFFFFFFFF  }
0xa6: {  	s26 =	simm.s32 $execute0_lowered;
	[smem:$0x3FD2] =	sst s25  }
0xa7: {  	s5 =	sshll.u32 s26, $0x1;
	_ =	strace $0x80000046;
	[dreg:$0x1] =	wrdreg $0xFFFFFFFF  }
0xa8: {  	s28 =	simm.s32 $_size_execute0_lowered;
	s4 =	sadd.s32 s4, s5;
	[dreg:$0x0] =	wrdreg $0x0  }
0xa9: {  	s5 =	sshll.u32 s28, $0x1;
	[dreg:$0x2] =	wrdreg s4  }
0xaa: {  	[dreg:$0x3] =	wrdreg s5  }
0xab: {  	[dreg:$0x4] =	wrdreg $0xC0  }
0xac: {  	_ =	task [dreg:s8], $0x5FFFF  }
0xad: {  	[dreg:$0x1] =	wrdreg $0xFFFFFFFF  }
0xae: {  	[dreg:$0x0] =	wrdreg $0x60  }
0xaf: {  	[dreg:$0x2] =	wrdreg s2  }
0xb0: {  	[dreg:$0x3] =	wrdreg s19  }
0xb1: {  	[dreg:$0x4] =	wrdreg $0xA0000  }
0xb2: {  	[dreg:$0x5] =	wrdreg $0x9  }
0xb3: {  	_ =	task.clear_ibuf [dreg:s8], $0x6FFFF;
	_ =	strace $0x90000046  }
0xb4: {  	s29 =	simm.s32 $0x9;
	_ =	strace $0x80000048  }
0xb5: {  	_ =	swait.ge [sflag:s29], $0x1  }
0xb6: {  	[sflag:s29] =	ssyncadd.s32 $0xFFFFFFFF  }
0xb7: {  	_ =	strace $0x90000048  }
0xb8: {  	_ =	sfence  }
0xb9: {  	s30 =	sld [smem:$0x0];
	_ =	sdelay $0x2  }
0xba: {  	s31 =	sshll.u32 s1, $0xD;
	s1 =	sshrl.u32 s1, $0x2  }
0xbb: {  	s3 =	sand.u32 $0x4000, s31;
	s1 =	sadd.s32 s1, s30  }
0xbc: {  	s0 =	sor.u32 s3, s0;
	s1 =	sshll.u32 s1, $0x11  }
0xbd: {  	s0 =	sor.u32 s1, s0  }
0xbe: {  	s0 =	sadd.s32 $0x8F2B, s0  }
0xbf: {  	[sflag:s0] =	ssyncadd.remote.s32 $0x1  }
0xc0: {  	_ =	sfence.sel $0xFFFF  }
0xc1: {  	[dreg:$0x0] =	wrdreg $0xFFFFFFFF;
	(pc) =	sbr.abs _section_cstart, $3  }
0xc2: {  	[dreg:$0x1] =	wrdreg $0xFFFFFFFF  }
0xc3: {  	_ =	task.clear_ibuf [dreg:s8], $0x2FFFF;
	_ =	strace $0x9FFFFFFF  }
0xc4: {  	(tm) =	ssettm $0x7FFFFFFF  }
0xc5: {  	_ =	shalt  }
tec
execute0_lowered:
.L_overlay_start_1:
0x0: {  	(tag) =	ssettag $0x1  }
0x1: {  	s0 =	rddreg [dreg:$0x0]  }
0x2: {  	s7 =	rddreg [dreg:$0x1]  }
0x3: {  	s1 =	rddreg [dreg:$0x2];
	s2 =	srdreg.scid  }
0x4: {  	s3 =	simm.s32 $0x0;
	s26 =	stileid.u32;
	s11 =	simm.s32 $0x80  }
0x5: {  	s12 =	simm.s32 $0x9D00;
	s15 =	simm.s32 $0x380;
	s16 =	simm.s32 $0x480  }
0x6: {  	s17 =	simm.s32 $0x580;
	s18 =	simm.s32 $0x680;
	s19 =	simm.s32 $0x780  }
0x7: {  	s20 =	simm.s32 $0x880;
	s21 =	simm.s32 $0x980;
	s22 =	simm.s32 $0xA80  }
0x8: {  	s23 =	simm.s32 $0xB80;
	s24 =	simm.s32 $0xC80;
	s28 =	simm.s32 $0xF80  }
0x9: {  	s29 =	simm.s32 $0x1;
	s30 =	simm.s32 $0x0;
	s6 =	smul.u32 $0x280, s26  }
0xa: {  	s25 =	sand.u32 $0x1, s2;
	[smem:$0x7FF] =	sst s3;
	s31 =	smul.u32 $0x1380, s26  }
0xb: {  	s9 =	sshll.u32 s26, $0x5;
	p0 =	sgt.u32 s26, $0x3;
	s26 =	simm.s32 $0xE80  }
0xc: {  	s4 =	ssub.s32 $0x2, s25;
	_ =	strace $0x80000047;
	s9 =	sadd.s32 s9, s0  }
0xd: {  	p1 =	sne.s32 s25, $0x0;
	s25 =	simm.s32 $0xD80;
	s5 =	sshrl.u32 s4, $0x1  }
0xe: {  	s10 =	sshrl.u32 s6, $0x3;
	s8 =	ssub.s32 s4, s5;
	s4 =	sadd.s32 s6, s1  }
0xf: {  	s5 =	sadd.s32 s0, s31;
	s6 =	sadd.s32 $0x13800, s9;
	s7 =	sadd.s32 s7, s10  }
0x10: {  	v0 =	vimm.f32 $1.000000000e+00;
	v1 =	vimm.f32 $0.0e+00;
	s9 =	simm.s32 $0x9D80;
	s10 =	simm.s32 $0x2;
	s8 =	smax.u32 s8, $0x1  }
.LBB2_1:
0x11: {  	[tilespmem:$0x9D00] =	vst v0  }
0x12: {  	[tilespmem:$0x9D10] =	vst v0  }
0x13: {  	[tilespmem:$0x9D20] =	vst v0  }
0x14: {  	[tilespmem:$0x9D30] =	vst v0  }
0x15: {  	[tilespmem:$0x9D40] =	vst v0  }
0x16: {  	[tilespmem:$0x9D50] =	vst v0  }
0x17: {  	[tilespmem:$0x9D60] =	vst v0  }
0x18: {  	[tilespmem:$0x9D70] =	vst v0  }
0x19: {  	[tilespmem:$0x9D80] =	vst v1  }
0x1a: {  	[tilespmem:$0x9D90] =	vst v1  }
0x1b: {  	[tilespmem:$0x9DA0] =	vst v1  }
0x1c: {  	[tilespmem:$0x9DB0] =	vst v1  }
0x1d: {  	[tilespmem:$0x9DC0] =	vst v1  }
0x1e: {  	[tilespmem:$0x9DD0] =	vst v1  }
0x1f: {  	[tilespmem:$0x9DE0] =	vst v1  }
0x20: {  	[tilespmem:$0x9DF0] =	vst v1  }
0x21: {  	[tilespmem:$0x9E00] =	vst v1  }
0x22: {  	[tilespmem:$0x9E10] =	vst v1  }
0x23: {  	[tilespmem:$0x9E20] =	vst v1  }
0x24: {  	[tilespmem:$0x9E30] =	vst v1  }
0x25: {  	[tilespmem:$0x9E40] =	vst v1  }
0x26: {  	[tilespmem:$0x9E50] =	vst v1  }
0x27: {  	[tilespmem:$0x9E60] =	vst v1  }
0x28: {  	[tilespmem:$0x9E70] =	vst v1  }
0x29: {  	[tilespmem:$0x9E80] =	vst v1  }
0x2a: {  	[tilespmem:$0x9E90] =	vst v1  }
0x2b: {  	[tilespmem:$0x9EA0] =	vst v1  }
0x2c: {  	[tilespmem:$0x9EB0] =	vst v1  }
0x2d: {  	[tilespmem:$0x9EC0] =	vst v1  }
0x2e: {  	[tilespmem:$0x9ED0] =	vst v1  }
0x2f: {  	[tilespmem:$0x9EE0] =	vst v1  }
0x30: {  	[tilespmem:$0x9EF0] =	vst v1  }
0x31: {  	[tilespmem:$0x9F00] =	vst v1  }
0x32: {  	[tilespmem:$0x9F10] =	vst v1  }
0x33: {  	[tilespmem:$0x9F20] =	vst v1  }
0x34: {  	[tilespmem:$0x9F30] =	vst v1  }
0x35: {  	[tilespmem:$0x9F40] =	vst v1  }
0x36: {  	[tilespmem:$0x9F50] =	vst v1  }
0x37: {  	[tilespmem:$0x9F60] =	vst v1  }
0x38: {  	[tilespmem:$0x9F70] =	vst v1  }
0x39: {  	[tilespmem:$0x9F80] =	vst v1  }
0x3a: {  	[tilespmem:$0x9F90] =	vst v1  }
0x3b: {  	[tilespmem:$0x9FA0] =	vst v1  }
0x3c: {  	[tilespmem:$0x9FB0] =	vst v1  }
0x3d: {  	[tilespmem:$0x9FC0] =	vst v1  }
0x3e: {  	[tilespmem:$0x9FD0] =	vst v1  }
0x3f: {  	[tilespmem:$0x9FE0] =	vst v1  }
0x40: {  	[tilespmem:$0x9FF0] =	vst v1  }
0x41: {  	[spmem:s4] =	stream.linear.scatter [tilespmem:s9], [sflag:$0x2], $0x280, $0x38;
	[tilespmem:$0xA280] =	vst v63  }
0x42: {  	_ =	swait.ge [sflag:s10], $0x280  }
0x43: {  	[sflag:s10] =	ssyncset.done $0x0  }
0x44: {  	[sflag:s10] =	ssyncadd.s32 $0xFFFFFD80  }
0x45: {  	[tilespmem:s3], [sflag:$0x2] =	stream.linear.gather [hbm4b:s5+s3], $0x9C00, $0x38;
	[tilespmem:$0xA280] =	vst v63  }
0x46: {  	_ =	swait.ge [sflag:s10], $0x9C00  }
0x47: {  	[sflag:s10] =	ssyncset.done $0x0  }
0x48: {  	s0 =	simm.s32 @!p0 $0x0;
	s31 =	simm.s32 @!p0 $0x9C00;
	[sflag:s10] =	ssyncadd.s32 $0xFFFF6400  }
0x49: {  	[tilespmem:s31], [sflag:$0x2] =	stream.linear.gather @!p0 [hbm4b:s6+s0], $0x100, $0x38;
	[tilespmem:$0xA280] =	vst v63  }
0x4a: {  	s0 =	simm.s32 @!p0 $0x2  }
0x4b: {  	_ =	swait.ge @!p0 [sflag:s0], $0x100  }
0x4c: {  	[sflag:s0] =	ssyncset.done @!p0 $0x0  }
0x4d: {  	[sflag:s0] =	ssyncadd.s32 @!p0 $0xFFFFFF00  }
0x4e: {  	[bflag:$0x0] =	sbarrier.arrive $0xFFFF  }
0x4f: {  	[spmem:s1] =	stream.indirect.scatter.add.f32 [tilespmem:s12], [sflag:$0x1], $0x1, s11, s11, $0xb8;
	[tilespmem:$0xA280] =	vst v63  }
0x50: {  	s2 =	simm.s32 $0x180  }
0x51: {  	[spmem:s1] =	stream.indirect.scatter.add.f32 [tilespmem:s12], [sflag:$0x1], $0x1, s2, s11, $0xb8;
	[tilespmem:$0xA280] =	vst v63  }
0x52: {  	s13 =	simm.s32 $0x280  }
0x53: {  	[spmem:s1] =	stream.indirect.scatter.add.f32 [tilespmem:s12], [sflag:$0x1], $0x1, s13, s11, $0xb8;
	[tilespmem:$0xA280] =	vst v63  }
0x54: {  	_ = 	snop  }
0x55: {  	[spmem:s1] =	stream.indirect.scatter.add.f32 [tilespmem:s12], [sflag:$0x1], $0x1, s15, s11, $0xb8;
	[tilespmem:$0xA280] =	vst v63  }
0x56: {  	_ = 	snop  }
0x57: {  	[spmem:s1] =	stream.indirect.scatter.add.f32 [tilespmem:s12], [sflag:$0x1], $0x1, s16, s11, $0xb8;
	[tilespmem:$0xA280] =	vst v63  }
0x58: {  	_ = 	snop  }
0x59: {  	[spmem:s1] =	stream.indirect.scatter.add.f32 [tilespmem:s12], [sflag:$0x1], $0x1, s17, s11, $0xb8;
	[tilespmem:$0xA280] =	vst v63  }
0x5a: {  	_ = 	snop  }
0x5b: {  	[spmem:s1] =	stream.indirect.scatter.add.f32 [tilespmem:s12], [sflag:$0x1], $0x1, s18, s11, $0xb8;
	[tilespmem:$0xA280] =	vst v63  }
0x5c: {  	_ = 	snop  }
0x5d: {  	[spmem:s1] =	stream.indirect.scatter.add.f32 [tilespmem:s12], [sflag:$0x1], $0x1, s19, s11, $0xb8;
	[tilespmem:$0xA280] =	vst v63  }
0x5e: {  	_ = 	snop  }
0x5f: {  	[spmem:s1] =	stream.indirect.scatter.add.f32 [tilespmem:s12], [sflag:$0x1], $0x1, s20, s11, $0xb8;
	[tilespmem:$0xA280] =	vst v63  }
0x60: {  	_ = 	snop  }
0x61: {  	[spmem:s1] =	stream.indirect.scatter.add.f32 [tilespmem:s12], [sflag:$0x1], $0x1, s21, s11, $0xb8;
	[tilespmem:$0xA280] =	vst v63  }
0x62: {  	_ = 	snop  }
0x63: {  	[spmem:s1] =	stream.indirect.scatter.add.f32 [tilespmem:s12], [sflag:$0x1], $0x1, s22, s11, $0xb8;
	[tilespmem:$0xA280] =	vst v63  }
0x64: {  	_ = 	snop  }
0x65: {  	[spmem:s1] =	stream.indirect.scatter.add.f32 [tilespmem:s12], [sflag:$0x1], $0x1, s23, s11, $0xb8;
	[tilespmem:$0xA280] =	vst v63  }
0x66: {  	_ = 	snop  }
0x67: {  	[spmem:s1] =	stream.indirect.scatter.add.f32 [tilespmem:s12], [sflag:$0x1], $0x1, s24, s11, $0xb8;
	[tilespmem:$0xA280] =	vst v63  }
0x68: {  	_ = 	snop  }
0x69: {  	[spmem:s1] =	stream.indirect.scatter.add.f32 [tilespmem:s12], [sflag:$0x1], $0x1, s25, s11, $0xb8;
	[tilespmem:$0xA280] =	vst v63  }
0x6a: {  	_ = 	snop  }
0x6b: {  	[spmem:s1] =	stream.indirect.scatter.add.f32 [tilespmem:s12], [sflag:$0x1], $0x1, s26, s11, $0xb8;
	[tilespmem:$0xA280] =	vst v63  }
0x6c: {  	_ = 	snop  }
0x6d: {  	[spmem:s1] =	stream.indirect.scatter.add.f32 [tilespmem:s12], [sflag:$0x1], $0x1, s28, s11, $0xb8;
	[tilespmem:$0xA280] =	vst v63  }
0x6e: {  	s14 =	simm.s32 $0x1080  }
0x6f: {  	[spmem:s1] =	stream.indirect.scatter.add.f32 [tilespmem:s12], [sflag:$0x1], $0x1, s14, s11, $0xb8;
	[tilespmem:$0xA280] =	vst v63  }
0x70: {  	s2 =	simm.s32 $0x1180  }
0x71: {  	[spmem:s1] =	stream.indirect.scatter.add.f32 [tilespmem:s12], [sflag:$0x1], $0x1, s2, s11, $0xb8;
	[tilespmem:$0xA280] =	vst v63  }
0x72: {  	s13 =	simm.s32 $0x1280  }
0x73: {  	[spmem:s1] =	stream.indirect.scatter.add.f32 [tilespmem:s12], [sflag:$0x1], $0x1, s13, s11, $0xb8;
	[tilespmem:$0xA280] =	vst v63  }
0x74: {  	s14 =	simm.s32 $0x1380  }
0x75: {  	[spmem:s1] =	stream.indirect.scatter.add.f32 [tilespmem:s12], [sflag:$0x1], $0x1, s14, s11, $0xb8;
	[tilespmem:$0xA280] =	vst v63  }
0x76: {  	_ =	swait.ge [sflag:s29], $0x80  }
0x77: {  	[sflag:s29] =	ssyncset.done $0x0  }
0x78: {  	[sflag:s29] =	ssyncadd.s32 $0xFFFFFF80  }
0x79: {  	_ =	swait.ge [sflag:s29], $0x80  }
0x7a: {  	[sflag:s29] =	ssyncset.done $0x0  }
0x7b: {  	[sflag:s29] =	ssyncadd.s32 $0xFFFFFF80  }
0x7c: {  	_ =	swait.ge [sflag:s29], $0x80  }
0x7d: {  	[sflag:s29] =	ssyncset.done $0x0  }
0x7e: {  	[sflag:s29] =	ssyncadd.s32 $0xFFFFFF80  }
0x7f: {  	_ =	swait.ge [sflag:s29], $0x80  }
0x80: {  	s31 =	simm.s32 $0xFFFF7800;
	s0 =	simm.s32 $0xFFFDF000;
	[sflag:s29] =	ssyncset.done $0x0  }
.LBB2_2:
0x81: {  	s2 =	sadd.s32 $0x9C80, s31  }
0x82: {  	[sflag:s29] =	ssyncadd.s32 $0xFFFFFF80;
	s13 =	smov.u32 s0;
	s14 =	sadd.s32 $0x1000, s0  }
0x83: {  	[spmem:s1] =	stream.indirect.scatter.add.f32 [tilespmem:s12], [sflag:$0x1], $0x1, s2, s11, $0xb8;
	[tilespmem:$0xA280] =	vst v63  }
0x84: {  	p2 =	sne.s32 s0, $0xFFFFF000;
	s0 =	sadd.s32 $0x9D80, s31  }
0x85: {  	[spmem:s1] =	stream.indirect.scatter.add.f32 [tilespmem:s12], [sflag:$0x1], $0x1, s0, s11, $0xb8;
	[tilespmem:$0xA280] =	vst v63  }
0x86: {  	s0 =	sadd.s32 $0x9E80, s31  }
0x87: {  	[spmem:s1] =	stream.indirect.scatter.add.f32 [tilespmem:s12], [sflag:$0x1], $0x1, s0, s11, $0xb8;
	[tilespmem:$0xA280] =	vst v63  }
0x88: {  	s0 =	sadd.s32 $0x9F80, s31  }
0x89: {  	[spmem:s1] =	stream.indirect.scatter.add.f32 [tilespmem:s12], [sflag:$0x1], $0x1, s0, s11, $0xb8;
	[tilespmem:$0xA280] =	vst v63  }
0x8a: {  	_ =	swait.ge [sflag:s29], $0x80  }
0x8b: {  	[sflag:s29] =	ssyncset.done $0x0  }
0x8c: {  	[sflag:s29] =	ssyncadd.s32 $0xFFFFFF80  }
0x8d: {  	_ =	swait.ge [sflag:s29], $0x80  }
0x8e: {  	[sflag:s29] =	ssyncset.done $0x0  }
0x8f: {  	[sflag:s29] =	ssyncadd.s32 $0xFFFFFF80  }
.Ltmp0:
0x90: {  	_ =	swait.ge [sflag:s29], $0x80;
	(pc) =	sbr.rel @p2 .LBB2_2-.Ltmp0, $4  }
0x91: {  	[sflag:s29] =	ssyncset.done $0x0  }
0x92: {  	[sflag:s29] =	ssyncadd.s32 $0xFFFFFF80  }
0x93: {  	_ =	swait.ge [sflag:s29], $0x80  }
0x94: {  	s31 =	sshra.s32 s13, $0x2;
	s0 =	smov.u32 s14;
	[sflag:s29] =	ssyncset.done $0x0  }
0x95: {  	s0 =	sadd.s32 $0x9C80, s31;
	[sflag:s29] =	ssyncadd.s32 $0xFFFFFF80  }
0x96: {  	[spmem:s1] =	stream.indirect.scatter.add.f32 [tilespmem:s12], [sflag:$0x1], $0x1, s0, s11, $0xb8;
	[tilespmem:$0xA280] =	vst v63  }
0x97: {  	s13 =	sadd.s32 $0x9D80, s31  }
0x98: {  	[spmem:s1] =	stream.indirect.scatter.add.f32 [tilespmem:s12], [sflag:$0x1], $0x1, s13, s11, $0xb8;
	[tilespmem:$0xA280] =	vst v63  }
0x99: {  	s14 =	sadd.s32 $0x9E80, s31  }
0x9a: {  	[spmem:s1] =	stream.indirect.scatter.add.f32 [tilespmem:s12], [sflag:$0x1], $0x1, s14, s11, $0xb8;
	[tilespmem:$0xA280] =	vst v63  }
0x9b: {  	s31 =	sadd.s32 $0x9F80, s31  }
0x9c: {  	[spmem:s1] =	stream.indirect.scatter.add.f32 [tilespmem:s12], [sflag:$0x1], $0x1, s31, s11, $0xb8;
	[tilespmem:$0xA280] =	vst v63  }
0x9d: {  	_ =	swait.ge [sflag:s29], $0x80  }
0x9e: {  	[sflag:s29] =	ssyncset.done $0x0  }
0x9f: {  	[sflag:s29] =	ssyncadd.s32 $0xFFFFFF80  }
0xa0: {  	_ =	swait.ge [sflag:s29], $0x80  }
0xa1: {  	[sflag:s29] =	ssyncset.done $0x0  }
0xa2: {  	[sflag:s29] =	ssyncadd.s32 $0xFFFFFF80  }
0xa3: {  	_ =	swait.ge [sflag:s29], $0x80  }
0xa4: {  	[sflag:s29] =	ssyncset.done $0x0  }
0xa5: {  	[sflag:s29] =	ssyncadd.s32 $0xFFFFFF80  }
0xa6: {  	_ =	swait.ge [sflag:s29], $0x80  }
0xa7: {  	[sflag:s29] =	ssyncset.done $0x0  }
0xa8: {  	[sflag:s29] =	ssyncadd.s32 $0xFFFFFF80  }
0xa9: {  	_ =	swait.ge [sflag:s29], $0x80  }
0xaa: {  	[sflag:s29] =	ssyncset.done $0x0  }
0xab: {  	[sflag:s29] =	ssyncadd.s32 $0xFFFFFF80  }
0xac: {  	_ =	swait.ge [sflag:s29], $0x80  }
0xad: {  	[sflag:s29] =	ssyncset.done $0x0  }
0xae: {  	[sflag:s29] =	ssyncadd.s32 $0xFFFFFF80  }
0xaf: {  	_ =	swait.ge [sflag:s29], $0x80  }
0xb0: {  	[sflag:s29] =	ssyncset.done $0x0  }
0xb1: {  	[sflag:s29] =	ssyncadd.s32 $0xFFFFFF80  }
0xb2: {  	_ =	swait.ge [sflag:s29], $0x80  }
0xb3: {  	[sflag:s29] =	ssyncset.done $0x0  }
0xb4: {  	[sflag:s29] =	ssyncadd.s32 $0xFFFFFF80  }
0xb5: {  	_ =	swait.ge [sflag:s29], $0x80  }
0xb6: {  	[sflag:s29] =	ssyncset.done $0x0  }
0xb7: {  	[sflag:s29] =	ssyncadd.s32 $0xFFFFFF80  }
0xb8: {  	_ =	swait.ge [sflag:s29], $0x80  }
0xb9: {  	[sflag:s29] =	ssyncset.done $0x0  }
0xba: {  	[sflag:s29] =	ssyncadd.s32 $0xFFFFFF80  }
0xbb: {  	_ =	swait.ge [sflag:s29], $0x80  }
0xbc: {  	[sflag:s29] =	ssyncset.done $0x0  }
0xbd: {  	[sflag:s29] =	ssyncadd.s32 $0xFFFFFF80  }
0xbe: {  	_ =	swait.ge [sflag:s29], $0x80  }
0xbf: {  	[sflag:s29] =	ssyncset.done $0x0  }
0xc0: {  	[sflag:s29] =	ssyncadd.s32 $0xFFFFFF80  }
0xc1: {  	_ =	swait.ge [sflag:s29], $0x80  }
0xc2: {  	[sflag:s29] =	ssyncset.done $0x0  }
0xc3: {  	[sflag:s29] =	ssyncadd.s32 $0xFFFFFF80  }
0xc4: {  	_ =	swait.ge [sflag:s29], $0x80  }
0xc5: {  	[sflag:s29] =	ssyncset.done $0x0  }
0xc6: {  	[sflag:s29] =	ssyncadd.s32 $0xFFFFFF80  }
0xc7: {  	_ =	swait.ge [sflag:s29], $0x80  }
0xc8: {  	[sflag:s29] =	ssyncset.done $0x0  }
0xc9: {  	[sflag:s29] =	ssyncadd.s32 $0xFFFFFF80  }
0xca: {  	_ =	swait.ge [sflag:s29], $0x80  }
0xcb: {  	[sflag:s29] =	ssyncset.done $0x0  }
0xcc: {  	[sflag:s29] =	ssyncadd.s32 $0xFFFFFF80  }
0xcd: {  	_ =	swait.ge [sflag:s29], $0x80  }
0xce: {  	[sflag:s29] =	ssyncset.done $0x0  }
0xcf: {  	[sflag:s29] =	ssyncadd.s32 $0xFFFFFF80  }
0xd0: {  	_ =	swait.ge [sflag:s29], $0x80  }
0xd1: {  	[sflag:s29] =	ssyncset.done $0x0  }
0xd2: {  	[sflag:s29] =	ssyncadd.s32 $0xFFFFFF80  }
0xd3: {  	_ =	swait.ge [sflag:s29], $0x80  }
0xd4: {  	[sflag:s29] =	ssyncset.done $0x0  }
0xd5: {  	[sflag:s29] =	ssyncadd.s32 $0xFFFFFF80  }
0xd6: {  	_ =	swait.ge [sflag:s29], $0x80  }
0xd7: {  	s2 =	simm.s32 @!p0 $0x9C80;
	[sflag:s29] =	ssyncset.done $0x0  }
0xd8: {  	s0 =	simm.s32 @!p0 $0x80;
	s13 =	simm.s32 @!p0 $0x9D00;
	[sflag:s29] =	ssyncadd.s32 $0xFFFFFF80  }
0xd9: {  	[spmem:s1] =	stream.indirect.scatter.add.f32 @!p0 [tilespmem:s13], [sflag:$0x2], $0x1, s2, s0, $0xb8;
	[tilespmem:$0xA280] =	vst v63  }
0xda: {  	s0 =	simm.s32 @!p0 $0x2  }
0xdb: {  	_ =	swait.ge @!p0 [sflag:s0], $0x80  }
0xdc: {  	[sflag:s0] =	ssyncset.done @!p0 $0x0  }
0xdd: {  	[sflag:s0] =	ssyncadd.s32 @!p0 $0xFFFFFF80  }
0xde: {  	[bflag:$0x0] =	sbarrier.arrive $0xFFFF  }
0xdf: {  	[tilespmem:s9], [sflag:$0x2] =	stream.linear.gather [spmem:s4], $0x280, $0x38;
	[tilespmem:$0xA280] =	vst v63  }
0xe0: {  	_ =	swait.ge [sflag:s10], $0x280  }
0xe1: {  	[sflag:s10] =	ssyncset.done $0x0  }
0xe2: {  	[sflag:s10] =	ssyncadd.s32 $0xFFFFFD80  }
0xe3: {  	v2 =	vld [tilespmem:$0x9D80]  }
0xe4: {  	v3 =	vld [tilespmem:$0x9D90];
	_ =	sdelay $0x3  }
0xe5: {  	v2 =	vadd.f32 $1.000000000e+00, v2  }
0xe6: {  	v3 =	vadd.f32 $1.000000000e+00, v3  }
0xe7: {  	v8 =	vld [tilespmem:$0x9DA0];
	v4 =	vshrl.u32 v2, $0x1  }
0xe8: {  	v9 =	vld [tilespmem:$0x9DB0];
	v2 =	vmul.f32 $5.000000000e-01, v2;
	v6 =	vshrl.u32 v3, $0x1;
	v3 =	vmul.f32 $5.000000000e-01, v3  }
0xe9: {  	v4 =	vsub.s32 $0x5F3759DF, v4;
	v6 =	vsub.s32 $0x5F3759DF, v6  }
0xea: {  	v5 =	vmul.f32 v4, v2;
	v7 =	vmul.f32 v6, v3;
	_ =	sdelay $0x1  }
0xeb: {  	v5 =	vmul.f32 v4, v5;
	v7 =	vmul.f32 v6, v7  }
0xec: {  	v60 =	vadd.f32 $1.000000000e+00, v8;
	v61 =	vadd.f32 $1.000000000e+00, v9  }
0xed: {  	v5 =	vsub.f32 $1.500000000e+00, v5;
	v58 =	vsub.f32 $1.500000000e+00, v7  }
0xee: {  	v17 =	vld [tilespmem:$0x9DC0];
	v10 =	vshrl.u32 v60, $0x1  }
0xef: {  	v20 =	vld [tilespmem:$0x9DD0];
	v11 =	vshrl.u32 v61, $0x1;
	v4 =	vmul.f32 v4, v5;
	v5 =	vmul.f32 v6, v58  }
0xf0: {  	v8 =	vmul.f32 $5.000000000e-01, v61;
	v10 =	vsub.s32 $0x5F3759DF, v10;
	v6 =	vmul.f32 $5.000000000e-01, v60  }
0xf1: {  	v11 =	vsub.s32 $0x5F3759DF, v11;
	v59 =	vmul.f32 v4, v2;
	v62 =	vmul.f32 v5, v3  }
0xf2: {  	v29 =	vld [tilespmem:$0x9DF0];
	v13 =	vmul.f32 v11, v8;
	v12 =	vmul.f32 v10, v6  }
0xf3: {  	v19 =	vadd.f32 $1.000000000e+00, v17;
	v7 =	vmul.f32 v59, v4;
	v9 =	vmul.f32 v62, v5  }
0xf4: {  	v16 =	vmul.f32 v11, v13;
	v63 =	vmul.f32 v10, v12;
	v12 =	vadd.f32 $1.000000000e+00, v20  }
0xf5: {  	v14 =	vshrl.u32 v19, $0x1;
	v7 =	vsub.f32 $1.500000000e+00, v7;
	v9 =	vsub.f32 $1.500000000e+00, v9  }
0xf6: {  	v18 =	vsub.f32 $1.500000000e+00, v16;
	v27 =	vshrl.u32 v12, $0x1;
	v28 =	vmul.f32 $5.000000000e-01, v12  }
0xf7: {  	v12 =	vadd.f32 $1.000000000e+00, v29;
	v4 =	vmul.f32 v7, v4;
	v5 =	vmul.f32 v9, v5  }
0xf8: {  	v7 =	vsub.f32 $1.500000000e+00, v63;
	v9 =	vmul.f32 v11, v18;
	v11 =	vmul.f32 $5.000000000e-01, v19  }
0xf9: {  	v20 =	vld [tilespmem:$0x9E00];
	v33 =	vshrl.u32 v12, $0x1;
	v12 =	vmul.f32 $5.000000000e-01, v12;
	v2 =	vmul.f32 v4, v2  }
0xfa: {  	v14 =	vsub.s32 $0x5F3759DF, v14;
	v7 =	vmul.f32 v10, v7;
	v3 =	vmul.f32 v5, v3  }
0xfb: {  	v25 =	vld [tilespmem:$0x9DE0];
	v21 =	vmul.f32 v9, v8;
	v23 =	vmul.f32 v14, v11  }
0xfc: {  	v2 =	vmul.f32 v2, v4;
	v10 =	vmul.f32 v7, v6  }
0xfd: {  	v3 =	vmul.f32 v3, v5;
	v13 =	vmul.f32 v21, v9  }
0xfe: {  	v42 =	vadd.f32 $1.000000000e+00, v20;
	v2 =	vsub.f32 $1.500000000e+00, v2;
	v10 =	vmul.f32 v10, v7  }
0xff: {  	v26 =	vmul.f32 v14, v23;
	v15 =	vsub.f32 $1.500000000e+00, v3;
	v24 =	vsub.f32 $1.500000000e+00, v13  }
0x100: {  	v13 =	vadd.f32 $1.000000000e+00, v25;
	v3 =	vmul.f32 v2, v4;
	v22 =	vsub.f32 $1.500000000e+00, v10  }
0x101: {  	v2 =	vmul.f32 v15, v5;
	v5 =	vmul.f32 v24, v9;
	v9 =	vsub.s32 $0x5F3759DF, v27  }
0x102: {  	v46 =	vmul.f32 $5.000000000e-01, v42;
	v16 =	vshrl.u32 v13, $0x1;
	v30 =	vmul.f32 v9, v28  }
0x103: {  	v13 =	vmul.f32 $5.000000000e-01, v13;
	v4 =	vmul.f32 v22, v7;
	v7 =	vsub.f32 $1.500000000e+00, v26  }
0x104: {  	v8 =	vmul.f32 v5, v8;
	v31 =	vmul.f32 v9, v30  }
0x105: {  	v16 =	vsub.s32 $0x5F3759DF, v16;
	v6 =	vmul.f32 v4, v6;
	v7 =	vmul.f32 v14, v7  }
0x106: {  	v17 =	vmul.f32 v16, v13;
	v8 =	vmul.f32 v8, v5;
	v14 =	vsub.f32 $1.500000000e+00, v31  }
0x107: {  	v6 =	vmul.f32 v6, v4;
	v32 =	vmul.f32 v7, v11  }
0x108: {  	v17 =	vmul.f32 v16, v17;
	v8 =	vsub.f32 $1.500000000e+00, v8;
	v9 =	vmul.f32 v9, v14  }
0x109: {  	v38 =	vld [tilespmem:$0x9E10];
	v14 =	vsub.s32 $0x5F3759DF, v33;
	v6 =	vsub.f32 $1.500000000e+00, v6;
	v15 =	vmul.f32 v32, v7  }
0x10a: {  	v35 =	vsub.f32 $1.500000000e+00, v17;
	v19 =	vmul.f32 v14, v12;
	v18 =	vmul.f32 v9, v28  }
0x10b: {  	v5 =	vmul.f32 v8, v5;
	v15 =	vsub.f32 $1.500000000e+00, v15;
	v4 =	vmul.f32 v6, v4  }
0x10c: {  	v37 =	vmul.f32 v14, v19;
	v36 =	vmul.f32 v18, v9  }
0x10d: {  	v45 =	vshrl.u32 v42, $0x1;
	v34 =	vmul.f32 v15, v7;
	v7 =	vmul.f32 v16, v35  }
0x10e: {  	v21 =	vld [tilespmem:$0x9E20];
	v40 =	vsub.f32 $1.500000000e+00, v37;
	v15 =	vsub.s32 $0x5F3759DF, v45;
	v16 =	vadd.f32 $1.000000000e+00, v38  }
0x10f: {  	v39 =	vsub.f32 $1.500000000e+00, v36;
	v48 =	vmul.f32 v15, v46;
	v11 =	vmul.f32 v34, v11  }
0x110: {  	v41 =	vmul.f32 v7, v13;
	v43 =	vmul.f32 v14, v40  }
0x111: {  	v25 =	vld [tilespmem:$0x9E50];
	v49 =	vshrl.u32 v16, $0x1;
	v16 =	vmul.f32 $5.000000000e-01, v16;
	v8 =	vmul.f32 v39, v9  }
0x112: {  	v51 =	vsub.s32 $0x5F3759DF, v49;
	v11 =	vmul.f32 v11, v34;
	v44 =	vmul.f32 v41, v7  }
0x113: {  	v55 =	vadd.f32 $1.000000000e+00, v21;
	v47 =	vmul.f32 v43, v12;
	v20 =	vmul.f32 v51, v16  }
0x114: {  	v50 =	vmul.f32 v15, v48;
	v10 =	vmul.f32 v8, v28;
	v14 =	vsub.f32 $1.500000000e+00, v44  }
0x115: {  	v41 =	vld [tilespmem:$0x9E70];
	v18 =	vmul.f32 v47, v43;
	v11 =	vsub.f32 $1.500000000e+00, v11;
	v52 =	vmul.f32 v51, v20  }
0x116: {  	v20 =	vadd.f32 $1.000000000e+00, v25;
	v10 =	vmul.f32 v10, v8;
	v14 =	vmul.f32 v14, v7  }
0x117: {  	v18 =	vsub.f32 $1.500000000e+00, v18;
	v7 =	vsub.f32 $1.500000000e+00, v50;
	v6 =	vmul.f32 v11, v34  }
0x118: {  	v56 =	vld [tilespmem:$0x9E30];
	v9 =	vsub.f32 $1.500000000e+00, v52;
	v27 =	vshrl.u32 v20, $0x1;
	v20 =	vmul.f32 $5.000000000e-01, v20  }
0x119: {  	v10 =	vsub.f32 $1.500000000e+00, v10;
	v13 =	vmul.f32 v14, v13;
	v18 =	vmul.f32 v18, v43  }
0x11a: {  	v47 =	vadd.f32 $1.000000000e+00, v41;
	v53 =	vmul.f32 v15, v7;
	v19 =	vmul.f32 v51, v9  }
0x11b: {  	v57 =	vshrl.u32 v55, $0x1;
	v7 =	vmul.f32 v10, v8;
	v10 =	vmul.f32 $5.000000000e-01, v55  }
0x11c: {  	v59 =	vsub.s32 $0x5F3759DF, v57;
	v51 =	vmul.f32 $5.000000000e-01, v47;
	v13 =	vmul.f32 v13, v14  }
0x11d: {  	v15 =	vadd.f32 $1.000000000e+00, v56;
	v12 =	vmul.f32 v18, v12;
	v54 =	vmul.f32 v53, v46  }
0x11e: {  	v58 =	vmul.f32 v19, v16;
	v61 =	vmul.f32 v59, v10  }
0x11f: {  	v63 =	vld [tilespmem:$0x9E40];
	v24 =	vshrl.u32 v15, $0x1;
	v12 =	vmul.f32 v12, v18;
	v8 =	vmul.f32 v54, v53  }
0x120: {  	v34 =	vld [tilespmem:$0x9E60];
	v15 =	vmul.f32 $5.000000000e-01, v15;
	v13 =	vsub.f32 $1.500000000e+00, v13;
	v23 =	vmul.f32 v59, v61  }
0x121: {  	v62 =	vmul.f32 v58, v19;
	v12 =	vsub.f32 $1.500000000e+00, v12;
	v60 =	vsub.f32 $1.500000000e+00, v8  }
0x122: {  	v50 =	vld [tilespmem:$0x9E90];
	v9 =	vmul.f32 v13, v14;
	v14 =	vsub.s32 $0x5F3759DF, v24;
	v13 =	vsub.f32 $1.500000000e+00, v23  }
0x123: {  	v8 =	vmul.f32 v12, v18;
	v11 =	vmul.f32 v60, v53;
	v12 =	vsub.f32 $1.500000000e+00, v62  }
0x124: {  	v44 =	vld [tilespmem:$0x9E80];
	v26 =	vmul.f32 v14, v15;
	v18 =	vadd.f32 $1.000000000e+00, v63;
	v13 =	vmul.f32 v59, v13  }
0x125: {  	v40 =	vadd.f32 $1.000000000e+00, v34;
	v17 =	vmul.f32 v11, v46;
	v12 =	vmul.f32 v12, v19  }
0x126: {  	v19 =	vmul.f32 v14, v26;
	v22 =	vshrl.u32 v18, $0x1;
	v18 =	vmul.f32 $5.000000000e-01, v18  }
0x127: {  	v57 =	vadd.f32 $1.000000000e+00, v50;
	v21 =	vmul.f32 v13, v10;
	v22 =	vsub.s32 $0x5F3759DF, v22  }
0x128: {  	v17 =	vmul.f32 v17, v11;
	v19 =	vsub.f32 $1.500000000e+00, v19;
	v23 =	vmul.f32 v22, v18  }
0x129: {  	v54 =	vadd.f32 $1.000000000e+00, v44;
	v16 =	vmul.f32 v12, v16;
	v21 =	vmul.f32 v21, v13  }
0x12a: {  	v42 =	vshrl.u32 v40, $0x1;
	v14 =	vmul.f32 v14, v19;
	v23 =	vmul.f32 v22, v23  }
0x12b: {  	v19 =	vsub.s32 $0x5F3759DF, v27;
	v16 =	vmul.f32 v16, v12;
	v21 =	vsub.f32 $1.500000000e+00, v21  }
0x12c: {  	v43 =	vsub.s32 $0x5F3759DF, v42;
	v25 =	vmul.f32 v19, v20;
	v24 =	vmul.f32 v14, v15  }
0x12d: {  	v17 =	vsub.f32 $1.500000000e+00, v17;
	v28 =	vsub.f32 $1.500000000e+00, v23;
	v13 =	vmul.f32 v21, v13  }
0x12e: {  	v16 =	vsub.f32 $1.500000000e+00, v16;
	v30 =	vmul.f32 v19, v25;
	v29 =	vmul.f32 v24, v14  }
0x12f: {  	v56 =	vshrl.u32 v54, $0x1;
	v21 =	vmul.f32 v22, v28;
	v31 =	vmul.f32 v13, v10  }
0x130: {  	v22 =	vshrl.u32 v47, $0x1;
	v10 =	vmul.f32 v17, v11;
	v11 =	vmul.f32 v16, v12  }
0x131: {  	v16 =	vmul.f32 $5.000000000e-01, v40;
	v53 =	vsub.s32 $0x5F3759DF, v22;
	v22 =	vmul.f32 $5.000000000e-01, v54  }
0x132: {  	v33 =	vsub.f32 $1.500000000e+00, v30;
	v36 =	vmul.f32 v21, v18;
	v55 =	vmul.f32 v53, v51  }
0x133: {  	v32 =	vsub.f32 $1.500000000e+00, v29;
	v29 =	vmul.f32 $5.000000000e-01, v57;
	v35 =	vmul.f32 v31, v13  }
0x134: {  	v26 =	vsub.s32 $0x5F3759DF, v56;
	v17 =	vmul.f32 v19, v33;
	v45 =	vmul.f32 v43, v16  }
0x135: {  	v28 =	vshrl.u32 v57, $0x1;
	v27 =	vmul.f32 v26, v22;
	v14 =	vmul.f32 v32, v14  }
0x136: {  	v28 =	vsub.s32 $0x5F3759DF, v28;
	v38 =	vmul.f32 v36, v21;
	v24 =	vmul.f32 v53, v55  }
0x137: {  	v34 =	vld [tilespmem:$0x9EB0];
	v59 =	vmul.f32 v28, v29;
	v19 =	vmul.f32 v17, v20  }
0x138: {  	v37 =	vsub.f32 $1.500000000e+00, v35;
	v49 =	vmul.f32 v43, v45;
	v27 =	vmul.f32 v26, v27  }
0x139: {  	v15 =	vmul.f32 v14, v15;
	v39 =	vsub.f32 $1.500000000e+00, v38;
	v19 =	vmul.f32 v19, v17  }
0x13a: {  	v12 =	vmul.f32 v37, v13;
	v52 =	vsub.f32 $1.500000000e+00, v49;
	v61 =	vsub.f32 $1.500000000e+00, v27  }
0x13b: {  	v30 =	vld [tilespmem:$0x9EA0];
	v15 =	vmul.f32 v15, v14;
	v21 =	vmul.f32 v39, v21;
	v19 =	vsub.f32 $1.500000000e+00, v19  }
0x13c: {  	v23 =	vmul.f32 v43, v52;
	v63 =	vmul.f32 v26, v61;
	v26 =	vadd.f32 $1.000000000e+00, v34  }
0x13d: {  	v15 =	vsub.f32 $1.500000000e+00, v15;
	v18 =	vmul.f32 v21, v18;
	v46 =	vmul.f32 v19, v17  }
0x13e: {  	v24 =	vsub.f32 $1.500000000e+00, v24;
	v58 =	vmul.f32 v23, v16;
	v36 =	vmul.f32 v63, v22  }
0x13f: {  	v43 =	vshrl.u32 v26, $0x1;
	v26 =	vmul.f32 $5.000000000e-01, v26;
	v13 =	vmul.f32 v15, v14  }
0x140: {  	v33 =	vadd.f32 $1.000000000e+00, v30;
	v48 =	vmul.f32 v18, v21;
	v18 =	vmul.f32 v53, v24  }
0x141: {  	v24 =	vmul.f32 v28, v59;
	v45 =	vsub.s32 $0x5F3759DF, v43;
	v20 =	vmul.f32 v46, v20  }
0x142: {  	v37 =	vshrl.u32 v33, $0x1;
	v19 =	vmul.f32 v58, v23;
	v30 =	vmul.f32 v45, v26  }
0x143: {  	v17 =	vsub.f32 $1.500000000e+00, v48;
	v62 =	vmul.f32 v18, v51;
	v20 =	vmul.f32 v20, v46  }
0x144: {  	v31 =	vld [tilespmem:$0x9ED0];
	v35 =	vsub.f32 $1.500000000e+00, v24;
	v24 =	vmul.f32 v36, v63;
	v19 =	vsub.f32 $1.500000000e+00, v19  }
0x145: {  	v47 =	vld [tilespmem:$0x9EC0];
	v14 =	vmul.f32 v17, v21;
	v21 =	vmul.f32 v62, v18;
	v60 =	vsub.f32 $1.500000000e+00, v20  }
0x146: {  	v27 =	vsub.s32 $0x5F3759DF, v37;
	v19 =	vmul.f32 v19, v23;
	v20 =	vmul.f32 $5.000000000e-01, v33  }
0x147: {  	v40 =	vsub.f32 $1.500000000e+00, v24;
	v23 =	vmul.f32 v28, v35;
	v15 =	vmul.f32 v60, v46  }
0x148: {  	v21 =	vsub.f32 $1.500000000e+00, v21;
	v16 =	vmul.f32 v19, v16;
	v38 =	vmul.f32 v27, v20  }
0x149: {  	v57 =	vadd.f32 $1.000000000e+00, v31;
	v39 =	vmul.f32 v23, v29;
	v46 =	vmul.f32 v45, v30  }
0x14a: {  	v53 =	vadd.f32 $1.000000000e+00, v47;
	v18 =	vmul.f32 v21, v18;
	v21 =	vmul.f32 v40, v63  }
0x14b: {  	v59 =	vshrl.u32 v57, $0x1;
	v41 =	vmul.f32 v27, v38;
	v42 =	vmul.f32 v39, v23  }
0x14c: {  	v16 =	vmul.f32 v16, v19;
	v17 =	vsub.f32 $1.500000000e+00, v46;
	v25 =	vmul.f32 v18, v51  }
0x14d: {  	v22 =	vmul.f32 v21, v22;
	v44 =	vsub.f32 $1.500000000e+00, v41;
	v28 =	vsub.f32 $1.500000000e+00, v42  }
0x14e: {  	v16 =	vsub.f32 $1.500000000e+00, v16;
	v24 =	vmul.f32 v45, v17;
	v25 =	vmul.f32 v25, v18  }
0x14f: {  	v34 =	vld [tilespmem:$0x9EF0];
	v32 =	vsub.s32 $0x5F3759DF, v59;
	v22 =	vmul.f32 v22, v21;
	v27 =	vmul.f32 v27, v44  }
0x150: {  	v56 =	vshrl.u32 v53, $0x1;
	v51 =	vld [tilespmem:$0x9EE0];
	v23 =	vmul.f32 v28, v23;
	v16 =	vmul.f32 v16, v19  }
0x151: {  	v55 =	vmul.f32 v24, v26;
	v28 =	vmul.f32 $5.000000000e-01, v57;
	v49 =	vsub.f32 $1.500000000e+00, v25  }
0x152: {  	v22 =	vsub.f32 $1.500000000e+00, v22;
	v25 =	vmul.f32 $5.000000000e-01, v53;
	v48 =	vmul.f32 v27, v20  }
0x153: {  	v58 =	vsub.s32 $0x5F3759DF, v56;
	v29 =	vmul.f32 v23, v29;
	v19 =	vmul.f32 v32, v28  }
0x154: {  	v40 =	vadd.f32 $1.000000000e+00, v34;
	v17 =	vmul.f32 v49, v18;
	v18 =	vmul.f32 v22, v21  }
0x155: {  	v30 =	vadd.f32 $1.000000000e+00, v51;
	v22 =	vmul.f32 v55, v24;
	v60 =	vmul.f32 v58, v25  }
0x156: {  	v42 =	vshrl.u32 v40, $0x1;
	v50 =	vmul.f32 v48, v27;
	v29 =	vmul.f32 v29, v23  }
0x157: {  	v33 =	vshrl.u32 v30, $0x1;
	v30 =	vmul.f32 $5.000000000e-01, v30;
	v63 =	vmul.f32 v32, v19  }
0x158: {  	v22 =	vsub.f32 $1.500000000e+00, v22;
	v61 =	vmul.f32 v58, v60;
	v62 =	vsub.s32 $0x5F3759DF, v33  }
0x159: {  	v57 =	vld [tilespmem:$0x9F20];
	v52 =	vsub.f32 $1.500000000e+00, v50;
	v54 =	vsub.f32 $1.500000000e+00, v29;
	v35 =	vmul.f32 v62, v30  }
0x15a: {  	v38 =	vsub.f32 $1.500000000e+00, v63;
	v29 =	vmul.f32 $5.000000000e-01, v40;
	v22 =	vmul.f32 v22, v24  }
0x15b: {  	v44 =	vsub.s32 $0x5F3759DF, v42;
	v55 =	vld [tilespmem:$0x9F10];
	v27 =	vmul.f32 v52, v27;
	v19 =	vmul.f32 v54, v23  }
0x15c: {  	v36 =	vsub.f32 $1.500000000e+00, v61;
	v39 =	vmul.f32 v62, v35;
	v24 =	vmul.f32 v32, v38  }
0x15d: {  	v33 =	vmul.f32 v44, v29;
	v37 =	vmul.f32 v22, v26  }
0x15e: {  	v63 =	vadd.f32 $1.000000000e+00, v57;
	v21 =	vmul.f32 v58, v36;
	v20 =	vmul.f32 v27, v20  }
0x15f: {  	v26 =	vsub.f32 $1.500000000e+00, v39;
	v43 =	vmul.f32 v24, v28;
	v33 =	vmul.f32 v44, v33  }
0x160: {  	v59 =	vadd.f32 $1.000000000e+00, v55;
	v36 =	vld [tilespmem:$0x9F00];
	v23 =	vmul.f32 v37, v22;
	v41 =	vmul.f32 v21, v25  }
0x161: {  	v42 =	vshrl.u32 v63, $0x1;
	v20 =	vmul.f32 v20, v27;
	v26 =	vmul.f32 v62, v26  }
0x162: {  	v34 =	vmul.f32 v43, v24;
	v47 =	vsub.f32 $1.500000000e+00, v33;
	v62 =	vshrl.u32 v59, $0x1  }
0x163: {  	v32 =	vmul.f32 v41, v21;
	v45 =	vmul.f32 v26, v30;
	v20 =	vsub.f32 $1.500000000e+00, v20  }
0x164: {  	v23 =	vsub.f32 $1.500000000e+00, v23;
	v34 =	vsub.f32 $1.500000000e+00, v34;
	v51 =	vmul.f32 v44, v47  }
0x165: {  	v54 =	vadd.f32 $1.000000000e+00, v36;
	v35 =	vmul.f32 v45, v26;
	v20 =	vmul.f32 v20, v27  }
0x166: {  	v40 =	vld [tilespmem:$0x9F30];
	v32 =	vsub.f32 $1.500000000e+00, v32;
	v48 =	vmul.f32 v34, v24;
	v53 =	vmul.f32 v51, v29  }
0x167: {  	v56 =	vshrl.u32 v54, $0x1;
	v31 =	vmul.f32 $5.000000000e-01, v54;
	v27 =	vmul.f32 $5.000000000e-01, v59  }
0x168: {  	v46 =	vmul.f32 v32, v21;
	v21 =	vmul.f32 v23, v22;
	v33 =	vsub.s32 $0x5F3759DF, v56  }
0x169: {  	v32 =	vmul.f32 $5.000000000e-01, v63;
	v49 =	vsub.f32 $1.500000000e+00, v35;
	v28 =	vmul.f32 v48, v28  }
0x16a: {  	v36 =	vsub.s32 $0x5F3759DF, v42;
	v24 =	vmul.f32 v53, v51;
	v58 =	vmul.f32 v33, v31  }
0x16b: {  	v44 =	vadd.f32 $1.000000000e+00, v40;
	v50 =	vmul.f32 v46, v25;
	v26 =	vmul.f32 v49, v26  }
0x16c: {  	v47 =	vld [tilespmem:$0x9F40];
	v37 =	vmul.f32 v36, v32;
	v28 =	vmul.f32 v28, v48;
	v24 =	vsub.f32 $1.500000000e+00, v24  }
0x16d: {  	v38 =	vshrl.u32 v44, $0x1;
	v61 =	vmul.f32 v33, v58;
	v30 =	vmul.f32 v26, v30  }
0x16e: {  	v52 =	vmul.f32 v50, v46;
	v28 =	vsub.f32 $1.500000000e+00, v28;
	v25 =	vmul.f32 v24, v51  }
0x16f: {  	v49 =	vsub.s32 $0x5F3759DF, v38;
	v24 =	vsub.f32 $1.500000000e+00, v61;
	v30 =	vmul.f32 v30, v26  }
0x170: {  	v23 =	vsub.f32 $1.500000000e+00, v52;
	v22 =	vmul.f32 v28, v48;
	v29 =	vmul.f32 v25, v29  }
0x171: {  	v52 =	vadd.f32 $1.000000000e+00, v47;
	v33 =	vmul.f32 v33, v24;
	v28 =	vmul.f32 $5.000000000e-01, v44  }
0x172: {  	v23 =	vmul.f32 v23, v46;
	v46 =	vmul.f32 v36, v37;
	v60 =	vsub.f32 $1.500000000e+00, v30  }
0x173: {  	v39 =	vld [tilespmem:$0x9F50];
	v30 =	vsub.s32 $0x5F3759DF, v62;
	v29 =	vmul.f32 v29, v25;
	v43 =	vmul.f32 v33, v31  }
0x174: {  	v50 =	vmul.f32 v49, v28;
	v41 =	vmul.f32 v30, v27;
	v48 =	vsub.f32 $1.500000000e+00, v46  }
0x175: {  	v24 =	vmul.f32 v60, v26;
	v29 =	vsub.f32 $1.500000000e+00, v29;
	v26 =	vmul.f32 v43, v33  }
0x176: {  	v55 =	vshrl.u32 v52, $0x1;
	v35 =	vmul.f32 v30, v41;
	v34 =	vmul.f32 v36, v48  }
0x177: {  	v61 =	vld [tilespmem:$0x9F60];
	v25 =	vmul.f32 v29, v25;
	v26 =	vsub.f32 $1.500000000e+00, v26;
	v29 =	vmul.f32 v49, v50  }
0x178: {  	v60 =	vadd.f32 $1.000000000e+00, v39;
	v45 =	vsub.f32 $1.500000000e+00, v35;
	v54 =	vmul.f32 v34, v32  }
0x179: {  	v26 =	vmul.f32 v26, v33;
	v29 =	vsub.f32 $1.500000000e+00, v29;
	v33 =	vmul.f32 $5.000000000e-01, v52  }
0x17a: {  	v38 =	vsub.s32 $0x5F3759DF, v55;
	v30 =	vmul.f32 v30, v45;
	v37 =	vmul.f32 v54, v34  }
0x17b: {  	v39 =	vshrl.u32 v60, $0x1;
	v29 =	vmul.f32 v49, v29;
	v56 =	vmul.f32 v38, v33  }
0x17c: {  	v45 =	vadd.f32 $1.000000000e+00, v61;
	v31 =	vmul.f32 v26, v31;
	v51 =	vmul.f32 v30, v27  }
0x17d: {  	v57 =	vsub.f32 $1.500000000e+00, v37;
	v37 =	vmul.f32 $5.000000000e-01, v60;
	v58 =	vmul.f32 v29, v28  }
0x17e: {  	v39 =	vsub.s32 $0x5F3759DF, v39;
	v54 =	vld [tilespmem:$0x9F90];
	v35 =	vmul.f32 v38, v56;
	v31 =	vmul.f32 v31, v26  }
0x17f: {  	v49 =	vshrl.u32 v45, $0x1;
	v53 =	vmul.f32 v51, v30;
	v34 =	vmul.f32 v57, v34  }
0x180: {  	v63 =	vmul.f32 v39, v37;
	v51 =	vsub.s32 $0x5F3759DF, v49;
	v35 =	vsub.f32 $1.500000000e+00, v35  }
0x181: {  	v46 =	vld [tilespmem:$0x9F70];
	v59 =	vmul.f32 v58, v29;
	v31 =	vsub.f32 $1.500000000e+00, v31;
	v32 =	vmul.f32 v34, v32  }
0x182: {  	v36 =	vsub.f32 $1.500000000e+00, v53;
	v44 =	vmul.f32 v39, v63;
	v35 =	vmul.f32 v38, v35  }
0x183: {  	v26 =	vmul.f32 v31, v26;
	v31 =	vmul.f32 $5.000000000e-01, v45;
	v38 =	vadd.f32 $1.000000000e+00, v54  }
0x184: {  	v30 =	vmul.f32 v36, v30;
	v36 =	vsub.f32 $1.500000000e+00, v59;
	v32 =	vmul.f32 v32, v34  }
0x185: {  	v62 =	vmul.f32 v35, v33;
	v45 =	vshrl.u32 v38, $0x1;
	v38 =	vmul.f32 $5.000000000e-01, v38  }
0x186: {  	v50 =	vld [tilespmem:$0x9F80];
	v53 =	vadd.f32 $1.000000000e+00, v46;
	v27 =	vmul.f32 v30, v27;
	v29 =	vmul.f32 v36, v29  }
0x187: {  	v32 =	vsub.f32 $1.500000000e+00, v32;
	v45 =	vsub.s32 $0x5F3759DF, v45;
	v36 =	vmul.f32 v62, v35  }
0x188: {  	v41 =	vshrl.u32 v53, $0x1;
	v46 =	vmul.f32 v45, v38;
	v27 =	vmul.f32 v27, v30  }
0x189: {  	v40 =	vmul.f32 v29, v28;
	v28 =	vmul.f32 v32, v34;
	v48 =	vsub.f32 $1.500000000e+00, v36  }
0x18a: {  	v36 =	vmul.f32 v51, v31;
	v58 =	vmul.f32 v45, v46;
	v27 =	vsub.f32 $1.500000000e+00, v27  }
0x18b: {  	v47 =	vmul.f32 v40, v29;
	v40 =	vadd.f32 $1.000000000e+00, v50;
	v34 =	vmul.f32 v48, v35  }
0x18c: {  	v63 =	vld [tilespmem:$0x9FA0];
	v36 =	vmul.f32 v51, v36;
	v27 =	vmul.f32 v27, v30;
	v30 =	vsub.f32 $1.500000000e+00, v44  }
0x18d: {  	v43 =	vshrl.u32 v40, $0x1;
	v40 =	vmul.f32 $5.000000000e-01, v40;
	v52 =	vmul.f32 v34, v33  }
0x18e: {  	v33 =	vmul.f32 $5.000000000e-01, v53;
	v36 =	vsub.f32 $1.500000000e+00, v36;
	v55 =	vsub.s32 $0x5F3759DF, v43  }
0x18f: {  	v41 =	vsub.s32 $0x5F3759DF, v41;
	v30 =	vmul.f32 v39, v30;
	v43 =	vmul.f32 v55, v40  }
0x190: {  	v60 =	vsub.f32 $1.500000000e+00, v58;
	v42 =	vmul.f32 v41, v33;
	v35 =	vmul.f32 v51, v36  }
0x191: {  	v54 =	vadd.f32 $1.000000000e+00, v63;
	v39 =	vmul.f32 v30, v37;
	v43 =	vmul.f32 v55, v43  }
0x192: {  	v32 =	vsub.f32 $1.500000000e+00, v47;
	v45 =	vmul.f32 v45, v60;
	v42 =	vmul.f32 v41, v42  }
0x193: {  	v44 =	vmul.f32 v35, v31;
	v39 =	vmul.f32 v39, v30;
	v56 =	vsub.f32 $1.500000000e+00, v43  }
0x194: {  	v29 =	vmul.f32 v32, v29;
	v32 =	vmul.f32 v52, v34;
	v42 =	vsub.f32 $1.500000000e+00, v42  }
0x195: {  	v44 =	vmul.f32 v44, v35;
	v39 =	vsub.f32 $1.500000000e+00, v39;
	v36 =	vmul.f32 v55, v56  }
0x196: {  	v50 =	vmul.f32 v45, v38;
	v46 =	vsub.f32 $1.500000000e+00, v32;
	v41 =	vmul.f32 v41, v42  }
0x197: {  	v63 =	vld [tilespmem:$0x9FD0];
	v57 =	vsub.f32 $1.500000000e+00, v44;
	v39 =	vmul.f32 v39, v30;
	v62 =	vmul.f32 v36, v40  }
0x198: {  	v30 =	vmul.f32 v46, v34;
	v34 =	vmul.f32 $5.000000000e-01, v54  }
0x199: {  	v59 =	vmul.f32 v41, v33;
	v35 =	vmul.f32 v57, v35  }
0x19a: {  	v37 =	vmul.f32 v39, v37;
	v49 =	vmul.f32 v62, v36  }
0x19b: {  	v57 =	vshrl.u32 v54, $0x1;
	v61 =	vmul.f32 v59, v41;
	v31 =	vmul.f32 v35, v31  }
0x19c: {  	v55 =	vld [tilespmem:$0x9FB0];
	v54 =	vadd.f32 $1.000000000e+00, v63;
	v47 =	vmul.f32 v37, v39;
	v52 =	vsub.f32 $1.500000000e+00, v49  }
0x19d: {  	v53 =	vmul.f32 v50, v45;
	v59 =	vld [tilespmem:$0x9FC0];
	v48 =	vsub.f32 $1.500000000e+00, v61;
	v51 =	vmul.f32 v31, v35  }
0x19e: {  	[tilespmem:$0x9DE0] =	vst v9;
	v9 =	vmul.f32 $5.000000000e-01, v54;
	v32 =	vsub.f32 $1.500000000e+00, v47;
	v36 =	vmul.f32 v52, v36  }
0x19f: {  	v37 =	vmul.f32 v48, v41;
	v56 =	vsub.f32 $1.500000000e+00, v51;
	v41 =	vsub.s32 $0x5F3759DF, v57  }
0x1a0: {  	v50 =	vld [tilespmem:$0x9FE0];
	v57 =	vshrl.u32 v54, $0x1;
	v31 =	vmul.f32 v32, v39;
	v32 =	vsub.f32 $1.500000000e+00, v53  }
0x1a1: {  	v40 =	vmul.f32 v36, v40;
	v58 =	vmul.f32 v41, v34;
	v39 =	vadd.f32 $1.000000000e+00, v55  }
0x1a2: {  	v49 =	vadd.f32 $1.000000000e+00, v59;
	v33 =	vmul.f32 v37, v33;
	v35 =	vmul.f32 v56, v35  }
0x1a3: {  	[tilespmem:$0x9E00] =	vst v10;
	v10 =	vsub.s32 $0x5F3759DF, v57;
	v32 =	vmul.f32 v32, v45;
	v40 =	vmul.f32 v40, v36  }
0x1a4: {  	[tilespmem:$0x9D80] =	vst v3;
	v61 =	vmul.f32 v41, v58;
	v62 =	vshrl.u32 v39, $0x1;
	v39 =	vmul.f32 $5.000000000e-01, v39  }
0x1a5: {  	[tilespmem:$0x9D90] =	vst v2;
	v53 =	vshrl.u32 v49, $0x1;
	v58 =	vadd.f32 $1.000000000e+00, v50;
	v33 =	vmul.f32 v33, v37  }
0x1a6: {  	[tilespmem:$0x9DD0] =	vst v7;
	v52 =	vld [tilespmem:$0x9FF0];
	v47 =	vsub.s32 $0x5F3759DF, v62;
	v7 =	vsub.s32 $0x5F3759DF, v53;
	v60 =	vmul.f32 v32, v38  }
0x1a7: {  	[tilespmem:$0x9DB0] =	vst v5;
	v2 =	vsub.f32 $1.500000000e+00, v40;
	v46 =	vsub.f32 $1.500000000e+00, v61;
	v48 =	vmul.f32 v47, v39  }
0x1a8: {  	[tilespmem:$0x9DA0] =	vst v4;
	v61 =	vmul.f32 v10, v9;
	v62 =	vshrl.u32 v58, $0x1;
	v45 =	vmul.f32 v60, v32  }
0x1a9: {  	[tilespmem:$0x9DC0] =	vst v6;
	v3 =	vsub.f32 $1.500000000e+00, v33;
	v2 =	vmul.f32 v2, v36;
	v51 =	vmul.f32 v41, v46  }
0x1aa: {  	[tilespmem:$0x9DF0] =	vst v8;
	v63 =	vsub.s32 $0x5F3759DF, v62;
	v5 =	vmul.f32 v47, v48;
	v36 =	vmul.f32 $5.000000000e-01, v49  }
0x1ab: {  	[tilespmem:$0x9E10] =	vst v11;
	v60 =	vadd.f32 $1.000000000e+00, v52;
	v3 =	vmul.f32 v3, v37;
	v37 =	vmul.f32 $5.000000000e-01, v58  }
0x1ac: {  	[tilespmem:$0x9E20] =	vst v12;
	v12 =	vmul.f32 v10, v61;
	v4 =	vsub.f32 $1.500000000e+00, v45;
	v56 =	vmul.f32 v7, v36  }
0x1ad: {  	[tilespmem:$0x9E30] =	vst v13;
	v55 =	vmul.f32 v51, v34;
	v5 =	vsub.f32 $1.500000000e+00, v5;
	v41 =	vmul.f32 v63, v37  }
0x1ae: {  	[tilespmem:$0x9E40] =	vst v14;
	v12 =	vsub.f32 $1.500000000e+00, v12;
	v4 =	vmul.f32 v4, v32;
	v59 =	vmul.f32 v7, v56  }
0x1af: {  	[tilespmem:$0x9E50] =	vst v15;
	v40 =	vshrl.u32 v60, $0x1;
	v32 =	vmul.f32 $5.000000000e-01, v60;
	v5 =	vmul.f32 v47, v5  }
0x1b0: {  	[tilespmem:$0x9E60] =	vst v16;
	v33 =	vsub.s32 $0x5F3759DF, v40;
	v10 =	vmul.f32 v10, v12;
	v8 =	vmul.f32 v55, v51  }
0x1b1: {  	[tilespmem:$0x9E70] =	vst v17;
	v14 =	vmul.f32 v63, v41;
	v42 =	vmul.f32 v33, v32  }
0x1b2: {  	[tilespmem:$0x9E80] =	vst v18;
	v11 =	vsub.f32 $1.500000000e+00, v59;
	v43 =	vmul.f32 v5, v39;
	v48 =	vmul.f32 v10, v9  }
0x1b3: {  	[tilespmem:$0x9E90] =	vst v19;
	v8 =	vsub.f32 $1.500000000e+00, v8;
	v44 =	vsub.f32 $1.500000000e+00, v14;
	v15 =	vmul.f32 v33, v42  }
0x1b4: {  	[tilespmem:$0x9EA0] =	vst v20;
	v7 =	vmul.f32 v7, v11;
	v45 =	vmul.f32 v43, v5  }
0x1b5: {  	[tilespmem:$0x9EB0] =	vst v21;
	v6 =	vmul.f32 v8, v51;
	v11 =	vmul.f32 v63, v44;
	v46 =	vsub.f32 $1.500000000e+00, v15  }
0x1b6: {  	[tilespmem:$0x9ED0] =	vst v22;
	v47 =	vmul.f32 v7, v36;
	v15 =	vmul.f32 v48, v10;
	v12 =	vsub.f32 $1.500000000e+00, v45  }
0x1b7: {  	[tilespmem:$0x9EC0] =	vst v23;
	v49 =	vmul.f32 v11, v37;
	v14 =	vmul.f32 v33, v46  }
0x1b8: {  	[tilespmem:$0x9EE0] =	vst v24;
	v13 =	vmul.f32 v47, v7;
	v5 =	vmul.f32 v12, v5  }
0x1b9: {  	[tilespmem:$0x9EF0] =	vst v25;
	v16 =	vmul.f32 v49, v11;
	v50 =	vmul.f32 v14, v32  }
0x1ba: {  	[tilespmem:$0x9F00] =	vst v26;
	v53 =	vmul.f32 v6, v34;
	v15 =	vsub.f32 $1.500000000e+00, v15;
	v13 =	vsub.f32 $1.500000000e+00, v13  }
0x1bb: {  	[tilespmem:$0x9F20] =	vst v28;
	v54 =	vmul.f32 v5, v39;
	v51 =	vsub.f32 $1.500000000e+00, v16;
	v17 =	vmul.f32 v50, v14  }
0x1bc: {  	[tilespmem:$0x9F10] =	vst v27;
	v10 =	vmul.f32 v15, v10;
	v7 =	vmul.f32 v13, v7  }
0x1bd: {  	[tilespmem:$0x9F30] =	vst v29;
	v13 =	vmul.f32 v54, v5;
	v8 =	vmul.f32 v51, v11;
	v52 =	vsub.f32 $1.500000000e+00, v17  }
0x1be: {  	[tilespmem:$0x9F40] =	vst v30;
	v11 =	vmul.f32 v53, v6;
	v55 =	vmul.f32 v7, v36  }
0x1bf: {  	[tilespmem:$0x9F50] =	vst v31;
	v9 =	vmul.f32 v10, v9;
	v12 =	vmul.f32 v52, v14  }
0x1c0: {  	[tilespmem:$0x9F60] =	vst v35;
	v11 =	vsub.f32 $1.500000000e+00, v11;
	v56 =	vmul.f32 v8, v37;
	v14 =	vmul.f32 v55, v7  }
0x1c1: {  	[tilespmem:$0x9F70] =	vst v3;
	v3 =	vsub.f32 $1.500000000e+00, v13;
	v9 =	vmul.f32 v9, v10;
	v57 =	vmul.f32 v12, v32  }
0x1c2: {  	[tilespmem:$0x9F80] =	vst v2;
	v2 =	vmul.f32 v11, v6;
	v59 =	vmul.f32 v56, v8;
	v58 =	vsub.f32 $1.500000000e+00, v14  }
0x1c3: {  	[tilespmem:$0x9F90] =	vst v4;
	v3 =	vmul.f32 v3, v5;
	v60 =	vsub.f32 $1.500000000e+00, v9;
	v61 =	vmul.f32 v57, v12  }
0x1c4: {  	[tilespmem:$0x9FA0] =	vst v2;
	v62 =	vsub.f32 $1.500000000e+00, v59;
	v2 =	vmul.f32 v58, v7  }
0x1c5: {  	[tilespmem:$0x9FB0] =	vst v3;
	v3 =	vmul.f32 v60, v10;
	v63 =	vsub.f32 $1.500000000e+00, v61  }
0x1c6: {  	[tilespmem:$0x9FC0] =	vst v2;
	v2 =	vmul.f32 v62, v8  }
0x1c7: {  	[tilespmem:$0x9FD0] =	vst v3;
	v3 =	vmul.f32 v63, v12  }
0x1c8: {  	s30 =	sadd.s32 $0x1, s30;
	[tilespmem:$0x9FE0] =	vst v2  }
0x1c9: {  	p2 =	sne.s32 s30, s8;
	s2 =	simm.s32 @!p1 $0x9D80;
	s0 =	simm.s32 @!p1 $0x0;
	[tilespmem:$0x9FF0] =	vst v3  }
0x1ca: {  	[hbm4b:s7+s0] =	stream.linear.scatter @!p1 [tilespmem:s2], [sflag:$0x2], $0x280, $0x38;
	[tilespmem:$0xA280] =	vst v63  }
.Ltmp1:
0x1cb: {  	_ = 	snop;
	(pc) =	sbr.rel @p2 .LBB2_1-.Ltmp1, $4  }
0x1cc: {  	s0 =	simm.s32 @!p1 $0x2  }
0x1cd: {  	_ =	swait.ge @!p1 [sflag:s0], $0x280  }
0x1ce: {  	[sflag:s0] =	ssyncset.done @!p1 $0x0  }
0x1cf: {  	[sflag:s0] =	ssyncadd.s32 @!p1 $0xFFFFFD80  }
0x1d0: {  	_ =	sfence.sel $0x180000  }
0x1d1: {  	[bflag:$0x0] =	sbarrier.arrive $0xFFFF  }
0x1d2: {  	_ =	strace $0x90000047  }
0x1d3: {  	s0 =	stileid.u32;
	[bflag:$0x2] =	sbarrier.arrive $0xFFFF  }
0x1d4: {  	p0 =	sne.s32 s0, $0x0;
	s0 =	rddreg [dreg:$0x3]  }
0x1d5: {  	s0 =	sadd.s32 @!p0 $0x100000, s0  }
0x1d6: {  	[sflag:s0] =	ssyncadd.tile.s32 @!p0 $0x1;
	_ =	shalt  }
.Lfunc_end2:
_tile_overlayer_lowered:
.L_overlay_start_2:
0x1d7: {  	(tag) =	ssettag $0x2  }
0x1d8: {  	s0 =	rddreg [dreg:$0x0];
	s2 =	stileid.u32  }
0x1d9: {  	s1 =	rddreg [dreg:$0x1];
	p0 =	sne.s32 s2, $0x0  }
0x1da: {  	s3 =	rddreg [dreg:$0x2];
	[bflag:$0x3] =	sbarrier.arrive $0xFFFF;
	s2 =	simm.s32 @!p0 $0x1C02  }
0x1db: {  	[timem:s3], [sflag:s2] =	dma.local @!p0 [hbm:s0], s1  }
0x1dc: {  	s0 =	simm.s32 @!p0 $0x2  }
0x1dd: {  	_ =	swait.ge @!p0 [sflag:s0], s1  }
0x1de: {  	s1 =	ssub.s32 @!p0 $0x0, s1;
	[sflag:s0] =	ssyncset.done @!p0 $0x0  }
0x1df: {  	[sflag:s0] =	ssyncadd.s32 @!p0 s1  }
0x1e0: {  	[bflag:$0x3] =	sbarrier.arrive $0xFFFF  }
0x1e1: {  	_ =	shalt  }

// kernel: kernel.9.cloned.1.call-start
scs
__scs_entry_jumppad:
0x0: {  	(pc) =	sbr.rel $0x88, $3  }
0x1: {  	(tag) =	ssettag $0x0;
	lr =	simm.s32 $0x1  }
0x2: {  	[smem:$0x3F9E] =	sst lr;
	_ =	strace $0xD0000000  }
0x3: {  	_ = 	snop  }
0x4: {  	_ = 	snop  }
0x5: {  	_ = 	snop  }
0x6: {  	_ = 	snop  }
0x7: {  	_ = 	snop  }
__scs_overlays_trampoline_lowered:
0x8: {  	[smem:$0x3FAD] =	sst s0  }
0x9: {  	[smem:$0x3FAE] =	sst s1  }
0xa: {  	[smem:$0x3FAF] =	sst s2  }
0xb: {  	[smem:$0x3FB0] =	sst s3  }
0xc: {  	[smem:$0x3FB1] =	sst s4  }
0xd: {  	[smem:$0x3FB2] =	sst s5  }
0xe: {  	[smem:$0x3FB3] =	sst s6  }
0xf: {  	[smem:$0x3FB4] =	sst s7  }
0x10: {  	[smem:$0x3FB5] =	sst s8  }
0x11: {  	[smem:$0x3FB6] =	sst s9;
	s0 =	simm.s32 @!p0 $0x0  }
0x12: {  	s1 =	sld [smem:$0x3F9C];
	s0 =	simm.s32 @p0 $0x1  }
0x13: {  	[smem:$0x3FB7] =	sst s0;
	s0 =	simm.s32 @!p1 $0x0  }
0x14: {  	s2 =	sld [smem:$0x3F9B];
	s0 =	simm.s32 @p1 $0x1  }
0x15: {  	[smem:$0x3FB8] =	sst s0;
	s0 =	simm.s32 @!p2 $0x0  }
0x16: {  	s3 =	sld [smem:$0x3FDB];
	s0 =	simm.s32 @p2 $0x1  }
0x17: {  	s4 =	simm.s32 $0x1BF5;
	[smem:$0x3FBA] =	sst s0  }
0x18: {  	s0 =	sld [smem:$0x3F9D];
	_ =	swait.ge [sflag:s4], $0x0  }
0x19: {  	s7 =	sld [smem:$0x3F9E]  }
0x1a: {  	s8 =	sadd.s32 $0xFFFFE003, lr  }
0x1b: {  	s9 =	sadd.s32 $0xFFFFFEF7, lr;
	s5 =	simm.s32 $0xFFFFFFFF;
	p2 =	slt.u32 s8, $0xFFFFF086  }
0x1c: {  	p1 =	slt.u32 s9, $0xF7A;
	s5 =	simm.s32 @!p2 $0x0  }
0x1d: {  	s5 =	simm.s32 @p1 $0x1;
	p0 =	seq.s32 s7, s2  }
0x1e: {  	s7 =	smul.u32 @!p0 $0xF7A, s2;
	p2 =	seq.s32 @!p0 s5, $0x0  }
0x1f: {  	s9 =	smul.u32 $0xF7A, s1;
	s8 =	simm.s32 @!p0 $0x1BF5;
	p2 =	por !p2, p0  }
0x20: {  	[sflag:s8] =	ssyncset.s32 @!p0 $0xFFFFF086;
	s6 =	sadd.s32 @!p0 s3, s7;
	s7 =	simm.s32 @!p0 $0x108  }
0x21: {  	s3 =	sadd.s32 s3, s9;
	s6 =	sadd.s32 @!p0 $0x88, s6;
	s7 =	simm.s32 @p2 $0x1082  }
0x22: {  	[simem:s7], [sflag:s8] =	dma.local @!p0 [hbm:s6], $0xF7A  }
0x23: {  	s9 =	sor.u32 $0xD0000000, s2;
	s6 =	simm.s32 $0x108;
	_ =	swait.ge @!p0 [sflag:s8], $0x0  }
0x24: {  	s3 =	sadd.s32 $0x88, s3;
	s6 =	simm.s32 @!p1 $0x1082;
	[sflag:s4] =	ssyncset.s32 $0xFFFFF086  }
0x25: {  	[simem:s6], [sflag:s4] =	dma.local [hbm:s3], $0xF7A  }
0x26: {  	[smem:$0x3F9E] =	sst s1;
	(tag) =	ssettag s2;
	_ =	strace s9  }
0x27: {  	s1 =	sld [smem:$0x3FAE]  }
0x28: {  	s2 =	sld [smem:$0x3FAF]  }
0x29: {  	s4 =	sld [smem:$0x3FB1]  }
0x2a: {  	p0 =	seq.s32 s5, $0x0;
	s5 =	sld [smem:$0x3FB2]  }
0x2b: {  	s6 =	sld [smem:$0x3FB3]  }
0x2c: {  	s7 =	sld [smem:$0x3FB4]  }
0x2d: {  	s3 =	simm.s32 $0x108;
	s8 =	sld [smem:$0x3FB5]  }
0x2e: {  	s3 =	simm.s32 @!p0 $0x1082;
	s9 =	sld [smem:$0x3FB6]  }
0x2f: {  	lr =	sadd.s32 s0, s3;
	s0 =	sld [smem:$0x3FAD]  }
0x30: {  	s3 =	sld [smem:$0x3FB0]  }
0x31: {  	[smem:$0x3FB9] =	sst s10  }
0x32: {  	s10 =	sld [smem:$0x3FB7];
	_ =	sdelay $0x3  }
0x33: {  	p0 =	seq.s32 s10, $0x1;
	s10 =	sld [smem:$0x3FB9];
	_ =	sdelay $0x3  }
0x34: {  	[smem:$0x3FB9] =	sst s10  }
0x35: {  	s10 =	sld [smem:$0x3FB8];
	_ =	sdelay $0x3  }
0x36: {  	p1 =	seq.s32 s10, $0x1;
	s10 =	sld [smem:$0x3FB9];
	_ =	sdelay $0x3  }
0x37: {  	[smem:$0x3FB9] =	sst s10  }
0x38: {  	s10 =	sld [smem:$0x3FBA]  }
0x39: {  	_ = 	snop;
	(pc) =	sbr.ind lr, $3  }
0x3a: {  	_ = 	snop  }
0x3b: {  	_ = 	snop  }
0x3c: {  	p2 =	seq.s32 s10, $0x1;
	s10 =	sld [smem:$0x3FB9]  }
0x3d: {  	_ =	shalt  }
0x3e: {  	_ =	shalt  }
0x3f: {  	_ =	shalt  }
0x40: {  	_ =	shalt  }
0x41: {  	_ =	shalt  }
0x42: {  	_ =	shalt  }
0x43: {  	_ =	shalt  }
0x44: {  	_ =	shalt  }
0x45: {  	_ =	shalt  }
0x46: {  	_ =	shalt  }
0x47: {  	_ =	shalt  }
0x48: {  	_ =	shalt  }
0x49: {  	_ =	shalt  }
0x4a: {  	_ =	shalt  }
0x4b: {  	_ =	shalt  }
0x4c: {  	_ =	shalt  }
0x4d: {  	_ =	shalt  }
0x4e: {  	_ =	shalt  }
0x4f: {  	_ =	shalt  }
0x50: {  	_ =	shalt  }
0x51: {  	_ =	shalt  }
0x52: {  	_ =	shalt  }
0x53: {  	_ =	shalt  }
0x54: {  	_ =	shalt  }
0x55: {  	_ =	shalt  }
0x56: {  	_ =	shalt  }
0x57: {  	_ =	shalt  }
0x58: {  	_ =	shalt  }
0x59: {  	_ =	shalt  }
0x5a: {  	_ =	shalt  }
0x5b: {  	_ =	shalt  }
0x5c: {  	_ =	shalt  }
0x5d: {  	_ =	shalt  }
0x5e: {  	_ =	shalt  }
0x5f: {  	_ =	shalt  }
0x60: {  	_ =	shalt  }
0x61: {  	_ =	shalt  }
0x62: {  	_ =	shalt  }
0x63: {  	_ =	shalt  }
0x64: {  	_ =	shalt  }
0x65: {  	_ =	shalt  }
0x66: {  	_ =	shalt  }
0x67: {  	_ =	shalt  }
0x68: {  	_ =	shalt  }
0x69: {  	_ =	shalt  }
0x6a: {  	_ =	shalt  }
0x6b: {  	_ =	shalt  }
0x6c: {  	_ =	shalt  }
0x6d: {  	_ =	shalt  }
0x6e: {  	_ =	shalt  }
0x6f: {  	_ =	shalt  }
0x70: {  	_ =	shalt  }
0x71: {  	_ =	shalt  }
0x72: {  	_ =	shalt  }
0x73: {  	_ =	shalt  }
0x74: {  	_ =	shalt  }
0x75: {  	_ =	shalt  }
0x76: {  	_ =	shalt  }
0x77: {  	_ =	shalt  }
0x78: {  	_ =	shalt  }
0x79: {  	_ =	shalt  }
0x7a: {  	_ =	shalt  }
0x7b: {  	_ =	shalt  }
0x7c: {  	_ =	shalt  }
0x7d: {  	_ =	shalt  }
0x7e: {  	_ =	shalt  }
0x7f: {  	_ =	shalt  }
0x80: {  	_ =	shalt  }
0x81: {  	_ =	shalt  }
0x82: {  	_ =	shalt  }
0x83: {  	_ =	shalt  }
0x84: {  	_ =	shalt  }
0x85: {  	_ =	shalt  }
0x86: {  	_ =	shalt  }
0x87: {  	_ =	shalt  }
.Lfunc_end0:
.L_simem_size_0:
called_computation.1_lowered:
.L_overlay_start_0:
0x88: {  	s2 =	sld [smem:$0x3FD9]  }
0x89: {  	s3 =	sld [smem:$0x3FFE];
	_ =	sdelay $0x1  }
0x8a: {  	s1 =	srdreg.scid  }
0x8b: {  	s0 =	sand.u32 $0x1, s1  }
0x8c: {  	s17 =	sshll.u32 s0, $0xA;
	s2 =	sadd.s32 s3, s2  }
0x8d: {  	s2 =	sadd.s32 s2, s17  }
0x8e: {  	[smem:$0x3FC5] =	sst s2  }
0x8f: {  	_ = 	snop  }
0x90: {  	s2 =	sld [smem:$0x3FC8]  }
0x91: {  	s18 =	sld [smem:$0x3FD0];
	(tm) =	ssettm $0x1  }
0x92: {  	s4 =	sld [smem:$0x3FFB];
	_ =	sdelay $0x3  }
0x93: {  	_ =	strace s4  }
0x94: {  	s4 =	sld [smem:$0x3FFC];
	_ =	sdelay $0x3  }
0x95: {  	_ =	strace s4  }
0x96: {  	s4 =	sld [smem:$0x3FFD];
	_ =	sdelay $0x3  }
0x97: {  	_ =	strace s4  }
0x98: {  	_ =	strace $0x8FFFFFFF  }
0x99: {  	s19 =	sld [smem:$0x3FDB];
	_ =	sdelay $0x1  }
0x9a: {  	s5 =	simm.s32 $_scs_section_size  }
0x9b: {  	s6 =	simm.s32 $_size__tile_overlayer_lowered;
	s7 =	simm.s32 $_tile_overlayer_lowered  }
0x9c: {  	s22 =	simm.s32 $0x1BFF;
	s21 =	sshll.u32 s7, $0x1;
	s4 =	sadd.s32 s5, s19  }
0x9d: {  	s8 =	simm.s32 $0x0;
	s20 =	sshll.u32 s6, $0x1;
	s6 =	sadd.s32 s21, s4  }
0x9e: {  	[timem:s8], [sflag:s22] =	dma.local [hbm:s6], s20  }
0x9f: {  	_ =	swait.ge [sflag:s22], s20  }
0xa0: {  	s5 =	ssub.s32 $0x0, s20;
	[sflag:s22] =	ssyncset.done $0x0  }
0xa1: {  	[sflag:s22] =	ssyncadd.s32 s5;
	_ =	sdelay $0x1  }
0xa2: {  	s23 =	simm.s32 $0x1B8B  }
0xa3: {  	_ =	swait.ge [sflag:s23], $0x1  }
0xa4: {  	[sflag:s23] =	ssyncset.done $0x0  }
0xa5: {  	s25 =	simm.s32 $0x1B8E;
	s24 =	sld [smem:$0x3FFE];
	[sflag:s23] =	ssyncadd.s32 $0xFFFFFFFF  }
0xa6: {  	s26 =	simm.s32 $execute0_lowered;
	[smem:$0x3FD2] =	sst s25  }
0xa7: {  	s6 =	sshll.u32 s26, $0x1;
	_ =	strace $0x80000049;
	[dreg:$0x1] =	wrdreg $0xFFFFFFFF  }
0xa8: {  	s28 =	simm.s32 $_size_execute0_lowered;
	s4 =	sadd.s32 s4, s6;
	[dreg:$0x0] =	wrdreg $0x0  }
0xa9: {  	s6 =	sshll.u32 s28, $0x1;
	[dreg:$0x2] =	wrdreg s4  }
0xaa: {  	[dreg:$0x3] =	wrdreg s6  }
0xab: {  	[dreg:$0x4] =	wrdreg $0xC0  }
0xac: {  	_ =	task [dreg:s8], $0x5FFFF  }
0xad: {  	[dreg:$0x1] =	wrdreg $0xFFFFFFFF  }
0xae: {  	[dreg:$0x0] =	wrdreg $0x60  }
0xaf: {  	[dreg:$0x2] =	wrdreg s24  }
0xb0: {  	[dreg:$0x3] =	wrdreg s2  }
0xb1: {  	[dreg:$0x4] =	wrdreg s18  }
0xb2: {  	[dreg:$0x5] =	wrdreg $0x12E400  }
0xb3: {  	[dreg:$0x6] =	wrdreg $0x9  }
0xb4: {  	_ =	task.clear_ibuf [dreg:s8], $0x7FFFF;
	_ =	strace $0x90000049  }
0xb5: {  	s29 =	simm.s32 $0x9;
	_ =	strace $0x8000004B  }
0xb6: {  	_ =	swait.ge [sflag:s29], $0x1  }
0xb7: {  	[sflag:s29] =	ssyncadd.s32 $0xFFFFFFFF  }
0xb8: {  	_ =	strace $0x9000004B  }
0xb9: {  	_ =	sfence  }
0xba: {  	s30 =	sld [smem:$0x0];
	_ =	sdelay $0x2  }
0xbb: {  	s31 =	sshll.u32 s1, $0xD;
	s1 =	sshrl.u32 s1, $0x2  }
0xbc: {  	s3 =	sand.u32 $0x4000, s31;
	s1 =	sadd.s32 s1, s30  }
0xbd: {  	s0 =	sor.u32 s3, s0;
	s1 =	sshll.u32 s1, $0x11  }
0xbe: {  	s0 =	sor.u32 s1, s0  }
0xbf: {  	s0 =	sadd.s32 $0x8F2B, s0  }
0xc0: {  	[sflag:s0] =	ssyncadd.remote.s32 $0x1  }
0xc1: {  	_ =	sfence.sel $0xFFFF  }
0xc2: {  	[dreg:$0x0] =	wrdreg $0xFFFFFFFF;
	(pc) =	sbr.abs _section_cstart, $3  }
0xc3: {  	[dreg:$0x1] =	wrdreg $0xFFFFFFFF  }
0xc4: {  	_ =	task.clear_ibuf [dreg:s8], $0x2FFFF;
	_ =	strace $0x9FFFFFFF  }
0xc5: {  	(tm) =	ssettm $0x7FFFFFFF  }
tec
execute0_lowered:
.L_overlay_start_1:
0x0: {  	(tag) =	ssettag $0x1  }
0x1: {  	s0 =	rddreg [dreg:$0x0]  }
0x2: {  	s2 =	rddreg [dreg:$0x1]  }
0x3: {  	s3 =	rddreg [dreg:$0x2]  }
0x4: {  	s1 =	rddreg [dreg:$0x3]  }
0x5: {  	s4 =	srdreg.scid;
	s5 =	simm.s32 $0x0;
	s10 =	stileid.u32  }
0x6: {  	s15 =	simm.s32 $0x10F00;
	s16 =	simm.s32 $0x80;
	s17 =	simm.s32 $0x4F00  }
0x7: {  	s28 =	simm.s32 $0xEF00;
	s29 =	simm.s32 $0x1;
	s30 =	simm.s32 $0x3  }
0x8: {  	s31 =	simm.s32 $0x5;
	s6 =	sand.u32 $0x1, s4;
	[smem:$0x7FF] =	sst s5  }
0x9: {  	s8 =	smul.u32 $0x13880, s10;
	s9 =	sshll.u32 s10, $0x5;
	s4 =	sshll.u32 s6, $0x4  }
0xa: {  	_ =	strace $0x8000004A;
	s20 =	ssub.s32 $0x2, s6;
	s23 =	smul.u32 $0x138800, s6  }
0xb: {  	s14 =	sor.u32 s10, s4;
	s4 =	sadd.s32 $0x1400, s0;
	s10 =	smul.u32 $0x27100, s10  }
0xc: {  	s21 =	sshrl.u32 s20, $0x1;
	s24 =	sshrl.u32 s8, $0x1;
	s7 =	smul.u32 $0x9C0, s14  }
0xd: {  	s0 =	ssub.s32 s20, s21;
	s26 =	sadd.s32 s8, s23;
	p0 =	sgt.u32 s14, $0x3  }
0xe: {  	s14 =	simm.s32 $0x7;
	s21 =	simm.s32 $0x8F00;
	s10 =	sshrl.u32 s10, $0x2  }
0xf: {  	s12 =	sshrl.u32 s26, $0x4;
	s13 =	smax.u32 s0, $0x1;
	s0 =	simm.s32 $0x6  }
.Ltmp0:
0x10: {  	s22 =	sadd.s32 s2, s7;
	s2 =	sadd.s32 s9, s2;
	(pc) =	sbr.rel .LBB2_1-.Ltmp0, $4  }
0x11: {  	s7 =	sadd.s32 s24, s1;
	s25 =	sadd.s32 s10, s1;
	s12 =	sadd.s32 s3, s12  }
0x12: {  	s3 =	simm.s32 $0x0;
	[dreg:$0x5] =	wrdreg s22;
	s2 =	sadd.s32 $0x13800, s2  }
0x13: {  	s8 =	sadd.s32 $0x1F40, s25;
	s9 =	sadd.s32 $0x3E80, s25;
	s10 =	sadd.s32 $0x5DC0, s25  }
0x14: {  	v0 =	vimm.bf16 $0.0e+00;
	s11 =	sadd.s32 $0x7D00, s25;
	s25 =	simm.s32 $0xCF00;
	[dreg:$0x6] =	wrdreg s2  }
.LBB2_6:
0x15: {  	_ =	swait.ge [sflag:s0], $0x2000  }
0x16: {  	[sflag:s0] =	ssyncset.done $0x0  }
0x17: {  	[sflag:s0] =	ssyncadd.s32 $0xFFFFE000  }
0x18: {  	[spmem:s1] =	stream.indirect.scatter.add.bf16 [tilespmem:s28], [sflag:$0x7], $0x40, s19, s16, $0xb8;
	[tilespmem:$0x1CA80] =	vst v63  }
0x19: {  	_ =	swait.ge [sflag:s14], $0x2000  }
0x1a: {  	s2 =	simm.s32 @!p0 $0x80;
	[sflag:s14] =	ssyncset.done $0x0  }
0x1b: {  	s5 =	simm.s32 @!p0 $0x4E00;
	s6 =	simm.s32 @!p0 $0x4F00;
	[sflag:s14] =	ssyncadd.s32 $0xFFFFE000  }
0x1c: {  	[tilespmem:s6], [sflag:$0x1] =	stream.indirect.gather @!p0 [hbm4b:s4+s2], $0x40, s5, s2, $0xb8;
	[tilespmem:$0x1CA80] =	vst v63  }
0x1d: {  	s5 =	simm.s32 @!p0 $0x1  }
0x1e: {  	_ =	swait.ge @!p0 [sflag:s5], $0x2000  }
0x1f: {  	[sflag:s5] =	ssyncset.done @!p0 $0x0  }
0x20: {  	[sflag:s5] =	ssyncadd.s32 @!p0 $0xFFFFE000;
	s5 =	simm.s32 @!p0 $0x4E80  }
0x21: {  	[spmem:s1] =	stream.indirect.scatter.add.bf16 @!p0 [tilespmem:s6], [sflag:$0x7], $0x40, s5, s2, $0xb8;
	[tilespmem:$0x1CA80] =	vst v63  }
0x22: {  	s2 =	simm.s32 @!p0 $0x7  }
0x23: {  	s24 =	stileid.u32;
	_ =	swait.ge @!p0 [sflag:s2], $0x2000  }
0x24: {  	s26 =	sshrl.u32 s7, $0x3;
	s3 =	sadd.s32 $0x1, s3;
	[sflag:s2] =	ssyncset.done @!p0 $0x0  }
0x25: {  	p1 =	sne.s32 s3, s13;
	[sflag:s2] =	ssyncadd.s32 @!p0 $0xFFFFE000;
	s2 =	sshll.u32 s24, $0x6  }
.Ltmp1:
0x26: {  	[bflag:$0x0] =	sbarrier.arrive $0xFFFF;
	s2 =	sor.u32 $0x1C07, s2;
	(pc) =	sbr.rel @!p1 .LBB2_7-.Ltmp1, $4  }
0x27: {  	[hbm:s12], [sflag:s2] =	dma.local [spmem:s26], $0x1388  }
0x28: {  	_ =	swait.ge [sflag:s14], $0x1388  }
0x29: {  	[sflag:s14] =	ssyncset.done $0x0  }
0x2a: {  	[sflag:s14] =	ssyncadd.s32 $0xFFFFEC78  }
.LBB2_1:
0x2b: {  	s18 =	simm.s32 $0x100;
	s2 =	simm.s32 $0x0  }
.LBB2_2:
0x2c: {  	p1 =	sne.s32 s18, $0x7C00;
	[tilespmem:s2+$0x10F30] =	vst v0;
	s19 =	smov.u32 s18;
	s18 =	sadd.s32 $0x100, s18  }
.Ltmp2:
0x2d: {  	[tilespmem:s2+$0x10F20] =	vst v0;
	(pc) =	sbr.rel @p1 .LBB2_2-.Ltmp2, $3  }
0x2e: {  	[tilespmem:s2+$0x10F00] =	vst v0  }
0x2f: {  	[tilespmem:s2+$0x10F10] =	vst v0;
	_ =	sdelay $0x1  }
0x30: {  	s2 =	sshra.s32 s19, $0x2  }
0x31: {  	[tilespmem:s2+$0x10F30] =	vst v0  }
0x32: {  	[tilespmem:s2+$0x10F20] =	vst v0  }
0x33: {  	[tilespmem:s2+$0x10F00] =	vst v0  }
0x34: {  	[tilespmem:s2+$0x10F10] =	vst v0;
	s18 =	simm.s32 $0x0;
	s5 =	rddreg [dreg:$0x5]  }
0x35: {  	[tilespmem:s18], [sflag:$0x7] =	stream.linear.gather [hbm4b:s5+s18], $0x4E00, $0x38;
	[tilespmem:$0x1CA80] =	vst v63  }
0x36: {  	_ =	swait.ge [sflag:s14], $0x4E00  }
0x37: {  	s2 =	simm.s32 @!p0 $0x0;
	[sflag:s14] =	ssyncset.done $0x0  }
0x38: {  	s18 =	simm.s32 @!p0 $0x4E00;
	s5 =	rddreg [dreg:$0x6];
	[sflag:s14] =	ssyncadd.s32 $0xFFFFB200  }
0x39: {  	[tilespmem:s18], [sflag:$0x7] =	stream.linear.gather @!p0 [hbm4b:s5+s2], $0x100, $0x38;
	[tilespmem:$0x1CA80] =	vst v63  }
0x3a: {  	s2 =	simm.s32 @!p0 $0x7  }
0x3b: {  	_ =	swait.ge @!p0 [sflag:s2], $0x100  }
0x3c: {  	[sflag:s2] =	ssyncset.done @!p0 $0x0  }
0x3d: {  	[sflag:s2] =	ssyncadd.s32 @!p0 $0xFFFFFF00  }
0x3e: {  	[spmem:s7] =	stream.linear.scatter [tilespmem:s15], [sflag:$0x7], $0x1F40, $0x38;
	[tilespmem:$0x1CA80] =	vst v63  }
0x3f: {  	_ =	swait.ge [sflag:s14], $0x1F40  }
0x40: {  	[sflag:s14] =	ssyncset.done $0x0  }
0x41: {  	[sflag:s14] =	ssyncadd.s32 $0xFFFFE0C0  }
0x42: {  	[spmem:s8] =	stream.linear.scatter [tilespmem:s15], [sflag:$0x7], $0x1F40, $0x38;
	[tilespmem:$0x1CA80] =	vst v63  }
0x43: {  	_ =	swait.ge [sflag:s14], $0x1F40  }
0x44: {  	[sflag:s14] =	ssyncset.done $0x0  }
0x45: {  	[sflag:s14] =	ssyncadd.s32 $0xFFFFE0C0  }
0x46: {  	[spmem:s9] =	stream.linear.scatter [tilespmem:s15], [sflag:$0x7], $0x1F40, $0x38;
	[tilespmem:$0x1CA80] =	vst v63  }
0x47: {  	_ =	swait.ge [sflag:s14], $0x1F40  }
0x48: {  	[sflag:s14] =	ssyncset.done $0x0  }
0x49: {  	[sflag:s14] =	ssyncadd.s32 $0xFFFFE0C0  }
0x4a: {  	[spmem:s10] =	stream.linear.scatter [tilespmem:s15], [sflag:$0x7], $0x1F40, $0x38;
	[tilespmem:$0x1CA80] =	vst v63  }
0x4b: {  	_ =	swait.ge [sflag:s14], $0x1F40  }
0x4c: {  	[sflag:s14] =	ssyncset.done $0x0  }
0x4d: {  	[sflag:s14] =	ssyncadd.s32 $0xFFFFE0C0  }
0x4e: {  	[spmem:s11] =	stream.linear.scatter [tilespmem:s15], [sflag:$0x7], $0x1F40, $0x38;
	[tilespmem:$0x1CA80] =	vst v63  }
0x4f: {  	_ =	swait.ge [sflag:s14], $0x1F40  }
0x50: {  	[sflag:s14] =	ssyncset.done $0x0  }
0x51: {  	[sflag:s14] =	ssyncadd.s32 $0xFFFFE0C0  }
0x52: {  	s2 =	simm.s32 $0x0;
	[bflag:$0x0] =	sbarrier.arrive $0xFFFF  }
0x53: {  	[tilespmem:s17], [sflag:$0x1] =	stream.indirect.gather [hbm4b:s4+s16], $0x40, s2, s16, $0xb8;
	[tilespmem:$0x1CA80] =	vst v63  }
0x54: {  	s19 =	simm.s32 $0x100;
	s6 =	simm.s32 $0x6F00  }
0x55: {  	[tilespmem:s6], [sflag:$0x2] =	stream.indirect.gather [hbm4b:s4+s16], $0x40, s19, s16, $0xb8;
	[tilespmem:$0x1CA80] =	vst v63  }
0x56: {  	s20 =	simm.s32 $0x200  }
0x57: {  	[tilespmem:s21], [sflag:$0x3] =	stream.indirect.gather [hbm4b:s4+s16], $0x40, s20, s16, $0xb8;
	[tilespmem:$0x1CA80] =	vst v63  }
0x58: {  	s22 =	simm.s32 $0x300;
	s23 =	simm.s32 $0xAF00  }
0x59: {  	[tilespmem:s23], [sflag:$0x4] =	stream.indirect.gather [hbm4b:s4+s16], $0x40, s22, s16, $0xb8;
	[tilespmem:$0x1CA80] =	vst v63  }
0x5a: {  	s24 =	simm.s32 $0x400  }
0x5b: {  	[tilespmem:s25], [sflag:$0x5] =	stream.indirect.gather [hbm4b:s4+s16], $0x40, s24, s16, $0xb8;
	[tilespmem:$0x1CA80] =	vst v63  }
0x5c: {  	s26 =	simm.s32 $0x500  }
0x5d: {  	[tilespmem:s28], [sflag:$0x6] =	stream.indirect.gather [hbm4b:s4+s16], $0x40, s26, s16, $0xb8;
	[tilespmem:$0x1CA80] =	vst v63  }
.LBB2_4:
0x5e: {  	_ =	swait.ge [sflag:s29], $0x2000  }
0x5f: {  	s18 =	sshra.s32 s2, $0x2;
	[sflag:s29] =	ssyncset.done $0x0  }
0x60: {  	s19 =	sadd.s32 $0x80, s18;
	[sflag:s29] =	ssyncadd.s32 $0xFFFFE000  }
0x61: {  	[spmem:s1] =	stream.indirect.scatter.add.bf16 [tilespmem:s17], [sflag:$0x7], $0x40, s19, s16, $0xb8;
	[tilespmem:$0x1CA80] =	vst v63  }
0x62: {  	_ =	swait.ge [sflag:s14], $0x2000  }
0x63: {  	p1 =	seq.s32 s2, $0x12000;
	[sflag:s14] =	ssyncset.done $0x0  }
0x64: {  	s19 =	simm.s32 @p1 $0x2;
	[sflag:s14] =	ssyncadd.s32 $0xFFFFE000  }
0x65: {  	_ =	swait.ge @p1 [sflag:s19], $0x2000  }
0x66: {  	[sflag:s19] =	ssyncset.done @p1 $0x0  }
0x67: {  	[sflag:s19] =	ssyncadd.s32 @p1 $0xFFFFE000;
	s19 =	sshra.s32 @p1 s2, $0x2  }
0x68: {  	s22 =	simm.s32 @p1 $0x80;
	s23 =	simm.s32 @p1 $0x6F00;
	s20 =	sadd.s32 @p1 $0x180, s19  }
0x69: {  	[spmem:s1] =	stream.indirect.scatter.add.bf16 @p1 [tilespmem:s23], [sflag:$0x7], $0x40, s20, s22, $0xb8;
	[tilespmem:$0x1CA80] =	vst v63  }
0x6a: {  	s20 =	simm.s32 @p1 $0x7  }
0x6b: {  	_ =	swait.ge @p1 [sflag:s20], $0x2000  }
0x6c: {  	s26 =	simm.s32 @!p1 $0x80;
	s23 =	sshra.s32 @!p1 s2, $0x2;
	[sflag:s20] =	ssyncset.done @p1 $0x0  }
0x6d: {  	s5 =	simm.s32 @!p1 $0x4F00;
	s24 =	sadd.s32 @!p1 $0x600, s23;
	[sflag:s20] =	ssyncadd.s32 @p1 $0xFFFFE000  }
0x6e: {  	[tilespmem:s5], [sflag:$0x1] =	stream.indirect.gather @!p1 [hbm4b:s4+s26], $0x40, s24, s26, $0xb8;
	[tilespmem:$0x1CA80] =	vst v63  }
0x6f: {  	s5 =	simm.s32 @!p1 $0x2  }
0x70: {  	_ =	swait.ge @!p1 [sflag:s5], $0x2000  }
0x71: {  	[sflag:s5] =	ssyncset.done @!p1 $0x0  }
0x72: {  	s24 =	simm.s32 @!p1 $0x6F00;
	[sflag:s5] =	ssyncadd.s32 @!p1 $0xFFFFE000;
	s5 =	sadd.s32 @!p1 $0x180, s23  }
0x73: {  	[spmem:s1] =	stream.indirect.scatter.add.bf16 @!p1 [tilespmem:s24], [sflag:$0x7], $0x40, s5, s26, $0xb8;
	[tilespmem:$0x1CA80] =	vst v63  }
0x74: {  	s5 =	simm.s32 @!p1 $0x7  }
0x75: {  	_ =	swait.ge @!p1 [sflag:s5], $0x2000  }
0x76: {  	[sflag:s5] =	ssyncset.done @!p1 $0x0  }
0x77: {  	s6 =	sadd.s32 @!p1 $0x700, s23;
	[sflag:s5] =	ssyncadd.s32 @!p1 $0xFFFFE000  }
0x78: {  	[tilespmem:s24], [sflag:$0x2] =	stream.indirect.gather @!p1 [hbm4b:s4+s26], $0x40, s6, s26, $0xb8;
	[tilespmem:$0x1CA80] =	vst v63  }
0x79: {  	_ =	swait.ge [sflag:s30], $0x2000  }
0x7a: {  	[sflag:s30] =	ssyncset.done $0x0  }
0x7b: {  	s24 =	sadd.s32 $0x280, s18;
	[sflag:s30] =	ssyncadd.s32 $0xFFFFE000  }
0x7c: {  	[spmem:s1] =	stream.indirect.scatter.add.bf16 [tilespmem:s21], [sflag:$0x7], $0x40, s24, s16, $0xb8;
	[tilespmem:$0x1CA80] =	vst v63  }
0x7d: {  	_ =	swait.ge [sflag:s14], $0x2000  }
0x7e: {  	[sflag:s14] =	ssyncset.done $0x0  }
0x7f: {  	s6 =	simm.s32 @p1 $0x4;
	[sflag:s14] =	ssyncadd.s32 $0xFFFFE000  }
0x80: {  	_ =	swait.ge @p1 [sflag:s6], $0x2000  }
0x81: {  	[sflag:s6] =	ssyncset.done @p1 $0x0  }
0x82: {  	[sflag:s6] =	ssyncadd.s32 @p1 $0xFFFFE000;
	s6 =	sadd.s32 @p1 $0x380, s19;
	s19 =	simm.s32 @p1 $0xAF00  }
0x83: {  	[spmem:s1] =	stream.indirect.scatter.add.bf16 @p1 [tilespmem:s19], [sflag:$0x7], $0x40, s6, s22, $0xb8;
	[tilespmem:$0x1CA80] =	vst v63  }
0x84: {  	_ =	swait.ge @p1 [sflag:s20], $0x2000  }
0x85: {  	[sflag:s20] =	ssyncset.done @p1 $0x0  }
0x86: {  	s6 =	sadd.s32 @!p1 $0x800, s23;
	s19 =	simm.s32 @!p1 $0x8F00;
	[sflag:s20] =	ssyncadd.s32 @p1 $0xFFFFE000  }
0x87: {  	[tilespmem:s19], [sflag:$0x3] =	stream.indirect.gather @!p1 [hbm4b:s4+s26], $0x40, s6, s26, $0xb8;
	[tilespmem:$0x1CA80] =	vst v63  }
0x88: {  	s6 =	simm.s32 @!p1 $0x4  }
0x89: {  	_ =	swait.ge @!p1 [sflag:s6], $0x2000  }
0x8a: {  	[sflag:s6] =	ssyncset.done @!p1 $0x0  }
0x8b: {  	s19 =	simm.s32 @!p1 $0xAF00;
	[sflag:s6] =	ssyncadd.s32 @!p1 $0xFFFFE000;
	s6 =	sadd.s32 @!p1 $0x380, s23  }
0x8c: {  	[spmem:s1] =	stream.indirect.scatter.add.bf16 @!p1 [tilespmem:s19], [sflag:$0x7], $0x40, s6, s26, $0xb8;
	[tilespmem:$0x1CA80] =	vst v63  }
0x8d: {  	_ =	swait.ge @!p1 [sflag:s5], $0x2000  }
0x8e: {  	[sflag:s5] =	ssyncset.done @!p1 $0x0  }
0x8f: {  	[sflag:s5] =	ssyncadd.s32 @!p1 $0xFFFFE000;
	s5 =	sadd.s32 @!p1 $0x900, s23  }
0x90: {  	[tilespmem:s19], [sflag:$0x4] =	stream.indirect.gather @!p1 [hbm4b:s4+s26], $0x40, s5, s26, $0xb8;
	[tilespmem:$0x1CA80] =	vst v63  }
0x91: {  	_ =	swait.ge [sflag:s31], $0x2000  }
0x92: {  	[sflag:s31] =	ssyncset.done $0x0  }
.Ltmp3:
0x93: {  	s26 =	sadd.s32 $0x480, s18;
	[sflag:s31] =	ssyncadd.s32 $0xFFFFE000;
	(pc) =	sbr.rel @p1 .LBB2_6-.Ltmp3, $4  }
0x94: {  	[spmem:s1] =	stream.indirect.scatter.add.bf16 [tilespmem:s25], [sflag:$0x7], $0x40, s26, s16, $0xb8;
	[tilespmem:$0x1CA80] =	vst v63  }
0x95: {  	_ =	swait.ge [sflag:s14], $0x2000  }
0x96: {  	[sflag:s14] =	ssyncset.done $0x0  }
0x97: {  	s19 =	sadd.s32 $0x580, s18;
	[sflag:s14] =	ssyncadd.s32 $0xFFFFE000  }
0x98: {  	s5 =	sadd.s32 $0xA00, s18  }
0x99: {  	[tilespmem:s25], [sflag:$0x5] =	stream.indirect.gather [hbm4b:s4+s16], $0x40, s5, s16, $0xb8;
	[tilespmem:$0x1CA80] =	vst v63  }
0x9a: {  	_ =	swait.ge [sflag:s0], $0x2000  }
0x9b: {  	[sflag:s0] =	ssyncset.done $0x0  }
0x9c: {  	[sflag:s0] =	ssyncadd.s32 $0xFFFFE000  }
0x9d: {  	[spmem:s1] =	stream.indirect.scatter.add.bf16 [tilespmem:s28], [sflag:$0x7], $0x40, s19, s16, $0xb8;
	[tilespmem:$0x1CA80] =	vst v63  }
.Ltmp4:
0x9e: {  	_ = 	snop;
	(pc) =	sbr.rel .LBB2_4-.Ltmp4, $4  }
0x9f: {  	_ =	swait.ge [sflag:s14], $0x2000  }
0xa0: {  	[sflag:s14] =	ssyncset.done $0x0  }
0xa1: {  	s26 =	sadd.s32 $0xB00, s18;
	s2 =	sadd.s32 $0x1800, s2;
	[sflag:s14] =	ssyncadd.s32 $0xFFFFE000  }
0xa2: {  	[tilespmem:s28], [sflag:$0x6] =	stream.indirect.gather [hbm4b:s4+s16], $0x40, s26, s16, $0xb8;
	[tilespmem:$0x1CA80] =	vst v63  }
.LBB2_7:
0xa3: {  	_ =	sfence.sel $0x180000  }
0xa4: {  	[bflag:$0x0] =	sbarrier.arrive $0xFFFF  }
0xa5: {  	_ =	strace $0x9000004A  }
0xa6: {  	s0 =	stileid.u32;
	[bflag:$0x2] =	sbarrier.arrive $0xFFFF  }
0xa7: {  	p0 =	sne.s32 s0, $0x0;
	s0 =	rddreg [dreg:$0x4]  }
0xa8: {  	s0 =	sadd.s32 @!p0 $0x100000, s0  }
0xa9: {  	[sflag:s0] =	ssyncadd.tile.s32 @!p0 $0x1;
	_ =	shalt  }
.Lfunc_end2:
_tile_overlayer_lowered:
.L_overlay_start_2:
0xaa: {  	(tag) =	ssettag $0x2  }
0xab: {  	s0 =	rddreg [dreg:$0x0];
	s2 =	stileid.u32  }
0xac: {  	s1 =	rddreg [dreg:$0x1];
	p0 =	sne.s32 s2, $0x0  }
0xad: {  	s3 =	rddreg [dreg:$0x2];
	[bflag:$0x3] =	sbarrier.arrive $0xFFFF;
	s2 =	simm.s32 @!p0 $0x1C07  }
0xae: {  	[timem:s3], [sflag:s2] =	dma.local @!p0 [hbm:s0], s1  }
0xaf: {  	s0 =	simm.s32 @!p0 $0x7  }
0xb0: {  	_ =	swait.ge @!p0 [sflag:s0], s1  }
0xb1: {  	s1 =	ssub.s32 @!p0 $0x0, s1;
	[sflag:s0] =	ssyncset.done @!p0 $0x0  }
0xb2: {  	[sflag:s0] =	ssyncadd.s32 @!p0 s1  }
0xb3: {  	[bflag:$0x3] =	sbarrier.arrive $0xFFFF  }
0xb4: {  	_ =	shalt  }

</sc_bundles>
